<compile_context>
chip_gen: v7x
topology: tpu7x:2x2x1
jax: 0.10.2.dev20260603
libtpu: 0.0.44.dev20260713+nightly
codegen_flags: <defaults>
</compile_context>

<pallas_src>
import functools

import jax
import jax.numpy as jnp
from jax import lax
from jax.experimental import pallas as pl
from jax.experimental.pallas import tpu as pltpu
from jax.experimental.pallas import tpu_sc as plsc

NC = 2
NS = 16
NW = NC * NS
NBUF = 5


def _sc_mesh():
    return plsc.VectorSubcoreMesh(
        core_axis_name="c", subcore_axis_name="s", num_cores=NC,
        num_subcores=NS)


def _pad_rows(n):
    q = 8 * NS * NS
    return ((n + q - 1) // q) * q


def _make_deg(n_pad, nchunk):
    rpt = n_pad // NS

    @functools.partial(
        pl.kernel,
        out_type=jax.ShapeDtypeStruct((NC, n_pad, 16), jnp.float32),
        mesh=_sc_mesh(),
        scratch_types=[
            pltpu.VMEM((nchunk, 80), jnp.int32),
            pltpu.VMEM((80, 16), jnp.float32),
            pltpu.VMEM_SHARED((n_pad, 16), jnp.float32),
        ],
        compiler_params=pltpu.CompilerParams(use_tc_tiling_on_sc=False),
    )
    def deg(dst_hbm, ones_hbm, zeros_hbm, out_hbm, idx_d, ones_v, acc):
        cid = lax.axis_index("c")
        sid = lax.axis_index("s")
        wid = cid * NS + sid
        pltpu.sync_copy(dst_hbm.at[wid], idx_d)
        pltpu.sync_copy(ones_hbm, ones_v)
        row0 = pl.multiple_of(sid * rpt, 8)
        pltpu.sync_copy(zeros_hbm.at[pl.ds(row0, rpt)],
                        acc.at[pl.ds(row0, rpt)])
        plsc.subcore_barrier()

        def chunk(j, carry):
            pltpu.sync_copy(ones_v, acc.at[idx_d.at[j]], add=True)
            return carry

        lax.fori_loop(0, nchunk, chunk, 0)
        plsc.subcore_barrier()
        pltpu.sync_copy(acc.at[pl.ds(row0, rpt)],
                        out_hbm.at[cid, pl.ds(row0, rpt)])

    return deg


def _make_agg(n_pad, fb, nchunk, csz, nbuf):
    rpt = n_pad // NS

    @functools.partial(
        pl.kernel,
        out_type=jax.ShapeDtypeStruct((NC, n_pad, fb), jnp.float32),
        mesh=_sc_mesh(),
        scratch_types=[
            pltpu.VMEM((nchunk, csz), jnp.int32),
            pltpu.VMEM((nchunk, csz), jnp.int32),
            pltpu.VMEM((nbuf, csz, fb), jnp.float32),
            pltpu.VMEM_SHARED((n_pad, fb), jnp.float32),
            pltpu.SemaphoreType.DMA((nbuf,)),
        ],
        compiler_params=pltpu.CompilerParams(use_tc_tiling_on_sc=False),
    )
    def agg(g_hbm, src_hbm, dst_hbm, zeros_hbm, out_hbm,
            idx_s, idx_d, rows, acc, sem):
        cid = lax.axis_index("c")
        sid = lax.axis_index("s")
        wid = cid * NS + sid
        pltpu.sync_copy(src_hbm.at[wid], idx_s)
        pltpu.sync_copy(dst_hbm.at[wid], idx_d)
        row0 = pl.multiple_of(sid * rpt, 8)
        pltpu.sync_copy(zeros_hbm.at[pl.ds(row0, rpt)],
                        acc.at[pl.ds(row0, rpt)])
        plsc.subcore_barrier()

        for b in range(nbuf):
            pltpu.async_copy(g_hbm.at[idx_s.at[b]], rows.at[b], sem.at[b])

        def group(g0, carry):
            for b in range(nbuf):
                j = g0 * nbuf + b
                pltpu.make_async_copy(g_hbm.at[idx_s.at[j]], rows.at[b],
                                      sem.at[b]).wait()
                pltpu.sync_copy(rows.at[b], acc.at[idx_d.at[j]], add=True)
                j2 = j + nbuf

                @pl.when(j2 < nchunk)
                def _():
                    pltpu.async_copy(g_hbm.at[idx_s.at[j2]], rows.at[b],
                                     sem.at[b])
            return carry

        lax.fori_loop(0, nchunk // nbuf, group, 0)
        plsc.subcore_barrier()
        pltpu.sync_copy(acc.at[pl.ds(row0, rpt)],
                        out_hbm.at[cid, pl.ds(row0, rpt)])

    return agg


def _tc_layer1(x, w1, d0, d1, row_block):
    n, f = x.shape
    h = w1.shape[1]

    def body(x_ref, w_ref, d0_ref, d1_ref, g1_ref):
        dinv = lax.rsqrt(d0_ref[...] + d1_ref[...] + 1.0)
        hh = jnp.dot(x_ref[...], w_ref[...],
                     preferred_element_type=jnp.float32)
        g1_ref[...] = hh * dinv

    grid = (n // row_block,)
    return pl.pallas_call(
        body,
        grid=grid,
        in_specs=[
            pl.BlockSpec((row_block, f), lambda i: (i, 0)),
            pl.BlockSpec((f, h), lambda i: (0, 0)),
            pl.BlockSpec((row_block, 16), lambda i: (i, 0)),
            pl.BlockSpec((row_block, 16), lambda i: (i, 0)),
        ],
        out_specs=pl.BlockSpec((row_block, h), lambda i: (i, 0)),
        out_shape=jax.ShapeDtypeStruct((n, h), jnp.float32),
    )(x, w1, d0, d1)


def _tc_layer2(p0, p1, g1, w2, b1, d0, d1, row_block):
    n, h = g1.shape
    f = w2.shape[1]

    def body(p0_ref, p1_ref, g1_ref, w_ref, b1_ref, d0_ref, d1_ref, g2_ref):
        dinv = lax.rsqrt(d0_ref[...] + d1_ref[...] + 1.0)
        y = dinv * (p0_ref[...] + p1_ref[...] + g1_ref[...]) + b1_ref[...]
        y = jnp.maximum(y, 0.0)
        h2 = jnp.dot(y, w_ref[...], preferred_element_type=jnp.float32)
        dinv_f = jnp.broadcast_to(dinv[:, :1], h2.shape)
        g2_ref[...] = h2 * dinv_f

    grid = (n // row_block,)
    return pl.pallas_call(
        body,
        grid=grid,
        in_specs=[
            pl.BlockSpec((row_block, h), lambda i: (i, 0)),
            pl.BlockSpec((row_block, h), lambda i: (i, 0)),
            pl.BlockSpec((row_block, h), lambda i: (i, 0)),
            pl.BlockSpec((h, f), lambda i: (0, 0)),
            pl.BlockSpec((1, h), lambda i: (0, 0)),
            pl.BlockSpec((row_block, 16), lambda i: (i, 0)),
            pl.BlockSpec((row_block, 16), lambda i: (i, 0)),
        ],
        out_specs=pl.BlockSpec((row_block, f), lambda i: (i, 0)),
        out_shape=jax.ShapeDtypeStruct((n, f), jnp.float32),
    )(p0, p1, g1, w2, b1.reshape(1, h), d0, d1)


def _tc_out(q0, q1, g2, b2, d0, d1, row_block):
    n, f = g2.shape

    def body(q0_ref, q1_ref, g2_ref, b2_ref, d0_ref, d1_ref, o_ref):
        dinv = lax.rsqrt(d0_ref[...] + d1_ref[...] + 1.0)
        dinv_f = jnp.broadcast_to(dinv[:, :1], (d0_ref.shape[0], f))
        o_ref[...] = dinv_f * (q0_ref[...] + q1_ref[...] + g2_ref[...]) \
            + b2_ref[...]

    grid = (n // row_block,)
    return pl.pallas_call(
        body,
        grid=grid,
        in_specs=[
            pl.BlockSpec((row_block, f), lambda i: (i, 0)),
            pl.BlockSpec((row_block, f), lambda i: (i, 0)),
            pl.BlockSpec((row_block, f), lambda i: (i, 0)),
            pl.BlockSpec((1, f), lambda i: (0, 0)),
            pl.BlockSpec((row_block, 16), lambda i: (i, 0)),
            pl.BlockSpec((row_block, 16), lambda i: (i, 0)),
        ],
        out_specs=pl.BlockSpec((row_block, f), lambda i: (i, 0)),
        out_shape=jax.ShapeDtypeStruct((n, f), jnp.float32),
    )(q0, q1, g2, b2.reshape(1, f), d0, d1)


def kernel(x, edge_index, W1, b1, W2, b2):
    n, f = x.shape
    h = W1.shape[1]
    e = edge_index.shape[1]
    ew = e // NW
    assert ew * NW == e

    csz_h, csz_f = 80, 40
    nck_h, nck_f = ew // csz_h, ew // csz_f
    src_h = edge_index[0].reshape(NW, nck_h, csz_h)
    dst_h = edge_index[1].reshape(NW, nck_h, csz_h)
    src_f = edge_index[0].reshape(NW, nck_f, csz_f)
    dst_f = edge_index[1].reshape(NW, nck_f, csz_f)
    n_pad = _pad_rows(n)
    ones16 = jnp.ones((csz_h, 16), jnp.float32)
    z16 = jnp.zeros((n_pad, 16), jnp.float32)
    zf = jnp.zeros((n_pad, f), jnp.float32)

    cnt = _make_deg(n_pad, nck_h)(dst_h, ones16, z16)
    d0, d1 = cnt[0], cnt[1]

    row_block = n
    g1 = _tc_layer1(x, W1, d0, d1, row_block)
    p = _make_agg(n_pad, h, nck_h, csz_h, 25)(g1, src_h, dst_h, z16)
    g2 = _tc_layer2(p[0], p[1], g1, W2, b1, d0, d1, row_block)
    q = _make_agg(n_pad, f, nck_f, csz_f, NBUF)(g2, src_f, dst_f, zf)
    out = _tc_out(q[0], q[1], g2, b2, d0, d1, row_block)
    return out

# --- scband reference (transcript-rebuilt; emitter-appended) ---
"""Pipeline reference for scband-mesh-gcn-42683384987841 (READ-ONLY COPY).

The authoritative reference and input builder live on the scoring server;
editing this copy changes nothing except your own understanding.
"""

import jax, jax.numpy as jnp
import numpy as np

N = 10000
E = 320000
F = 128
H = 16


def gcn_conv(x, edge_index, W, b):
    n = x.shape[0]
    loop = jnp.arange(n, dtype=edge_index.dtype)
    src = jnp.concatenate([edge_index[0], loop])
    dst = jnp.concatenate([edge_index[1], loop])
    h = x @ W
    ones = jnp.ones(src.shape[0], dtype=h.dtype)
    deg = jax.ops.segment_sum(ones, dst, num_segments=n)
    dinv = jnp.where(deg > 0, 1.0 / jnp.sqrt(deg), 0.0)
    norm = dinv[src] * dinv[dst]
    msg = h[src] * norm[:, None]
    out = jax.ops.segment_sum(msg, dst, num_segments=n)
    return out + b


def setup_inputs(seed: int = 0) -> dict:
    key = jax.random.key(seed)
    k1, k2, k3, k4, k5, k6 = jax.random.split(key, 6)
    x = jax.random.normal(k1, (N, F), dtype=jnp.float32)
    edge_index = jax.random.randint(k2, (2, E), 0, N, dtype=jnp.int32)
    W1 = jax.random.normal(k3, (F, H), dtype=jnp.float32) * (1.0 / np.sqrt(F))
    b1 = jnp.zeros((H,), dtype=jnp.float32)
    W2 = jax.random.normal(k4, (H, F), dtype=jnp.float32) * (1.0 / np.sqrt(H))
    b2 = jnp.zeros((F,), dtype=jnp.float32)
    return {"x": x, "edge_index": edge_index, "W1": W1, "b1": b1, "W2": W2, "b2": b2}


def reference(x, edge_index, W1, b1, W2, b2):
    h = gcn_conv(x, edge_index, W1, b1)
    h = jax.nn.relu(h)
    out = gcn_conv(h, edge_index, W2, b2)
    return out

if __name__ == "__main__":
    import jax
    _d = setup_inputs()
    print(jax.jit(kernel)(*tuple(_d.values())))

</pallas_src>

<mosaic_0001>
#map = affine_map<(d0, d1) -> (0, 0)>
#map1 = affine_map<(d0, d1) -> (0, 0, 0)>
module attributes {stable_mosaic.version = 14 : i64} {
  func.func @agg(%arg0: i32, %arg1: i32, %arg2: memref<10000x16xf32, #tpu.memory_space<hbm>>, %arg3: memref<32x125x80xi32, #tpu.memory_space<hbm>>, %arg4: memref<32x125x80xi32, #tpu.memory_space<hbm>>, %arg5: memref<10240x16xf32, #tpu.memory_space<hbm>>, %arg6: memref<2x10240x16xf32, #tpu.memory_space<hbm>>, %arg7: memref<125x80xi32, #tpu.memory_space<vmem>>, %arg8: memref<125x80xi32, #tpu.memory_space<vmem>>, %arg9: memref<25x80x16xf32, #tpu.memory_space<vmem>>, %arg10: memref<10240x16xf32, #tpu.memory_space<vmem_shared>>, %arg11: memref<25x!tpu.dma_semaphore, #tpu.memory_space<semaphore_mem>>) attributes {dimension_semantics = [#tpu.dimension_semantics<core_parallel>, #tpu.dimension_semantics<subcore_parallel>], iteration_bounds = array<i64: 2, 16>, scalar_prefetch = 0 : i64, scratch_operands = 5 : i64, tpu.core_type = #tpu.core_type<sc_vector_subcore>, window_params = [{transform_indices = #map}, {transform_indices = #map1}, {transform_indices = #map1}, {transform_indices = #map}, {transform_indices = #map1}]} {
    %mul3A = arith.constant 16 : i32
    %mul3A_0 = arith.muli %arg0, %mul3A : i32
    %add3A = arith.addi %mul3A_0, %arg1 : i32
    "tpu.region"() ({
      %run_scoped3A = tpu.sem_alloc : memref<!tpu.dma_semaphore, #tpu.memory_space<semaphore_mem>>
      %dma_start3A_383 = arith.constant 0 : i32
      %dma_start3A_384 = arith.constant 0 : i32
      %dma_start3A_385 = tpu.memref_slice %arg3[%add3A, %dma_start3A_383, %dma_start3A_384] : memref<32x125x80xi32, #tpu.memory_space<hbm>> -> memref<1x125x80xi32, #tpu.memory_space<hbm>>
      %dma_start3A_386 = tpu.memref_squeeze %dma_start3A_385 : memref<1x125x80xi32, #tpu.memory_space<hbm>> -> memref<125x80xi32, #tpu.memory_space<hbm>>
      %dma_start3A_387 = arith.constant 0 : i32
      %dma_start3A_388 = arith.constant 0 : i32
      %dma_start3A_389 = tpu.memref_slice %arg3[%add3A, %dma_start3A_387, %dma_start3A_388] : memref<32x125x80xi32, #tpu.memory_space<hbm>> -> memref<1x125x80xi32, #tpu.memory_space<hbm>>
      %dma_start3A_390 = tpu.memref_squeeze %dma_start3A_389 : memref<1x125x80xi32, #tpu.memory_space<hbm>> -> memref<125x80xi32, #tpu.memory_space<hbm>>
      tpu.enqueue_dma source(%dma_start3A_390 : memref<125x80xi32, #tpu.memory_space<hbm>>) target(%arg7 : memref<125x80xi32, #tpu.memory_space<vmem>>) target_semaphore(%run_scoped3A : memref<!tpu.dma_semaphore, #tpu.memory_space<semaphore_mem>>)
      %dma_wait3A = arith.constant 0 : i32
      %dma_wait3A_391 = arith.constant 0 : i32
      %dma_wait3A_392 = tpu.memref_slice %arg3[%add3A, %dma_wait3A, %dma_wait3A_391] : memref<32x125x80xi32, #tpu.memory_space<hbm>> -> memref<1x125x80xi32, #tpu.memory_space<hbm>>
      %dma_wait3A_393 = tpu.memref_squeeze %dma_wait3A_392 : memref<1x125x80xi32, #tpu.memory_space<hbm>> -> memref<125x80xi32, #tpu.memory_space<hbm>>
      %dma_wait3A_394 = arith.constant 0 : i32
      %dma_wait3A_395 = arith.constant 0 : i32
      %dma_wait3A_396 = tpu.memref_slice %arg3[%add3A, %dma_wait3A_394, %dma_wait3A_395] : memref<32x125x80xi32, #tpu.memory_space<hbm>> -> memref<1x125x80xi32, #tpu.memory_space<hbm>>
      %dma_wait3A_397 = tpu.memref_squeeze %dma_wait3A_396 : memref<1x125x80xi32, #tpu.memory_space<hbm>> -> memref<125x80xi32, #tpu.memory_space<hbm>>
      tpu.wait_dma2 semaphore(%run_scoped3A : memref<!tpu.dma_semaphore, #tpu.memory_space<semaphore_mem>>) src(%dma_wait3A_397 : memref<125x80xi32, #tpu.memory_space<hbm>>) dst(%arg7 : memref<125x80xi32, #tpu.memory_space<vmem>>)
      tpu.yield
    }) : () -> ()
    "tpu.region"() ({
      %run_scoped3A = tpu.sem_alloc : memref<!tpu.dma_semaphore, #tpu.memory_space<semaphore_mem>>
      %dma_start3A_383 = arith.constant 0 : i32
      %dma_start3A_384 = arith.constant 0 : i32
      %dma_start3A_385 = tpu.memref_slice %arg4[%add3A, %dma_start3A_383, %dma_start3A_384] : memref<32x125x80xi32, #tpu.memory_space<hbm>> -> memref<1x125x80xi32, #tpu.memory_space<hbm>>
      %dma_start3A_386 = tpu.memref_squeeze %dma_start3A_385 : memref<1x125x80xi32, #tpu.memory_space<hbm>> -> memref<125x80xi32, #tpu.memory_space<hbm>>
      %dma_start3A_387 = arith.constant 0 : i32
      %dma_start3A_388 = arith.constant 0 : i32
      %dma_start3A_389 = tpu.memref_slice %arg4[%add3A, %dma_start3A_387, %dma_start3A_388] : memref<32x125x80xi32, #tpu.memory_space<hbm>> -> memref<1x125x80xi32, #tpu.memory_space<hbm>>
      %dma_start3A_390 = tpu.memref_squeeze %dma_start3A_389 : memref<1x125x80xi32, #tpu.memory_space<hbm>> -> memref<125x80xi32, #tpu.memory_space<hbm>>
      tpu.enqueue_dma source(%dma_start3A_390 : memref<125x80xi32, #tpu.memory_space<hbm>>) target(%arg8 : memref<125x80xi32, #tpu.memory_space<vmem>>) target_semaphore(%run_scoped3A : memref<!tpu.dma_semaphore, #tpu.memory_space<semaphore_mem>>)
      %dma_wait3A = arith.constant 0 : i32
      %dma_wait3A_391 = arith.constant 0 : i32
      %dma_wait3A_392 = tpu.memref_slice %arg4[%add3A, %dma_wait3A, %dma_wait3A_391] : memref<32x125x80xi32, #tpu.memory_space<hbm>> -> memref<1x125x80xi32, #tpu.memory_space<hbm>>
      %dma_wait3A_393 = tpu.memref_squeeze %dma_wait3A_392 : memref<1x125x80xi32, #tpu.memory_space<hbm>> -> memref<125x80xi32, #tpu.memory_space<hbm>>
      %dma_wait3A_394 = arith.constant 0 : i32
      %dma_wait3A_395 = arith.constant 0 : i32
      %dma_wait3A_396 = tpu.memref_slice %arg4[%add3A, %dma_wait3A_394, %dma_wait3A_395] : memref<32x125x80xi32, #tpu.memory_space<hbm>> -> memref<1x125x80xi32, #tpu.memory_space<hbm>>
      %dma_wait3A_397 = tpu.memref_squeeze %dma_wait3A_396 : memref<1x125x80xi32, #tpu.memory_space<hbm>> -> memref<125x80xi32, #tpu.memory_space<hbm>>
      tpu.wait_dma2 semaphore(%run_scoped3A : memref<!tpu.dma_semaphore, #tpu.memory_space<semaphore_mem>>) src(%dma_wait3A_397 : memref<125x80xi32, #tpu.memory_space<hbm>>) dst(%arg8 : memref<125x80xi32, #tpu.memory_space<vmem>>)
      tpu.yield
    }) : () -> ()
    %mul3A_1 = arith.constant 640 : i32
    %mul3A_2 = arith.muli %arg1, %mul3A_1 : i32
    %multiple_of3A = tpu.assume_multiple %mul3A_2, 8 : i32
    "tpu.region"() ({
      %run_scoped3A = tpu.sem_alloc : memref<!tpu.dma_semaphore, #tpu.memory_space<semaphore_mem>>
      %dma_start3A_383 = arith.constant 0 : i32
      %dma_start3A_384 = tpu.memref_slice %arg10[%multiple_of3A, %dma_start3A_383] : memref<10240x16xf32, #tpu.memory_space<vmem_shared>> -> memref<640x16xf32, #tpu.memory_space<vmem_shared>>
      %dma_start3A_385 = arith.constant 0 : i32
      %dma_start3A_386 = tpu.memref_slice %arg5[%multiple_of3A, %dma_start3A_385] : memref<10240x16xf32, #tpu.memory_space<hbm>> -> memref<640x16xf32, #tpu.memory_space<hbm>>
      tpu.enqueue_dma source(%dma_start3A_386 : memref<640x16xf32, #tpu.memory_space<hbm>>) target(%dma_start3A_384 : memref<640x16xf32, #tpu.memory_space<vmem_shared>>) target_semaphore(%run_scoped3A : memref<!tpu.dma_semaphore, #tpu.memory_space<semaphore_mem>>)
      %dma_wait3A = arith.constant 0 : i32
      %dma_wait3A_387 = tpu.memref_slice %arg10[%multiple_of3A, %dma_wait3A] : memref<10240x16xf32, #tpu.memory_space<vmem_shared>> -> memref<640x16xf32, #tpu.memory_space<vmem_shared>>
      %dma_wait3A_388 = arith.constant 0 : i32
      %dma_wait3A_389 = tpu.memref_slice %arg5[%multiple_of3A, %dma_wait3A_388] : memref<10240x16xf32, #tpu.memory_space<hbm>> -> memref<640x16xf32, #tpu.memory_space<hbm>>
      tpu.wait_dma2 semaphore(%run_scoped3A : memref<!tpu.dma_semaphore, #tpu.memory_space<semaphore_mem>>) src(%dma_wait3A_389 : memref<640x16xf32, #tpu.memory_space<hbm>>) dst(%dma_wait3A_387 : memref<640x16xf32, #tpu.memory_space<vmem_shared>>)
      tpu.yield
    }) : () -> ()
    %barrier3A = arith.constant 0 : index
    tpu.barrier barrier_id(%barrier3A)
    %dma_start3A = arith.constant 0 : i32
    %dma_start3A_3 = arith.constant 0 : i32
    %dma_start3A_4 = arith.constant 0 : i32
    %dma_start3A_5 = arith.constant 0 : i32
    %dma_start3A_6 = arith.constant 0 : i32
    %dma_start3A_7 = tpu.memref_slice %arg9[%dma_start3A_3, %dma_start3A_5, %dma_start3A_6] : memref<25x80x16xf32, #tpu.memory_space<vmem>> -> memref<1x80x16xf32, #tpu.memory_space<vmem>>
    %dma_start3A_8 = tpu.memref_squeeze %dma_start3A_7 : memref<1x80x16xf32, #tpu.memory_space<vmem>> -> memref<80x16xf32, #tpu.memory_space<vmem>>
    %dma_start3A_9 = arith.constant 0 : i32
    %dma_start3A_10 = tpu.memref_slice %arg7[%dma_start3A, %dma_start3A_9] : memref<125x80xi32, #tpu.memory_space<vmem>> -> memref<1x80xi32, #tpu.memory_space<vmem>>
    %dma_start3A_11 = tpu.memref_squeeze %dma_start3A_10 : memref<1x80xi32, #tpu.memory_space<vmem>> -> memref<80xi32, #tpu.memory_space<vmem>>
    %dma_start3A_12 = arith.constant 0 : i32
    %dma_start3A_13 = arith.constant 0 : i32
    %dma_start3A_14 = tpu.memref_slice %arg2[%dma_start3A_12, %dma_start3A_13] : memref<10000x16xf32, #tpu.memory_space<hbm>> -> memref<10000x16xf32, #tpu.memory_space<hbm>>
    %dma_start3A_15 = tpu.memref_slice %arg11[%dma_start3A_4] : memref<25x!tpu.dma_semaphore, #tpu.memory_space<semaphore_mem>> -> memref<1x!tpu.dma_semaphore, #tpu.memory_space<semaphore_mem>>
    %dma_start3A_16 = tpu.memref_squeeze %dma_start3A_15 : memref<1x!tpu.dma_semaphore, #tpu.memory_space<semaphore_mem>> -> memref<!tpu.dma_semaphore, #tpu.memory_space<semaphore_mem>>
    tpu.enqueue_indirect_dma source(%dma_start3A_14 : memref<10000x16xf32, #tpu.memory_space<hbm>>) target(%dma_start3A_8 : memref<80x16xf32, #tpu.memory_space<vmem>>) offsets(%dma_start3A_11 : memref<80xi32, #tpu.memory_space<vmem>>) semaphore(%dma_start3A_16 : memref<!tpu.dma_semaphore, #tpu.memory_space<semaphore_mem>>)
    %dma_start3A_17 = arith.constant 1 : i32
    %dma_start3A_18 = arith.constant 1 : i32
    %dma_start3A_19 = arith.constant 1 : i32
    %dma_start3A_20 = arith.constant 0 : i32
    %dma_start3A_21 = arith.constant 0 : i32
    %dma_start3A_22 = tpu.memref_slice %arg9[%dma_start3A_18, %dma_start3A_20, %dma_start3A_21] : memref<25x80x16xf32, #tpu.memory_space<vmem>> -> memref<1x80x16xf32, #tpu.memory_space<vmem>>
    %dma_start3A_23 = tpu.memref_squeeze %dma_start3A_22 : memref<1x80x16xf32, #tpu.memory_space<vmem>> -> memref<80x16xf32, #tpu.memory_space<vmem>>
    %dma_start3A_24 = arith.constant 0 : i32
    %dma_start3A_25 = tpu.memref_slice %arg7[%dma_start3A_17, %dma_start3A_24] : memref<125x80xi32, #tpu.memory_space<vmem>> -> memref<1x80xi32, #tpu.memory_space<vmem>>
    %dma_start3A_26 = tpu.memref_squeeze %dma_start3A_25 : memref<1x80xi32, #tpu.memory_space<vmem>> -> memref<80xi32, #tpu.memory_space<vmem>>
    %dma_start3A_27 = arith.constant 0 : i32
    %dma_start3A_28 = arith.constant 0 : i32
    %dma_start3A_29 = tpu.memref_slice %arg2[%dma_start3A_27, %dma_start3A_28] : memref<10000x16xf32, #tpu.memory_space<hbm>> -> memref<10000x16xf32, #tpu.memory_space<hbm>>
    %dma_start3A_30 = tpu.memref_slice %arg11[%dma_start3A_19] : memref<25x!tpu.dma_semaphore, #tpu.memory_space<semaphore_mem>> -> memref<1x!tpu.dma_semaphore, #tpu.memory_space<semaphore_mem>>
    %dma_start3A_31 = tpu.memref_squeeze %dma_start3A_30 : memref<1x!tpu.dma_semaphore, #tpu.memory_space<semaphore_mem>> -> memref<!tpu.dma_semaphore, #tpu.memory_space<semaphore_mem>>
    tpu.enqueue_indirect_dma source(%dma_start3A_29 : memref<10000x16xf32, #tpu.memory_space<hbm>>) target(%dma_start3A_23 : memref<80x16xf32, #tpu.memory_space<vmem>>) offsets(%dma_start3A_26 : memref<80xi32, #tpu.memory_space<vmem>>) semaphore(%dma_start3A_31 : memref<!tpu.dma_semaphore, #tpu.memory_space<semaphore_mem>>)
    %dma_start3A_32 = arith.constant 2 : i32
    %dma_start3A_33 = arith.constant 2 : i32
    %dma_start3A_34 = arith.constant 2 : i32
    %dma_start3A_35 = arith.constant 0 : i32
    %dma_start3A_36 = arith.constant 0 : i32
    %dma_start3A_37 = tpu.memref_slice %arg9[%dma_start3A_33, %dma_start3A_35, %dma_start3A_36] : memref<25x80x16xf32, #tpu.memory_space<vmem>> -> memref<1x80x16xf32, #tpu.memory_space<vmem>>
    %dma_start3A_38 = tpu.memref_squeeze %dma_start3A_37 : memref<1x80x16xf32, #tpu.memory_space<vmem>> -> memref<80x16xf32, #tpu.memory_space<vmem>>
    %dma_start3A_39 = arith.constant 0 : i32
    %dma_start3A_40 = tpu.memref_slice %arg7[%dma_start3A_32, %dma_start3A_39] : memref<125x80xi32, #tpu.memory_space<vmem>> -> memref<1x80xi32, #tpu.memory_space<vmem>>
    %dma_start3A_41 = tpu.memref_squeeze %dma_start3A_40 : memref<1x80xi32, #tpu.memory_space<vmem>> -> memref<80xi32, #tpu.memory_space<vmem>>
    %dma_start3A_42 = arith.constant 0 : i32
    %dma_start3A_43 = arith.constant 0 : i32
    %dma_start3A_44 = tpu.memref_slice %arg2[%dma_start3A_42, %dma_start3A_43] : memref<10000x16xf32, #tpu.memory_space<hbm>> -> memref<10000x16xf32, #tpu.memory_space<hbm>>
    %dma_start3A_45 = tpu.memref_slice %arg11[%dma_start3A_34] : memref<25x!tpu.dma_semaphore, #tpu.memory_space<semaphore_mem>> -> memref<1x!tpu.dma_semaphore, #tpu.memory_space<semaphore_mem>>
    %dma_start3A_46 = tpu.memref_squeeze %dma_start3A_45 : memref<1x!tpu.dma_semaphore, #tpu.memory_space<semaphore_mem>> -> memref<!tpu.dma_semaphore, #tpu.memory_space<semaphore_mem>>
    tpu.enqueue_indirect_dma source(%dma_start3A_44 : memref<10000x16xf32, #tpu.memory_space<hbm>>) target(%dma_start3A_38 : memref<80x16xf32, #tpu.memory_space<vmem>>) offsets(%dma_start3A_41 : memref<80xi32, #tpu.memory_space<vmem>>) semaphore(%dma_start3A_46 : memref<!tpu.dma_semaphore, #tpu.memory_space<semaphore_mem>>)
    %dma_start3A_47 = arith.constant 3 : i32
    %dma_start3A_48 = arith.constant 3 : i32
    %dma_start3A_49 = arith.constant 3 : i32
    %dma_start3A_50 = arith.constant 0 : i32
    %dma_start3A_51 = arith.constant 0 : i32
    %dma_start3A_52 = tpu.memref_slice %arg9[%dma_start3A_48, %dma_start3A_50, %dma_start3A_51] : memref<25x80x16xf32, #tpu.memory_space<vmem>> -> memref<1x80x16xf32, #tpu.memory_space<vmem>>
    %dma_start3A_53 = tpu.memref_squeeze %dma_start3A_52 : memref<1x80x16xf32, #tpu.memory_space<vmem>> -> memref<80x16xf32, #tpu.memory_space<vmem>>
    %dma_start3A_54 = arith.constant 0 : i32
    %dma_start3A_55 = tpu.memref_slice %arg7[%dma_start3A_47, %dma_start3A_54] : memref<125x80xi32, #tpu.memory_space<vmem>> -> memref<1x80xi32, #tpu.memory_space<vmem>>
    %dma_start3A_56 = tpu.memref_squeeze %dma_start3A_55 : memref<1x80xi32, #tpu.memory_space<vmem>> -> memref<80xi32, #tpu.memory_space<vmem>>
    %dma_start3A_57 = arith.constant 0 : i32
    %dma_start3A_58 = arith.constant 0 : i32
    %dma_start3A_59 = tpu.memref_slice %arg2[%dma_start3A_57, %dma_start3A_58] : memref<10000x16xf32, #tpu.memory_space<hbm>> -> memref<10000x16xf32, #tpu.memory_space<hbm>>
    %dma_start3A_60 = tpu.memref_slice %arg11[%dma_start3A_49] : memref<25x!tpu.dma_semaphore, #tpu.memory_space<semaphore_mem>> -> memref<1x!tpu.dma_semaphore, #tpu.memory_space<semaphore_mem>>
    %dma_start3A_61 = tpu.memref_squeeze %dma_start3A_60 : memref<1x!tpu.dma_semaphore, #tpu.memory_space<semaphore_mem>> -> memref<!tpu.dma_semaphore, #tpu.memory_space<semaphore_mem>>
    tpu.enqueue_indirect_dma source(%dma_start3A_59 : memref<10000x16xf32, #tpu.memory_space<hbm>>) target(%dma_start3A_53 : memref<80x16xf32, #tpu.memory_space<vmem>>) offsets(%dma_start3A_56 : memref<80xi32, #tpu.memory_space<vmem>>) semaphore(%dma_start3A_61 : memref<!tpu.dma_semaphore, #tpu.memory_space<semaphore_mem>>)
    %dma_start3A_62 = arith.constant 4 : i32
    %dma_start3A_63 = arith.constant 4 : i32
    %dma_start3A_64 = arith.constant 4 : i32
    %dma_start3A_65 = arith.constant 0 : i32
    %dma_start3A_66 = arith.constant 0 : i32
    %dma_start3A_67 = tpu.memref_slice %arg9[%dma_start3A_63, %dma_start3A_65, %dma_start3A_66] : memref<25x80x16xf32, #tpu.memory_space<vmem>> -> memref<1x80x16xf32, #tpu.memory_space<vmem>>
    %dma_start3A_68 = tpu.memref_squeeze %dma_start3A_67 : memref<1x80x16xf32, #tpu.memory_space<vmem>> -> memref<80x16xf32, #tpu.memory_space<vmem>>
    %dma_start3A_69 = arith.constant 0 : i32
    %dma_start3A_70 = tpu.memref_slice %arg7[%dma_start3A_62, %dma_start3A_69] : memref<125x80xi32, #tpu.memory_space<vmem>> -> memref<1x80xi32, #tpu.memory_space<vmem>>
    %dma_start3A_71 = tpu.memref_squeeze %dma_start3A_70 : memref<1x80xi32, #tpu.memory_space<vmem>> -> memref<80xi32, #tpu.memory_space<vmem>>
    %dma_start3A_72 = arith.constant 0 : i32
    %dma_start3A_73 = arith.constant 0 : i32
    %dma_start3A_74 = tpu.memref_slice %arg2[%dma_start3A_72, %dma_start3A_73] : memref<10000x16xf32, #tpu.memory_space<hbm>> -> memref<10000x16xf32, #tpu.memory_space<hbm>>
    %dma_start3A_75 = tpu.memref_slice %arg11[%dma_start3A_64] : memref<25x!tpu.dma_semaphore, #tpu.memory_space<semaphore_mem>> -> memref<1x!tpu.dma_semaphore, #tpu.memory_space<semaphore_mem>>
    %dma_start3A_76 = tpu.memref_squeeze %dma_start3A_75 : memref<1x!tpu.dma_semaphore, #tpu.memory_space<semaphore_mem>> -> memref<!tpu.dma_semaphore, #tpu.memory_space<semaphore_mem>>
    tpu.enqueue_indirect_dma source(%dma_start3A_74 : memref<10000x16xf32, #tpu.memory_space<hbm>>) target(%dma_start3A_68 : memref<80x16xf32, #tpu.memory_space<vmem>>) offsets(%dma_start3A_71 : memref<80xi32, #tpu.memory_space<vmem>>) semaphore(%dma_start3A_76 : memref<!tpu.dma_semaphore, #tpu.memory_space<semaphore_mem>>)
    %dma_start3A_77 = arith.constant 5 : i32
    %dma_start3A_78 = arith.constant 5 : i32
    %dma_start3A_79 = arith.constant 5 : i32
    %dma_start3A_80 = arith.constant 0 : i32
    %dma_start3A_81 = arith.constant 0 : i32
    %dma_start3A_82 = tpu.memref_slice %arg9[%dma_start3A_78, %dma_start3A_80, %dma_start3A_81] : memref<25x80x16xf32, #tpu.memory_space<vmem>> -> memref<1x80x16xf32, #tpu.memory_space<vmem>>
    %dma_start3A_83 = tpu.memref_squeeze %dma_start3A_82 : memref<1x80x16xf32, #tpu.memory_space<vmem>> -> memref<80x16xf32, #tpu.memory_space<vmem>>
    %dma_start3A_84 = arith.constant 0 : i32
    %dma_start3A_85 = tpu.memref_slice %arg7[%dma_start3A_77, %dma_start3A_84] : memref<125x80xi32, #tpu.memory_space<vmem>> -> memref<1x80xi32, #tpu.memory_space<vmem>>
    %dma_start3A_86 = tpu.memref_squeeze %dma_start3A_85 : memref<1x80xi32, #tpu.memory_space<vmem>> -> memref<80xi32, #tpu.memory_space<vmem>>
    %dma_start3A_87 = arith.constant 0 : i32
    %dma_start3A_88 = arith.constant 0 : i32
    %dma_start3A_89 = tpu.memref_slice %arg2[%dma_start3A_87, %dma_start3A_88] : memref<10000x16xf32, #tpu.memory_space<hbm>> -> memref<10000x16xf32, #tpu.memory_space<hbm>>
    %dma_start3A_90 = tpu.memref_slice %arg11[%dma_start3A_79] : memref<25x!tpu.dma_semaphore, #tpu.memory_space<semaphore_mem>> -> memref<1x!tpu.dma_semaphore, #tpu.memory_space<semaphore_mem>>
    %dma_start3A_91 = tpu.memref_squeeze %dma_start3A_90 : memref<1x!tpu.dma_semaphore, #tpu.memory_space<semaphore_mem>> -> memref<!tpu.dma_semaphore, #tpu.memory_space<semaphore_mem>>
    tpu.enqueue_indirect_dma source(%dma_start3A_89 : memref<10000x16xf32, #tpu.memory_space<hbm>>) target(%dma_start3A_83 : memref<80x16xf32, #tpu.memory_space<vmem>>) offsets(%dma_start3A_86 : memref<80xi32, #tpu.memory_space<vmem>>) semaphore(%dma_start3A_91 : memref<!tpu.dma_semaphore, #tpu.memory_space<semaphore_mem>>)
    %dma_start3A_92 = arith.constant 6 : i32
    %dma_start3A_93 = arith.constant 6 : i32
    %dma_start3A_94 = arith.constant 6 : i32
    %dma_start3A_95 = arith.constant 0 : i32
    %dma_start3A_96 = arith.constant 0 : i32
    %dma_start3A_97 = tpu.memref_slice %arg9[%dma_start3A_93, %dma_start3A_95, %dma_start3A_96] : memref<25x80x16xf32, #tpu.memory_space<vmem>> -> memref<1x80x16xf32, #tpu.memory_space<vmem>>
    %dma_start3A_98 = tpu.memref_squeeze %dma_start3A_97 : memref<1x80x16xf32, #tpu.memory_space<vmem>> -> memref<80x16xf32, #tpu.memory_space<vmem>>
    %dma_start3A_99 = arith.constant 0 : i32
    %dma_start3A_100 = tpu.memref_slice %arg7[%dma_start3A_92, %dma_start3A_99] : memref<125x80xi32, #tpu.memory_space<vmem>> -> memref<1x80xi32, #tpu.memory_space<vmem>>
    %dma_start3A_101 = tpu.memref_squeeze %dma_start3A_100 : memref<1x80xi32, #tpu.memory_space<vmem>> -> memref<80xi32, #tpu.memory_space<vmem>>
    %dma_start3A_102 = arith.constant 0 : i32
    %dma_start3A_103 = arith.constant 0 : i32
    %dma_start3A_104 = tpu.memref_slice %arg2[%dma_start3A_102, %dma_start3A_103] : memref<10000x16xf32, #tpu.memory_space<hbm>> -> memref<10000x16xf32, #tpu.memory_space<hbm>>
    %dma_start3A_105 = tpu.memref_slice %arg11[%dma_start3A_94] : memref<25x!tpu.dma_semaphore, #tpu.memory_space<semaphore_mem>> -> memref<1x!tpu.dma_semaphore, #tpu.memory_space<semaphore_mem>>
    %dma_start3A_106 = tpu.memref_squeeze %dma_start3A_105 : memref<1x!tpu.dma_semaphore, #tpu.memory_space<semaphore_mem>> -> memref<!tpu.dma_semaphore, #tpu.memory_space<semaphore_mem>>
    tpu.enqueue_indirect_dma source(%dma_start3A_104 : memref<10000x16xf32, #tpu.memory_space<hbm>>) target(%dma_start3A_98 : memref<80x16xf32, #tpu.memory_space<vmem>>) offsets(%dma_start3A_101 : memref<80xi32, #tpu.memory_space<vmem>>) semaphore(%dma_start3A_106 : memref<!tpu.dma_semaphore, #tpu.memory_space<semaphore_mem>>)
    %dma_start3A_107 = arith.constant 7 : i32
    %dma_start3A_108 = arith.constant 7 : i32
    %dma_start3A_109 = arith.constant 7 : i32
    %dma_start3A_110 = arith.constant 0 : i32
    %dma_start3A_111 = arith.constant 0 : i32
    %dma_start3A_112 = tpu.memref_slice %arg9[%dma_start3A_108, %dma_start3A_110, %dma_start3A_111] : memref<25x80x16xf32, #tpu.memory_space<vmem>> -> memref<1x80x16xf32, #tpu.memory_space<vmem>>
    %dma_start3A_113 = tpu.memref_squeeze %dma_start3A_112 : memref<1x80x16xf32, #tpu.memory_space<vmem>> -> memref<80x16xf32, #tpu.memory_space<vmem>>
    %dma_start3A_114 = arith.constant 0 : i32
    %dma_start3A_115 = tpu.memref_slice %arg7[%dma_start3A_107, %dma_start3A_114] : memref<125x80xi32, #tpu.memory_space<vmem>> -> memref<1x80xi32, #tpu.memory_space<vmem>>
    %dma_start3A_116 = tpu.memref_squeeze %dma_start3A_115 : memref<1x80xi32, #tpu.memory_space<vmem>> -> memref<80xi32, #tpu.memory_space<vmem>>
    %dma_start3A_117 = arith.constant 0 : i32
    %dma_start3A_118 = arith.constant 0 : i32
    %dma_start3A_119 = tpu.memref_slice %arg2[%dma_start3A_117, %dma_start3A_118] : memref<10000x16xf32, #tpu.memory_space<hbm>> -> memref<10000x16xf32, #tpu.memory_space<hbm>>
    %dma_start3A_120 = tpu.memref_slice %arg11[%dma_start3A_109] : memref<25x!tpu.dma_semaphore, #tpu.memory_space<semaphore_mem>> -> memref<1x!tpu.dma_semaphore, #tpu.memory_space<semaphore_mem>>
    %dma_start3A_121 = tpu.memref_squeeze %dma_start3A_120 : memref<1x!tpu.dma_semaphore, #tpu.memory_space<semaphore_mem>> -> memref<!tpu.dma_semaphore, #tpu.memory_space<semaphore_mem>>
    tpu.enqueue_indirect_dma source(%dma_start3A_119 : memref<10000x16xf32, #tpu.memory_space<hbm>>) target(%dma_start3A_113 : memref<80x16xf32, #tpu.memory_space<vmem>>) offsets(%dma_start3A_116 : memref<80xi32, #tpu.memory_space<vmem>>) semaphore(%dma_start3A_121 : memref<!tpu.dma_semaphore, #tpu.memory_space<semaphore_mem>>)
    %dma_start3A_122 = arith.constant 8 : i32
    %dma_start3A_123 = arith.constant 8 : i32
    %dma_start3A_124 = arith.constant 8 : i32
    %dma_start3A_125 = arith.constant 0 : i32
    %dma_start3A_126 = arith.constant 0 : i32
    %dma_start3A_127 = tpu.memref_slice %arg9[%dma_start3A_123, %dma_start3A_125, %dma_start3A_126] : memref<25x80x16xf32, #tpu.memory_space<vmem>> -> memref<1x80x16xf32, #tpu.memory_space<vmem>>
    %dma_start3A_128 = tpu.memref_squeeze %dma_start3A_127 : memref<1x80x16xf32, #tpu.memory_space<vmem>> -> memref<80x16xf32, #tpu.memory_space<vmem>>
    %dma_start3A_129 = arith.constant 0 : i32
    %dma_start3A_130 = tpu.memref_slice %arg7[%dma_start3A_122, %dma_start3A_129] : memref<125x80xi32, #tpu.memory_space<vmem>> -> memref<1x80xi32, #tpu.memory_space<vmem>>
    %dma_start3A_131 = tpu.memref_squeeze %dma_start3A_130 : memref<1x80xi32, #tpu.memory_space<vmem>> -> memref<80xi32, #tpu.memory_space<vmem>>
    %dma_start3A_132 = arith.constant 0 : i32
    %dma_start3A_133 = arith.constant 0 : i32
    %dma_start3A_134 = tpu.memref_slice %arg2[%dma_start3A_132, %dma_start3A_133] : memref<10000x16xf32, #tpu.memory_space<hbm>> -> memref<10000x16xf32, #tpu.memory_space<hbm>>
    %dma_start3A_135 = tpu.memref_slice %arg11[%dma_start3A_124] : memref<25x!tpu.dma_semaphore, #tpu.memory_space<semaphore_mem>> -> memref<1x!tpu.dma_semaphore, #tpu.memory_space<semaphore_mem>>
    %dma_start3A_136 = tpu.memref_squeeze %dma_start3A_135 : memref<1x!tpu.dma_semaphore, #tpu.memory_space<semaphore_mem>> -> memref<!tpu.dma_semaphore, #tpu.memory_space<semaphore_mem>>
    tpu.enqueue_indirect_dma source(%dma_start3A_134 : memref<10000x16xf32, #tpu.memory_space<hbm>>) target(%dma_start3A_128 : memref<80x16xf32, #tpu.memory_space<vmem>>) offsets(%dma_start3A_131 : memref<80xi32, #tpu.memory_space<vmem>>) semaphore(%dma_start3A_136 : memref<!tpu.dma_semaphore, #tpu.memory_space<semaphore_mem>>)
    %dma_start3A_137 = arith.constant 9 : i32
    %dma_start3A_138 = arith.constant 9 : i32
    %dma_start3A_139 = arith.constant 9 : i32
    %dma_start3A_140 = arith.constant 0 : i32
    %dma_start3A_141 = arith.constant 0 : i32
    %dma_start3A_142 = tpu.memref_slice %arg9[%dma_start3A_138, %dma_start3A_140, %dma_start3A_141] : memref<25x80x16xf32, #tpu.memory_space<vmem>> -> memref<1x80x16xf32, #tpu.memory_space<vmem>>
    %dma_start3A_143 = tpu.memref_squeeze %dma_start3A_142 : memref<1x80x16xf32, #tpu.memory_space<vmem>> -> memref<80x16xf32, #tpu.memory_space<vmem>>
    %dma_start3A_144 = arith.constant 0 : i32
    %dma_start3A_145 = tpu.memref_slice %arg7[%dma_start3A_137, %dma_start3A_144] : memref<125x80xi32, #tpu.memory_space<vmem>> -> memref<1x80xi32, #tpu.memory_space<vmem>>
    %dma_start3A_146 = tpu.memref_squeeze %dma_start3A_145 : memref<1x80xi32, #tpu.memory_space<vmem>> -> memref<80xi32, #tpu.memory_space<vmem>>
    %dma_start3A_147 = arith.constant 0 : i32
    %dma_start3A_148 = arith.constant 0 : i32
    %dma_start3A_149 = tpu.memref_slice %arg2[%dma_start3A_147, %dma_start3A_148] : memref<10000x16xf32, #tpu.memory_space<hbm>> -> memref<10000x16xf32, #tpu.memory_space<hbm>>
    %dma_start3A_150 = tpu.memref_slice %arg11[%dma_start3A_139] : memref<25x!tpu.dma_semaphore, #tpu.memory_space<semaphore_mem>> -> memref<1x!tpu.dma_semaphore, #tpu.memory_space<semaphore_mem>>
    %dma_start3A_151 = tpu.memref_squeeze %dma_start3A_150 : memref<1x!tpu.dma_semaphore, #tpu.memory_space<semaphore_mem>> -> memref<!tpu.dma_semaphore, #tpu.memory_space<semaphore_mem>>
    tpu.enqueue_indirect_dma source(%dma_start3A_149 : memref<10000x16xf32, #tpu.memory_space<hbm>>) target(%dma_start3A_143 : memref<80x16xf32, #tpu.memory_space<vmem>>) offsets(%dma_start3A_146 : memref<80xi32, #tpu.memory_space<vmem>>) semaphore(%dma_start3A_151 : memref<!tpu.dma_semaphore, #tpu.memory_space<semaphore_mem>>)
    %dma_start3A_152 = arith.constant 10 : i32
    %dma_start3A_153 = arith.constant 10 : i32
    %dma_start3A_154 = arith.constant 10 : i32
    %dma_start3A_155 = arith.constant 0 : i32
    %dma_start3A_156 = arith.constant 0 : i32
    %dma_start3A_157 = tpu.memref_slice %arg9[%dma_start3A_153, %dma_start3A_155, %dma_start3A_156] : memref<25x80x16xf32, #tpu.memory_space<vmem>> -> memref<1x80x16xf32, #tpu.memory_space<vmem>>
    %dma_start3A_158 = tpu.memref_squeeze %dma_start3A_157 : memref<1x80x16xf32, #tpu.memory_space<vmem>> -> memref<80x16xf32, #tpu.memory_space<vmem>>
    %dma_start3A_159 = arith.constant 0 : i32
    %dma_start3A_160 = tpu.memref_slice %arg7[%dma_start3A_152, %dma_start3A_159] : memref<125x80xi32, #tpu.memory_space<vmem>> -> memref<1x80xi32, #tpu.memory_space<vmem>>
    %dma_start3A_161 = tpu.memref_squeeze %dma_start3A_160 : memref<1x80xi32, #tpu.memory_space<vmem>> -> memref<80xi32, #tpu.memory_space<vmem>>
    %dma_start3A_162 = arith.constant 0 : i32
    %dma_start3A_163 = arith.constant 0 : i32
    %dma_start3A_164 = tpu.memref_slice %arg2[%dma_start3A_162, %dma_start3A_163] : memref<10000x16xf32, #tpu.memory_space<hbm>> -> memref<10000x16xf32, #tpu.memory_space<hbm>>
    %dma_start3A_165 = tpu.memref_slice %arg11[%dma_start3A_154] : memref<25x!tpu.dma_semaphore, #tpu.memory_space<semaphore_mem>> -> memref<1x!tpu.dma_semaphore, #tpu.memory_space<semaphore_mem>>
    %dma_start3A_166 = tpu.memref_squeeze %dma_start3A_165 : memref<1x!tpu.dma_semaphore, #tpu.memory_space<semaphore_mem>> -> memref<!tpu.dma_semaphore, #tpu.memory_space<semaphore_mem>>
    tpu.enqueue_indirect_dma source(%dma_start3A_164 : memref<10000x16xf32, #tpu.memory_space<hbm>>) target(%dma_start3A_158 : memref<80x16xf32, #tpu.memory_space<vmem>>) offsets(%dma_start3A_161 : memref<80xi32, #tpu.memory_space<vmem>>) semaphore(%dma_start3A_166 : memref<!tpu.dma_semaphore, #tpu.memory_space<semaphore_mem>>)
    %dma_start3A_167 = arith.constant 11 : i32
    %dma_start3A_168 = arith.constant 11 : i32
    %dma_start3A_169 = arith.constant 11 : i32
    %dma_start3A_170 = arith.constant 0 : i32
    %dma_start3A_171 = arith.constant 0 : i32
    %dma_start3A_172 = tpu.memref_slice %arg9[%dma_start3A_168, %dma_start3A_170, %dma_start3A_171] : memref<25x80x16xf32, #tpu.memory_space<vmem>> -> memref<1x80x16xf32, #tpu.memory_space<vmem>>
    %dma_start3A_173 = tpu.memref_squeeze %dma_start3A_172 : memref<1x80x16xf32, #tpu.memory_space<vmem>> -> memref<80x16xf32, #tpu.memory_space<vmem>>
    %dma_start3A_174 = arith.constant 0 : i32
    %dma_start3A_175 = tpu.memref_slice %arg7[%dma_start3A_167, %dma_start3A_174] : memref<125x80xi32, #tpu.memory_space<vmem>> -> memref<1x80xi32, #tpu.memory_space<vmem>>
    %dma_start3A_176 = tpu.memref_squeeze %dma_start3A_175 : memref<1x80xi32, #tpu.memory_space<vmem>> -> memref<80xi32, #tpu.memory_space<vmem>>
    %dma_start3A_177 = arith.constant 0 : i32
    %dma_start3A_178 = arith.constant 0 : i32
    %dma_start3A_179 = tpu.memref_slice %arg2[%dma_start3A_177, %dma_start3A_178] : memref<10000x16xf32, #tpu.memory_space<hbm>> -> memref<10000x16xf32, #tpu.memory_space<hbm>>
    %dma_start3A_180 = tpu.memref_slice %arg11[%dma_start3A_169] : memref<25x!tpu.dma_semaphore, #tpu.memory_space<semaphore_mem>> -> memref<1x!tpu.dma_semaphore, #tpu.memory_space<semaphore_mem>>
    %dma_start3A_181 = tpu.memref_squeeze %dma_start3A_180 : memref<1x!tpu.dma_semaphore, #tpu.memory_space<semaphore_mem>> -> memref<!tpu.dma_semaphore, #tpu.memory_space<semaphore_mem>>
    tpu.enqueue_indirect_dma source(%dma_start3A_179 : memref<10000x16xf32, #tpu.memory_space<hbm>>) target(%dma_start3A_173 : memref<80x16xf32, #tpu.memory_space<vmem>>) offsets(%dma_start3A_176 : memref<80xi32, #tpu.memory_space<vmem>>) semaphore(%dma_start3A_181 : memref<!tpu.dma_semaphore, #tpu.memory_space<semaphore_mem>>)
    %dma_start3A_182 = arith.constant 12 : i32
    %dma_start3A_183 = arith.constant 12 : i32
    %dma_start3A_184 = arith.constant 12 : i32
    %dma_start3A_185 = arith.constant 0 : i32
    %dma_start3A_186 = arith.constant 0 : i32
    %dma_start3A_187 = tpu.memref_slice %arg9[%dma_start3A_183, %dma_start3A_185, %dma_start3A_186] : memref<25x80x16xf32, #tpu.memory_space<vmem>> -> memref<1x80x16xf32, #tpu.memory_space<vmem>>
    %dma_start3A_188 = tpu.memref_squeeze %dma_start3A_187 : memref<1x80x16xf32, #tpu.memory_space<vmem>> -> memref<80x16xf32, #tpu.memory_space<vmem>>
    %dma_start3A_189 = arith.constant 0 : i32
    %dma_start3A_190 = tpu.memref_slice %arg7[%dma_start3A_182, %dma_start3A_189] : memref<125x80xi32, #tpu.memory_space<vmem>> -> memref<1x80xi32, #tpu.memory_space<vmem>>
    %dma_start3A_191 = tpu.memref_squeeze %dma_start3A_190 : memref<1x80xi32, #tpu.memory_space<vmem>> -> memref<80xi32, #tpu.memory_space<vmem>>
    %dma_start3A_192 = arith.constant 0 : i32
    %dma_start3A_193 = arith.constant 0 : i32
    %dma_start3A_194 = tpu.memref_slice %arg2[%dma_start3A_192, %dma_start3A_193] : memref<10000x16xf32, #tpu.memory_space<hbm>> -> memref<10000x16xf32, #tpu.memory_space<hbm>>
    %dma_start3A_195 = tpu.memref_slice %arg11[%dma_start3A_184] : memref<25x!tpu.dma_semaphore, #tpu.memory_space<semaphore_mem>> -> memref<1x!tpu.dma_semaphore, #tpu.memory_space<semaphore_mem>>
    %dma_start3A_196 = tpu.memref_squeeze %dma_start3A_195 : memref<1x!tpu.dma_semaphore, #tpu.memory_space<semaphore_mem>> -> memref<!tpu.dma_semaphore, #tpu.memory_space<semaphore_mem>>
    tpu.enqueue_indirect_dma source(%dma_start3A_194 : memref<10000x16xf32, #tpu.memory_space<hbm>>) target(%dma_start3A_188 : memref<80x16xf32, #tpu.memory_space<vmem>>) offsets(%dma_start3A_191 : memref<80xi32, #tpu.memory_space<vmem>>) semaphore(%dma_start3A_196 : memref<!tpu.dma_semaphore, #tpu.memory_space<semaphore_mem>>)
    %dma_start3A_197 = arith.constant 13 : i32
    %dma_start3A_198 = arith.constant 13 : i32
    %dma_start3A_199 = arith.constant 13 : i32
    %dma_start3A_200 = arith.constant 0 : i32
    %dma_start3A_201 = arith.constant 0 : i32
    %dma_start3A_202 = tpu.memref_slice %arg9[%dma_start3A_198, %dma_start3A_200, %dma_start3A_201] : memref<25x80x16xf32, #tpu.memory_space<vmem>> -> memref<1x80x16xf32, #tpu.memory_space<vmem>>
    %dma_start3A_203 = tpu.memref_squeeze %dma_start3A_202 : memref<1x80x16xf32, #tpu.memory_space<vmem>> -> memref<80x16xf32, #tpu.memory_space<vmem>>
    %dma_start3A_204 = arith.constant 0 : i32
    %dma_start3A_205 = tpu.memref_slice %arg7[%dma_start3A_197, %dma_start3A_204] : memref<125x80xi32, #tpu.memory_space<vmem>> -> memref<1x80xi32, #tpu.memory_space<vmem>>
    %dma_start3A_206 = tpu.memref_squeeze %dma_start3A_205 : memref<1x80xi32, #tpu.memory_space<vmem>> -> memref<80xi32, #tpu.memory_space<vmem>>
    %dma_start3A_207 = arith.constant 0 : i32
    %dma_start3A_208 = arith.constant 0 : i32
    %dma_start3A_209 = tpu.memref_slice %arg2[%dma_start3A_207, %dma_start3A_208] : memref<10000x16xf32, #tpu.memory_space<hbm>> -> memref<10000x16xf32, #tpu.memory_space<hbm>>
    %dma_start3A_210 = tpu.memref_slice %arg11[%dma_start3A_199] : memref<25x!tpu.dma_semaphore, #tpu.memory_space<semaphore_mem>> -> memref<1x!tpu.dma_semaphore, #tpu.memory_space<semaphore_mem>>
    %dma_start3A_211 = tpu.memref_squeeze %dma_start3A_210 : memref<1x!tpu.dma_semaphore, #tpu.memory_space<semaphore_mem>> -> memref<!tpu.dma_semaphore, #tpu.memory_space<semaphore_mem>>
    tpu.enqueue_indirect_dma source(%dma_start3A_209 : memref<10000x16xf32, #tpu.memory_space<hbm>>) target(%dma_start3A_203 : memref<80x16xf32, #tpu.memory_space<vmem>>) offsets(%dma_start3A_206 : memref<80xi32, #tpu.memory_space<vmem>>) semaphore(%dma_start3A_211 : memref<!tpu.dma_semaphore, #tpu.memory_space<semaphore_mem>>)
    %dma_start3A_212 = arith.constant 14 : i32
    %dma_start3A_213 = arith.constant 14 : i32
    %dma_start3A_214 = arith.constant 14 : i32
    %dma_start3A_215 = arith.constant 0 : i32
    %dma_start3A_216 = arith.constant 0 : i32
    %dma_start3A_217 = tpu.memref_slice %arg9[%dma_start3A_213, %dma_start3A_215, %dma_start3A_216] : memref<25x80x16xf32, #tpu.memory_space<vmem>> -> memref<1x80x16xf32, #tpu.memory_space<vmem>>
    %dma_start3A_218 = tpu.memref_squeeze %dma_start3A_217 : memref<1x80x16xf32, #tpu.memory_space<vmem>> -> memref<80x16xf32, #tpu.memory_space<vmem>>
    %dma_start3A_219 = arith.constant 0 : i32
    %dma_start3A_220 = tpu.memref_slice %arg7[%dma_start3A_212, %dma_start3A_219] : memref<125x80xi32, #tpu.memory_space<vmem>> -> memref<1x80xi32, #tpu.memory_space<vmem>>
    %dma_start3A_221 = tpu.memref_squeeze %dma_start3A_220 : memref<1x80xi32, #tpu.memory_space<vmem>> -> memref<80xi32, #tpu.memory_space<vmem>>
    %dma_start3A_222 = arith.constant 0 : i32
    %dma_start3A_223 = arith.constant 0 : i32
    %dma_start3A_224 = tpu.memref_slice %arg2[%dma_start3A_222, %dma_start3A_223] : memref<10000x16xf32, #tpu.memory_space<hbm>> -> memref<10000x16xf32, #tpu.memory_space<hbm>>
    %dma_start3A_225 = tpu.memref_slice %arg11[%dma_start3A_214] : memref<25x!tpu.dma_semaphore, #tpu.memory_space<semaphore_mem>> -> memref<1x!tpu.dma_semaphore, #tpu.memory_space<semaphore_mem>>
    %dma_start3A_226 = tpu.memref_squeeze %dma_start3A_225 : memref<1x!tpu.dma_semaphore, #tpu.memory_space<semaphore_mem>> -> memref<!tpu.dma_semaphore, #tpu.memory_space<semaphore_mem>>
    tpu.enqueue_indirect_dma source(%dma_start3A_224 : memref<10000x16xf32, #tpu.memory_space<hbm>>) target(%dma_start3A_218 : memref<80x16xf32, #tpu.memory_space<vmem>>) offsets(%dma_start3A_221 : memref<80xi32, #tpu.memory_space<vmem>>) semaphore(%dma_start3A_226 : memref<!tpu.dma_semaphore, #tpu.memory_space<semaphore_mem>>)
    %dma_start3A_227 = arith.constant 15 : i32
    %dma_start3A_228 = arith.constant 15 : i32
    %dma_start3A_229 = arith.constant 15 : i32
    %dma_start3A_230 = arith.constant 0 : i32
    %dma_start3A_231 = arith.constant 0 : i32
    %dma_start3A_232 = tpu.memref_slice %arg9[%dma_start3A_228, %dma_start3A_230, %dma_start3A_231] : memref<25x80x16xf32, #tpu.memory_space<vmem>> -> memref<1x80x16xf32, #tpu.memory_space<vmem>>
    %dma_start3A_233 = tpu.memref_squeeze %dma_start3A_232 : memref<1x80x16xf32, #tpu.memory_space<vmem>> -> memref<80x16xf32, #tpu.memory_space<vmem>>
    %dma_start3A_234 = arith.constant 0 : i32
    %dma_start3A_235 = tpu.memref_slice %arg7[%dma_start3A_227, %dma_start3A_234] : memref<125x80xi32, #tpu.memory_space<vmem>> -> memref<1x80xi32, #tpu.memory_space<vmem>>
    %dma_start3A_236 = tpu.memref_squeeze %dma_start3A_235 : memref<1x80xi32, #tpu.memory_space<vmem>> -> memref<80xi32, #tpu.memory_space<vmem>>
    %dma_start3A_237 = arith.constant 0 : i32
    %dma_start3A_238 = arith.constant 0 : i32
    %dma_start3A_239 = tpu.memref_slice %arg2[%dma_start3A_237, %dma_start3A_238] : memref<10000x16xf32, #tpu.memory_space<hbm>> -> memref<10000x16xf32, #tpu.memory_space<hbm>>
    %dma_start3A_240 = tpu.memref_slice %arg11[%dma_start3A_229] : memref<25x!tpu.dma_semaphore, #tpu.memory_space<semaphore_mem>> -> memref<1x!tpu.dma_semaphore, #tpu.memory_space<semaphore_mem>>
    %dma_start3A_241 = tpu.memref_squeeze %dma_start3A_240 : memref<1x!tpu.dma_semaphore, #tpu.memory_space<semaphore_mem>> -> memref<!tpu.dma_semaphore, #tpu.memory_space<semaphore_mem>>
    tpu.enqueue_indirect_dma source(%dma_start3A_239 : memref<10000x16xf32, #tpu.memory_space<hbm>>) target(%dma_start3A_233 : memref<80x16xf32, #tpu.memory_space<vmem>>) offsets(%dma_start3A_236 : memref<80xi32, #tpu.memory_space<vmem>>) semaphore(%dma_start3A_241 : memref<!tpu.dma_semaphore, #tpu.memory_space<semaphore_mem>>)
    %dma_start3A_242 = arith.constant 16 : i32
    %dma_start3A_243 = arith.constant 16 : i32
    %dma_start3A_244 = arith.constant 16 : i32
    %dma_start3A_245 = arith.constant 0 : i32
    %dma_start3A_246 = arith.constant 0 : i32
    %dma_start3A_247 = tpu.memref_slice %arg9[%dma_start3A_243, %dma_start3A_245, %dma_start3A_246] : memref<25x80x16xf32, #tpu.memory_space<vmem>> -> memref<1x80x16xf32, #tpu.memory_space<vmem>>
    %dma_start3A_248 = tpu.memref_squeeze %dma_start3A_247 : memref<1x80x16xf32, #tpu.memory_space<vmem>> -> memref<80x16xf32, #tpu.memory_space<vmem>>
    %dma_start3A_249 = arith.constant 0 : i32
    %dma_start3A_250 = tpu.memref_slice %arg7[%dma_start3A_242, %dma_start3A_249] : memref<125x80xi32, #tpu.memory_space<vmem>> -> memref<1x80xi32, #tpu.memory_space<vmem>>
    %dma_start3A_251 = tpu.memref_squeeze %dma_start3A_250 : memref<1x80xi32, #tpu.memory_space<vmem>> -> memref<80xi32, #tpu.memory_space<vmem>>
    %dma_start3A_252 = arith.constant 0 : i32
    %dma_start3A_253 = arith.constant 0 : i32
    %dma_start3A_254 = tpu.memref_slice %arg2[%dma_start3A_252, %dma_start3A_253] : memref<10000x16xf32, #tpu.memory_space<hbm>> -> memref<10000x16xf32, #tpu.memory_space<hbm>>
    %dma_start3A_255 = tpu.memref_slice %arg11[%dma_start3A_244] : memref<25x!tpu.dma_semaphore, #tpu.memory_space<semaphore_mem>> -> memref<1x!tpu.dma_semaphore, #tpu.memory_space<semaphore_mem>>
    %dma_start3A_256 = tpu.memref_squeeze %dma_start3A_255 : memref<1x!tpu.dma_semaphore, #tpu.memory_space<semaphore_mem>> -> memref<!tpu.dma_semaphore, #tpu.memory_space<semaphore_mem>>
    tpu.enqueue_indirect_dma source(%dma_start3A_254 : memref<10000x16xf32, #tpu.memory_space<hbm>>) target(%dma_start3A_248 : memref<80x16xf32, #tpu.memory_space<vmem>>) offsets(%dma_start3A_251 : memref<80xi32, #tpu.memory_space<vmem>>) semaphore(%dma_start3A_256 : memref<!tpu.dma_semaphore, #tpu.memory_space<semaphore_mem>>)
    %dma_start3A_257 = arith.constant 17 : i32
    %dma_start3A_258 = arith.constant 17 : i32
    %dma_start3A_259 = arith.constant 17 : i32
    %dma_start3A_260 = arith.constant 0 : i32
    %dma_start3A_261 = arith.constant 0 : i32
    %dma_start3A_262 = tpu.memref_slice %arg9[%dma_start3A_258, %dma_start3A_260, %dma_start3A_261] : memref<25x80x16xf32, #tpu.memory_space<vmem>> -> memref<1x80x16xf32, #tpu.memory_space<vmem>>
    %dma_start3A_263 = tpu.memref_squeeze %dma_start3A_262 : memref<1x80x16xf32, #tpu.memory_space<vmem>> -> memref<80x16xf32, #tpu.memory_space<vmem>>
    %dma_start3A_264 = arith.constant 0 : i32
    %dma_start3A_265 = tpu.memref_slice %arg7[%dma_start3A_257, %dma_start3A_264] : memref<125x80xi32, #tpu.memory_space<vmem>> -> memref<1x80xi32, #tpu.memory_space<vmem>>
    %dma_start3A_266 = tpu.memref_squeeze %dma_start3A_265 : memref<1x80xi32, #tpu.memory_space<vmem>> -> memref<80xi32, #tpu.memory_space<vmem>>
    %dma_start3A_267 = arith.constant 0 : i32
    %dma_start3A_268 = arith.constant 0 : i32
    %dma_start3A_269 = tpu.memref_slice %arg2[%dma_start3A_267, %dma_start3A_268] : memref<10000x16xf32, #tpu.memory_space<hbm>> -> memref<10000x16xf32, #tpu.memory_space<hbm>>
    %dma_start3A_270 = tpu.memref_slice %arg11[%dma_start3A_259] : memref<25x!tpu.dma_semaphore, #tpu.memory_space<semaphore_mem>> -> memref<1x!tpu.dma_semaphore, #tpu.memory_space<semaphore_mem>>
    %dma_start3A_271 = tpu.memref_squeeze %dma_start3A_270 : memref<1x!tpu.dma_semaphore, #tpu.memory_space<semaphore_mem>> -> memref<!tpu.dma_semaphore, #tpu.memory_space<semaphore_mem>>
    tpu.enqueue_indirect_dma source(%dma_start3A_269 : memref<10000x16xf32, #tpu.memory_space<hbm>>) target(%dma_start3A_263 : memref<80x16xf32, #tpu.memory_space<vmem>>) offsets(%dma_start3A_266 : memref<80xi32, #tpu.memory_space<vmem>>) semaphore(%dma_start3A_271 : memref<!tpu.dma_semaphore, #tpu.memory_space<semaphore_mem>>)
    %dma_start3A_272 = arith.constant 18 : i32
    %dma_start3A_273 = arith.constant 18 : i32
    %dma_start3A_274 = arith.constant 18 : i32
    %dma_start3A_275 = arith.constant 0 : i32
    %dma_start3A_276 = arith.constant 0 : i32
    %dma_start3A_277 = tpu.memref_slice %arg9[%dma_start3A_273, %dma_start3A_275, %dma_start3A_276] : memref<25x80x16xf32, #tpu.memory_space<vmem>> -> memref<1x80x16xf32, #tpu.memory_space<vmem>>
    %dma_start3A_278 = tpu.memref_squeeze %dma_start3A_277 : memref<1x80x16xf32, #tpu.memory_space<vmem>> -> memref<80x16xf32, #tpu.memory_space<vmem>>
    %dma_start3A_279 = arith.constant 0 : i32
    %dma_start3A_280 = tpu.memref_slice %arg7[%dma_start3A_272, %dma_start3A_279] : memref<125x80xi32, #tpu.memory_space<vmem>> -> memref<1x80xi32, #tpu.memory_space<vmem>>
    %dma_start3A_281 = tpu.memref_squeeze %dma_start3A_280 : memref<1x80xi32, #tpu.memory_space<vmem>> -> memref<80xi32, #tpu.memory_space<vmem>>
    %dma_start3A_282 = arith.constant 0 : i32
    %dma_start3A_283 = arith.constant 0 : i32
    %dma_start3A_284 = tpu.memref_slice %arg2[%dma_start3A_282, %dma_start3A_283] : memref<10000x16xf32, #tpu.memory_space<hbm>> -> memref<10000x16xf32, #tpu.memory_space<hbm>>
    %dma_start3A_285 = tpu.memref_slice %arg11[%dma_start3A_274] : memref<25x!tpu.dma_semaphore, #tpu.memory_space<semaphore_mem>> -> memref<1x!tpu.dma_semaphore, #tpu.memory_space<semaphore_mem>>
    %dma_start3A_286 = tpu.memref_squeeze %dma_start3A_285 : memref<1x!tpu.dma_semaphore, #tpu.memory_space<semaphore_mem>> -> memref<!tpu.dma_semaphore, #tpu.memory_space<semaphore_mem>>
    tpu.enqueue_indirect_dma source(%dma_start3A_284 : memref<10000x16xf32, #tpu.memory_space<hbm>>) target(%dma_start3A_278 : memref<80x16xf32, #tpu.memory_space<vmem>>) offsets(%dma_start3A_281 : memref<80xi32, #tpu.memory_space<vmem>>) semaphore(%dma_start3A_286 : memref<!tpu.dma_semaphore, #tpu.memory_space<semaphore_mem>>)
    %dma_start3A_287 = arith.constant 19 : i32
    %dma_start3A_288 = arith.constant 19 : i32
    %dma_start3A_289 = arith.constant 19 : i32
    %dma_start3A_290 = arith.constant 0 : i32
    %dma_start3A_291 = arith.constant 0 : i32
    %dma_start3A_292 = tpu.memref_slice %arg9[%dma_start3A_288, %dma_start3A_290, %dma_start3A_291] : memref<25x80x16xf32, #tpu.memory_space<vmem>> -> memref<1x80x16xf32, #tpu.memory_space<vmem>>
    %dma_start3A_293 = tpu.memref_squeeze %dma_start3A_292 : memref<1x80x16xf32, #tpu.memory_space<vmem>> -> memref<80x16xf32, #tpu.memory_space<vmem>>
    %dma_start3A_294 = arith.constant 0 : i32
    %dma_start3A_295 = tpu.memref_slice %arg7[%dma_start3A_287, %dma_start3A_294] : memref<125x80xi32, #tpu.memory_space<vmem>> -> memref<1x80xi32, #tpu.memory_space<vmem>>
    %dma_start3A_296 = tpu.memref_squeeze %dma_start3A_295 : memref<1x80xi32, #tpu.memory_space<vmem>> -> memref<80xi32, #tpu.memory_space<vmem>>
    %dma_start3A_297 = arith.constant 0 : i32
    %dma_start3A_298 = arith.constant 0 : i32
    %dma_start3A_299 = tpu.memref_slice %arg2[%dma_start3A_297, %dma_start3A_298] : memref<10000x16xf32, #tpu.memory_space<hbm>> -> memref<10000x16xf32, #tpu.memory_space<hbm>>
    %dma_start3A_300 = tpu.memref_slice %arg11[%dma_start3A_289] : memref<25x!tpu.dma_semaphore, #tpu.memory_space<semaphore_mem>> -> memref<1x!tpu.dma_semaphore, #tpu.memory_space<semaphore_mem>>
    %dma_start3A_301 = tpu.memref_squeeze %dma_start3A_300 : memref<1x!tpu.dma_semaphore, #tpu.memory_space<semaphore_mem>> -> memref<!tpu.dma_semaphore, #tpu.memory_space<semaphore_mem>>
    tpu.enqueue_indirect_dma source(%dma_start3A_299 : memref<10000x16xf32, #tpu.memory_space<hbm>>) target(%dma_start3A_293 : memref<80x16xf32, #tpu.memory_space<vmem>>) offsets(%dma_start3A_296 : memref<80xi32, #tpu.memory_space<vmem>>) semaphore(%dma_start3A_301 : memref<!tpu.dma_semaphore, #tpu.memory_space<semaphore_mem>>)
    %dma_start3A_302 = arith.constant 20 : i32
    %dma_start3A_303 = arith.constant 20 : i32
    %dma_start3A_304 = arith.constant 20 : i32
    %dma_start3A_305 = arith.constant 0 : i32
    %dma_start3A_306 = arith.constant 0 : i32
    %dma_start3A_307 = tpu.memref_slice %arg9[%dma_start3A_303, %dma_start3A_305, %dma_start3A_306] : memref<25x80x16xf32, #tpu.memory_space<vmem>> -> memref<1x80x16xf32, #tpu.memory_space<vmem>>
    %dma_start3A_308 = tpu.memref_squeeze %dma_start3A_307 : memref<1x80x16xf32, #tpu.memory_space<vmem>> -> memref<80x16xf32, #tpu.memory_space<vmem>>
    %dma_start3A_309 = arith.constant 0 : i32
    %dma_start3A_310 = tpu.memref_slice %arg7[%dma_start3A_302, %dma_start3A_309] : memref<125x80xi32, #tpu.memory_space<vmem>> -> memref<1x80xi32, #tpu.memory_space<vmem>>
    %dma_start3A_311 = tpu.memref_squeeze %dma_start3A_310 : memref<1x80xi32, #tpu.memory_space<vmem>> -> memref<80xi32, #tpu.memory_space<vmem>>
    %dma_start3A_312 = arith.constant 0 : i32
    %dma_start3A_313 = arith.constant 0 : i32
    %dma_start3A_314 = tpu.memref_slice %arg2[%dma_start3A_312, %dma_start3A_313] : memref<10000x16xf32, #tpu.memory_space<hbm>> -> memref<10000x16xf32, #tpu.memory_space<hbm>>
    %dma_start3A_315 = tpu.memref_slice %arg11[%dma_start3A_304] : memref<25x!tpu.dma_semaphore, #tpu.memory_space<semaphore_mem>> -> memref<1x!tpu.dma_semaphore, #tpu.memory_space<semaphore_mem>>
    %dma_start3A_316 = tpu.memref_squeeze %dma_start3A_315 : memref<1x!tpu.dma_semaphore, #tpu.memory_space<semaphore_mem>> -> memref<!tpu.dma_semaphore, #tpu.memory_space<semaphore_mem>>
    tpu.enqueue_indirect_dma source(%dma_start3A_314 : memref<10000x16xf32, #tpu.memory_space<hbm>>) target(%dma_start3A_308 : memref<80x16xf32, #tpu.memory_space<vmem>>) offsets(%dma_start3A_311 : memref<80xi32, #tpu.memory_space<vmem>>) semaphore(%dma_start3A_316 : memref<!tpu.dma_semaphore, #tpu.memory_space<semaphore_mem>>)
    %dma_start3A_317 = arith.constant 21 : i32
    %dma_start3A_318 = arith.constant 21 : i32
    %dma_start3A_319 = arith.constant 21 : i32
    %dma_start3A_320 = arith.constant 0 : i32
    %dma_start3A_321 = arith.constant 0 : i32
    %dma_start3A_322 = tpu.memref_slice %arg9[%dma_start3A_318, %dma_start3A_320, %dma_start3A_321] : memref<25x80x16xf32, #tpu.memory_space<vmem>> -> memref<1x80x16xf32, #tpu.memory_space<vmem>>
    %dma_start3A_323 = tpu.memref_squeeze %dma_start3A_322 : memref<1x80x16xf32, #tpu.memory_space<vmem>> -> memref<80x16xf32, #tpu.memory_space<vmem>>
    %dma_start3A_324 = arith.constant 0 : i32
    %dma_start3A_325 = tpu.memref_slice %arg7[%dma_start3A_317, %dma_start3A_324] : memref<125x80xi32, #tpu.memory_space<vmem>> -> memref<1x80xi32, #tpu.memory_space<vmem>>
    %dma_start3A_326 = tpu.memref_squeeze %dma_start3A_325 : memref<1x80xi32, #tpu.memory_space<vmem>> -> memref<80xi32, #tpu.memory_space<vmem>>
    %dma_start3A_327 = arith.constant 0 : i32
    %dma_start3A_328 = arith.constant 0 : i32
    %dma_start3A_329 = tpu.memref_slice %arg2[%dma_start3A_327, %dma_start3A_328] : memref<10000x16xf32, #tpu.memory_space<hbm>> -> memref<10000x16xf32, #tpu.memory_space<hbm>>
    %dma_start3A_330 = tpu.memref_slice %arg11[%dma_start3A_319] : memref<25x!tpu.dma_semaphore, #tpu.memory_space<semaphore_mem>> -> memref<1x!tpu.dma_semaphore, #tpu.memory_space<semaphore_mem>>
    %dma_start3A_331 = tpu.memref_squeeze %dma_start3A_330 : memref<1x!tpu.dma_semaphore, #tpu.memory_space<semaphore_mem>> -> memref<!tpu.dma_semaphore, #tpu.memory_space<semaphore_mem>>
    tpu.enqueue_indirect_dma source(%dma_start3A_329 : memref<10000x16xf32, #tpu.memory_space<hbm>>) target(%dma_start3A_323 : memref<80x16xf32, #tpu.memory_space<vmem>>) offsets(%dma_start3A_326 : memref<80xi32, #tpu.memory_space<vmem>>) semaphore(%dma_start3A_331 : memref<!tpu.dma_semaphore, #tpu.memory_space<semaphore_mem>>)
    %dma_start3A_332 = arith.constant 22 : i32
    %dma_start3A_333 = arith.constant 22 : i32
    %dma_start3A_334 = arith.constant 22 : i32
    %dma_start3A_335 = arith.constant 0 : i32
    %dma_start3A_336 = arith.constant 0 : i32
    %dma_start3A_337 = tpu.memref_slice %arg9[%dma_start3A_333, %dma_start3A_335, %dma_start3A_336] : memref<25x80x16xf32, #tpu.memory_space<vmem>> -> memref<1x80x16xf32, #tpu.memory_space<vmem>>
    %dma_start3A_338 = tpu.memref_squeeze %dma_start3A_337 : memref<1x80x16xf32, #tpu.memory_space<vmem>> -> memref<80x16xf32, #tpu.memory_space<vmem>>
    %dma_start3A_339 = arith.constant 0 : i32
    %dma_start3A_340 = tpu.memref_slice %arg7[%dma_start3A_332, %dma_start3A_339] : memref<125x80xi32, #tpu.memory_space<vmem>> -> memref<1x80xi32, #tpu.memory_space<vmem>>
    %dma_start3A_341 = tpu.memref_squeeze %dma_start3A_340 : memref<1x80xi32, #tpu.memory_space<vmem>> -> memref<80xi32, #tpu.memory_space<vmem>>
    %dma_start3A_342 = arith.constant 0 : i32
    %dma_start3A_343 = arith.constant 0 : i32
    %dma_start3A_344 = tpu.memref_slice %arg2[%dma_start3A_342, %dma_start3A_343] : memref<10000x16xf32, #tpu.memory_space<hbm>> -> memref<10000x16xf32, #tpu.memory_space<hbm>>
    %dma_start3A_345 = tpu.memref_slice %arg11[%dma_start3A_334] : memref<25x!tpu.dma_semaphore, #tpu.memory_space<semaphore_mem>> -> memref<1x!tpu.dma_semaphore, #tpu.memory_space<semaphore_mem>>
    %dma_start3A_346 = tpu.memref_squeeze %dma_start3A_345 : memref<1x!tpu.dma_semaphore, #tpu.memory_space<semaphore_mem>> -> memref<!tpu.dma_semaphore, #tpu.memory_space<semaphore_mem>>
    tpu.enqueue_indirect_dma source(%dma_start3A_344 : memref<10000x16xf32, #tpu.memory_space<hbm>>) target(%dma_start3A_338 : memref<80x16xf32, #tpu.memory_space<vmem>>) offsets(%dma_start3A_341 : memref<80xi32, #tpu.memory_space<vmem>>) semaphore(%dma_start3A_346 : memref<!tpu.dma_semaphore, #tpu.memory_space<semaphore_mem>>)
    %dma_start3A_347 = arith.constant 23 : i32
    %dma_start3A_348 = arith.constant 23 : i32
    %dma_start3A_349 = arith.constant 23 : i32
    %dma_start3A_350 = arith.constant 0 : i32
    %dma_start3A_351 = arith.constant 0 : i32
    %dma_start3A_352 = tpu.memref_slice %arg9[%dma_start3A_348, %dma_start3A_350, %dma_start3A_351] : memref<25x80x16xf32, #tpu.memory_space<vmem>> -> memref<1x80x16xf32, #tpu.memory_space<vmem>>
    %dma_start3A_353 = tpu.memref_squeeze %dma_start3A_352 : memref<1x80x16xf32, #tpu.memory_space<vmem>> -> memref<80x16xf32, #tpu.memory_space<vmem>>
    %dma_start3A_354 = arith.constant 0 : i32
    %dma_start3A_355 = tpu.memref_slice %arg7[%dma_start3A_347, %dma_start3A_354] : memref<125x80xi32, #tpu.memory_space<vmem>> -> memref<1x80xi32, #tpu.memory_space<vmem>>
    %dma_start3A_356 = tpu.memref_squeeze %dma_start3A_355 : memref<1x80xi32, #tpu.memory_space<vmem>> -> memref<80xi32, #tpu.memory_space<vmem>>
    %dma_start3A_357 = arith.constant 0 : i32
    %dma_start3A_358 = arith.constant 0 : i32
    %dma_start3A_359 = tpu.memref_slice %arg2[%dma_start3A_357, %dma_start3A_358] : memref<10000x16xf32, #tpu.memory_space<hbm>> -> memref<10000x16xf32, #tpu.memory_space<hbm>>
    %dma_start3A_360 = tpu.memref_slice %arg11[%dma_start3A_349] : memref<25x!tpu.dma_semaphore, #tpu.memory_space<semaphore_mem>> -> memref<1x!tpu.dma_semaphore, #tpu.memory_space<semaphore_mem>>
    %dma_start3A_361 = tpu.memref_squeeze %dma_start3A_360 : memref<1x!tpu.dma_semaphore, #tpu.memory_space<semaphore_mem>> -> memref<!tpu.dma_semaphore, #tpu.memory_space<semaphore_mem>>
    tpu.enqueue_indirect_dma source(%dma_start3A_359 : memref<10000x16xf32, #tpu.memory_space<hbm>>) target(%dma_start3A_353 : memref<80x16xf32, #tpu.memory_space<vmem>>) offsets(%dma_start3A_356 : memref<80xi32, #tpu.memory_space<vmem>>) semaphore(%dma_start3A_361 : memref<!tpu.dma_semaphore, #tpu.memory_space<semaphore_mem>>)
    %dma_start3A_362 = arith.constant 24 : i32
    %dma_start3A_363 = arith.constant 24 : i32
    %dma_start3A_364 = arith.constant 24 : i32
    %dma_start3A_365 = arith.constant 0 : i32
    %dma_start3A_366 = arith.constant 0 : i32
    %dma_start3A_367 = tpu.memref_slice %arg9[%dma_start3A_363, %dma_start3A_365, %dma_start3A_366] : memref<25x80x16xf32, #tpu.memory_space<vmem>> -> memref<1x80x16xf32, #tpu.memory_space<vmem>>
    %dma_start3A_368 = tpu.memref_squeeze %dma_start3A_367 : memref<1x80x16xf32, #tpu.memory_space<vmem>> -> memref<80x16xf32, #tpu.memory_space<vmem>>
    %dma_start3A_369 = arith.constant 0 : i32
    %dma_start3A_370 = tpu.memref_slice %arg7[%dma_start3A_362, %dma_start3A_369] : memref<125x80xi32, #tpu.memory_space<vmem>> -> memref<1x80xi32, #tpu.memory_space<vmem>>
    %dma_start3A_371 = tpu.memref_squeeze %dma_start3A_370 : memref<1x80xi32, #tpu.memory_space<vmem>> -> memref<80xi32, #tpu.memory_space<vmem>>
    %dma_start3A_372 = arith.constant 0 : i32
    %dma_start3A_373 = arith.constant 0 : i32
    %dma_start3A_374 = tpu.memref_slice %arg2[%dma_start3A_372, %dma_start3A_373] : memref<10000x16xf32, #tpu.memory_space<hbm>> -> memref<10000x16xf32, #tpu.memory_space<hbm>>
    %dma_start3A_375 = tpu.memref_slice %arg11[%dma_start3A_364] : memref<25x!tpu.dma_semaphore, #tpu.memory_space<semaphore_mem>> -> memref<1x!tpu.dma_semaphore, #tpu.memory_space<semaphore_mem>>
    %dma_start3A_376 = tpu.memref_squeeze %dma_start3A_375 : memref<1x!tpu.dma_semaphore, #tpu.memory_space<semaphore_mem>> -> memref<!tpu.dma_semaphore, #tpu.memory_space<semaphore_mem>>
    tpu.enqueue_indirect_dma source(%dma_start3A_374 : memref<10000x16xf32, #tpu.memory_space<hbm>>) target(%dma_start3A_368 : memref<80x16xf32, #tpu.memory_space<vmem>>) offsets(%dma_start3A_371 : memref<80xi32, #tpu.memory_space<vmem>>) semaphore(%dma_start3A_376 : memref<!tpu.dma_semaphore, #tpu.memory_space<semaphore_mem>>)
    %scan3A = arith.constant 0 : i32
    %scan3A_377 = arith.constant 0 : i32
    %scan3A_378 = arith.constant 5 : i32
    %scan3A_379 = arith.addi %scan3A_377, %scan3A_378 : i32
    %scan3A_380 = arith.constant 1 : i32
    scf.for %scan3A_383 = %scan3A_377 to %scan3A_379 step %scan3A_380  : i32 {
      %mul3A_384 = arith.constant 25 : i32
      %mul3A_385 = arith.muli %scan3A_383, %mul3A_384 : i32
      %add3A_386 = arith.constant 0 : i32
      %add3A_387 = arith.addi %mul3A_385, %add3A_386 : i32
      %dma_wait3A = arith.constant 0 : i32
      %dma_wait3A_388 = arith.constant 0 : i32
      %dma_wait3A_389 = arith.constant 0 : i32
      %dma_wait3A_390 = arith.constant 0 : i32
      %dma_wait3A_391 = tpu.memref_slice %arg9[%dma_wait3A, %dma_wait3A_389, %dma_wait3A_390] : memref<25x80x16xf32, #tpu.memory_space<vmem>> -> memref<1x80x16xf32, #tpu.memory_space<vmem>>
      %dma_wait3A_392 = tpu.memref_squeeze %dma_wait3A_391 : memref<1x80x16xf32, #tpu.memory_space<vmem>> -> memref<80x16xf32, #tpu.memory_space<vmem>>
      %dma_wait3A_393 = arith.constant 0 : i32
      %dma_wait3A_394 = tpu.memref_slice %arg7[%add3A_387, %dma_wait3A_393] : memref<125x80xi32, #tpu.memory_space<vmem>> -> memref<1x80xi32, #tpu.memory_space<vmem>>
      %dma_wait3A_395 = tpu.memref_squeeze %dma_wait3A_394 : memref<1x80xi32, #tpu.memory_space<vmem>> -> memref<80xi32, #tpu.memory_space<vmem>>
      %dma_wait3A_396 = arith.constant 0 : i32
      %dma_wait3A_397 = arith.constant 0 : i32
      %dma_wait3A_398 = tpu.memref_slice %arg2[%dma_wait3A_396, %dma_wait3A_397] : memref<10000x16xf32, #tpu.memory_space<hbm>> -> memref<10000x16xf32, #tpu.memory_space<hbm>>
      %dma_wait3A_399 = tpu.memref_slice %arg11[%dma_wait3A_388] : memref<25x!tpu.dma_semaphore, #tpu.memory_space<semaphore_mem>> -> memref<1x!tpu.dma_semaphore, #tpu.memory_space<semaphore_mem>>
      %dma_wait3A_400 = tpu.memref_squeeze %dma_wait3A_399 : memref<1x!tpu.dma_semaphore, #tpu.memory_space<semaphore_mem>> -> memref<!tpu.dma_semaphore, #tpu.memory_space<semaphore_mem>>
      tpu.wait_indirect_dma semaphore(%dma_wait3A_400 : memref<!tpu.dma_semaphore, #tpu.memory_space<semaphore_mem>>) src(%dma_wait3A_398 : memref<10000x16xf32, #tpu.memory_space<hbm>>) dst(%dma_wait3A_392 : memref<80x16xf32, #tpu.memory_space<vmem>>)
      %run_scoped3A = arith.constant 0 : i32
      "tpu.region"() ({
        %run_scoped3A_1029 = tpu.sem_alloc : memref<!tpu.dma_semaphore, #tpu.memory_space<semaphore_mem>>
        %dma_start3A_1030 = arith.constant 0 : i32
        %dma_start3A_1031 = arith.constant 0 : i32
        %dma_start3A_1032 = tpu.memref_slice %arg9[%run_scoped3A, %dma_start3A_1030, %dma_start3A_1031] : memref<25x80x16xf32, #tpu.memory_space<vmem>> -> memref<1x80x16xf32, #tpu.memory_space<vmem>>
        %dma_start3A_1033 = tpu.memref_squeeze %dma_start3A_1032 : memref<1x80x16xf32, #tpu.memory_space<vmem>> -> memref<80x16xf32, #tpu.memory_space<vmem>>
        %dma_start3A_1034 = arith.constant 0 : i32
        %dma_start3A_1035 = tpu.memref_slice %arg8[%add3A_387, %dma_start3A_1034] : memref<125x80xi32, #tpu.memory_space<vmem>> -> memref<1x80xi32, #tpu.memory_space<vmem>>
        %dma_start3A_1036 = tpu.memref_squeeze %dma_start3A_1035 : memref<1x80xi32, #tpu.memory_space<vmem>> -> memref<80xi32, #tpu.memory_space<vmem>>
        %dma_start3A_1037 = arith.constant 0 : i32
        %dma_start3A_1038 = arith.constant 0 : i32
        %dma_start3A_1039 = tpu.memref_slice %arg10[%dma_start3A_1037, %dma_start3A_1038] : memref<10240x16xf32, #tpu.memory_space<vmem_shared>> -> memref<10240x16xf32, #tpu.memory_space<vmem_shared>>
        tpu.enqueue_indirect_dma source(%dma_start3A_1033 : memref<80x16xf32, #tpu.memory_space<vmem>>) target(%dma_start3A_1039 : memref<10240x16xf32, #tpu.memory_space<vmem_shared>>) offsets(%dma_start3A_1036 : memref<80xi32, #tpu.memory_space<vmem>>) semaphore(%run_scoped3A_1029 : memref<!tpu.dma_semaphore, #tpu.memory_space<semaphore_mem>>) {add = true}
        %dma_wait3A_1040 = arith.constant 0 : i32
        %dma_wait3A_1041 = arith.constant 0 : i32
        %dma_wait3A_1042 = tpu.memref_slice %arg9[%run_scoped3A, %dma_wait3A_1040, %dma_wait3A_1041] : memref<25x80x16xf32, #tpu.memory_space<vmem>> -> memref<1x80x16xf32, #tpu.memory_space<vmem>>
        %dma_wait3A_1043 = tpu.memref_squeeze %dma_wait3A_1042 : memref<1x80x16xf32, #tpu.memory_space<vmem>> -> memref<80x16xf32, #tpu.memory_space<vmem>>
        %dma_wait3A_1044 = arith.constant 0 : i32
        %dma_wait3A_1045 = tpu.memref_slice %arg8[%add3A_387, %dma_wait3A_1044] : memref<125x80xi32, #tpu.memory_space<vmem>> -> memref<1x80xi32, #tpu.memory_space<vmem>>
        %dma_wait3A_1046 = tpu.memref_squeeze %dma_wait3A_1045 : memref<1x80xi32, #tpu.memory_space<vmem>> -> memref<80xi32, #tpu.memory_space<vmem>>
        %dma_wait3A_1047 = arith.constant 0 : i32
        %dma_wait3A_1048 = arith.constant 0 : i32
        %dma_wait3A_1049 = tpu.memref_slice %arg10[%dma_wait3A_1047, %dma_wait3A_1048] : memref<10240x16xf32, #tpu.memory_space<vmem_shared>> -> memref<10240x16xf32, #tpu.memory_space<vmem_shared>>
        tpu.wait_indirect_dma semaphore(%run_scoped3A_1029 : memref<!tpu.dma_semaphore, #tpu.memory_space<semaphore_mem>>) src(%dma_wait3A_1043 : memref<80x16xf32, #tpu.memory_space<vmem>>) dst(%dma_wait3A_1049 : memref<10240x16xf32, #tpu.memory_space<vmem_shared>>)
        tpu.yield
      }) : () -> ()
      %add3A_401 = arith.constant 25 : i32
      %add3A_402 = arith.addi %add3A_387, %add3A_401 : i32
      %lt3A = arith.constant 125 : i32
      %lt3A_403 = arith.cmpi slt, %add3A_402, %lt3A : i32
      %convert_element_type3A = arith.extui %lt3A_403 : i1 to i32
      %cond3A = arith.constant 0 : i32
      %cond3A_404 = arith.cmpi ne, %convert_element_type3A, %cond3A : i32
      scf.if %cond3A_404 {
        %dma_start3A_1029 = arith.constant 0 : i32
        %dma_start3A_1030 = arith.constant 0 : i32
        %dma_start3A_1031 = arith.constant 0 : i32
        %dma_start3A_1032 = arith.constant 0 : i32
        %dma_start3A_1033 = tpu.memref_slice %arg9[%dma_start3A_1029, %dma_start3A_1031, %dma_start3A_1032] : memref<25x80x16xf32, #tpu.memory_space<vmem>> -> memref<1x80x16xf32, #tpu.memory_space<vmem>>
        %dma_start3A_1034 = tpu.memref_squeeze %dma_start3A_1033 : memref<1x80x16xf32, #tpu.memory_space<vmem>> -> memref<80x16xf32, #tpu.memory_space<vmem>>
        %dma_start3A_1035 = arith.constant 0 : i32
        %dma_start3A_1036 = tpu.memref_slice %arg7[%add3A_402, %dma_start3A_1035] : memref<125x80xi32, #tpu.memory_space<vmem>> -> memref<1x80xi32, #tpu.memory_space<vmem>>
        %dma_start3A_1037 = tpu.memref_squeeze %dma_start3A_1036 : memref<1x80xi32, #tpu.memory_space<vmem>> -> memref<80xi32, #tpu.memory_space<vmem>>
        %dma_start3A_1038 = arith.constant 0 : i32
        %dma_start3A_1039 = arith.constant 0 : i32
        %dma_start3A_1040 = tpu.memref_slice %arg2[%dma_start3A_1038, %dma_start3A_1039] : memref<10000x16xf32, #tpu.memory_space<hbm>> -> memref<10000x16xf32, #tpu.memory_space<hbm>>
        %dma_start3A_1041 = tpu.memref_slice %arg11[%dma_start3A_1030] : memref<25x!tpu.dma_semaphore, #tpu.memory_space<semaphore_mem>> -> memref<1x!tpu.dma_semaphore, #tpu.memory_space<semaphore_mem>>
        %dma_start3A_1042 = tpu.memref_squeeze %dma_start3A_1041 : memref<1x!tpu.dma_semaphore, #tpu.memory_space<semaphore_mem>> -> memref<!tpu.dma_semaphore, #tpu.memory_space<semaphore_mem>>
        tpu.enqueue_indirect_dma source(%dma_start3A_1040 : memref<10000x16xf32, #tpu.memory_space<hbm>>) target(%dma_start3A_1034 : memref<80x16xf32, #tpu.memory_space<vmem>>) offsets(%dma_start3A_1037 : memref<80xi32, #tpu.memory_space<vmem>>) semaphore(%dma_start3A_1042 : memref<!tpu.dma_semaphore, #tpu.memory_space<semaphore_mem>>)
      } else {
      }
      %mul3A_405 = arith.constant 25 : i32
      %mul3A_406 = arith.muli %scan3A_383, %mul3A_405 : i32
      %add3A_407 = arith.constant 1 : i32
      %add3A_408 = arith.addi %mul3A_406, %add3A_407 : i32
      %dma_wait3A_409 = arith.constant 1 : i32
      %dma_wait3A_410 = arith.constant 1 : i32
      %dma_wait3A_411 = arith.constant 0 : i32
      %dma_wait3A_412 = arith.constant 0 : i32
      %dma_wait3A_413 = tpu.memref_slice %arg9[%dma_wait3A_409, %dma_wait3A_411, %dma_wait3A_412] : memref<25x80x16xf32, #tpu.memory_space<vmem>> -> memref<1x80x16xf32, #tpu.memory_space<vmem>>
      %dma_wait3A_414 = tpu.memref_squeeze %dma_wait3A_413 : memref<1x80x16xf32, #tpu.memory_space<vmem>> -> memref<80x16xf32, #tpu.memory_space<vmem>>
      %dma_wait3A_415 = arith.constant 0 : i32
      %dma_wait3A_416 = tpu.memref_slice %arg7[%add3A_408, %dma_wait3A_415] : memref<125x80xi32, #tpu.memory_space<vmem>> -> memref<1x80xi32, #tpu.memory_space<vmem>>
      %dma_wait3A_417 = tpu.memref_squeeze %dma_wait3A_416 : memref<1x80xi32, #tpu.memory_space<vmem>> -> memref<80xi32, #tpu.memory_space<vmem>>
      %dma_wait3A_418 = arith.constant 0 : i32
      %dma_wait3A_419 = arith.constant 0 : i32
      %dma_wait3A_420 = tpu.memref_slice %arg2[%dma_wait3A_418, %dma_wait3A_419] : memref<10000x16xf32, #tpu.memory_space<hbm>> -> memref<10000x16xf32, #tpu.memory_space<hbm>>
      %dma_wait3A_421 = tpu.memref_slice %arg11[%dma_wait3A_410] : memref<25x!tpu.dma_semaphore, #tpu.memory_space<semaphore_mem>> -> memref<1x!tpu.dma_semaphore, #tpu.memory_space<semaphore_mem>>
      %dma_wait3A_422 = tpu.memref_squeeze %dma_wait3A_421 : memref<1x!tpu.dma_semaphore, #tpu.memory_space<semaphore_mem>> -> memref<!tpu.dma_semaphore, #tpu.memory_space<semaphore_mem>>
      tpu.wait_indirect_dma semaphore(%dma_wait3A_422 : memref<!tpu.dma_semaphore, #tpu.memory_space<semaphore_mem>>) src(%dma_wait3A_420 : memref<10000x16xf32, #tpu.memory_space<hbm>>) dst(%dma_wait3A_414 : memref<80x16xf32, #tpu.memory_space<vmem>>)
      %run_scoped3A_423 = arith.constant 1 : i32
      "tpu.region"() ({
        %run_scoped3A_1029 = tpu.sem_alloc : memref<!tpu.dma_semaphore, #tpu.memory_space<semaphore_mem>>
        %dma_start3A_1030 = arith.constant 0 : i32
        %dma_start3A_1031 = arith.constant 0 : i32
        %dma_start3A_1032 = tpu.memref_slice %arg9[%run_scoped3A_423, %dma_start3A_1030, %dma_start3A_1031] : memref<25x80x16xf32, #tpu.memory_space<vmem>> -> memref<1x80x16xf32, #tpu.memory_space<vmem>>
        %dma_start3A_1033 = tpu.memref_squeeze %dma_start3A_1032 : memref<1x80x16xf32, #tpu.memory_space<vmem>> -> memref<80x16xf32, #tpu.memory_space<vmem>>
        %dma_start3A_1034 = arith.constant 0 : i32
        %dma_start3A_1035 = tpu.memref_slice %arg8[%add3A_408, %dma_start3A_1034] : memref<125x80xi32, #tpu.memory_space<vmem>> -> memref<1x80xi32, #tpu.memory_space<vmem>>
        %dma_start3A_1036 = tpu.memref_squeeze %dma_start3A_1035 : memref<1x80xi32, #tpu.memory_space<vmem>> -> memref<80xi32, #tpu.memory_space<vmem>>
        %dma_start3A_1037 = arith.constant 0 : i32
        %dma_start3A_1038 = arith.constant 0 : i32
        %dma_start3A_1039 = tpu.memref_slice %arg10[%dma_start3A_1037, %dma_start3A_1038] : memref<10240x16xf32, #tpu.memory_space<vmem_shared>> -> memref<10240x16xf32, #tpu.memory_space<vmem_shared>>
        tpu.enqueue_indirect_dma source(%dma_start3A_1033 : memref<80x16xf32, #tpu.memory_space<vmem>>) target(%dma_start3A_1039 : memref<10240x16xf32, #tpu.memory_space<vmem_shared>>) offsets(%dma_start3A_1036 : memref<80xi32, #tpu.memory_space<vmem>>) semaphore(%run_scoped3A_1029 : memref<!tpu.dma_semaphore, #tpu.memory_space<semaphore_mem>>) {add = true}
        %dma_wait3A_1040 = arith.constant 0 : i32
        %dma_wait3A_1041 = arith.constant 0 : i32
        %dma_wait3A_1042 = tpu.memref_slice %arg9[%run_scoped3A_423, %dma_wait3A_1040, %dma_wait3A_1041] : memref<25x80x16xf32, #tpu.memory_space<vmem>> -> memref<1x80x16xf32, #tpu.memory_space<vmem>>
        %dma_wait3A_1043 = tpu.memref_squeeze %dma_wait3A_1042 : memref<1x80x16xf32, #tpu.memory_space<vmem>> -> memref<80x16xf32, #tpu.memory_space<vmem>>
        %dma_wait3A_1044 = arith.constant 0 : i32
        %dma_wait3A_1045 = tpu.memref_slice %arg8[%add3A_408, %dma_wait3A_1044] : memref<125x80xi32, #tpu.memory_space<vmem>> -> memref<1x80xi32, #tpu.memory_space<vmem>>
        %dma_wait3A_1046 = tpu.memref_squeeze %dma_wait3A_1045 : memref<1x80xi32, #tpu.memory_space<vmem>> -> memref<80xi32, #tpu.memory_space<vmem>>
        %dma_wait3A_1047 = arith.constant 0 : i32
        %dma_wait3A_1048 = arith.constant 0 : i32
        %dma_wait3A_1049 = tpu.memref_slice %arg10[%dma_wait3A_1047, %dma_wait3A_1048] : memref<10240x16xf32, #tpu.memory_space<vmem_shared>> -> memref<10240x16xf32, #tpu.memory_space<vmem_shared>>
        tpu.wait_indirect_dma semaphore(%run_scoped3A_1029 : memref<!tpu.dma_semaphore, #tpu.memory_space<semaphore_mem>>) src(%dma_wait3A_1043 : memref<80x16xf32, #tpu.memory_space<vmem>>) dst(%dma_wait3A_1049 : memref<10240x16xf32, #tpu.memory_space<vmem_shared>>)
        tpu.yield
      }) : () -> ()
      %add3A_424 = arith.constant 25 : i32
      %add3A_425 = arith.addi %add3A_408, %add3A_424 : i32
      %lt3A_426 = arith.constant 125 : i32
      %lt3A_427 = arith.cmpi slt, %add3A_425, %lt3A_426 : i32
      %convert_element_type3A_428 = arith.extui %lt3A_427 : i1 to i32
      %cond3A_429 = arith.constant 0 : i32
      %cond3A_430 = arith.cmpi ne, %convert_element_type3A_428, %cond3A_429 : i32
      scf.if %cond3A_430 {
        %dma_start3A_1029 = arith.constant 1 : i32
        %dma_start3A_1030 = arith.constant 1 : i32
        %dma_start3A_1031 = arith.constant 0 : i32
        %dma_start3A_1032 = arith.constant 0 : i32
        %dma_start3A_1033 = tpu.memref_slice %arg9[%dma_start3A_1029, %dma_start3A_1031, %dma_start3A_1032] : memref<25x80x16xf32, #tpu.memory_space<vmem>> -> memref<1x80x16xf32, #tpu.memory_space<vmem>>
        %dma_start3A_1034 = tpu.memref_squeeze %dma_start3A_1033 : memref<1x80x16xf32, #tpu.memory_space<vmem>> -> memref<80x16xf32, #tpu.memory_space<vmem>>
        %dma_start3A_1035 = arith.constant 0 : i32
        %dma_start3A_1036 = tpu.memref_slice %arg7[%add3A_425, %dma_start3A_1035] : memref<125x80xi32, #tpu.memory_space<vmem>> -> memref<1x80xi32, #tpu.memory_space<vmem>>
        %dma_start3A_1037 = tpu.memref_squeeze %dma_start3A_1036 : memref<1x80xi32, #tpu.memory_space<vmem>> -> memref<80xi32, #tpu.memory_space<vmem>>
        %dma_start3A_1038 = arith.constant 0 : i32
        %dma_start3A_1039 = arith.constant 0 : i32
        %dma_start3A_1040 = tpu.memref_slice %arg2[%dma_start3A_1038, %dma_start3A_1039] : memref<10000x16xf32, #tpu.memory_space<hbm>> -> memref<10000x16xf32, #tpu.memory_space<hbm>>
        %dma_start3A_1041 = tpu.memref_slice %arg11[%dma_start3A_1030] : memref<25x!tpu.dma_semaphore, #tpu.memory_space<semaphore_mem>> -> memref<1x!tpu.dma_semaphore, #tpu.memory_space<semaphore_mem>>
        %dma_start3A_1042 = tpu.memref_squeeze %dma_start3A_1041 : memref<1x!tpu.dma_semaphore, #tpu.memory_space<semaphore_mem>> -> memref<!tpu.dma_semaphore, #tpu.memory_space<semaphore_mem>>
        tpu.enqueue_indirect_dma source(%dma_start3A_1040 : memref<10000x16xf32, #tpu.memory_space<hbm>>) target(%dma_start3A_1034 : memref<80x16xf32, #tpu.memory_space<vmem>>) offsets(%dma_start3A_1037 : memref<80xi32, #tpu.memory_space<vmem>>) semaphore(%dma_start3A_1042 : memref<!tpu.dma_semaphore, #tpu.memory_space<semaphore_mem>>)
      } else {
      }
      %mul3A_431 = arith.constant 25 : i32
      %mul3A_432 = arith.muli %scan3A_383, %mul3A_431 : i32
      %add3A_433 = arith.constant 2 : i32
      %add3A_434 = arith.addi %mul3A_432, %add3A_433 : i32
      %dma_wait3A_435 = arith.constant 2 : i32
      %dma_wait3A_436 = arith.constant 2 : i32
      %dma_wait3A_437 = arith.constant 0 : i32
      %dma_wait3A_438 = arith.constant 0 : i32
      %dma_wait3A_439 = tpu.memref_slice %arg9[%dma_wait3A_435, %dma_wait3A_437, %dma_wait3A_438] : memref<25x80x16xf32, #tpu.memory_space<vmem>> -> memref<1x80x16xf32, #tpu.memory_space<vmem>>
      %dma_wait3A_440 = tpu.memref_squeeze %dma_wait3A_439 : memref<1x80x16xf32, #tpu.memory_space<vmem>> -> memref<80x16xf32, #tpu.memory_space<vmem>>
      %dma_wait3A_441 = arith.constant 0 : i32
      %dma_wait3A_442 = tpu.memref_slice %arg7[%add3A_434, %dma_wait3A_441] : memref<125x80xi32, #tpu.memory_space<vmem>> -> memref<1x80xi32, #tpu.memory_space<vmem>>
      %dma_wait3A_443 = tpu.memref_squeeze %dma_wait3A_442 : memref<1x80xi32, #tpu.memory_space<vmem>> -> memref<80xi32, #tpu.memory_space<vmem>>
      %dma_wait3A_444 = arith.constant 0 : i32
      %dma_wait3A_445 = arith.constant 0 : i32
      %dma_wait3A_446 = tpu.memref_slice %arg2[%dma_wait3A_444, %dma_wait3A_445] : memref<10000x16xf32, #tpu.memory_space<hbm>> -> memref<10000x16xf32, #tpu.memory_space<hbm>>
      %dma_wait3A_447 = tpu.memref_slice %arg11[%dma_wait3A_436] : memref<25x!tpu.dma_semaphore, #tpu.memory_space<semaphore_mem>> -> memref<1x!tpu.dma_semaphore, #tpu.memory_space<semaphore_mem>>
      %dma_wait3A_448 = tpu.memref_squeeze %dma_wait3A_447 : memref<1x!tpu.dma_semaphore, #tpu.memory_space<semaphore_mem>> -> memref<!tpu.dma_semaphore, #tpu.memory_space<semaphore_mem>>
      tpu.wait_indirect_dma semaphore(%dma_wait3A_448 : memref<!tpu.dma_semaphore, #tpu.memory_space<semaphore_mem>>) src(%dma_wait3A_446 : memref<10000x16xf32, #tpu.memory_space<hbm>>) dst(%dma_wait3A_440 : memref<80x16xf32, #tpu.memory_space<vmem>>)
      %run_scoped3A_449 = arith.constant 2 : i32
      "tpu.region"() ({
        %run_scoped3A_1029 = tpu.sem_alloc : memref<!tpu.dma_semaphore, #tpu.memory_space<semaphore_mem>>
        %dma_start3A_1030 = arith.constant 0 : i32
        %dma_start3A_1031 = arith.constant 0 : i32
        %dma_start3A_1032 = tpu.memref_slice %arg9[%run_scoped3A_449, %dma_start3A_1030, %dma_start3A_1031] : memref<25x80x16xf32, #tpu.memory_space<vmem>> -> memref<1x80x16xf32, #tpu.memory_space<vmem>>
        %dma_start3A_1033 = tpu.memref_squeeze %dma_start3A_1032 : memref<1x80x16xf32, #tpu.memory_space<vmem>> -> memref<80x16xf32, #tpu.memory_space<vmem>>
        %dma_start3A_1034 = arith.constant 0 : i32
        %dma_start3A_1035 = tpu.memref_slice %arg8[%add3A_434, %dma_start3A_1034] : memref<125x80xi32, #tpu.memory_space<vmem>> -> memref<1x80xi32, #tpu.memory_space<vmem>>
        %dma_start3A_1036 = tpu.memref_squeeze %dma_start3A_1035 : memref<1x80xi32, #tpu.memory_space<vmem>> -> memref<80xi32, #tpu.memory_space<vmem>>
        %dma_start3A_1037 = arith.constant 0 : i32
        %dma_start3A_1038 = arith.constant 0 : i32
        %dma_start3A_1039 = tpu.memref_slice %arg10[%dma_start3A_1037, %dma_start3A_1038] : memref<10240x16xf32, #tpu.memory_space<vmem_shared>> -> memref<10240x16xf32, #tpu.memory_space<vmem_shared>>
        tpu.enqueue_indirect_dma source(%dma_start3A_1033 : memref<80x16xf32, #tpu.memory_space<vmem>>) target(%dma_start3A_1039 : memref<10240x16xf32, #tpu.memory_space<vmem_shared>>) offsets(%dma_start3A_1036 : memref<80xi32, #tpu.memory_space<vmem>>) semaphore(%run_scoped3A_1029 : memref<!tpu.dma_semaphore, #tpu.memory_space<semaphore_mem>>) {add = true}
        %dma_wait3A_1040 = arith.constant 0 : i32
        %dma_wait3A_1041 = arith.constant 0 : i32
        %dma_wait3A_1042 = tpu.memref_slice %arg9[%run_scoped3A_449, %dma_wait3A_1040, %dma_wait3A_1041] : memref<25x80x16xf32, #tpu.memory_space<vmem>> -> memref<1x80x16xf32, #tpu.memory_space<vmem>>
        %dma_wait3A_1043 = tpu.memref_squeeze %dma_wait3A_1042 : memref<1x80x16xf32, #tpu.memory_space<vmem>> -> memref<80x16xf32, #tpu.memory_space<vmem>>
        %dma_wait3A_1044 = arith.constant 0 : i32
        %dma_wait3A_1045 = tpu.memref_slice %arg8[%add3A_434, %dma_wait3A_1044] : memref<125x80xi32, #tpu.memory_space<vmem>> -> memref<1x80xi32, #tpu.memory_space<vmem>>
        %dma_wait3A_1046 = tpu.memref_squeeze %dma_wait3A_1045 : memref<1x80xi32, #tpu.memory_space<vmem>> -> memref<80xi32, #tpu.memory_space<vmem>>
        %dma_wait3A_1047 = arith.constant 0 : i32
        %dma_wait3A_1048 = arith.constant 0 : i32
        %dma_wait3A_1049 = tpu.memref_slice %arg10[%dma_wait3A_1047, %dma_wait3A_1048] : memref<10240x16xf32, #tpu.memory_space<vmem_shared>> -> memref<10240x16xf32, #tpu.memory_space<vmem_shared>>
        tpu.wait_indirect_dma semaphore(%run_scoped3A_1029 : memref<!tpu.dma_semaphore, #tpu.memory_space<semaphore_mem>>) src(%dma_wait3A_1043 : memref<80x16xf32, #tpu.memory_space<vmem>>) dst(%dma_wait3A_1049 : memref<10240x16xf32, #tpu.memory_space<vmem_shared>>)
        tpu.yield
      }) : () -> ()
      %add3A_450 = arith.constant 25 : i32
      %add3A_451 = arith.addi %add3A_434, %add3A_450 : i32
      %lt3A_452 = arith.constant 125 : i32
      %lt3A_453 = arith.cmpi slt, %add3A_451, %lt3A_452 : i32
      %convert_element_type3A_454 = arith.extui %lt3A_453 : i1 to i32
      %cond3A_455 = arith.constant 0 : i32
      %cond3A_456 = arith.cmpi ne, %convert_element_type3A_454, %cond3A_455 : i32
      scf.if %cond3A_456 {
        %dma_start3A_1029 = arith.constant 2 : i32
        %dma_start3A_1030 = arith.constant 2 : i32
        %dma_start3A_1031 = arith.constant 0 : i32
        %dma_start3A_1032 = arith.constant 0 : i32
        %dma_start3A_1033 = tpu.memref_slice %arg9[%dma_start3A_1029, %dma_start3A_1031, %dma_start3A_1032] : memref<25x80x16xf32, #tpu.memory_space<vmem>> -> memref<1x80x16xf32, #tpu.memory_space<vmem>>
        %dma_start3A_1034 = tpu.memref_squeeze %dma_start3A_1033 : memref<1x80x16xf32, #tpu.memory_space<vmem>> -> memref<80x16xf32, #tpu.memory_space<vmem>>
        %dma_start3A_1035 = arith.constant 0 : i32
        %dma_start3A_1036 = tpu.memref_slice %arg7[%add3A_451, %dma_start3A_1035] : memref<125x80xi32, #tpu.memory_space<vmem>> -> memref<1x80xi32, #tpu.memory_space<vmem>>
        %dma_start3A_1037 = tpu.memref_squeeze %dma_start3A_1036 : memref<1x80xi32, #tpu.memory_space<vmem>> -> memref<80xi32, #tpu.memory_space<vmem>>
        %dma_start3A_1038 = arith.constant 0 : i32
        %dma_start3A_1039 = arith.constant 0 : i32
        %dma_start3A_1040 = tpu.memref_slice %arg2[%dma_start3A_1038, %dma_start3A_1039] : memref<10000x16xf32, #tpu.memory_space<hbm>> -> memref<10000x16xf32, #tpu.memory_space<hbm>>
        %dma_start3A_1041 = tpu.memref_slice %arg11[%dma_start3A_1030] : memref<25x!tpu.dma_semaphore, #tpu.memory_space<semaphore_mem>> -> memref<1x!tpu.dma_semaphore, #tpu.memory_space<semaphore_mem>>
        %dma_start3A_1042 = tpu.memref_squeeze %dma_start3A_1041 : memref<1x!tpu.dma_semaphore, #tpu.memory_space<semaphore_mem>> -> memref<!tpu.dma_semaphore, #tpu.memory_space<semaphore_mem>>
        tpu.enqueue_indirect_dma source(%dma_start3A_1040 : memref<10000x16xf32, #tpu.memory_space<hbm>>) target(%dma_start3A_1034 : memref<80x16xf32, #tpu.memory_space<vmem>>) offsets(%dma_start3A_1037 : memref<80xi32, #tpu.memory_space<vmem>>) semaphore(%dma_start3A_1042 : memref<!tpu.dma_semaphore, #tpu.memory_space<semaphore_mem>>)
      } else {
      }
      %mul3A_457 = arith.constant 25 : i32
      %mul3A_458 = arith.muli %scan3A_383, %mul3A_457 : i32
      %add3A_459 = arith.constant 3 : i32
      %add3A_460 = arith.addi %mul3A_458, %add3A_459 : i32
      %dma_wait3A_461 = arith.constant 3 : i32
      %dma_wait3A_462 = arith.constant 3 : i32
      %dma_wait3A_463 = arith.constant 0 : i32
      %dma_wait3A_464 = arith.constant 0 : i32
      %dma_wait3A_465 = tpu.memref_slice %arg9[%dma_wait3A_461, %dma_wait3A_463, %dma_wait3A_464] : memref<25x80x16xf32, #tpu.memory_space<vmem>> -> memref<1x80x16xf32, #tpu.memory_space<vmem>>
      %dma_wait3A_466 = tpu.memref_squeeze %dma_wait3A_465 : memref<1x80x16xf32, #tpu.memory_space<vmem>> -> memref<80x16xf32, #tpu.memory_space<vmem>>
      %dma_wait3A_467 = arith.constant 0 : i32
      %dma_wait3A_468 = tpu.memref_slice %arg7[%add3A_460, %dma_wait3A_467] : memref<125x80xi32, #tpu.memory_space<vmem>> -> memref<1x80xi32, #tpu.memory_space<vmem>>
      %dma_wait3A_469 = tpu.memref_squeeze %dma_wait3A_468 : memref<1x80xi32, #tpu.memory_space<vmem>> -> memref<80xi32, #tpu.memory_space<vmem>>
      %dma_wait3A_470 = arith.constant 0 : i32
      %dma_wait3A_471 = arith.constant 0 : i32
      %dma_wait3A_472 = tpu.memref_slice %arg2[%dma_wait3A_470, %dma_wait3A_471] : memref<10000x16xf32, #tpu.memory_space<hbm>> -> memref<10000x16xf32, #tpu.memory_space<hbm>>
      %dma_wait3A_473 = tpu.memref_slice %arg11[%dma_wait3A_462] : memref<25x!tpu.dma_semaphore, #tpu.memory_space<semaphore_mem>> -> memref<1x!tpu.dma_semaphore, #tpu.memory_space<semaphore_mem>>
      %dma_wait3A_474 = tpu.memref_squeeze %dma_wait3A_473 : memref<1x!tpu.dma_semaphore, #tpu.memory_space<semaphore_mem>> -> memref<!tpu.dma_semaphore, #tpu.memory_space<semaphore_mem>>
      tpu.wait_indirect_dma semaphore(%dma_wait3A_474 : memref<!tpu.dma_semaphore, #tpu.memory_space<semaphore_mem>>) src(%dma_wait3A_472 : memref<10000x16xf32, #tpu.memory_space<hbm>>) dst(%dma_wait3A_466 : memref<80x16xf32, #tpu.memory_space<vmem>>)
      %run_scoped3A_475 = arith.constant 3 : i32
      "tpu.region"() ({
        %run_scoped3A_1029 = tpu.sem_alloc : memref<!tpu.dma_semaphore, #tpu.memory_space<semaphore_mem>>
        %dma_start3A_1030 = arith.constant 0 : i32
        %dma_start3A_1031 = arith.constant 0 : i32
        %dma_start3A_1032 = tpu.memref_slice %arg9[%run_scoped3A_475, %dma_start3A_1030, %dma_start3A_1031] : memref<25x80x16xf32, #tpu.memory_space<vmem>> -> memref<1x80x16xf32, #tpu.memory_space<vmem>>
        %dma_start3A_1033 = tpu.memref_squeeze %dma_start3A_1032 : memref<1x80x16xf32, #tpu.memory_space<vmem>> -> memref<80x16xf32, #tpu.memory_space<vmem>>
        %dma_start3A_1034 = arith.constant 0 : i32
        %dma_start3A_1035 = tpu.memref_slice %arg8[%add3A_460, %dma_start3A_1034] : memref<125x80xi32, #tpu.memory_space<vmem>> -> memref<1x80xi32, #tpu.memory_space<vmem>>
        %dma_start3A_1036 = tpu.memref_squeeze %dma_start3A_1035 : memref<1x80xi32, #tpu.memory_space<vmem>> -> memref<80xi32, #tpu.memory_space<vmem>>
        %dma_start3A_1037 = arith.constant 0 : i32
        %dma_start3A_1038 = arith.constant 0 : i32
        %dma_start3A_1039 = tpu.memref_slice %arg10[%dma_start3A_1037, %dma_start3A_1038] : memref<10240x16xf32, #tpu.memory_space<vmem_shared>> -> memref<10240x16xf32, #tpu.memory_space<vmem_shared>>
        tpu.enqueue_indirect_dma source(%dma_start3A_1033 : memref<80x16xf32, #tpu.memory_space<vmem>>) target(%dma_start3A_1039 : memref<10240x16xf32, #tpu.memory_space<vmem_shared>>) offsets(%dma_start3A_1036 : memref<80xi32, #tpu.memory_space<vmem>>) semaphore(%run_scoped3A_1029 : memref<!tpu.dma_semaphore, #tpu.memory_space<semaphore_mem>>) {add = true}
        %dma_wait3A_1040 = arith.constant 0 : i32
        %dma_wait3A_1041 = arith.constant 0 : i32
        %dma_wait3A_1042 = tpu.memref_slice %arg9[%run_scoped3A_475, %dma_wait3A_1040, %dma_wait3A_1041] : memref<25x80x16xf32, #tpu.memory_space<vmem>> -> memref<1x80x16xf32, #tpu.memory_space<vmem>>
        %dma_wait3A_1043 = tpu.memref_squeeze %dma_wait3A_1042 : memref<1x80x16xf32, #tpu.memory_space<vmem>> -> memref<80x16xf32, #tpu.memory_space<vmem>>
        %dma_wait3A_1044 = arith.constant 0 : i32
        %dma_wait3A_1045 = tpu.memref_slice %arg8[%add3A_460, %dma_wait3A_1044] : memref<125x80xi32, #tpu.memory_space<vmem>> -> memref<1x80xi32, #tpu.memory_space<vmem>>
        %dma_wait3A_1046 = tpu.memref_squeeze %dma_wait3A_1045 : memref<1x80xi32, #tpu.memory_space<vmem>> -> memref<80xi32, #tpu.memory_space<vmem>>
        %dma_wait3A_1047 = arith.constant 0 : i32
        %dma_wait3A_1048 = arith.constant 0 : i32
        %dma_wait3A_1049 = tpu.memref_slice %arg10[%dma_wait3A_1047, %dma_wait3A_1048] : memref<10240x16xf32, #tpu.memory_space<vmem_shared>> -> memref<10240x16xf32, #tpu.memory_space<vmem_shared>>
        tpu.wait_indirect_dma semaphore(%run_scoped3A_1029 : memref<!tpu.dma_semaphore, #tpu.memory_space<semaphore_mem>>) src(%dma_wait3A_1043 : memref<80x16xf32, #tpu.memory_space<vmem>>) dst(%dma_wait3A_1049 : memref<10240x16xf32, #tpu.memory_space<vmem_shared>>)
        tpu.yield
      }) : () -> ()
      %add3A_476 = arith.constant 25 : i32
      %add3A_477 = arith.addi %add3A_460, %add3A_476 : i32
      %lt3A_478 = arith.constant 125 : i32
      %lt3A_479 = arith.cmpi slt, %add3A_477, %lt3A_478 : i32
      %convert_element_type3A_480 = arith.extui %lt3A_479 : i1 to i32
      %cond3A_481 = arith.constant 0 : i32
      %cond3A_482 = arith.cmpi ne, %convert_element_type3A_480, %cond3A_481 : i32
      scf.if %cond3A_482 {
        %dma_start3A_1029 = arith.constant 3 : i32
        %dma_start3A_1030 = arith.constant 3 : i32
        %dma_start3A_1031 = arith.constant 0 : i32
        %dma_start3A_1032 = arith.constant 0 : i32
        %dma_start3A_1033 = tpu.memref_slice %arg9[%dma_start3A_1029, %dma_start3A_1031, %dma_start3A_1032] : memref<25x80x16xf32, #tpu.memory_space<vmem>> -> memref<1x80x16xf32, #tpu.memory_space<vmem>>
        %dma_start3A_1034 = tpu.memref_squeeze %dma_start3A_1033 : memref<1x80x16xf32, #tpu.memory_space<vmem>> -> memref<80x16xf32, #tpu.memory_space<vmem>>
        %dma_start3A_1035 = arith.constant 0 : i32
        %dma_start3A_1036 = tpu.memref_slice %arg7[%add3A_477, %dma_start3A_1035] : memref<125x80xi32, #tpu.memory_space<vmem>> -> memref<1x80xi32, #tpu.memory_space<vmem>>
        %dma_start3A_1037 = tpu.memref_squeeze %dma_start3A_1036 : memref<1x80xi32, #tpu.memory_space<vmem>> -> memref<80xi32, #tpu.memory_space<vmem>>
        %dma_start3A_1038 = arith.constant 0 : i32
        %dma_start3A_1039 = arith.constant 0 : i32
        %dma_start3A_1040 = tpu.memref_slice %arg2[%dma_start3A_1038, %dma_start3A_1039] : memref<10000x16xf32, #tpu.memory_space<hbm>> -> memref<10000x16xf32, #tpu.memory_space<hbm>>
        %dma_start3A_1041 = tpu.memref_slice %arg11[%dma_start3A_1030] : memref<25x!tpu.dma_semaphore, #tpu.memory_space<semaphore_mem>> -> memref<1x!tpu.dma_semaphore, #tpu.memory_space<semaphore_mem>>
        %dma_start3A_1042 = tpu.memref_squeeze %dma_start3A_1041 : memref<1x!tpu.dma_semaphore, #tpu.memory_space<semaphore_mem>> -> memref<!tpu.dma_semaphore, #tpu.memory_space<semaphore_mem>>
        tpu.enqueue_indirect_dma source(%dma_start3A_1040 : memref<10000x16xf32, #tpu.memory_space<hbm>>) target(%dma_start3A_1034 : memref<80x16xf32, #tpu.memory_space<vmem>>) offsets(%dma_start3A_1037 : memref<80xi32, #tpu.memory_space<vmem>>) semaphore(%dma_start3A_1042 : memref<!tpu.dma_semaphore, #tpu.memory_space<semaphore_mem>>)
      } else {
      }
      %mul3A_483 = arith.constant 25 : i32
      %mul3A_484 = arith.muli %scan3A_383, %mul3A_483 : i32
      %add3A_485 = arith.constant 4 : i32
      %add3A_486 = arith.addi %mul3A_484, %add3A_485 : i32
      %dma_wait3A_487 = arith.constant 4 : i32
      %dma_wait3A_488 = arith.constant 4 : i32
      %dma_wait3A_489 = arith.constant 0 : i32
      %dma_wait3A_490 = arith.constant 0 : i32
      %dma_wait3A_491 = tpu.memref_slice %arg9[%dma_wait3A_487, %dma_wait3A_489, %dma_wait3A_490] : memref<25x80x16xf32, #tpu.memory_space<vmem>> -> memref<1x80x16xf32, #tpu.memory_space<vmem>>
      %dma_wait3A_492 = tpu.memref_squeeze %dma_wait3A_491 : memref<1x80x16xf32, #tpu.memory_space<vmem>> -> memref<80x16xf32, #tpu.memory_space<vmem>>
      %dma_wait3A_493 = arith.constant 0 : i32
      %dma_wait3A_494 = tpu.memref_slice %arg7[%add3A_486, %dma_wait3A_493] : memref<125x80xi32, #tpu.memory_space<vmem>> -> memref<1x80xi32, #tpu.memory_space<vmem>>
      %dma_wait3A_495 = tpu.memref_squeeze %dma_wait3A_494 : memref<1x80xi32, #tpu.memory_space<vmem>> -> memref<80xi32, #tpu.memory_space<vmem>>
      %dma_wait3A_496 = arith.constant 0 : i32
      %dma_wait3A_497 = arith.constant 0 : i32
      %dma_wait3A_498 = tpu.memref_slice %arg2[%dma_wait3A_496, %dma_wait3A_497] : memref<10000x16xf32, #tpu.memory_space<hbm>> -> memref<10000x16xf32, #tpu.memory_space<hbm>>
      %dma_wait3A_499 = tpu.memref_slice %arg11[%dma_wait3A_488] : memref<25x!tpu.dma_semaphore, #tpu.memory_space<semaphore_mem>> -> memref<1x!tpu.dma_semaphore, #tpu.memory_space<semaphore_mem>>
      %dma_wait3A_500 = tpu.memref_squeeze %dma_wait3A_499 : memref<1x!tpu.dma_semaphore, #tpu.memory_space<semaphore_mem>> -> memref<!tpu.dma_semaphore, #tpu.memory_space<semaphore_mem>>
      tpu.wait_indirect_dma semaphore(%dma_wait3A_500 : memref<!tpu.dma_semaphore, #tpu.memory_space<semaphore_mem>>) src(%dma_wait3A_498 : memref<10000x16xf32, #tpu.memory_space<hbm>>) dst(%dma_wait3A_492 : memref<80x16xf32, #tpu.memory_space<vmem>>)
      %run_scoped3A_501 = arith.constant 4 : i32
      "tpu.region"() ({
        %run_scoped3A_1029 = tpu.sem_alloc : memref<!tpu.dma_semaphore, #tpu.memory_space<semaphore_mem>>
        %dma_start3A_1030 = arith.constant 0 : i32
        %dma_start3A_1031 = arith.constant 0 : i32
        %dma_start3A_1032 = tpu.memref_slice %arg9[%run_scoped3A_501, %dma_start3A_1030, %dma_start3A_1031] : memref<25x80x16xf32, #tpu.memory_space<vmem>> -> memref<1x80x16xf32, #tpu.memory_space<vmem>>
        %dma_start3A_1033 = tpu.memref_squeeze %dma_start3A_1032 : memref<1x80x16xf32, #tpu.memory_space<vmem>> -> memref<80x16xf32, #tpu.memory_space<vmem>>
        %dma_start3A_1034 = arith.constant 0 : i32
        %dma_start3A_1035 = tpu.memref_slice %arg8[%add3A_486, %dma_start3A_1034] : memref<125x80xi32, #tpu.memory_space<vmem>> -> memref<1x80xi32, #tpu.memory_space<vmem>>
        %dma_start3A_1036 = tpu.memref_squeeze %dma_start3A_1035 : memref<1x80xi32, #tpu.memory_space<vmem>> -> memref<80xi32, #tpu.memory_space<vmem>>
        %dma_start3A_1037 = arith.constant 0 : i32
        %dma_start3A_1038 = arith.constant 0 : i32
        %dma_start3A_1039 = tpu.memref_slice %arg10[%dma_start3A_1037, %dma_start3A_1038] : memref<10240x16xf32, #tpu.memory_space<vmem_shared>> -> memref<10240x16xf32, #tpu.memory_space<vmem_shared>>
        tpu.enqueue_indirect_dma source(%dma_start3A_1033 : memref<80x16xf32, #tpu.memory_space<vmem>>) target(%dma_start3A_1039 : memref<10240x16xf32, #tpu.memory_space<vmem_shared>>) offsets(%dma_start3A_1036 : memref<80xi32, #tpu.memory_space<vmem>>) semaphore(%run_scoped3A_1029 : memref<!tpu.dma_semaphore, #tpu.memory_space<semaphore_mem>>) {add = true}
        %dma_wait3A_1040 = arith.constant 0 : i32
        %dma_wait3A_1041 = arith.constant 0 : i32
        %dma_wait3A_1042 = tpu.memref_slice %arg9[%run_scoped3A_501, %dma_wait3A_1040, %dma_wait3A_1041] : memref<25x80x16xf32, #tpu.memory_space<vmem>> -> memref<1x80x16xf32, #tpu.memory_space<vmem>>
        %dma_wait3A_1043 = tpu.memref_squeeze %dma_wait3A_1042 : memref<1x80x16xf32, #tpu.memory_space<vmem>> -> memref<80x16xf32, #tpu.memory_space<vmem>>
        %dma_wait3A_1044 = arith.constant 0 : i32
        %dma_wait3A_1045 = tpu.memref_slice %arg8[%add3A_486, %dma_wait3A_1044] : memref<125x80xi32, #tpu.memory_space<vmem>> -> memref<1x80xi32, #tpu.memory_space<vmem>>
        %dma_wait3A_1046 = tpu.memref_squeeze %dma_wait3A_1045 : memref<1x80xi32, #tpu.memory_space<vmem>> -> memref<80xi32, #tpu.memory_space<vmem>>
        %dma_wait3A_1047 = arith.constant 0 : i32
        %dma_wait3A_1048 = arith.constant 0 : i32
        %dma_wait3A_1049 = tpu.memref_slice %arg10[%dma_wait3A_1047, %dma_wait3A_1048] : memref<10240x16xf32, #tpu.memory_space<vmem_shared>> -> memref<10240x16xf32, #tpu.memory_space<vmem_shared>>
        tpu.wait_indirect_dma semaphore(%run_scoped3A_1029 : memref<!tpu.dma_semaphore, #tpu.memory_space<semaphore_mem>>) src(%dma_wait3A_1043 : memref<80x16xf32, #tpu.memory_space<vmem>>) dst(%dma_wait3A_1049 : memref<10240x16xf32, #tpu.memory_space<vmem_shared>>)
        tpu.yield
      }) : () -> ()
      %add3A_502 = arith.constant 25 : i32
      %add3A_503 = arith.addi %add3A_486, %add3A_502 : i32
      %lt3A_504 = arith.constant 125 : i32
      %lt3A_505 = arith.cmpi slt, %add3A_503, %lt3A_504 : i32
      %convert_element_type3A_506 = arith.extui %lt3A_505 : i1 to i32
      %cond3A_507 = arith.constant 0 : i32
      %cond3A_508 = arith.cmpi ne, %convert_element_type3A_506, %cond3A_507 : i32
      scf.if %cond3A_508 {
        %dma_start3A_1029 = arith.constant 4 : i32
        %dma_start3A_1030 = arith.constant 4 : i32
        %dma_start3A_1031 = arith.constant 0 : i32
        %dma_start3A_1032 = arith.constant 0 : i32
        %dma_start3A_1033 = tpu.memref_slice %arg9[%dma_start3A_1029, %dma_start3A_1031, %dma_start3A_1032] : memref<25x80x16xf32, #tpu.memory_space<vmem>> -> memref<1x80x16xf32, #tpu.memory_space<vmem>>
        %dma_start3A_1034 = tpu.memref_squeeze %dma_start3A_1033 : memref<1x80x16xf32, #tpu.memory_space<vmem>> -> memref<80x16xf32, #tpu.memory_space<vmem>>
        %dma_start3A_1035 = arith.constant 0 : i32
        %dma_start3A_1036 = tpu.memref_slice %arg7[%add3A_503, %dma_start3A_1035] : memref<125x80xi32, #tpu.memory_space<vmem>> -> memref<1x80xi32, #tpu.memory_space<vmem>>
        %dma_start3A_1037 = tpu.memref_squeeze %dma_start3A_1036 : memref<1x80xi32, #tpu.memory_space<vmem>> -> memref<80xi32, #tpu.memory_space<vmem>>
        %dma_start3A_1038 = arith.constant 0 : i32
        %dma_start3A_1039 = arith.constant 0 : i32
        %dma_start3A_1040 = tpu.memref_slice %arg2[%dma_start3A_1038, %dma_start3A_1039] : memref<10000x16xf32, #tpu.memory_space<hbm>> -> memref<10000x16xf32, #tpu.memory_space<hbm>>
        %dma_start3A_1041 = tpu.memref_slice %arg11[%dma_start3A_1030] : memref<25x!tpu.dma_semaphore, #tpu.memory_space<semaphore_mem>> -> memref<1x!tpu.dma_semaphore, #tpu.memory_space<semaphore_mem>>
        %dma_start3A_1042 = tpu.memref_squeeze %dma_start3A_1041 : memref<1x!tpu.dma_semaphore, #tpu.memory_space<semaphore_mem>> -> memref<!tpu.dma_semaphore, #tpu.memory_space<semaphore_mem>>
        tpu.enqueue_indirect_dma source(%dma_start3A_1040 : memref<10000x16xf32, #tpu.memory_space<hbm>>) target(%dma_start3A_1034 : memref<80x16xf32, #tpu.memory_space<vmem>>) offsets(%dma_start3A_1037 : memref<80xi32, #tpu.memory_space<vmem>>) semaphore(%dma_start3A_1042 : memref<!tpu.dma_semaphore, #tpu.memory_space<semaphore_mem>>)
      } else {
      }
      %mul3A_509 = arith.constant 25 : i32
      %mul3A_510 = arith.muli %scan3A_383, %mul3A_509 : i32
      %add3A_511 = arith.constant 5 : i32
      %add3A_512 = arith.addi %mul3A_510, %add3A_511 : i32
      %dma_wait3A_513 = arith.constant 5 : i32
      %dma_wait3A_514 = arith.constant 5 : i32
      %dma_wait3A_515 = arith.constant 0 : i32
      %dma_wait3A_516 = arith.constant 0 : i32
      %dma_wait3A_517 = tpu.memref_slice %arg9[%dma_wait3A_513, %dma_wait3A_515, %dma_wait3A_516] : memref<25x80x16xf32, #tpu.memory_space<vmem>> -> memref<1x80x16xf32, #tpu.memory_space<vmem>>
      %dma_wait3A_518 = tpu.memref_squeeze %dma_wait3A_517 : memref<1x80x16xf32, #tpu.memory_space<vmem>> -> memref<80x16xf32, #tpu.memory_space<vmem>>
      %dma_wait3A_519 = arith.constant 0 : i32
      %dma_wait3A_520 = tpu.memref_slice %arg7[%add3A_512, %dma_wait3A_519] : memref<125x80xi32, #tpu.memory_space<vmem>> -> memref<1x80xi32, #tpu.memory_space<vmem>>
      %dma_wait3A_521 = tpu.memref_squeeze %dma_wait3A_520 : memref<1x80xi32, #tpu.memory_space<vmem>> -> memref<80xi32, #tpu.memory_space<vmem>>
      %dma_wait3A_522 = arith.constant 0 : i32
      %dma_wait3A_523 = arith.constant 0 : i32
      %dma_wait3A_524 = tpu.memref_slice %arg2[%dma_wait3A_522, %dma_wait3A_523] : memref<10000x16xf32, #tpu.memory_space<hbm>> -> memref<10000x16xf32, #tpu.memory_space<hbm>>
      %dma_wait3A_525 = tpu.memref_slice %arg11[%dma_wait3A_514] : memref<25x!tpu.dma_semaphore, #tpu.memory_space<semaphore_mem>> -> memref<1x!tpu.dma_semaphore, #tpu.memory_space<semaphore_mem>>
      %dma_wait3A_526 = tpu.memref_squeeze %dma_wait3A_525 : memref<1x!tpu.dma_semaphore, #tpu.memory_space<semaphore_mem>> -> memref<!tpu.dma_semaphore, #tpu.memory_space<semaphore_mem>>
      tpu.wait_indirect_dma semaphore(%dma_wait3A_526 : memref<!tpu.dma_semaphore, #tpu.memory_space<semaphore_mem>>) src(%dma_wait3A_524 : memref<10000x16xf32, #tpu.memory_space<hbm>>) dst(%dma_wait3A_518 : memref<80x16xf32, #tpu.memory_space<vmem>>)
      %run_scoped3A_527 = arith.constant 5 : i32
      "tpu.region"() ({
        %run_scoped3A_1029 = tpu.sem_alloc : memref<!tpu.dma_semaphore, #tpu.memory_space<semaphore_mem>>
        %dma_start3A_1030 = arith.constant 0 : i32
        %dma_start3A_1031 = arith.constant 0 : i32
        %dma_start3A_1032 = tpu.memref_slice %arg9[%run_scoped3A_527, %dma_start3A_1030, %dma_start3A_1031] : memref<25x80x16xf32, #tpu.memory_space<vmem>> -> memref<1x80x16xf32, #tpu.memory_space<vmem>>
        %dma_start3A_1033 = tpu.memref_squeeze %dma_start3A_1032 : memref<1x80x16xf32, #tpu.memory_space<vmem>> -> memref<80x16xf32, #tpu.memory_space<vmem>>
        %dma_start3A_1034 = arith.constant 0 : i32
        %dma_start3A_1035 = tpu.memref_slice %arg8[%add3A_512, %dma_start3A_1034] : memref<125x80xi32, #tpu.memory_space<vmem>> -> memref<1x80xi32, #tpu.memory_space<vmem>>
        %dma_start3A_1036 = tpu.memref_squeeze %dma_start3A_1035 : memref<1x80xi32, #tpu.memory_space<vmem>> -> memref<80xi32, #tpu.memory_space<vmem>>
        %dma_start3A_1037 = arith.constant 0 : i32
        %dma_start3A_1038 = arith.constant 0 : i32
        %dma_start3A_1039 = tpu.memref_slice %arg10[%dma_start3A_1037, %dma_start3A_1038] : memref<10240x16xf32, #tpu.memory_space<vmem_shared>> -> memref<10240x16xf32, #tpu.memory_space<vmem_shared>>
        tpu.enqueue_indirect_dma source(%dma_start3A_1033 : memref<80x16xf32, #tpu.memory_space<vmem>>) target(%dma_start3A_1039 : memref<10240x16xf32, #tpu.memory_space<vmem_shared>>) offsets(%dma_start3A_1036 : memref<80xi32, #tpu.memory_space<vmem>>) semaphore(%run_scoped3A_1029 : memref<!tpu.dma_semaphore, #tpu.memory_space<semaphore_mem>>) {add = true}
        %dma_wait3A_1040 = arith.constant 0 : i32
        %dma_wait3A_1041 = arith.constant 0 : i32
        %dma_wait3A_1042 = tpu.memref_slice %arg9[%run_scoped3A_527, %dma_wait3A_1040, %dma_wait3A_1041] : memref<25x80x16xf32, #tpu.memory_space<vmem>> -> memref<1x80x16xf32, #tpu.memory_space<vmem>>
        %dma_wait3A_1043 = tpu.memref_squeeze %dma_wait3A_1042 : memref<1x80x16xf32, #tpu.memory_space<vmem>> -> memref<80x16xf32, #tpu.memory_space<vmem>>
        %dma_wait3A_1044 = arith.constant 0 : i32
        %dma_wait3A_1045 = tpu.memref_slice %arg8[%add3A_512, %dma_wait3A_1044] : memref<125x80xi32, #tpu.memory_space<vmem>> -> memref<1x80xi32, #tpu.memory_space<vmem>>
        %dma_wait3A_1046 = tpu.memref_squeeze %dma_wait3A_1045 : memref<1x80xi32, #tpu.memory_space<vmem>> -> memref<80xi32, #tpu.memory_space<vmem>>
        %dma_wait3A_1047 = arith.constant 0 : i32
        %dma_wait3A_1048 = arith.constant 0 : i32
        %dma_wait3A_1049 = tpu.memref_slice %arg10[%dma_wait3A_1047, %dma_wait3A_1048] : memref<10240x16xf32, #tpu.memory_space<vmem_shared>> -> memref<10240x16xf32, #tpu.memory_space<vmem_shared>>
        tpu.wait_indirect_dma semaphore(%run_scoped3A_1029 : memref<!tpu.dma_semaphore, #tpu.memory_space<semaphore_mem>>) src(%dma_wait3A_1043 : memref<80x16xf32, #tpu.memory_space<vmem>>) dst(%dma_wait3A_1049 : memref<10240x16xf32, #tpu.memory_space<vmem_shared>>)
        tpu.yield
      }) : () -> ()
      %add3A_528 = arith.constant 25 : i32
      %add3A_529 = arith.addi %add3A_512, %add3A_528 : i32
      %lt3A_530 = arith.constant 125 : i32
      %lt3A_531 = arith.cmpi slt, %add3A_529, %lt3A_530 : i32
      %convert_element_type3A_532 = arith.extui %lt3A_531 : i1 to i32
      %cond3A_533 = arith.constant 0 : i32
      %cond3A_534 = arith.cmpi ne, %convert_element_type3A_532, %cond3A_533 : i32
      scf.if %cond3A_534 {
        %dma_start3A_1029 = arith.constant 5 : i32
        %dma_start3A_1030 = arith.constant 5 : i32
        %dma_start3A_1031 = arith.constant 0 : i32
        %dma_start3A_1032 = arith.constant 0 : i32
        %dma_start3A_1033 = tpu.memref_slice %arg9[%dma_start3A_1029, %dma_start3A_1031, %dma_start3A_1032] : memref<25x80x16xf32, #tpu.memory_space<vmem>> -> memref<1x80x16xf32, #tpu.memory_space<vmem>>
        %dma_start3A_1034 = tpu.memref_squeeze %dma_start3A_1033 : memref<1x80x16xf32, #tpu.memory_space<vmem>> -> memref<80x16xf32, #tpu.memory_space<vmem>>
        %dma_start3A_1035 = arith.constant 0 : i32
        %dma_start3A_1036 = tpu.memref_slice %arg7[%add3A_529, %dma_start3A_1035] : memref<125x80xi32, #tpu.memory_space<vmem>> -> memref<1x80xi32, #tpu.memory_space<vmem>>
        %dma_start3A_1037 = tpu.memref_squeeze %dma_start3A_1036 : memref<1x80xi32, #tpu.memory_space<vmem>> -> memref<80xi32, #tpu.memory_space<vmem>>
        %dma_start3A_1038 = arith.constant 0 : i32
        %dma_start3A_1039 = arith.constant 0 : i32
        %dma_start3A_1040 = tpu.memref_slice %arg2[%dma_start3A_1038, %dma_start3A_1039] : memref<10000x16xf32, #tpu.memory_space<hbm>> -> memref<10000x16xf32, #tpu.memory_space<hbm>>
        %dma_start3A_1041 = tpu.memref_slice %arg11[%dma_start3A_1030] : memref<25x!tpu.dma_semaphore, #tpu.memory_space<semaphore_mem>> -> memref<1x!tpu.dma_semaphore, #tpu.memory_space<semaphore_mem>>
        %dma_start3A_1042 = tpu.memref_squeeze %dma_start3A_1041 : memref<1x!tpu.dma_semaphore, #tpu.memory_space<semaphore_mem>> -> memref<!tpu.dma_semaphore, #tpu.memory_space<semaphore_mem>>
        tpu.enqueue_indirect_dma source(%dma_start3A_1040 : memref<10000x16xf32, #tpu.memory_space<hbm>>) target(%dma_start3A_1034 : memref<80x16xf32, #tpu.memory_space<vmem>>) offsets(%dma_start3A_1037 : memref<80xi32, #tpu.memory_space<vmem>>) semaphore(%dma_start3A_1042 : memref<!tpu.dma_semaphore, #tpu.memory_space<semaphore_mem>>)
      } else {
      }
      %mul3A_535 = arith.constant 25 : i32
      %mul3A_536 = arith.muli %scan3A_383, %mul3A_535 : i32
      %add3A_537 = arith.constant 6 : i32
      %add3A_538 = arith.addi %mul3A_536, %add3A_537 : i32
      %dma_wait3A_539 = arith.constant 6 : i32
      %dma_wait3A_540 = arith.constant 6 : i32
      %dma_wait3A_541 = arith.constant 0 : i32
      %dma_wait3A_542 = arith.constant 0 : i32
      %dma_wait3A_543 = tpu.memref_slice %arg9[%dma_wait3A_539, %dma_wait3A_541, %dma_wait3A_542] : memref<25x80x16xf32, #tpu.memory_space<vmem>> -> memref<1x80x16xf32, #tpu.memory_space<vmem>>
      %dma_wait3A_544 = tpu.memref_squeeze %dma_wait3A_543 : memref<1x80x16xf32, #tpu.memory_space<vmem>> -> memref<80x16xf32, #tpu.memory_space<vmem>>
      %dma_wait3A_545 = arith.constant 0 : i32
      %dma_wait3A_546 = tpu.memref_slice %arg7[%add3A_538, %dma_wait3A_545] : memref<125x80xi32, #tpu.memory_space<vmem>> -> memref<1x80xi32, #tpu.memory_space<vmem>>
      %dma_wait3A_547 = tpu.memref_squeeze %dma_wait3A_546 : memref<1x80xi32, #tpu.memory_space<vmem>> -> memref<80xi32, #tpu.memory_space<vmem>>
      %dma_wait3A_548 = arith.constant 0 : i32
      %dma_wait3A_549 = arith.constant 0 : i32
      %dma_wait3A_550 = tpu.memref_slice %arg2[%dma_wait3A_548, %dma_wait3A_549] : memref<10000x16xf32, #tpu.memory_space<hbm>> -> memref<10000x16xf32, #tpu.memory_space<hbm>>
      %dma_wait3A_551 = tpu.memref_slice %arg11[%dma_wait3A_540] : memref<25x!tpu.dma_semaphore, #tpu.memory_space<semaphore_mem>> -> memref<1x!tpu.dma_semaphore, #tpu.memory_space<semaphore_mem>>
      %dma_wait3A_552 = tpu.memref_squeeze %dma_wait3A_551 : memref<1x!tpu.dma_semaphore, #tpu.memory_space<semaphore_mem>> -> memref<!tpu.dma_semaphore, #tpu.memory_space<semaphore_mem>>
      tpu.wait_indirect_dma semaphore(%dma_wait3A_552 : memref<!tpu.dma_semaphore, #tpu.memory_space<semaphore_mem>>) src(%dma_wait3A_550 : memref<10000x16xf32, #tpu.memory_space<hbm>>) dst(%dma_wait3A_544 : memref<80x16xf32, #tpu.memory_space<vmem>>)
      %run_scoped3A_553 = arith.constant 6 : i32
      "tpu.region"() ({
        %run_scoped3A_1029 = tpu.sem_alloc : memref<!tpu.dma_semaphore, #tpu.memory_space<semaphore_mem>>
        %dma_start3A_1030 = arith.constant 0 : i32
        %dma_start3A_1031 = arith.constant 0 : i32
        %dma_start3A_1032 = tpu.memref_slice %arg9[%run_scoped3A_553, %dma_start3A_1030, %dma_start3A_1031] : memref<25x80x16xf32, #tpu.memory_space<vmem>> -> memref<1x80x16xf32, #tpu.memory_space<vmem>>
        %dma_start3A_1033 = tpu.memref_squeeze %dma_start3A_1032 : memref<1x80x16xf32, #tpu.memory_space<vmem>> -> memref<80x16xf32, #tpu.memory_space<vmem>>
        %dma_start3A_1034 = arith.constant 0 : i32
        %dma_start3A_1035 = tpu.memref_slice %arg8[%add3A_538, %dma_start3A_1034] : memref<125x80xi32, #tpu.memory_space<vmem>> -> memref<1x80xi32, #tpu.memory_space<vmem>>
        %dma_start3A_1036 = tpu.memref_squeeze %dma_start3A_1035 : memref<1x80xi32, #tpu.memory_space<vmem>> -> memref<80xi32, #tpu.memory_space<vmem>>
        %dma_start3A_1037 = arith.constant 0 : i32
        %dma_start3A_1038 = arith.constant 0 : i32
        %dma_start3A_1039 = tpu.memref_slice %arg10[%dma_start3A_1037, %dma_start3A_1038] : memref<10240x16xf32, #tpu.memory_space<vmem_shared>> -> memref<10240x16xf32, #tpu.memory_space<vmem_shared>>
        tpu.enqueue_indirect_dma source(%dma_start3A_1033 : memref<80x16xf32, #tpu.memory_space<vmem>>) target(%dma_start3A_1039 : memref<10240x16xf32, #tpu.memory_space<vmem_shared>>) offsets(%dma_start3A_1036 : memref<80xi32, #tpu.memory_space<vmem>>) semaphore(%run_scoped3A_1029 : memref<!tpu.dma_semaphore, #tpu.memory_space<semaphore_mem>>) {add = true}
        %dma_wait3A_1040 = arith.constant 0 : i32
        %dma_wait3A_1041 = arith.constant 0 : i32
        %dma_wait3A_1042 = tpu.memref_slice %arg9[%run_scoped3A_553, %dma_wait3A_1040, %dma_wait3A_1041] : memref<25x80x16xf32, #tpu.memory_space<vmem>> -> memref<1x80x16xf32, #tpu.memory_space<vmem>>
        %dma_wait3A_1043 = tpu.memref_squeeze %dma_wait3A_1042 : memref<1x80x16xf32, #tpu.memory_space<vmem>> -> memref<80x16xf32, #tpu.memory_space<vmem>>
        %dma_wait3A_1044 = arith.constant 0 : i32
        %dma_wait3A_1045 = tpu.memref_slice %arg8[%add3A_538, %dma_wait3A_1044] : memref<125x80xi32, #tpu.memory_space<vmem>> -> memref<1x80xi32, #tpu.memory_space<vmem>>
        %dma_wait3A_1046 = tpu.memref_squeeze %dma_wait3A_1045 : memref<1x80xi32, #tpu.memory_space<vmem>> -> memref<80xi32, #tpu.memory_space<vmem>>
        %dma_wait3A_1047 = arith.constant 0 : i32
        %dma_wait3A_1048 = arith.constant 0 : i32
        %dma_wait3A_1049 = tpu.memref_slice %arg10[%dma_wait3A_1047, %dma_wait3A_1048] : memref<10240x16xf32, #tpu.memory_space<vmem_shared>> -> memref<10240x16xf32, #tpu.memory_space<vmem_shared>>
        tpu.wait_indirect_dma semaphore(%run_scoped3A_1029 : memref<!tpu.dma_semaphore, #tpu.memory_space<semaphore_mem>>) src(%dma_wait3A_1043 : memref<80x16xf32, #tpu.memory_space<vmem>>) dst(%dma_wait3A_1049 : memref<10240x16xf32, #tpu.memory_space<vmem_shared>>)
        tpu.yield
      }) : () -> ()
      %add3A_554 = arith.constant 25 : i32
      %add3A_555 = arith.addi %add3A_538, %add3A_554 : i32
      %lt3A_556 = arith.constant 125 : i32
      %lt3A_557 = arith.cmpi slt, %add3A_555, %lt3A_556 : i32
      %convert_element_type3A_558 = arith.extui %lt3A_557 : i1 to i32
      %cond3A_559 = arith.constant 0 : i32
      %cond3A_560 = arith.cmpi ne, %convert_element_type3A_558, %cond3A_559 : i32
      scf.if %cond3A_560 {
        %dma_start3A_1029 = arith.constant 6 : i32
        %dma_start3A_1030 = arith.constant 6 : i32
        %dma_start3A_1031 = arith.constant 0 : i32
        %dma_start3A_1032 = arith.constant 0 : i32
        %dma_start3A_1033 = tpu.memref_slice %arg9[%dma_start3A_1029, %dma_start3A_1031, %dma_start3A_1032] : memref<25x80x16xf32, #tpu.memory_space<vmem>> -> memref<1x80x16xf32, #tpu.memory_space<vmem>>
        %dma_start3A_1034 = tpu.memref_squeeze %dma_start3A_1033 : memref<1x80x16xf32, #tpu.memory_space<vmem>> -> memref<80x16xf32, #tpu.memory_space<vmem>>
        %dma_start3A_1035 = arith.constant 0 : i32
        %dma_start3A_1036 = tpu.memref_slice %arg7[%add3A_555, %dma_start3A_1035] : memref<125x80xi32, #tpu.memory_space<vmem>> -> memref<1x80xi32, #tpu.memory_space<vmem>>
        %dma_start3A_1037 = tpu.memref_squeeze %dma_start3A_1036 : memref<1x80xi32, #tpu.memory_space<vmem>> -> memref<80xi32, #tpu.memory_space<vmem>>
        %dma_start3A_1038 = arith.constant 0 : i32
        %dma_start3A_1039 = arith.constant 0 : i32
        %dma_start3A_1040 = tpu.memref_slice %arg2[%dma_start3A_1038, %dma_start3A_1039] : memref<10000x16xf32, #tpu.memory_space<hbm>> -> memref<10000x16xf32, #tpu.memory_space<hbm>>
        %dma_start3A_1041 = tpu.memref_slice %arg11[%dma_start3A_1030] : memref<25x!tpu.dma_semaphore, #tpu.memory_space<semaphore_mem>> -> memref<1x!tpu.dma_semaphore, #tpu.memory_space<semaphore_mem>>
        %dma_start3A_1042 = tpu.memref_squeeze %dma_start3A_1041 : memref<1x!tpu.dma_semaphore, #tpu.memory_space<semaphore_mem>> -> memref<!tpu.dma_semaphore, #tpu.memory_space<semaphore_mem>>
        tpu.enqueue_indirect_dma source(%dma_start3A_1040 : memref<10000x16xf32, #tpu.memory_space<hbm>>) target(%dma_start3A_1034 : memref<80x16xf32, #tpu.memory_space<vmem>>) offsets(%dma_start3A_1037 : memref<80xi32, #tpu.memory_space<vmem>>) semaphore(%dma_start3A_1042 : memref<!tpu.dma_semaphore, #tpu.memory_space<semaphore_mem>>)
      } else {
      }
      %mul3A_561 = arith.constant 25 : i32
      %mul3A_562 = arith.muli %scan3A_383, %mul3A_561 : i32
      %add3A_563 = arith.constant 7 : i32
      %add3A_564 = arith.addi %mul3A_562, %add3A_563 : i32
      %dma_wait3A_565 = arith.constant 7 : i32
      %dma_wait3A_566 = arith.constant 7 : i32
      %dma_wait3A_567 = arith.constant 0 : i32
      %dma_wait3A_568 = arith.constant 0 : i32
      %dma_wait3A_569 = tpu.memref_slice %arg9[%dma_wait3A_565, %dma_wait3A_567, %dma_wait3A_568] : memref<25x80x16xf32, #tpu.memory_space<vmem>> -> memref<1x80x16xf32, #tpu.memory_space<vmem>>
      %dma_wait3A_570 = tpu.memref_squeeze %dma_wait3A_569 : memref<1x80x16xf32, #tpu.memory_space<vmem>> -> memref<80x16xf32, #tpu.memory_space<vmem>>
      %dma_wait3A_571 = arith.constant 0 : i32
      %dma_wait3A_572 = tpu.memref_slice %arg7[%add3A_564, %dma_wait3A_571] : memref<125x80xi32, #tpu.memory_space<vmem>> -> memref<1x80xi32, #tpu.memory_space<vmem>>
      %dma_wait3A_573 = tpu.memref_squeeze %dma_wait3A_572 : memref<1x80xi32, #tpu.memory_space<vmem>> -> memref<80xi32, #tpu.memory_space<vmem>>
      %dma_wait3A_574 = arith.constant 0 : i32
      %dma_wait3A_575 = arith.constant 0 : i32
      %dma_wait3A_576 = tpu.memref_slice %arg2[%dma_wait3A_574, %dma_wait3A_575] : memref<10000x16xf32, #tpu.memory_space<hbm>> -> memref<10000x16xf32, #tpu.memory_space<hbm>>
      %dma_wait3A_577 = tpu.memref_slice %arg11[%dma_wait3A_566] : memref<25x!tpu.dma_semaphore, #tpu.memory_space<semaphore_mem>> -> memref<1x!tpu.dma_semaphore, #tpu.memory_space<semaphore_mem>>
      %dma_wait3A_578 = tpu.memref_squeeze %dma_wait3A_577 : memref<1x!tpu.dma_semaphore, #tpu.memory_space<semaphore_mem>> -> memref<!tpu.dma_semaphore, #tpu.memory_space<semaphore_mem>>
      tpu.wait_indirect_dma semaphore(%dma_wait3A_578 : memref<!tpu.dma_semaphore, #tpu.memory_space<semaphore_mem>>) src(%dma_wait3A_576 : memref<10000x16xf32, #tpu.memory_space<hbm>>) dst(%dma_wait3A_570 : memref<80x16xf32, #tpu.memory_space<vmem>>)
      %run_scoped3A_579 = arith.constant 7 : i32
      "tpu.region"() ({
        %run_scoped3A_1029 = tpu.sem_alloc : memref<!tpu.dma_semaphore, #tpu.memory_space<semaphore_mem>>
        %dma_start3A_1030 = arith.constant 0 : i32
        %dma_start3A_1031 = arith.constant 0 : i32
        %dma_start3A_1032 = tpu.memref_slice %arg9[%run_scoped3A_579, %dma_start3A_1030, %dma_start3A_1031] : memref<25x80x16xf32, #tpu.memory_space<vmem>> -> memref<1x80x16xf32, #tpu.memory_space<vmem>>
        %dma_start3A_1033 = tpu.memref_squeeze %dma_start3A_1032 : memref<1x80x16xf32, #tpu.memory_space<vmem>> -> memref<80x16xf32, #tpu.memory_space<vmem>>
        %dma_start3A_1034 = arith.constant 0 : i32
        %dma_start3A_1035 = tpu.memref_slice %arg8[%add3A_564, %dma_start3A_1034] : memref<125x80xi32, #tpu.memory_space<vmem>> -> memref<1x80xi32, #tpu.memory_space<vmem>>
        %dma_start3A_1036 = tpu.memref_squeeze %dma_start3A_1035 : memref<1x80xi32, #tpu.memory_space<vmem>> -> memref<80xi32, #tpu.memory_space<vmem>>
        %dma_start3A_1037 = arith.constant 0 : i32
        %dma_start3A_1038 = arith.constant 0 : i32
        %dma_start3A_1039 = tpu.memref_slice %arg10[%dma_start3A_1037, %dma_start3A_1038] : memref<10240x16xf32, #tpu.memory_space<vmem_shared>> -> memref<10240x16xf32, #tpu.memory_space<vmem_shared>>
        tpu.enqueue_indirect_dma source(%dma_start3A_1033 : memref<80x16xf32, #tpu.memory_space<vmem>>) target(%dma_start3A_1039 : memref<10240x16xf32, #tpu.memory_space<vmem_shared>>) offsets(%dma_start3A_1036 : memref<80xi32, #tpu.memory_space<vmem>>) semaphore(%run_scoped3A_1029 : memref<!tpu.dma_semaphore, #tpu.memory_space<semaphore_mem>>) {add = true}
        %dma_wait3A_1040 = arith.constant 0 : i32
        %dma_wait3A_1041 = arith.constant 0 : i32
        %dma_wait3A_1042 = tpu.memref_slice %arg9[%run_scoped3A_579, %dma_wait3A_1040, %dma_wait3A_1041] : memref<25x80x16xf32, #tpu.memory_space<vmem>> -> memref<1x80x16xf32, #tpu.memory_space<vmem>>
        %dma_wait3A_1043 = tpu.memref_squeeze %dma_wait3A_1042 : memref<1x80x16xf32, #tpu.memory_space<vmem>> -> memref<80x16xf32, #tpu.memory_space<vmem>>
        %dma_wait3A_1044 = arith.constant 0 : i32
        %dma_wait3A_1045 = tpu.memref_slice %arg8[%add3A_564, %dma_wait3A_1044] : memref<125x80xi32, #tpu.memory_space<vmem>> -> memref<1x80xi32, #tpu.memory_space<vmem>>
        %dma_wait3A_1046 = tpu.memref_squeeze %dma_wait3A_1045 : memref<1x80xi32, #tpu.memory_space<vmem>> -> memref<80xi32, #tpu.memory_space<vmem>>
        %dma_wait3A_1047 = arith.constant 0 : i32
        %dma_wait3A_1048 = arith.constant 0 : i32
        %dma_wait3A_1049 = tpu.memref_slice %arg10[%dma_wait3A_1047, %dma_wait3A_1048] : memref<10240x16xf32, #tpu.memory_space<vmem_shared>> -> memref<10240x16xf32, #tpu.memory_space<vmem_shared>>
        tpu.wait_indirect_dma semaphore(%run_scoped3A_1029 : memref<!tpu.dma_semaphore, #tpu.memory_space<semaphore_mem>>) src(%dma_wait3A_1043 : memref<80x16xf32, #tpu.memory_space<vmem>>) dst(%dma_wait3A_1049 : memref<10240x16xf32, #tpu.memory_space<vmem_shared>>)
        tpu.yield
      }) : () -> ()
      %add3A_580 = arith.constant 25 : i32
      %add3A_581 = arith.addi %add3A_564, %add3A_580 : i32
      %lt3A_582 = arith.constant 125 : i32
      %lt3A_583 = arith.cmpi slt, %add3A_581, %lt3A_582 : i32
      %convert_element_type3A_584 = arith.extui %lt3A_583 : i1 to i32
      %cond3A_585 = arith.constant 0 : i32
      %cond3A_586 = arith.cmpi ne, %convert_element_type3A_584, %cond3A_585 : i32
      scf.if %cond3A_586 {
        %dma_start3A_1029 = arith.constant 7 : i32
        %dma_start3A_1030 = arith.constant 7 : i32
        %dma_start3A_1031 = arith.constant 0 : i32
        %dma_start3A_1032 = arith.constant 0 : i32
        %dma_start3A_1033 = tpu.memref_slice %arg9[%dma_start3A_1029, %dma_start3A_1031, %dma_start3A_1032] : memref<25x80x16xf32, #tpu.memory_space<vmem>> -> memref<1x80x16xf32, #tpu.memory_space<vmem>>
        %dma_start3A_1034 = tpu.memref_squeeze %dma_start3A_1033 : memref<1x80x16xf32, #tpu.memory_space<vmem>> -> memref<80x16xf32, #tpu.memory_space<vmem>>
        %dma_start3A_1035 = arith.constant 0 : i32
        %dma_start3A_1036 = tpu.memref_slice %arg7[%add3A_581, %dma_start3A_1035] : memref<125x80xi32, #tpu.memory_space<vmem>> -> memref<1x80xi32, #tpu.memory_space<vmem>>
        %dma_start3A_1037 = tpu.memref_squeeze %dma_start3A_1036 : memref<1x80xi32, #tpu.memory_space<vmem>> -> memref<80xi32, #tpu.memory_space<vmem>>
        %dma_start3A_1038 = arith.constant 0 : i32
        %dma_start3A_1039 = arith.constant 0 : i32
        %dma_start3A_1040 = tpu.memref_slice %arg2[%dma_start3A_1038, %dma_start3A_1039] : memref<10000x16xf32, #tpu.memory_space<hbm>> -> memref<10000x16xf32, #tpu.memory_space<hbm>>
        %dma_start3A_1041 = tpu.memref_slice %arg11[%dma_start3A_1030] : memref<25x!tpu.dma_semaphore, #tpu.memory_space<semaphore_mem>> -> memref<1x!tpu.dma_semaphore, #tpu.memory_space<semaphore_mem>>
        %dma_start3A_1042 = tpu.memref_squeeze %dma_start3A_1041 : memref<1x!tpu.dma_semaphore, #tpu.memory_space<semaphore_mem>> -> memref<!tpu.dma_semaphore, #tpu.memory_space<semaphore_mem>>
        tpu.enqueue_indirect_dma source(%dma_start3A_1040 : memref<10000x16xf32, #tpu.memory_space<hbm>>) target(%dma_start3A_1034 : memref<80x16xf32, #tpu.memory_space<vmem>>) offsets(%dma_start3A_1037 : memref<80xi32, #tpu.memory_space<vmem>>) semaphore(%dma_start3A_1042 : memref<!tpu.dma_semaphore, #tpu.memory_space<semaphore_mem>>)
      } else {
      }
      %mul3A_587 = arith.constant 25 : i32
      %mul3A_588 = arith.muli %scan3A_383, %mul3A_587 : i32
      %add3A_589 = arith.constant 8 : i32
      %add3A_590 = arith.addi %mul3A_588, %add3A_589 : i32
      %dma_wait3A_591 = arith.constant 8 : i32
      %dma_wait3A_592 = arith.constant 8 : i32
      %dma_wait3A_593 = arith.constant 0 : i32
      %dma_wait3A_594 = arith.constant 0 : i32
      %dma_wait3A_595 = tpu.memref_slice %arg9[%dma_wait3A_591, %dma_wait3A_593, %dma_wait3A_594] : memref<25x80x16xf32, #tpu.memory_space<vmem>> -> memref<1x80x16xf32, #tpu.memory_space<vmem>>
      %dma_wait3A_596 = tpu.memref_squeeze %dma_wait3A_595 : memref<1x80x16xf32, #tpu.memory_space<vmem>> -> memref<80x16xf32, #tpu.memory_space<vmem>>
      %dma_wait3A_597 = arith.constant 0 : i32
      %dma_wait3A_598 = tpu.memref_slice %arg7[%add3A_590, %dma_wait3A_597] : memref<125x80xi32, #tpu.memory_space<vmem>> -> memref<1x80xi32, #tpu.memory_space<vmem>>
      %dma_wait3A_599 = tpu.memref_squeeze %dma_wait3A_598 : memref<1x80xi32, #tpu.memory_space<vmem>> -> memref<80xi32, #tpu.memory_space<vmem>>
      %dma_wait3A_600 = arith.constant 0 : i32
      %dma_wait3A_601 = arith.constant 0 : i32
      %dma_wait3A_602 = tpu.memref_slice %arg2[%dma_wait3A_600, %dma_wait3A_601] : memref<10000x16xf32, #tpu.memory_space<hbm>> -> memref<10000x16xf32, #tpu.memory_space<hbm>>
      %dma_wait3A_603 = tpu.memref_slice %arg11[%dma_wait3A_592] : memref<25x!tpu.dma_semaphore, #tpu.memory_space<semaphore_mem>> -> memref<1x!tpu.dma_semaphore, #tpu.memory_space<semaphore_mem>>
      %dma_wait3A_604 = tpu.memref_squeeze %dma_wait3A_603 : memref<1x!tpu.dma_semaphore, #tpu.memory_space<semaphore_mem>> -> memref<!tpu.dma_semaphore, #tpu.memory_space<semaphore_mem>>
      tpu.wait_indirect_dma semaphore(%dma_wait3A_604 : memref<!tpu.dma_semaphore, #tpu.memory_space<semaphore_mem>>) src(%dma_wait3A_602 : memref<10000x16xf32, #tpu.memory_space<hbm>>) dst(%dma_wait3A_596 : memref<80x16xf32, #tpu.memory_space<vmem>>)
      %run_scoped3A_605 = arith.constant 8 : i32
      "tpu.region"() ({
        %run_scoped3A_1029 = tpu.sem_alloc : memref<!tpu.dma_semaphore, #tpu.memory_space<semaphore_mem>>
        %dma_start3A_1030 = arith.constant 0 : i32
        %dma_start3A_1031 = arith.constant 0 : i32
        %dma_start3A_1032 = tpu.memref_slice %arg9[%run_scoped3A_605, %dma_start3A_1030, %dma_start3A_1031] : memref<25x80x16xf32, #tpu.memory_space<vmem>> -> memref<1x80x16xf32, #tpu.memory_space<vmem>>
        %dma_start3A_1033 = tpu.memref_squeeze %dma_start3A_1032 : memref<1x80x16xf32, #tpu.memory_space<vmem>> -> memref<80x16xf32, #tpu.memory_space<vmem>>
        %dma_start3A_1034 = arith.constant 0 : i32
        %dma_start3A_1035 = tpu.memref_slice %arg8[%add3A_590, %dma_start3A_1034] : memref<125x80xi32, #tpu.memory_space<vmem>> -> memref<1x80xi32, #tpu.memory_space<vmem>>
        %dma_start3A_1036 = tpu.memref_squeeze %dma_start3A_1035 : memref<1x80xi32, #tpu.memory_space<vmem>> -> memref<80xi32, #tpu.memory_space<vmem>>
        %dma_start3A_1037 = arith.constant 0 : i32
        %dma_start3A_1038 = arith.constant 0 : i32
        %dma_start3A_1039 = tpu.memref_slice %arg10[%dma_start3A_1037, %dma_start3A_1038] : memref<10240x16xf32, #tpu.memory_space<vmem_shared>> -> memref<10240x16xf32, #tpu.memory_space<vmem_shared>>
        tpu.enqueue_indirect_dma source(%dma_start3A_1033 : memref<80x16xf32, #tpu.memory_space<vmem>>) target(%dma_start3A_1039 : memref<10240x16xf32, #tpu.memory_space<vmem_shared>>) offsets(%dma_start3A_1036 : memref<80xi32, #tpu.memory_space<vmem>>) semaphore(%run_scoped3A_1029 : memref<!tpu.dma_semaphore, #tpu.memory_space<semaphore_mem>>) {add = true}
        %dma_wait3A_1040 = arith.constant 0 : i32
        %dma_wait3A_1041 = arith.constant 0 : i32
        %dma_wait3A_1042 = tpu.memref_slice %arg9[%run_scoped3A_605, %dma_wait3A_1040, %dma_wait3A_1041] : memref<25x80x16xf32, #tpu.memory_space<vmem>> -> memref<1x80x16xf32, #tpu.memory_space<vmem>>
        %dma_wait3A_1043 = tpu.memref_squeeze %dma_wait3A_1042 : memref<1x80x16xf32, #tpu.memory_space<vmem>> -> memref<80x16xf32, #tpu.memory_space<vmem>>
        %dma_wait3A_1044 = arith.constant 0 : i32
        %dma_wait3A_1045 = tpu.memref_slice %arg8[%add3A_590, %dma_wait3A_1044] : memref<125x80xi32, #tpu.memory_space<vmem>> -> memref<1x80xi32, #tpu.memory_space<vmem>>
        %dma_wait3A_1046 = tpu.memref_squeeze %dma_wait3A_1045 : memref<1x80xi32, #tpu.memory_space<vmem>> -> memref<80xi32, #tpu.memory_space<vmem>>
        %dma_wait3A_1047 = arith.constant 0 : i32
        %dma_wait3A_1048 = arith.constant 0 : i32
        %dma_wait3A_1049 = tpu.memref_slice %arg10[%dma_wait3A_1047, %dma_wait3A_1048] : memref<10240x16xf32, #tpu.memory_space<vmem_shared>> -> memref<10240x16xf32, #tpu.memory_space<vmem_shared>>
        tpu.wait_indirect_dma semaphore(%run_scoped3A_1029 : memref<!tpu.dma_semaphore, #tpu.memory_space<semaphore_mem>>) src(%dma_wait3A_1043 : memref<80x16xf32, #tpu.memory_space<vmem>>) dst(%dma_wait3A_1049 : memref<10240x16xf32, #tpu.memory_space<vmem_shared>>)
        tpu.yield
      }) : () -> ()
      %add3A_606 = arith.constant 25 : i32
      %add3A_607 = arith.addi %add3A_590, %add3A_606 : i32
      %lt3A_608 = arith.constant 125 : i32
      %lt3A_609 = arith.cmpi slt, %add3A_607, %lt3A_608 : i32
      %convert_element_type3A_610 = arith.extui %lt3A_609 : i1 to i32
      %cond3A_611 = arith.constant 0 : i32
      %cond3A_612 = arith.cmpi ne, %convert_element_type3A_610, %cond3A_611 : i32
      scf.if %cond3A_612 {
        %dma_start3A_1029 = arith.constant 8 : i32
        %dma_start3A_1030 = arith.constant 8 : i32
        %dma_start3A_1031 = arith.constant 0 : i32
        %dma_start3A_1032 = arith.constant 0 : i32
        %dma_start3A_1033 = tpu.memref_slice %arg9[%dma_start3A_1029, %dma_start3A_1031, %dma_start3A_1032] : memref<25x80x16xf32, #tpu.memory_space<vmem>> -> memref<1x80x16xf32, #tpu.memory_space<vmem>>
        %dma_start3A_1034 = tpu.memref_squeeze %dma_start3A_1033 : memref<1x80x16xf32, #tpu.memory_space<vmem>> -> memref<80x16xf32, #tpu.memory_space<vmem>>
        %dma_start3A_1035 = arith.constant 0 : i32
        %dma_start3A_1036 = tpu.memref_slice %arg7[%add3A_607, %dma_start3A_1035] : memref<125x80xi32, #tpu.memory_space<vmem>> -> memref<1x80xi32, #tpu.memory_space<vmem>>
        %dma_start3A_1037 = tpu.memref_squeeze %dma_start3A_1036 : memref<1x80xi32, #tpu.memory_space<vmem>> -> memref<80xi32, #tpu.memory_space<vmem>>
        %dma_start3A_1038 = arith.constant 0 : i32
        %dma_start3A_1039 = arith.constant 0 : i32
        %dma_start3A_1040 = tpu.memref_slice %arg2[%dma_start3A_1038, %dma_start3A_1039] : memref<10000x16xf32, #tpu.memory_space<hbm>> -> memref<10000x16xf32, #tpu.memory_space<hbm>>
        %dma_start3A_1041 = tpu.memref_slice %arg11[%dma_start3A_1030] : memref<25x!tpu.dma_semaphore, #tpu.memory_space<semaphore_mem>> -> memref<1x!tpu.dma_semaphore, #tpu.memory_space<semaphore_mem>>
        %dma_start3A_1042 = tpu.memref_squeeze %dma_start3A_1041 : memref<1x!tpu.dma_semaphore, #tpu.memory_space<semaphore_mem>> -> memref<!tpu.dma_semaphore, #tpu.memory_space<semaphore_mem>>
        tpu.enqueue_indirect_dma source(%dma_start3A_1040 : memref<10000x16xf32, #tpu.memory_space<hbm>>) target(%dma_start3A_1034 : memref<80x16xf32, #tpu.memory_space<vmem>>) offsets(%dma_start3A_1037 : memref<80xi32, #tpu.memory_space<vmem>>) semaphore(%dma_start3A_1042 : memref<!tpu.dma_semaphore, #tpu.memory_space<semaphore_mem>>)
      } else {
      }
      %mul3A_613 = arith.constant 25 : i32
      %mul3A_614 = arith.muli %scan3A_383, %mul3A_613 : i32
      %add3A_615 = arith.constant 9 : i32
      %add3A_616 = arith.addi %mul3A_614, %add3A_615 : i32
      %dma_wait3A_617 = arith.constant 9 : i32
      %dma_wait3A_618 = arith.constant 9 : i32
      %dma_wait3A_619 = arith.constant 0 : i32
      %dma_wait3A_620 = arith.constant 0 : i32
      %dma_wait3A_621 = tpu.memref_slice %arg9[%dma_wait3A_617, %dma_wait3A_619, %dma_wait3A_620] : memref<25x80x16xf32, #tpu.memory_space<vmem>> -> memref<1x80x16xf32, #tpu.memory_space<vmem>>
      %dma_wait3A_622 = tpu.memref_squeeze %dma_wait3A_621 : memref<1x80x16xf32, #tpu.memory_space<vmem>> -> memref<80x16xf32, #tpu.memory_space<vmem>>
      %dma_wait3A_623 = arith.constant 0 : i32
      %dma_wait3A_624 = tpu.memref_slice %arg7[%add3A_616, %dma_wait3A_623] : memref<125x80xi32, #tpu.memory_space<vmem>> -> memref<1x80xi32, #tpu.memory_space<vmem>>
      %dma_wait3A_625 = tpu.memref_squeeze %dma_wait3A_624 : memref<1x80xi32, #tpu.memory_space<vmem>> -> memref<80xi32, #tpu.memory_space<vmem>>
      %dma_wait3A_626 = arith.constant 0 : i32
      %dma_wait3A_627 = arith.constant 0 : i32
      %dma_wait3A_628 = tpu.memref_slice %arg2[%dma_wait3A_626, %dma_wait3A_627] : memref<10000x16xf32, #tpu.memory_space<hbm>> -> memref<10000x16xf32, #tpu.memory_space<hbm>>
      %dma_wait3A_629 = tpu.memref_slice %arg11[%dma_wait3A_618] : memref<25x!tpu.dma_semaphore, #tpu.memory_space<semaphore_mem>> -> memref<1x!tpu.dma_semaphore, #tpu.memory_space<semaphore_mem>>
      %dma_wait3A_630 = tpu.memref_squeeze %dma_wait3A_629 : memref<1x!tpu.dma_semaphore, #tpu.memory_space<semaphore_mem>> -> memref<!tpu.dma_semaphore, #tpu.memory_space<semaphore_mem>>
      tpu.wait_indirect_dma semaphore(%dma_wait3A_630 : memref<!tpu.dma_semaphore, #tpu.memory_space<semaphore_mem>>) src(%dma_wait3A_628 : memref<10000x16xf32, #tpu.memory_space<hbm>>) dst(%dma_wait3A_622 : memref<80x16xf32, #tpu.memory_space<vmem>>)
      %run_scoped3A_631 = arith.constant 9 : i32
      "tpu.region"() ({
        %run_scoped3A_1029 = tpu.sem_alloc : memref<!tpu.dma_semaphore, #tpu.memory_space<semaphore_mem>>
        %dma_start3A_1030 = arith.constant 0 : i32
        %dma_start3A_1031 = arith.constant 0 : i32
        %dma_start3A_1032 = tpu.memref_slice %arg9[%run_scoped3A_631, %dma_start3A_1030, %dma_start3A_1031] : memref<25x80x16xf32, #tpu.memory_space<vmem>> -> memref<1x80x16xf32, #tpu.memory_space<vmem>>
        %dma_start3A_1033 = tpu.memref_squeeze %dma_start3A_1032 : memref<1x80x16xf32, #tpu.memory_space<vmem>> -> memref<80x16xf32, #tpu.memory_space<vmem>>
        %dma_start3A_1034 = arith.constant 0 : i32
        %dma_start3A_1035 = tpu.memref_slice %arg8[%add3A_616, %dma_start3A_1034] : memref<125x80xi32, #tpu.memory_space<vmem>> -> memref<1x80xi32, #tpu.memory_space<vmem>>
        %dma_start3A_1036 = tpu.memref_squeeze %dma_start3A_1035 : memref<1x80xi32, #tpu.memory_space<vmem>> -> memref<80xi32, #tpu.memory_space<vmem>>
        %dma_start3A_1037 = arith.constant 0 : i32
        %dma_start3A_1038 = arith.constant 0 : i32
        %dma_start3A_1039 = tpu.memref_slice %arg10[%dma_start3A_1037, %dma_start3A_1038] : memref<10240x16xf32, #tpu.memory_space<vmem_shared>> -> memref<10240x16xf32, #tpu.memory_space<vmem_shared>>
        tpu.enqueue_indirect_dma source(%dma_start3A_1033 : memref<80x16xf32, #tpu.memory_space<vmem>>) target(%dma_start3A_1039 : memref<10240x16xf32, #tpu.memory_space<vmem_shared>>) offsets(%dma_start3A_1036 : memref<80xi32, #tpu.memory_space<vmem>>) semaphore(%run_scoped3A_1029 : memref<!tpu.dma_semaphore, #tpu.memory_space<semaphore_mem>>) {add = true}
        %dma_wait3A_1040 = arith.constant 0 : i32
        %dma_wait3A_1041 = arith.constant 0 : i32
        %dma_wait3A_1042 = tpu.memref_slice %arg9[%run_scoped3A_631, %dma_wait3A_1040, %dma_wait3A_1041] : memref<25x80x16xf32, #tpu.memory_space<vmem>> -> memref<1x80x16xf32, #tpu.memory_space<vmem>>
        %dma_wait3A_1043 = tpu.memref_squeeze %dma_wait3A_1042 : memref<1x80x16xf32, #tpu.memory_space<vmem>> -> memref<80x16xf32, #tpu.memory_space<vmem>>
        %dma_wait3A_1044 = arith.constant 0 : i32
        %dma_wait3A_1045 = tpu.memref_slice %arg8[%add3A_616, %dma_wait3A_1044] : memref<125x80xi32, #tpu.memory_space<vmem>> -> memref<1x80xi32, #tpu.memory_space<vmem>>
        %dma_wait3A_1046 = tpu.memref_squeeze %dma_wait3A_1045 : memref<1x80xi32, #tpu.memory_space<vmem>> -> memref<80xi32, #tpu.memory_space<vmem>>
        %dma_wait3A_1047 = arith.constant 0 : i32
        %dma_wait3A_1048 = arith.constant 0 : i32
        %dma_wait3A_1049 = tpu.memref_slice %arg10[%dma_wait3A_1047, %dma_wait3A_1048] : memref<10240x16xf32, #tpu.memory_space<vmem_shared>> -> memref<10240x16xf32, #tpu.memory_space<vmem_shared>>
        tpu.wait_indirect_dma semaphore(%run_scoped3A_1029 : memref<!tpu.dma_semaphore, #tpu.memory_space<semaphore_mem>>) src(%dma_wait3A_1043 : memref<80x16xf32, #tpu.memory_space<vmem>>) dst(%dma_wait3A_1049 : memref<10240x16xf32, #tpu.memory_space<vmem_shared>>)
        tpu.yield
      }) : () -> ()
      %add3A_632 = arith.constant 25 : i32
      %add3A_633 = arith.addi %add3A_616, %add3A_632 : i32
      %lt3A_634 = arith.constant 125 : i32
      %lt3A_635 = arith.cmpi slt, %add3A_633, %lt3A_634 : i32
      %convert_element_type3A_636 = arith.extui %lt3A_635 : i1 to i32
      %cond3A_637 = arith.constant 0 : i32
      %cond3A_638 = arith.cmpi ne, %convert_element_type3A_636, %cond3A_637 : i32
      scf.if %cond3A_638 {
        %dma_start3A_1029 = arith.constant 9 : i32
        %dma_start3A_1030 = arith.constant 9 : i32
        %dma_start3A_1031 = arith.constant 0 : i32
        %dma_start3A_1032 = arith.constant 0 : i32
        %dma_start3A_1033 = tpu.memref_slice %arg9[%dma_start3A_1029, %dma_start3A_1031, %dma_start3A_1032] : memref<25x80x16xf32, #tpu.memory_space<vmem>> -> memref<1x80x16xf32, #tpu.memory_space<vmem>>
        %dma_start3A_1034 = tpu.memref_squeeze %dma_start3A_1033 : memref<1x80x16xf32, #tpu.memory_space<vmem>> -> memref<80x16xf32, #tpu.memory_space<vmem>>
        %dma_start3A_1035 = arith.constant 0 : i32
        %dma_start3A_1036 = tpu.memref_slice %arg7[%add3A_633, %dma_start3A_1035] : memref<125x80xi32, #tpu.memory_space<vmem>> -> memref<1x80xi32, #tpu.memory_space<vmem>>
        %dma_start3A_1037 = tpu.memref_squeeze %dma_start3A_1036 : memref<1x80xi32, #tpu.memory_space<vmem>> -> memref<80xi32, #tpu.memory_space<vmem>>
        %dma_start3A_1038 = arith.constant 0 : i32
        %dma_start3A_1039 = arith.constant 0 : i32
        %dma_start3A_1040 = tpu.memref_slice %arg2[%dma_start3A_1038, %dma_start3A_1039] : memref<10000x16xf32, #tpu.memory_space<hbm>> -> memref<10000x16xf32, #tpu.memory_space<hbm>>
        %dma_start3A_1041 = tpu.memref_slice %arg11[%dma_start3A_1030] : memref<25x!tpu.dma_semaphore, #tpu.memory_space<semaphore_mem>> -> memref<1x!tpu.dma_semaphore, #tpu.memory_space<semaphore_mem>>
        %dma_start3A_1042 = tpu.memref_squeeze %dma_start3A_1041 : memref<1x!tpu.dma_semaphore, #tpu.memory_space<semaphore_mem>> -> memref<!tpu.dma_semaphore, #tpu.memory_space<semaphore_mem>>
        tpu.enqueue_indirect_dma source(%dma_start3A_1040 : memref<10000x16xf32, #tpu.memory_space<hbm>>) target(%dma_start3A_1034 : memref<80x16xf32, #tpu.memory_space<vmem>>) offsets(%dma_start3A_1037 : memref<80xi32, #tpu.memory_space<vmem>>) semaphore(%dma_start3A_1042 : memref<!tpu.dma_semaphore, #tpu.memory_space<semaphore_mem>>)
      } else {
      }
      %mul3A_639 = arith.constant 25 : i32
      %mul3A_640 = arith.muli %scan3A_383, %mul3A_639 : i32
      %add3A_641 = arith.constant 10 : i32
      %add3A_642 = arith.addi %mul3A_640, %add3A_641 : i32
      %dma_wait3A_643 = arith.constant 10 : i32
      %dma_wait3A_644 = arith.constant 10 : i32
      %dma_wait3A_645 = arith.constant 0 : i32
      %dma_wait3A_646 = arith.constant 0 : i32
      %dma_wait3A_647 = tpu.memref_slice %arg9[%dma_wait3A_643, %dma_wait3A_645, %dma_wait3A_646] : memref<25x80x16xf32, #tpu.memory_space<vmem>> -> memref<1x80x16xf32, #tpu.memory_space<vmem>>
      %dma_wait3A_648 = tpu.memref_squeeze %dma_wait3A_647 : memref<1x80x16xf32, #tpu.memory_space<vmem>> -> memref<80x16xf32, #tpu.memory_space<vmem>>
      %dma_wait3A_649 = arith.constant 0 : i32
      %dma_wait3A_650 = tpu.memref_slice %arg7[%add3A_642, %dma_wait3A_649] : memref<125x80xi32, #tpu.memory_space<vmem>> -> memref<1x80xi32, #tpu.memory_space<vmem>>
      %dma_wait3A_651 = tpu.memref_squeeze %dma_wait3A_650 : memref<1x80xi32, #tpu.memory_space<vmem>> -> memref<80xi32, #tpu.memory_space<vmem>>
      %dma_wait3A_652 = arith.constant 0 : i32
      %dma_wait3A_653 = arith.constant 0 : i32
      %dma_wait3A_654 = tpu.memref_slice %arg2[%dma_wait3A_652, %dma_wait3A_653] : memref<10000x16xf32, #tpu.memory_space<hbm>> -> memref<10000x16xf32, #tpu.memory_space<hbm>>
      %dma_wait3A_655 = tpu.memref_slice %arg11[%dma_wait3A_644] : memref<25x!tpu.dma_semaphore, #tpu.memory_space<semaphore_mem>> -> memref<1x!tpu.dma_semaphore, #tpu.memory_space<semaphore_mem>>
      %dma_wait3A_656 = tpu.memref_squeeze %dma_wait3A_655 : memref<1x!tpu.dma_semaphore, #tpu.memory_space<semaphore_mem>> -> memref<!tpu.dma_semaphore, #tpu.memory_space<semaphore_mem>>
      tpu.wait_indirect_dma semaphore(%dma_wait3A_656 : memref<!tpu.dma_semaphore, #tpu.memory_space<semaphore_mem>>) src(%dma_wait3A_654 : memref<10000x16xf32, #tpu.memory_space<hbm>>) dst(%dma_wait3A_648 : memref<80x16xf32, #tpu.memory_space<vmem>>)
      %run_scoped3A_657 = arith.constant 10 : i32
      "tpu.region"() ({
        %run_scoped3A_1029 = tpu.sem_alloc : memref<!tpu.dma_semaphore, #tpu.memory_space<semaphore_mem>>
        %dma_start3A_1030 = arith.constant 0 : i32
        %dma_start3A_1031 = arith.constant 0 : i32
        %dma_start3A_1032 = tpu.memref_slice %arg9[%run_scoped3A_657, %dma_start3A_1030, %dma_start3A_1031] : memref<25x80x16xf32, #tpu.memory_space<vmem>> -> memref<1x80x16xf32, #tpu.memory_space<vmem>>
        %dma_start3A_1033 = tpu.memref_squeeze %dma_start3A_1032 : memref<1x80x16xf32, #tpu.memory_space<vmem>> -> memref<80x16xf32, #tpu.memory_space<vmem>>
        %dma_start3A_1034 = arith.constant 0 : i32
        %dma_start3A_1035 = tpu.memref_slice %arg8[%add3A_642, %dma_start3A_1034] : memref<125x80xi32, #tpu.memory_space<vmem>> -> memref<1x80xi32, #tpu.memory_space<vmem>>
        %dma_start3A_1036 = tpu.memref_squeeze %dma_start3A_1035 : memref<1x80xi32, #tpu.memory_space<vmem>> -> memref<80xi32, #tpu.memory_space<vmem>>
        %dma_start3A_1037 = arith.constant 0 : i32
        %dma_start3A_1038 = arith.constant 0 : i32
        %dma_start3A_1039 = tpu.memref_slice %arg10[%dma_start3A_1037, %dma_start3A_1038] : memref<10240x16xf32, #tpu.memory_space<vmem_shared>> -> memref<10240x16xf32, #tpu.memory_space<vmem_shared>>
        tpu.enqueue_indirect_dma source(%dma_start3A_1033 : memref<80x16xf32, #tpu.memory_space<vmem>>) target(%dma_start3A_1039 : memref<10240x16xf32, #tpu.memory_space<vmem_shared>>) offsets(%dma_start3A_1036 : memref<80xi32, #tpu.memory_space<vmem>>) semaphore(%run_scoped3A_1029 : memref<!tpu.dma_semaphore, #tpu.memory_space<semaphore_mem>>) {add = true}
        %dma_wait3A_1040 = arith.constant 0 : i32
        %dma_wait3A_1041 = arith.constant 0 : i32
        %dma_wait3A_1042 = tpu.memref_slice %arg9[%run_scoped3A_657, %dma_wait3A_1040, %dma_wait3A_1041] : memref<25x80x16xf32, #tpu.memory_space<vmem>> -> memref<1x80x16xf32, #tpu.memory_space<vmem>>
        %dma_wait3A_1043 = tpu.memref_squeeze %dma_wait3A_1042 : memref<1x80x16xf32, #tpu.memory_space<vmem>> -> memref<80x16xf32, #tpu.memory_space<vmem>>
        %dma_wait3A_1044 = arith.constant 0 : i32
        %dma_wait3A_1045 = tpu.memref_slice %arg8[%add3A_642, %dma_wait3A_1044] : memref<125x80xi32, #tpu.memory_space<vmem>> -> memref<1x80xi32, #tpu.memory_space<vmem>>
        %dma_wait3A_1046 = tpu.memref_squeeze %dma_wait3A_1045 : memref<1x80xi32, #tpu.memory_space<vmem>> -> memref<80xi32, #tpu.memory_space<vmem>>
        %dma_wait3A_1047 = arith.constant 0 : i32
        %dma_wait3A_1048 = arith.constant 0 : i32
        %dma_wait3A_1049 = tpu.memref_slice %arg10[%dma_wait3A_1047, %dma_wait3A_1048] : memref<10240x16xf32, #tpu.memory_space<vmem_shared>> -> memref<10240x16xf32, #tpu.memory_space<vmem_shared>>
        tpu.wait_indirect_dma semaphore(%run_scoped3A_1029 : memref<!tpu.dma_semaphore, #tpu.memory_space<semaphore_mem>>) src(%dma_wait3A_1043 : memref<80x16xf32, #tpu.memory_space<vmem>>) dst(%dma_wait3A_1049 : memref<10240x16xf32, #tpu.memory_space<vmem_shared>>)
        tpu.yield
      }) : () -> ()
      %add3A_658 = arith.constant 25 : i32
      %add3A_659 = arith.addi %add3A_642, %add3A_658 : i32
      %lt3A_660 = arith.constant 125 : i32
      %lt3A_661 = arith.cmpi slt, %add3A_659, %lt3A_660 : i32
      %convert_element_type3A_662 = arith.extui %lt3A_661 : i1 to i32
      %cond3A_663 = arith.constant 0 : i32
      %cond3A_664 = arith.cmpi ne, %convert_element_type3A_662, %cond3A_663 : i32
      scf.if %cond3A_664 {
        %dma_start3A_1029 = arith.constant 10 : i32
        %dma_start3A_1030 = arith.constant 10 : i32
        %dma_start3A_1031 = arith.constant 0 : i32
        %dma_start3A_1032 = arith.constant 0 : i32
        %dma_start3A_1033 = tpu.memref_slice %arg9[%dma_start3A_1029, %dma_start3A_1031, %dma_start3A_1032] : memref<25x80x16xf32, #tpu.memory_space<vmem>> -> memref<1x80x16xf32, #tpu.memory_space<vmem>>
        %dma_start3A_1034 = tpu.memref_squeeze %dma_start3A_1033 : memref<1x80x16xf32, #tpu.memory_space<vmem>> -> memref<80x16xf32, #tpu.memory_space<vmem>>
        %dma_start3A_1035 = arith.constant 0 : i32
        %dma_start3A_1036 = tpu.memref_slice %arg7[%add3A_659, %dma_start3A_1035] : memref<125x80xi32, #tpu.memory_space<vmem>> -> memref<1x80xi32, #tpu.memory_space<vmem>>
        %dma_start3A_1037 = tpu.memref_squeeze %dma_start3A_1036 : memref<1x80xi32, #tpu.memory_space<vmem>> -> memref<80xi32, #tpu.memory_space<vmem>>
        %dma_start3A_1038 = arith.constant 0 : i32
        %dma_start3A_1039 = arith.constant 0 : i32
        %dma_start3A_1040 = tpu.memref_slice %arg2[%dma_start3A_1038, %dma_start3A_1039] : memref<10000x16xf32, #tpu.memory_space<hbm>> -> memref<10000x16xf32, #tpu.memory_space<hbm>>
        %dma_start3A_1041 = tpu.memref_slice %arg11[%dma_start3A_1030] : memref<25x!tpu.dma_semaphore, #tpu.memory_space<semaphore_mem>> -> memref<1x!tpu.dma_semaphore, #tpu.memory_space<semaphore_mem>>
        %dma_start3A_1042 = tpu.memref_squeeze %dma_start3A_1041 : memref<1x!tpu.dma_semaphore, #tpu.memory_space<semaphore_mem>> -> memref<!tpu.dma_semaphore, #tpu.memory_space<semaphore_mem>>
        tpu.enqueue_indirect_dma source(%dma_start3A_1040 : memref<10000x16xf32, #tpu.memory_space<hbm>>) target(%dma_start3A_1034 : memref<80x16xf32, #tpu.memory_space<vmem>>) offsets(%dma_start3A_1037 : memref<80xi32, #tpu.memory_space<vmem>>) semaphore(%dma_start3A_1042 : memref<!tpu.dma_semaphore, #tpu.memory_space<semaphore_mem>>)
      } else {
      }
      %mul3A_665 = arith.constant 25 : i32
      %mul3A_666 = arith.muli %scan3A_383, %mul3A_665 : i32
      %add3A_667 = arith.constant 11 : i32
      %add3A_668 = arith.addi %mul3A_666, %add3A_667 : i32
      %dma_wait3A_669 = arith.constant 11 : i32
      %dma_wait3A_670 = arith.constant 11 : i32
      %dma_wait3A_671 = arith.constant 0 : i32
      %dma_wait3A_672 = arith.constant 0 : i32
      %dma_wait3A_673 = tpu.memref_slice %arg9[%dma_wait3A_669, %dma_wait3A_671, %dma_wait3A_672] : memref<25x80x16xf32, #tpu.memory_space<vmem>> -> memref<1x80x16xf32, #tpu.memory_space<vmem>>
      %dma_wait3A_674 = tpu.memref_squeeze %dma_wait3A_673 : memref<1x80x16xf32, #tpu.memory_space<vmem>> -> memref<80x16xf32, #tpu.memory_space<vmem>>
      %dma_wait3A_675 = arith.constant 0 : i32
      %dma_wait3A_676 = tpu.memref_slice %arg7[%add3A_668, %dma_wait3A_675] : memref<125x80xi32, #tpu.memory_space<vmem>> -> memref<1x80xi32, #tpu.memory_space<vmem>>
      %dma_wait3A_677 = tpu.memref_squeeze %dma_wait3A_676 : memref<1x80xi32, #tpu.memory_space<vmem>> -> memref<80xi32, #tpu.memory_space<vmem>>
      %dma_wait3A_678 = arith.constant 0 : i32
      %dma_wait3A_679 = arith.constant 0 : i32
      %dma_wait3A_680 = tpu.memref_slice %arg2[%dma_wait3A_678, %dma_wait3A_679] : memref<10000x16xf32, #tpu.memory_space<hbm>> -> memref<10000x16xf32, #tpu.memory_space<hbm>>
      %dma_wait3A_681 = tpu.memref_slice %arg11[%dma_wait3A_670] : memref<25x!tpu.dma_semaphore, #tpu.memory_space<semaphore_mem>> -> memref<1x!tpu.dma_semaphore, #tpu.memory_space<semaphore_mem>>
      %dma_wait3A_682 = tpu.memref_squeeze %dma_wait3A_681 : memref<1x!tpu.dma_semaphore, #tpu.memory_space<semaphore_mem>> -> memref<!tpu.dma_semaphore, #tpu.memory_space<semaphore_mem>>
      tpu.wait_indirect_dma semaphore(%dma_wait3A_682 : memref<!tpu.dma_semaphore, #tpu.memory_space<semaphore_mem>>) src(%dma_wait3A_680 : memref<10000x16xf32, #tpu.memory_space<hbm>>) dst(%dma_wait3A_674 : memref<80x16xf32, #tpu.memory_space<vmem>>)
      %run_scoped3A_683 = arith.constant 11 : i32
      "tpu.region"() ({
        %run_scoped3A_1029 = tpu.sem_alloc : memref<!tpu.dma_semaphore, #tpu.memory_space<semaphore_mem>>
        %dma_start3A_1030 = arith.constant 0 : i32
        %dma_start3A_1031 = arith.constant 0 : i32
        %dma_start3A_1032 = tpu.memref_slice %arg9[%run_scoped3A_683, %dma_start3A_1030, %dma_start3A_1031] : memref<25x80x16xf32, #tpu.memory_space<vmem>> -> memref<1x80x16xf32, #tpu.memory_space<vmem>>
        %dma_start3A_1033 = tpu.memref_squeeze %dma_start3A_1032 : memref<1x80x16xf32, #tpu.memory_space<vmem>> -> memref<80x16xf32, #tpu.memory_space<vmem>>
        %dma_start3A_1034 = arith.constant 0 : i32
        %dma_start3A_1035 = tpu.memref_slice %arg8[%add3A_668, %dma_start3A_1034] : memref<125x80xi32, #tpu.memory_space<vmem>> -> memref<1x80xi32, #tpu.memory_space<vmem>>
        %dma_start3A_1036 = tpu.memref_squeeze %dma_start3A_1035 : memref<1x80xi32, #tpu.memory_space<vmem>> -> memref<80xi32, #tpu.memory_space<vmem>>
        %dma_start3A_1037 = arith.constant 0 : i32
        %dma_start3A_1038 = arith.constant 0 : i32
        %dma_start3A_1039 = tpu.memref_slice %arg10[%dma_start3A_1037, %dma_start3A_1038] : memref<10240x16xf32, #tpu.memory_space<vmem_shared>> -> memref<10240x16xf32, #tpu.memory_space<vmem_shared>>
        tpu.enqueue_indirect_dma source(%dma_start3A_1033 : memref<80x16xf32, #tpu.memory_space<vmem>>) target(%dma_start3A_1039 : memref<10240x16xf32, #tpu.memory_space<vmem_shared>>) offsets(%dma_start3A_1036 : memref<80xi32, #tpu.memory_space<vmem>>) semaphore(%run_scoped3A_1029 : memref<!tpu.dma_semaphore, #tpu.memory_space<semaphore_mem>>) {add = true}
        %dma_wait3A_1040 = arith.constant 0 : i32
        %dma_wait3A_1041 = arith.constant 0 : i32
        %dma_wait3A_1042 = tpu.memref_slice %arg9[%run_scoped3A_683, %dma_wait3A_1040, %dma_wait3A_1041] : memref<25x80x16xf32, #tpu.memory_space<vmem>> -> memref<1x80x16xf32, #tpu.memory_space<vmem>>
        %dma_wait3A_1043 = tpu.memref_squeeze %dma_wait3A_1042 : memref<1x80x16xf32, #tpu.memory_space<vmem>> -> memref<80x16xf32, #tpu.memory_space<vmem>>
        %dma_wait3A_1044 = arith.constant 0 : i32
        %dma_wait3A_1045 = tpu.memref_slice %arg8[%add3A_668, %dma_wait3A_1044] : memref<125x80xi32, #tpu.memory_space<vmem>> -> memref<1x80xi32, #tpu.memory_space<vmem>>
        %dma_wait3A_1046 = tpu.memref_squeeze %dma_wait3A_1045 : memref<1x80xi32, #tpu.memory_space<vmem>> -> memref<80xi32, #tpu.memory_space<vmem>>
        %dma_wait3A_1047 = arith.constant 0 : i32
        %dma_wait3A_1048 = arith.constant 0 : i32
        %dma_wait3A_1049 = tpu.memref_slice %arg10[%dma_wait3A_1047, %dma_wait3A_1048] : memref<10240x16xf32, #tpu.memory_space<vmem_shared>> -> memref<10240x16xf32, #tpu.memory_space<vmem_shared>>
        tpu.wait_indirect_dma semaphore(%run_scoped3A_1029 : memref<!tpu.dma_semaphore, #tpu.memory_space<semaphore_mem>>) src(%dma_wait3A_1043 : memref<80x16xf32, #tpu.memory_space<vmem>>) dst(%dma_wait3A_1049 : memref<10240x16xf32, #tpu.memory_space<vmem_shared>>)
        tpu.yield
      }) : () -> ()
      %add3A_684 = arith.constant 25 : i32
      %add3A_685 = arith.addi %add3A_668, %add3A_684 : i32
      %lt3A_686 = arith.constant 125 : i32
      %lt3A_687 = arith.cmpi slt, %add3A_685, %lt3A_686 : i32
      %convert_element_type3A_688 = arith.extui %lt3A_687 : i1 to i32
      %cond3A_689 = arith.constant 0 : i32
      %cond3A_690 = arith.cmpi ne, %convert_element_type3A_688, %cond3A_689 : i32
      scf.if %cond3A_690 {
        %dma_start3A_1029 = arith.constant 11 : i32
        %dma_start3A_1030 = arith.constant 11 : i32
        %dma_start3A_1031 = arith.constant 0 : i32
        %dma_start3A_1032 = arith.constant 0 : i32
        %dma_start3A_1033 = tpu.memref_slice %arg9[%dma_start3A_1029, %dma_start3A_1031, %dma_start3A_1032] : memref<25x80x16xf32, #tpu.memory_space<vmem>> -> memref<1x80x16xf32, #tpu.memory_space<vmem>>
        %dma_start3A_1034 = tpu.memref_squeeze %dma_start3A_1033 : memref<1x80x16xf32, #tpu.memory_space<vmem>> -> memref<80x16xf32, #tpu.memory_space<vmem>>
        %dma_start3A_1035 = arith.constant 0 : i32
        %dma_start3A_1036 = tpu.memref_slice %arg7[%add3A_685, %dma_start3A_1035] : memref<125x80xi32, #tpu.memory_space<vmem>> -> memref<1x80xi32, #tpu.memory_space<vmem>>
        %dma_start3A_1037 = tpu.memref_squeeze %dma_start3A_1036 : memref<1x80xi32, #tpu.memory_space<vmem>> -> memref<80xi32, #tpu.memory_space<vmem>>
        %dma_start3A_1038 = arith.constant 0 : i32
        %dma_start3A_1039 = arith.constant 0 : i32
        %dma_start3A_1040 = tpu.memref_slice %arg2[%dma_start3A_1038, %dma_start3A_1039] : memref<10000x16xf32, #tpu.memory_space<hbm>> -> memref<10000x16xf32, #tpu.memory_space<hbm>>
        %dma_start3A_1041 = tpu.memref_slice %arg11[%dma_start3A_1030] : memref<25x!tpu.dma_semaphore, #tpu.memory_space<semaphore_mem>> -> memref<1x!tpu.dma_semaphore, #tpu.memory_space<semaphore_mem>>
        %dma_start3A_1042 = tpu.memref_squeeze %dma_start3A_1041 : memref<1x!tpu.dma_semaphore, #tpu.memory_space<semaphore_mem>> -> memref<!tpu.dma_semaphore, #tpu.memory_space<semaphore_mem>>
        tpu.enqueue_indirect_dma source(%dma_start3A_1040 : memref<10000x16xf32, #tpu.memory_space<hbm>>) target(%dma_start3A_1034 : memref<80x16xf32, #tpu.memory_space<vmem>>) offsets(%dma_start3A_1037 : memref<80xi32, #tpu.memory_space<vmem>>) semaphore(%dma_start3A_1042 : memref<!tpu.dma_semaphore, #tpu.memory_space<semaphore_mem>>)
      } else {
      }
      %mul3A_691 = arith.constant 25 : i32
      %mul3A_692 = arith.muli %scan3A_383, %mul3A_691 : i32
      %add3A_693 = arith.constant 12 : i32
      %add3A_694 = arith.addi %mul3A_692, %add3A_693 : i32
      %dma_wait3A_695 = arith.constant 12 : i32
      %dma_wait3A_696 = arith.constant 12 : i32
      %dma_wait3A_697 = arith.constant 0 : i32
      %dma_wait3A_698 = arith.constant 0 : i32
      %dma_wait3A_699 = tpu.memref_slice %arg9[%dma_wait3A_695, %dma_wait3A_697, %dma_wait3A_698] : memref<25x80x16xf32, #tpu.memory_space<vmem>> -> memref<1x80x16xf32, #tpu.memory_space<vmem>>
      %dma_wait3A_700 = tpu.memref_squeeze %dma_wait3A_699 : memref<1x80x16xf32, #tpu.memory_space<vmem>> -> memref<80x16xf32, #tpu.memory_space<vmem>>
      %dma_wait3A_701 = arith.constant 0 : i32
      %dma_wait3A_702 = tpu.memref_slice %arg7[%add3A_694, %dma_wait3A_701] : memref<125x80xi32, #tpu.memory_space<vmem>> -> memref<1x80xi32, #tpu.memory_space<vmem>>
      %dma_wait3A_703 = tpu.memref_squeeze %dma_wait3A_702 : memref<1x80xi32, #tpu.memory_space<vmem>> -> memref<80xi32, #tpu.memory_space<vmem>>
      %dma_wait3A_704 = arith.constant 0 : i32
      %dma_wait3A_705 = arith.constant 0 : i32
      %dma_wait3A_706 = tpu.memref_slice %arg2[%dma_wait3A_704, %dma_wait3A_705] : memref<10000x16xf32, #tpu.memory_space<hbm>> -> memref<10000x16xf32, #tpu.memory_space<hbm>>
      %dma_wait3A_707 = tpu.memref_slice %arg11[%dma_wait3A_696] : memref<25x!tpu.dma_semaphore, #tpu.memory_space<semaphore_mem>> -> memref<1x!tpu.dma_semaphore, #tpu.memory_space<semaphore_mem>>
      %dma_wait3A_708 = tpu.memref_squeeze %dma_wait3A_707 : memref<1x!tpu.dma_semaphore, #tpu.memory_space<semaphore_mem>> -> memref<!tpu.dma_semaphore, #tpu.memory_space<semaphore_mem>>
      tpu.wait_indirect_dma semaphore(%dma_wait3A_708 : memref<!tpu.dma_semaphore, #tpu.memory_space<semaphore_mem>>) src(%dma_wait3A_706 : memref<10000x16xf32, #tpu.memory_space<hbm>>) dst(%dma_wait3A_700 : memref<80x16xf32, #tpu.memory_space<vmem>>)
      %run_scoped3A_709 = arith.constant 12 : i32
      "tpu.region"() ({
        %run_scoped3A_1029 = tpu.sem_alloc : memref<!tpu.dma_semaphore, #tpu.memory_space<semaphore_mem>>
        %dma_start3A_1030 = arith.constant 0 : i32
        %dma_start3A_1031 = arith.constant 0 : i32
        %dma_start3A_1032 = tpu.memref_slice %arg9[%run_scoped3A_709, %dma_start3A_1030, %dma_start3A_1031] : memref<25x80x16xf32, #tpu.memory_space<vmem>> -> memref<1x80x16xf32, #tpu.memory_space<vmem>>
        %dma_start3A_1033 = tpu.memref_squeeze %dma_start3A_1032 : memref<1x80x16xf32, #tpu.memory_space<vmem>> -> memref<80x16xf32, #tpu.memory_space<vmem>>
        %dma_start3A_1034 = arith.constant 0 : i32
        %dma_start3A_1035 = tpu.memref_slice %arg8[%add3A_694, %dma_start3A_1034] : memref<125x80xi32, #tpu.memory_space<vmem>> -> memref<1x80xi32, #tpu.memory_space<vmem>>
        %dma_start3A_1036 = tpu.memref_squeeze %dma_start3A_1035 : memref<1x80xi32, #tpu.memory_space<vmem>> -> memref<80xi32, #tpu.memory_space<vmem>>
        %dma_start3A_1037 = arith.constant 0 : i32
        %dma_start3A_1038 = arith.constant 0 : i32
        %dma_start3A_1039 = tpu.memref_slice %arg10[%dma_start3A_1037, %dma_start3A_1038] : memref<10240x16xf32, #tpu.memory_space<vmem_shared>> -> memref<10240x16xf32, #tpu.memory_space<vmem_shared>>
        tpu.enqueue_indirect_dma source(%dma_start3A_1033 : memref<80x16xf32, #tpu.memory_space<vmem>>) target(%dma_start3A_1039 : memref<10240x16xf32, #tpu.memory_space<vmem_shared>>) offsets(%dma_start3A_1036 : memref<80xi32, #tpu.memory_space<vmem>>) semaphore(%run_scoped3A_1029 : memref<!tpu.dma_semaphore, #tpu.memory_space<semaphore_mem>>) {add = true}
        %dma_wait3A_1040 = arith.constant 0 : i32
        %dma_wait3A_1041 = arith.constant 0 : i32
        %dma_wait3A_1042 = tpu.memref_slice %arg9[%run_scoped3A_709, %dma_wait3A_1040, %dma_wait3A_1041] : memref<25x80x16xf32, #tpu.memory_space<vmem>> -> memref<1x80x16xf32, #tpu.memory_space<vmem>>
        %dma_wait3A_1043 = tpu.memref_squeeze %dma_wait3A_1042 : memref<1x80x16xf32, #tpu.memory_space<vmem>> -> memref<80x16xf32, #tpu.memory_space<vmem>>
        %dma_wait3A_1044 = arith.constant 0 : i32
        %dma_wait3A_1045 = tpu.memref_slice %arg8[%add3A_694, %dma_wait3A_1044] : memref<125x80xi32, #tpu.memory_space<vmem>> -> memref<1x80xi32, #tpu.memory_space<vmem>>
        %dma_wait3A_1046 = tpu.memref_squeeze %dma_wait3A_1045 : memref<1x80xi32, #tpu.memory_space<vmem>> -> memref<80xi32, #tpu.memory_space<vmem>>
        %dma_wait3A_1047 = arith.constant 0 : i32
        %dma_wait3A_1048 = arith.constant 0 : i32
        %dma_wait3A_1049 = tpu.memref_slice %arg10[%dma_wait3A_1047, %dma_wait3A_1048] : memref<10240x16xf32, #tpu.memory_space<vmem_shared>> -> memref<10240x16xf32, #tpu.memory_space<vmem_shared>>
        tpu.wait_indirect_dma semaphore(%run_scoped3A_1029 : memref<!tpu.dma_semaphore, #tpu.memory_space<semaphore_mem>>) src(%dma_wait3A_1043 : memref<80x16xf32, #tpu.memory_space<vmem>>) dst(%dma_wait3A_1049 : memref<10240x16xf32, #tpu.memory_space<vmem_shared>>)
        tpu.yield
      }) : () -> ()
      %add3A_710 = arith.constant 25 : i32
      %add3A_711 = arith.addi %add3A_694, %add3A_710 : i32
      %lt3A_712 = arith.constant 125 : i32
      %lt3A_713 = arith.cmpi slt, %add3A_711, %lt3A_712 : i32
      %convert_element_type3A_714 = arith.extui %lt3A_713 : i1 to i32
      %cond3A_715 = arith.constant 0 : i32
      %cond3A_716 = arith.cmpi ne, %convert_element_type3A_714, %cond3A_715 : i32
      scf.if %cond3A_716 {
        %dma_start3A_1029 = arith.constant 12 : i32
        %dma_start3A_1030 = arith.constant 12 : i32
        %dma_start3A_1031 = arith.constant 0 : i32
        %dma_start3A_1032 = arith.constant 0 : i32
        %dma_start3A_1033 = tpu.memref_slice %arg9[%dma_start3A_1029, %dma_start3A_1031, %dma_start3A_1032] : memref<25x80x16xf32, #tpu.memory_space<vmem>> -> memref<1x80x16xf32, #tpu.memory_space<vmem>>
        %dma_start3A_1034 = tpu.memref_squeeze %dma_start3A_1033 : memref<1x80x16xf32, #tpu.memory_space<vmem>> -> memref<80x16xf32, #tpu.memory_space<vmem>>
        %dma_start3A_1035 = arith.constant 0 : i32
        %dma_start3A_1036 = tpu.memref_slice %arg7[%add3A_711, %dma_start3A_1035] : memref<125x80xi32, #tpu.memory_space<vmem>> -> memref<1x80xi32, #tpu.memory_space<vmem>>
        %dma_start3A_1037 = tpu.memref_squeeze %dma_start3A_1036 : memref<1x80xi32, #tpu.memory_space<vmem>> -> memref<80xi32, #tpu.memory_space<vmem>>
        %dma_start3A_1038 = arith.constant 0 : i32
        %dma_start3A_1039 = arith.constant 0 : i32
        %dma_start3A_1040 = tpu.memref_slice %arg2[%dma_start3A_1038, %dma_start3A_1039] : memref<10000x16xf32, #tpu.memory_space<hbm>> -> memref<10000x16xf32, #tpu.memory_space<hbm>>
        %dma_start3A_1041 = tpu.memref_slice %arg11[%dma_start3A_1030] : memref<25x!tpu.dma_semaphore, #tpu.memory_space<semaphore_mem>> -> memref<1x!tpu.dma_semaphore, #tpu.memory_space<semaphore_mem>>
        %dma_start3A_1042 = tpu.memref_squeeze %dma_start3A_1041 : memref<1x!tpu.dma_semaphore, #tpu.memory_space<semaphore_mem>> -> memref<!tpu.dma_semaphore, #tpu.memory_space<semaphore_mem>>
        tpu.enqueue_indirect_dma source(%dma_start3A_1040 : memref<10000x16xf32, #tpu.memory_space<hbm>>) target(%dma_start3A_1034 : memref<80x16xf32, #tpu.memory_space<vmem>>) offsets(%dma_start3A_1037 : memref<80xi32, #tpu.memory_space<vmem>>) semaphore(%dma_start3A_1042 : memref<!tpu.dma_semaphore, #tpu.memory_space<semaphore_mem>>)
      } else {
      }
      %mul3A_717 = arith.constant 25 : i32
      %mul3A_718 = arith.muli %scan3A_383, %mul3A_717 : i32
      %add3A_719 = arith.constant 13 : i32
      %add3A_720 = arith.addi %mul3A_718, %add3A_719 : i32
      %dma_wait3A_721 = arith.constant 13 : i32
      %dma_wait3A_722 = arith.constant 13 : i32
      %dma_wait3A_723 = arith.constant 0 : i32
      %dma_wait3A_724 = arith.constant 0 : i32
      %dma_wait3A_725 = tpu.memref_slice %arg9[%dma_wait3A_721, %dma_wait3A_723, %dma_wait3A_724] : memref<25x80x16xf32, #tpu.memory_space<vmem>> -> memref<1x80x16xf32, #tpu.memory_space<vmem>>
      %dma_wait3A_726 = tpu.memref_squeeze %dma_wait3A_725 : memref<1x80x16xf32, #tpu.memory_space<vmem>> -> memref<80x16xf32, #tpu.memory_space<vmem>>
      %dma_wait3A_727 = arith.constant 0 : i32
      %dma_wait3A_728 = tpu.memref_slice %arg7[%add3A_720, %dma_wait3A_727] : memref<125x80xi32, #tpu.memory_space<vmem>> -> memref<1x80xi32, #tpu.memory_space<vmem>>
      %dma_wait3A_729 = tpu.memref_squeeze %dma_wait3A_728 : memref<1x80xi32, #tpu.memory_space<vmem>> -> memref<80xi32, #tpu.memory_space<vmem>>
      %dma_wait3A_730 = arith.constant 0 : i32
      %dma_wait3A_731 = arith.constant 0 : i32
      %dma_wait3A_732 = tpu.memref_slice %arg2[%dma_wait3A_730, %dma_wait3A_731] : memref<10000x16xf32, #tpu.memory_space<hbm>> -> memref<10000x16xf32, #tpu.memory_space<hbm>>
      %dma_wait3A_733 = tpu.memref_slice %arg11[%dma_wait3A_722] : memref<25x!tpu.dma_semaphore, #tpu.memory_space<semaphore_mem>> -> memref<1x!tpu.dma_semaphore, #tpu.memory_space<semaphore_mem>>
      %dma_wait3A_734 = tpu.memref_squeeze %dma_wait3A_733 : memref<1x!tpu.dma_semaphore, #tpu.memory_space<semaphore_mem>> -> memref<!tpu.dma_semaphore, #tpu.memory_space<semaphore_mem>>
      tpu.wait_indirect_dma semaphore(%dma_wait3A_734 : memref<!tpu.dma_semaphore, #tpu.memory_space<semaphore_mem>>) src(%dma_wait3A_732 : memref<10000x16xf32, #tpu.memory_space<hbm>>) dst(%dma_wait3A_726 : memref<80x16xf32, #tpu.memory_space<vmem>>)
      %run_scoped3A_735 = arith.constant 13 : i32
      "tpu.region"() ({
        %run_scoped3A_1029 = tpu.sem_alloc : memref<!tpu.dma_semaphore, #tpu.memory_space<semaphore_mem>>
        %dma_start3A_1030 = arith.constant 0 : i32
        %dma_start3A_1031 = arith.constant 0 : i32
        %dma_start3A_1032 = tpu.memref_slice %arg9[%run_scoped3A_735, %dma_start3A_1030, %dma_start3A_1031] : memref<25x80x16xf32, #tpu.memory_space<vmem>> -> memref<1x80x16xf32, #tpu.memory_space<vmem>>
        %dma_start3A_1033 = tpu.memref_squeeze %dma_start3A_1032 : memref<1x80x16xf32, #tpu.memory_space<vmem>> -> memref<80x16xf32, #tpu.memory_space<vmem>>
        %dma_start3A_1034 = arith.constant 0 : i32
        %dma_start3A_1035 = tpu.memref_slice %arg8[%add3A_720, %dma_start3A_1034] : memref<125x80xi32, #tpu.memory_space<vmem>> -> memref<1x80xi32, #tpu.memory_space<vmem>>
        %dma_start3A_1036 = tpu.memref_squeeze %dma_start3A_1035 : memref<1x80xi32, #tpu.memory_space<vmem>> -> memref<80xi32, #tpu.memory_space<vmem>>
        %dma_start3A_1037 = arith.constant 0 : i32
        %dma_start3A_1038 = arith.constant 0 : i32
        %dma_start3A_1039 = tpu.memref_slice %arg10[%dma_start3A_1037, %dma_start3A_1038] : memref<10240x16xf32, #tpu.memory_space<vmem_shared>> -> memref<10240x16xf32, #tpu.memory_space<vmem_shared>>
        tpu.enqueue_indirect_dma source(%dma_start3A_1033 : memref<80x16xf32, #tpu.memory_space<vmem>>) target(%dma_start3A_1039 : memref<10240x16xf32, #tpu.memory_space<vmem_shared>>) offsets(%dma_start3A_1036 : memref<80xi32, #tpu.memory_space<vmem>>) semaphore(%run_scoped3A_1029 : memref<!tpu.dma_semaphore, #tpu.memory_space<semaphore_mem>>) {add = true}
        %dma_wait3A_1040 = arith.constant 0 : i32
        %dma_wait3A_1041 = arith.constant 0 : i32
        %dma_wait3A_1042 = tpu.memref_slice %arg9[%run_scoped3A_735, %dma_wait3A_1040, %dma_wait3A_1041] : memref<25x80x16xf32, #tpu.memory_space<vmem>> -> memref<1x80x16xf32, #tpu.memory_space<vmem>>
        %dma_wait3A_1043 = tpu.memref_squeeze %dma_wait3A_1042 : memref<1x80x16xf32, #tpu.memory_space<vmem>> -> memref<80x16xf32, #tpu.memory_space<vmem>>
        %dma_wait3A_1044 = arith.constant 0 : i32
        %dma_wait3A_1045 = tpu.memref_slice %arg8[%add3A_720, %dma_wait3A_1044] : memref<125x80xi32, #tpu.memory_space<vmem>> -> memref<1x80xi32, #tpu.memory_space<vmem>>
        %dma_wait3A_1046 = tpu.memref_squeeze %dma_wait3A_1045 : memref<1x80xi32, #tpu.memory_space<vmem>> -> memref<80xi32, #tpu.memory_space<vmem>>
        %dma_wait3A_1047 = arith.constant 0 : i32
        %dma_wait3A_1048 = arith.constant 0 : i32
        %dma_wait3A_1049 = tpu.memref_slice %arg10[%dma_wait3A_1047, %dma_wait3A_1048] : memref<10240x16xf32, #tpu.memory_space<vmem_shared>> -> memref<10240x16xf32, #tpu.memory_space<vmem_shared>>
        tpu.wait_indirect_dma semaphore(%run_scoped3A_1029 : memref<!tpu.dma_semaphore, #tpu.memory_space<semaphore_mem>>) src(%dma_wait3A_1043 : memref<80x16xf32, #tpu.memory_space<vmem>>) dst(%dma_wait3A_1049 : memref<10240x16xf32, #tpu.memory_space<vmem_shared>>)
        tpu.yield
      }) : () -> ()
      %add3A_736 = arith.constant 25 : i32
      %add3A_737 = arith.addi %add3A_720, %add3A_736 : i32
      %lt3A_738 = arith.constant 125 : i32
      %lt3A_739 = arith.cmpi slt, %add3A_737, %lt3A_738 : i32
      %convert_element_type3A_740 = arith.extui %lt3A_739 : i1 to i32
      %cond3A_741 = arith.constant 0 : i32
      %cond3A_742 = arith.cmpi ne, %convert_element_type3A_740, %cond3A_741 : i32
      scf.if %cond3A_742 {
        %dma_start3A_1029 = arith.constant 13 : i32
        %dma_start3A_1030 = arith.constant 13 : i32
        %dma_start3A_1031 = arith.constant 0 : i32
        %dma_start3A_1032 = arith.constant 0 : i32
        %dma_start3A_1033 = tpu.memref_slice %arg9[%dma_start3A_1029, %dma_start3A_1031, %dma_start3A_1032] : memref<25x80x16xf32, #tpu.memory_space<vmem>> -> memref<1x80x16xf32, #tpu.memory_space<vmem>>
        %dma_start3A_1034 = tpu.memref_squeeze %dma_start3A_1033 : memref<1x80x16xf32, #tpu.memory_space<vmem>> -> memref<80x16xf32, #tpu.memory_space<vmem>>
        %dma_start3A_1035 = arith.constant 0 : i32
        %dma_start3A_1036 = tpu.memref_slice %arg7[%add3A_737, %dma_start3A_1035] : memref<125x80xi32, #tpu.memory_space<vmem>> -> memref<1x80xi32, #tpu.memory_space<vmem>>
        %dma_start3A_1037 = tpu.memref_squeeze %dma_start3A_1036 : memref<1x80xi32, #tpu.memory_space<vmem>> -> memref<80xi32, #tpu.memory_space<vmem>>
        %dma_start3A_1038 = arith.constant 0 : i32
        %dma_start3A_1039 = arith.constant 0 : i32
        %dma_start3A_1040 = tpu.memref_slice %arg2[%dma_start3A_1038, %dma_start3A_1039] : memref<10000x16xf32, #tpu.memory_space<hbm>> -> memref<10000x16xf32, #tpu.memory_space<hbm>>
        %dma_start3A_1041 = tpu.memref_slice %arg11[%dma_start3A_1030] : memref<25x!tpu.dma_semaphore, #tpu.memory_space<semaphore_mem>> -> memref<1x!tpu.dma_semaphore, #tpu.memory_space<semaphore_mem>>
        %dma_start3A_1042 = tpu.memref_squeeze %dma_start3A_1041 : memref<1x!tpu.dma_semaphore, #tpu.memory_space<semaphore_mem>> -> memref<!tpu.dma_semaphore, #tpu.memory_space<semaphore_mem>>
        tpu.enqueue_indirect_dma source(%dma_start3A_1040 : memref<10000x16xf32, #tpu.memory_space<hbm>>) target(%dma_start3A_1034 : memref<80x16xf32, #tpu.memory_space<vmem>>) offsets(%dma_start3A_1037 : memref<80xi32, #tpu.memory_space<vmem>>) semaphore(%dma_start3A_1042 : memref<!tpu.dma_semaphore, #tpu.memory_space<semaphore_mem>>)
      } else {
      }
      %mul3A_743 = arith.constant 25 : i32
      %mul3A_744 = arith.muli %scan3A_383, %mul3A_743 : i32
      %add3A_745 = arith.constant 14 : i32
      %add3A_746 = arith.addi %mul3A_744, %add3A_745 : i32
      %dma_wait3A_747 = arith.constant 14 : i32
      %dma_wait3A_748 = arith.constant 14 : i32
      %dma_wait3A_749 = arith.constant 0 : i32
      %dma_wait3A_750 = arith.constant 0 : i32
      %dma_wait3A_751 = tpu.memref_slice %arg9[%dma_wait3A_747, %dma_wait3A_749, %dma_wait3A_750] : memref<25x80x16xf32, #tpu.memory_space<vmem>> -> memref<1x80x16xf32, #tpu.memory_space<vmem>>
      %dma_wait3A_752 = tpu.memref_squeeze %dma_wait3A_751 : memref<1x80x16xf32, #tpu.memory_space<vmem>> -> memref<80x16xf32, #tpu.memory_space<vmem>>
      %dma_wait3A_753 = arith.constant 0 : i32
      %dma_wait3A_754 = tpu.memref_slice %arg7[%add3A_746, %dma_wait3A_753] : memref<125x80xi32, #tpu.memory_space<vmem>> -> memref<1x80xi32, #tpu.memory_space<vmem>>
      %dma_wait3A_755 = tpu.memref_squeeze %dma_wait3A_754 : memref<1x80xi32, #tpu.memory_space<vmem>> -> memref<80xi32, #tpu.memory_space<vmem>>
      %dma_wait3A_756 = arith.constant 0 : i32
      %dma_wait3A_757 = arith.constant 0 : i32
      %dma_wait3A_758 = tpu.memref_slice %arg2[%dma_wait3A_756, %dma_wait3A_757] : memref<10000x16xf32, #tpu.memory_space<hbm>> -> memref<10000x16xf32, #tpu.memory_space<hbm>>
      %dma_wait3A_759 = tpu.memref_slice %arg11[%dma_wait3A_748] : memref<25x!tpu.dma_semaphore, #tpu.memory_space<semaphore_mem>> -> memref<1x!tpu.dma_semaphore, #tpu.memory_space<semaphore_mem>>
      %dma_wait3A_760 = tpu.memref_squeeze %dma_wait3A_759 : memref<1x!tpu.dma_semaphore, #tpu.memory_space<semaphore_mem>> -> memref<!tpu.dma_semaphore, #tpu.memory_space<semaphore_mem>>
      tpu.wait_indirect_dma semaphore(%dma_wait3A_760 : memref<!tpu.dma_semaphore, #tpu.memory_space<semaphore_mem>>) src(%dma_wait3A_758 : memref<10000x16xf32, #tpu.memory_space<hbm>>) dst(%dma_wait3A_752 : memref<80x16xf32, #tpu.memory_space<vmem>>)
      %run_scoped3A_761 = arith.constant 14 : i32
      "tpu.region"() ({
        %run_scoped3A_1029 = tpu.sem_alloc : memref<!tpu.dma_semaphore, #tpu.memory_space<semaphore_mem>>
        %dma_start3A_1030 = arith.constant 0 : i32
        %dma_start3A_1031 = arith.constant 0 : i32
        %dma_start3A_1032 = tpu.memref_slice %arg9[%run_scoped3A_761, %dma_start3A_1030, %dma_start3A_1031] : memref<25x80x16xf32, #tpu.memory_space<vmem>> -> memref<1x80x16xf32, #tpu.memory_space<vmem>>
        %dma_start3A_1033 = tpu.memref_squeeze %dma_start3A_1032 : memref<1x80x16xf32, #tpu.memory_space<vmem>> -> memref<80x16xf32, #tpu.memory_space<vmem>>
        %dma_start3A_1034 = arith.constant 0 : i32
        %dma_start3A_1035 = tpu.memref_slice %arg8[%add3A_746, %dma_start3A_1034] : memref<125x80xi32, #tpu.memory_space<vmem>> -> memref<1x80xi32, #tpu.memory_space<vmem>>
        %dma_start3A_1036 = tpu.memref_squeeze %dma_start3A_1035 : memref<1x80xi32, #tpu.memory_space<vmem>> -> memref<80xi32, #tpu.memory_space<vmem>>
        %dma_start3A_1037 = arith.constant 0 : i32
        %dma_start3A_1038 = arith.constant 0 : i32
        %dma_start3A_1039 = tpu.memref_slice %arg10[%dma_start3A_1037, %dma_start3A_1038] : memref<10240x16xf32, #tpu.memory_space<vmem_shared>> -> memref<10240x16xf32, #tpu.memory_space<vmem_shared>>
        tpu.enqueue_indirect_dma source(%dma_start3A_1033 : memref<80x16xf32, #tpu.memory_space<vmem>>) target(%dma_start3A_1039 : memref<10240x16xf32, #tpu.memory_space<vmem_shared>>) offsets(%dma_start3A_1036 : memref<80xi32, #tpu.memory_space<vmem>>) semaphore(%run_scoped3A_1029 : memref<!tpu.dma_semaphore, #tpu.memory_space<semaphore_mem>>) {add = true}
        %dma_wait3A_1040 = arith.constant 0 : i32
        %dma_wait3A_1041 = arith.constant 0 : i32
        %dma_wait3A_1042 = tpu.memref_slice %arg9[%run_scoped3A_761, %dma_wait3A_1040, %dma_wait3A_1041] : memref<25x80x16xf32, #tpu.memory_space<vmem>> -> memref<1x80x16xf32, #tpu.memory_space<vmem>>
        %dma_wait3A_1043 = tpu.memref_squeeze %dma_wait3A_1042 : memref<1x80x16xf32, #tpu.memory_space<vmem>> -> memref<80x16xf32, #tpu.memory_space<vmem>>
        %dma_wait3A_1044 = arith.constant 0 : i32
        %dma_wait3A_1045 = tpu.memref_slice %arg8[%add3A_746, %dma_wait3A_1044] : memref<125x80xi32, #tpu.memory_space<vmem>> -> memref<1x80xi32, #tpu.memory_space<vmem>>
        %dma_wait3A_1046 = tpu.memref_squeeze %dma_wait3A_1045 : memref<1x80xi32, #tpu.memory_space<vmem>> -> memref<80xi32, #tpu.memory_space<vmem>>
        %dma_wait3A_1047 = arith.constant 0 : i32
        %dma_wait3A_1048 = arith.constant 0 : i32
        %dma_wait3A_1049 = tpu.memref_slice %arg10[%dma_wait3A_1047, %dma_wait3A_1048] : memref<10240x16xf32, #tpu.memory_space<vmem_shared>> -> memref<10240x16xf32, #tpu.memory_space<vmem_shared>>
        tpu.wait_indirect_dma semaphore(%run_scoped3A_1029 : memref<!tpu.dma_semaphore, #tpu.memory_space<semaphore_mem>>) src(%dma_wait3A_1043 : memref<80x16xf32, #tpu.memory_space<vmem>>) dst(%dma_wait3A_1049 : memref<10240x16xf32, #tpu.memory_space<vmem_shared>>)
        tpu.yield
      }) : () -> ()
      %add3A_762 = arith.constant 25 : i32
      %add3A_763 = arith.addi %add3A_746, %add3A_762 : i32
      %lt3A_764 = arith.constant 125 : i32
      %lt3A_765 = arith.cmpi slt, %add3A_763, %lt3A_764 : i32
      %convert_element_type3A_766 = arith.extui %lt3A_765 : i1 to i32
      %cond3A_767 = arith.constant 0 : i32
      %cond3A_768 = arith.cmpi ne, %convert_element_type3A_766, %cond3A_767 : i32
      scf.if %cond3A_768 {
        %dma_start3A_1029 = arith.constant 14 : i32
        %dma_start3A_1030 = arith.constant 14 : i32
        %dma_start3A_1031 = arith.constant 0 : i32
        %dma_start3A_1032 = arith.constant 0 : i32
        %dma_start3A_1033 = tpu.memref_slice %arg9[%dma_start3A_1029, %dma_start3A_1031, %dma_start3A_1032] : memref<25x80x16xf32, #tpu.memory_space<vmem>> -> memref<1x80x16xf32, #tpu.memory_space<vmem>>
        %dma_start3A_1034 = tpu.memref_squeeze %dma_start3A_1033 : memref<1x80x16xf32, #tpu.memory_space<vmem>> -> memref<80x16xf32, #tpu.memory_space<vmem>>
        %dma_start3A_1035 = arith.constant 0 : i32
        %dma_start3A_1036 = tpu.memref_slice %arg7[%add3A_763, %dma_start3A_1035] : memref<125x80xi32, #tpu.memory_space<vmem>> -> memref<1x80xi32, #tpu.memory_space<vmem>>
        %dma_start3A_1037 = tpu.memref_squeeze %dma_start3A_1036 : memref<1x80xi32, #tpu.memory_space<vmem>> -> memref<80xi32, #tpu.memory_space<vmem>>
        %dma_start3A_1038 = arith.constant 0 : i32
        %dma_start3A_1039 = arith.constant 0 : i32
        %dma_start3A_1040 = tpu.memref_slice %arg2[%dma_start3A_1038, %dma_start3A_1039] : memref<10000x16xf32, #tpu.memory_space<hbm>> -> memref<10000x16xf32, #tpu.memory_space<hbm>>
        %dma_start3A_1041 = tpu.memref_slice %arg11[%dma_start3A_1030] : memref<25x!tpu.dma_semaphore, #tpu.memory_space<semaphore_mem>> -> memref<1x!tpu.dma_semaphore, #tpu.memory_space<semaphore_mem>>
        %dma_start3A_1042 = tpu.memref_squeeze %dma_start3A_1041 : memref<1x!tpu.dma_semaphore, #tpu.memory_space<semaphore_mem>> -> memref<!tpu.dma_semaphore, #tpu.memory_space<semaphore_mem>>
        tpu.enqueue_indirect_dma source(%dma_start3A_1040 : memref<10000x16xf32, #tpu.memory_space<hbm>>) target(%dma_start3A_1034 : memref<80x16xf32, #tpu.memory_space<vmem>>) offsets(%dma_start3A_1037 : memref<80xi32, #tpu.memory_space<vmem>>) semaphore(%dma_start3A_1042 : memref<!tpu.dma_semaphore, #tpu.memory_space<semaphore_mem>>)
      } else {
      }
      %mul3A_769 = arith.constant 25 : i32
      %mul3A_770 = arith.muli %scan3A_383, %mul3A_769 : i32
      %add3A_771 = arith.constant 15 : i32
      %add3A_772 = arith.addi %mul3A_770, %add3A_771 : i32
      %dma_wait3A_773 = arith.constant 15 : i32
      %dma_wait3A_774 = arith.constant 15 : i32
      %dma_wait3A_775 = arith.constant 0 : i32
      %dma_wait3A_776 = arith.constant 0 : i32
      %dma_wait3A_777 = tpu.memref_slice %arg9[%dma_wait3A_773, %dma_wait3A_775, %dma_wait3A_776] : memref<25x80x16xf32, #tpu.memory_space<vmem>> -> memref<1x80x16xf32, #tpu.memory_space<vmem>>
      %dma_wait3A_778 = tpu.memref_squeeze %dma_wait3A_777 : memref<1x80x16xf32, #tpu.memory_space<vmem>> -> memref<80x16xf32, #tpu.memory_space<vmem>>
      %dma_wait3A_779 = arith.constant 0 : i32
      %dma_wait3A_780 = tpu.memref_slice %arg7[%add3A_772, %dma_wait3A_779] : memref<125x80xi32, #tpu.memory_space<vmem>> -> memref<1x80xi32, #tpu.memory_space<vmem>>
      %dma_wait3A_781 = tpu.memref_squeeze %dma_wait3A_780 : memref<1x80xi32, #tpu.memory_space<vmem>> -> memref<80xi32, #tpu.memory_space<vmem>>
      %dma_wait3A_782 = arith.constant 0 : i32
      %dma_wait3A_783 = arith.constant 0 : i32
      %dma_wait3A_784 = tpu.memref_slice %arg2[%dma_wait3A_782, %dma_wait3A_783] : memref<10000x16xf32, #tpu.memory_space<hbm>> -> memref<10000x16xf32, #tpu.memory_space<hbm>>
      %dma_wait3A_785 = tpu.memref_slice %arg11[%dma_wait3A_774] : memref<25x!tpu.dma_semaphore, #tpu.memory_space<semaphore_mem>> -> memref<1x!tpu.dma_semaphore, #tpu.memory_space<semaphore_mem>>
      %dma_wait3A_786 = tpu.memref_squeeze %dma_wait3A_785 : memref<1x!tpu.dma_semaphore, #tpu.memory_space<semaphore_mem>> -> memref<!tpu.dma_semaphore, #tpu.memory_space<semaphore_mem>>
      tpu.wait_indirect_dma semaphore(%dma_wait3A_786 : memref<!tpu.dma_semaphore, #tpu.memory_space<semaphore_mem>>) src(%dma_wait3A_784 : memref<10000x16xf32, #tpu.memory_space<hbm>>) dst(%dma_wait3A_778 : memref<80x16xf32, #tpu.memory_space<vmem>>)
      %run_scoped3A_787 = arith.constant 15 : i32
      "tpu.region"() ({
        %run_scoped3A_1029 = tpu.sem_alloc : memref<!tpu.dma_semaphore, #tpu.memory_space<semaphore_mem>>
        %dma_start3A_1030 = arith.constant 0 : i32
        %dma_start3A_1031 = arith.constant 0 : i32
        %dma_start3A_1032 = tpu.memref_slice %arg9[%run_scoped3A_787, %dma_start3A_1030, %dma_start3A_1031] : memref<25x80x16xf32, #tpu.memory_space<vmem>> -> memref<1x80x16xf32, #tpu.memory_space<vmem>>
        %dma_start3A_1033 = tpu.memref_squeeze %dma_start3A_1032 : memref<1x80x16xf32, #tpu.memory_space<vmem>> -> memref<80x16xf32, #tpu.memory_space<vmem>>
        %dma_start3A_1034 = arith.constant 0 : i32
        %dma_start3A_1035 = tpu.memref_slice %arg8[%add3A_772, %dma_start3A_1034] : memref<125x80xi32, #tpu.memory_space<vmem>> -> memref<1x80xi32, #tpu.memory_space<vmem>>
        %dma_start3A_1036 = tpu.memref_squeeze %dma_start3A_1035 : memref<1x80xi32, #tpu.memory_space<vmem>> -> memref<80xi32, #tpu.memory_space<vmem>>
        %dma_start3A_1037 = arith.constant 0 : i32
        %dma_start3A_1038 = arith.constant 0 : i32
        %dma_start3A_1039 = tpu.memref_slice %arg10[%dma_start3A_1037, %dma_start3A_1038] : memref<10240x16xf32, #tpu.memory_space<vmem_shared>> -> memref<10240x16xf32, #tpu.memory_space<vmem_shared>>
        tpu.enqueue_indirect_dma source(%dma_start3A_1033 : memref<80x16xf32, #tpu.memory_space<vmem>>) target(%dma_start3A_1039 : memref<10240x16xf32, #tpu.memory_space<vmem_shared>>) offsets(%dma_start3A_1036 : memref<80xi32, #tpu.memory_space<vmem>>) semaphore(%run_scoped3A_1029 : memref<!tpu.dma_semaphore, #tpu.memory_space<semaphore_mem>>) {add = true}
        %dma_wait3A_1040 = arith.constant 0 : i32
        %dma_wait3A_1041 = arith.constant 0 : i32
        %dma_wait3A_1042 = tpu.memref_slice %arg9[%run_scoped3A_787, %dma_wait3A_1040, %dma_wait3A_1041] : memref<25x80x16xf32, #tpu.memory_space<vmem>> -> memref<1x80x16xf32, #tpu.memory_space<vmem>>
        %dma_wait3A_1043 = tpu.memref_squeeze %dma_wait3A_1042 : memref<1x80x16xf32, #tpu.memory_space<vmem>> -> memref<80x16xf32, #tpu.memory_space<vmem>>
        %dma_wait3A_1044 = arith.constant 0 : i32
        %dma_wait3A_1045 = tpu.memref_slice %arg8[%add3A_772, %dma_wait3A_1044] : memref<125x80xi32, #tpu.memory_space<vmem>> -> memref<1x80xi32, #tpu.memory_space<vmem>>
        %dma_wait3A_1046 = tpu.memref_squeeze %dma_wait3A_1045 : memref<1x80xi32, #tpu.memory_space<vmem>> -> memref<80xi32, #tpu.memory_space<vmem>>
        %dma_wait3A_1047 = arith.constant 0 : i32
        %dma_wait3A_1048 = arith.constant 0 : i32
        %dma_wait3A_1049 = tpu.memref_slice %arg10[%dma_wait3A_1047, %dma_wait3A_1048] : memref<10240x16xf32, #tpu.memory_space<vmem_shared>> -> memref<10240x16xf32, #tpu.memory_space<vmem_shared>>
        tpu.wait_indirect_dma semaphore(%run_scoped3A_1029 : memref<!tpu.dma_semaphore, #tpu.memory_space<semaphore_mem>>) src(%dma_wait3A_1043 : memref<80x16xf32, #tpu.memory_space<vmem>>) dst(%dma_wait3A_1049 : memref<10240x16xf32, #tpu.memory_space<vmem_shared>>)
        tpu.yield
      }) : () -> ()
      %add3A_788 = arith.constant 25 : i32
      %add3A_789 = arith.addi %add3A_772, %add3A_788 : i32
      %lt3A_790 = arith.constant 125 : i32
      %lt3A_791 = arith.cmpi slt, %add3A_789, %lt3A_790 : i32
      %convert_element_type3A_792 = arith.extui %lt3A_791 : i1 to i32
      %cond3A_793 = arith.constant 0 : i32
      %cond3A_794 = arith.cmpi ne, %convert_element_type3A_792, %cond3A_793 : i32
      scf.if %cond3A_794 {
        %dma_start3A_1029 = arith.constant 15 : i32
        %dma_start3A_1030 = arith.constant 15 : i32
        %dma_start3A_1031 = arith.constant 0 : i32
        %dma_start3A_1032 = arith.constant 0 : i32
        %dma_start3A_1033 = tpu.memref_slice %arg9[%dma_start3A_1029, %dma_start3A_1031, %dma_start3A_1032] : memref<25x80x16xf32, #tpu.memory_space<vmem>> -> memref<1x80x16xf32, #tpu.memory_space<vmem>>
        %dma_start3A_1034 = tpu.memref_squeeze %dma_start3A_1033 : memref<1x80x16xf32, #tpu.memory_space<vmem>> -> memref<80x16xf32, #tpu.memory_space<vmem>>
        %dma_start3A_1035 = arith.constant 0 : i32
        %dma_start3A_1036 = tpu.memref_slice %arg7[%add3A_789, %dma_start3A_1035] : memref<125x80xi32, #tpu.memory_space<vmem>> -> memref<1x80xi32, #tpu.memory_space<vmem>>
        %dma_start3A_1037 = tpu.memref_squeeze %dma_start3A_1036 : memref<1x80xi32, #tpu.memory_space<vmem>> -> memref<80xi32, #tpu.memory_space<vmem>>
        %dma_start3A_1038 = arith.constant 0 : i32
        %dma_start3A_1039 = arith.constant 0 : i32
        %dma_start3A_1040 = tpu.memref_slice %arg2[%dma_start3A_1038, %dma_start3A_1039] : memref<10000x16xf32, #tpu.memory_space<hbm>> -> memref<10000x16xf32, #tpu.memory_space<hbm>>
        %dma_start3A_1041 = tpu.memref_slice %arg11[%dma_start3A_1030] : memref<25x!tpu.dma_semaphore, #tpu.memory_space<semaphore_mem>> -> memref<1x!tpu.dma_semaphore, #tpu.memory_space<semaphore_mem>>
        %dma_start3A_1042 = tpu.memref_squeeze %dma_start3A_1041 : memref<1x!tpu.dma_semaphore, #tpu.memory_space<semaphore_mem>> -> memref<!tpu.dma_semaphore, #tpu.memory_space<semaphore_mem>>
        tpu.enqueue_indirect_dma source(%dma_start3A_1040 : memref<10000x16xf32, #tpu.memory_space<hbm>>) target(%dma_start3A_1034 : memref<80x16xf32, #tpu.memory_space<vmem>>) offsets(%dma_start3A_1037 : memref<80xi32, #tpu.memory_space<vmem>>) semaphore(%dma_start3A_1042 : memref<!tpu.dma_semaphore, #tpu.memory_space<semaphore_mem>>)
      } else {
      }
      %mul3A_795 = arith.constant 25 : i32
      %mul3A_796 = arith.muli %scan3A_383, %mul3A_795 : i32
      %add3A_797 = arith.constant 16 : i32
      %add3A_798 = arith.addi %mul3A_796, %add3A_797 : i32
      %dma_wait3A_799 = arith.constant 16 : i32
      %dma_wait3A_800 = arith.constant 16 : i32
      %dma_wait3A_801 = arith.constant 0 : i32
      %dma_wait3A_802 = arith.constant 0 : i32
      %dma_wait3A_803 = tpu.memref_slice %arg9[%dma_wait3A_799, %dma_wait3A_801, %dma_wait3A_802] : memref<25x80x16xf32, #tpu.memory_space<vmem>> -> memref<1x80x16xf32, #tpu.memory_space<vmem>>
      %dma_wait3A_804 = tpu.memref_squeeze %dma_wait3A_803 : memref<1x80x16xf32, #tpu.memory_space<vmem>> -> memref<80x16xf32, #tpu.memory_space<vmem>>
      %dma_wait3A_805 = arith.constant 0 : i32
      %dma_wait3A_806 = tpu.memref_slice %arg7[%add3A_798, %dma_wait3A_805] : memref<125x80xi32, #tpu.memory_space<vmem>> -> memref<1x80xi32, #tpu.memory_space<vmem>>
      %dma_wait3A_807 = tpu.memref_squeeze %dma_wait3A_806 : memref<1x80xi32, #tpu.memory_space<vmem>> -> memref<80xi32, #tpu.memory_space<vmem>>
      %dma_wait3A_808 = arith.constant 0 : i32
      %dma_wait3A_809 = arith.constant 0 : i32
      %dma_wait3A_810 = tpu.memref_slice %arg2[%dma_wait3A_808, %dma_wait3A_809] : memref<10000x16xf32, #tpu.memory_space<hbm>> -> memref<10000x16xf32, #tpu.memory_space<hbm>>
      %dma_wait3A_811 = tpu.memref_slice %arg11[%dma_wait3A_800] : memref<25x!tpu.dma_semaphore, #tpu.memory_space<semaphore_mem>> -> memref<1x!tpu.dma_semaphore, #tpu.memory_space<semaphore_mem>>
      %dma_wait3A_812 = tpu.memref_squeeze %dma_wait3A_811 : memref<1x!tpu.dma_semaphore, #tpu.memory_space<semaphore_mem>> -> memref<!tpu.dma_semaphore, #tpu.memory_space<semaphore_mem>>
      tpu.wait_indirect_dma semaphore(%dma_wait3A_812 : memref<!tpu.dma_semaphore, #tpu.memory_space<semaphore_mem>>) src(%dma_wait3A_810 : memref<10000x16xf32, #tpu.memory_space<hbm>>) dst(%dma_wait3A_804 : memref<80x16xf32, #tpu.memory_space<vmem>>)
      %run_scoped3A_813 = arith.constant 16 : i32
      "tpu.region"() ({
        %run_scoped3A_1029 = tpu.sem_alloc : memref<!tpu.dma_semaphore, #tpu.memory_space<semaphore_mem>>
        %dma_start3A_1030 = arith.constant 0 : i32
        %dma_start3A_1031 = arith.constant 0 : i32
        %dma_start3A_1032 = tpu.memref_slice %arg9[%run_scoped3A_813, %dma_start3A_1030, %dma_start3A_1031] : memref<25x80x16xf32, #tpu.memory_space<vmem>> -> memref<1x80x16xf32, #tpu.memory_space<vmem>>
        %dma_start3A_1033 = tpu.memref_squeeze %dma_start3A_1032 : memref<1x80x16xf32, #tpu.memory_space<vmem>> -> memref<80x16xf32, #tpu.memory_space<vmem>>
        %dma_start3A_1034 = arith.constant 0 : i32
        %dma_start3A_1035 = tpu.memref_slice %arg8[%add3A_798, %dma_start3A_1034] : memref<125x80xi32, #tpu.memory_space<vmem>> -> memref<1x80xi32, #tpu.memory_space<vmem>>
        %dma_start3A_1036 = tpu.memref_squeeze %dma_start3A_1035 : memref<1x80xi32, #tpu.memory_space<vmem>> -> memref<80xi32, #tpu.memory_space<vmem>>
        %dma_start3A_1037 = arith.constant 0 : i32
        %dma_start3A_1038 = arith.constant 0 : i32
        %dma_start3A_1039 = tpu.memref_slice %arg10[%dma_start3A_1037, %dma_start3A_1038] : memref<10240x16xf32, #tpu.memory_space<vmem_shared>> -> memref<10240x16xf32, #tpu.memory_space<vmem_shared>>
        tpu.enqueue_indirect_dma source(%dma_start3A_1033 : memref<80x16xf32, #tpu.memory_space<vmem>>) target(%dma_start3A_1039 : memref<10240x16xf32, #tpu.memory_space<vmem_shared>>) offsets(%dma_start3A_1036 : memref<80xi32, #tpu.memory_space<vmem>>) semaphore(%run_scoped3A_1029 : memref<!tpu.dma_semaphore, #tpu.memory_space<semaphore_mem>>) {add = true}
        %dma_wait3A_1040 = arith.constant 0 : i32
        %dma_wait3A_1041 = arith.constant 0 : i32
        %dma_wait3A_1042 = tpu.memref_slice %arg9[%run_scoped3A_813, %dma_wait3A_1040, %dma_wait3A_1041] : memref<25x80x16xf32, #tpu.memory_space<vmem>> -> memref<1x80x16xf32, #tpu.memory_space<vmem>>
        %dma_wait3A_1043 = tpu.memref_squeeze %dma_wait3A_1042 : memref<1x80x16xf32, #tpu.memory_space<vmem>> -> memref<80x16xf32, #tpu.memory_space<vmem>>
        %dma_wait3A_1044 = arith.constant 0 : i32
        %dma_wait3A_1045 = tpu.memref_slice %arg8[%add3A_798, %dma_wait3A_1044] : memref<125x80xi32, #tpu.memory_space<vmem>> -> memref<1x80xi32, #tpu.memory_space<vmem>>
        %dma_wait3A_1046 = tpu.memref_squeeze %dma_wait3A_1045 : memref<1x80xi32, #tpu.memory_space<vmem>> -> memref<80xi32, #tpu.memory_space<vmem>>
        %dma_wait3A_1047 = arith.constant 0 : i32
        %dma_wait3A_1048 = arith.constant 0 : i32
        %dma_wait3A_1049 = tpu.memref_slice %arg10[%dma_wait3A_1047, %dma_wait3A_1048] : memref<10240x16xf32, #tpu.memory_space<vmem_shared>> -> memref<10240x16xf32, #tpu.memory_space<vmem_shared>>
        tpu.wait_indirect_dma semaphore(%run_scoped3A_1029 : memref<!tpu.dma_semaphore, #tpu.memory_space<semaphore_mem>>) src(%dma_wait3A_1043 : memref<80x16xf32, #tpu.memory_space<vmem>>) dst(%dma_wait3A_1049 : memref<10240x16xf32, #tpu.memory_space<vmem_shared>>)
        tpu.yield
      }) : () -> ()
      %add3A_814 = arith.constant 25 : i32
      %add3A_815 = arith.addi %add3A_798, %add3A_814 : i32
      %lt3A_816 = arith.constant 125 : i32
      %lt3A_817 = arith.cmpi slt, %add3A_815, %lt3A_816 : i32
      %convert_element_type3A_818 = arith.extui %lt3A_817 : i1 to i32
      %cond3A_819 = arith.constant 0 : i32
      %cond3A_820 = arith.cmpi ne, %convert_element_type3A_818, %cond3A_819 : i32
      scf.if %cond3A_820 {
        %dma_start3A_1029 = arith.constant 16 : i32
        %dma_start3A_1030 = arith.constant 16 : i32
        %dma_start3A_1031 = arith.constant 0 : i32
        %dma_start3A_1032 = arith.constant 0 : i32
        %dma_start3A_1033 = tpu.memref_slice %arg9[%dma_start3A_1029, %dma_start3A_1031, %dma_start3A_1032] : memref<25x80x16xf32, #tpu.memory_space<vmem>> -> memref<1x80x16xf32, #tpu.memory_space<vmem>>
        %dma_start3A_1034 = tpu.memref_squeeze %dma_start3A_1033 : memref<1x80x16xf32, #tpu.memory_space<vmem>> -> memref<80x16xf32, #tpu.memory_space<vmem>>
        %dma_start3A_1035 = arith.constant 0 : i32
        %dma_start3A_1036 = tpu.memref_slice %arg7[%add3A_815, %dma_start3A_1035] : memref<125x80xi32, #tpu.memory_space<vmem>> -> memref<1x80xi32, #tpu.memory_space<vmem>>
        %dma_start3A_1037 = tpu.memref_squeeze %dma_start3A_1036 : memref<1x80xi32, #tpu.memory_space<vmem>> -> memref<80xi32, #tpu.memory_space<vmem>>
        %dma_start3A_1038 = arith.constant 0 : i32
        %dma_start3A_1039 = arith.constant 0 : i32
        %dma_start3A_1040 = tpu.memref_slice %arg2[%dma_start3A_1038, %dma_start3A_1039] : memref<10000x16xf32, #tpu.memory_space<hbm>> -> memref<10000x16xf32, #tpu.memory_space<hbm>>
        %dma_start3A_1041 = tpu.memref_slice %arg11[%dma_start3A_1030] : memref<25x!tpu.dma_semaphore, #tpu.memory_space<semaphore_mem>> -> memref<1x!tpu.dma_semaphore, #tpu.memory_space<semaphore_mem>>
        %dma_start3A_1042 = tpu.memref_squeeze %dma_start3A_1041 : memref<1x!tpu.dma_semaphore, #tpu.memory_space<semaphore_mem>> -> memref<!tpu.dma_semaphore, #tpu.memory_space<semaphore_mem>>
        tpu.enqueue_indirect_dma source(%dma_start3A_1040 : memref<10000x16xf32, #tpu.memory_space<hbm>>) target(%dma_start3A_1034 : memref<80x16xf32, #tpu.memory_space<vmem>>) offsets(%dma_start3A_1037 : memref<80xi32, #tpu.memory_space<vmem>>) semaphore(%dma_start3A_1042 : memref<!tpu.dma_semaphore, #tpu.memory_space<semaphore_mem>>)
      } else {
      }
      %mul3A_821 = arith.constant 25 : i32
      %mul3A_822 = arith.muli %scan3A_383, %mul3A_821 : i32
      %add3A_823 = arith.constant 17 : i32
      %add3A_824 = arith.addi %mul3A_822, %add3A_823 : i32
      %dma_wait3A_825 = arith.constant 17 : i32
      %dma_wait3A_826 = arith.constant 17 : i32
      %dma_wait3A_827 = arith.constant 0 : i32
      %dma_wait3A_828 = arith.constant 0 : i32
      %dma_wait3A_829 = tpu.memref_slice %arg9[%dma_wait3A_825, %dma_wait3A_827, %dma_wait3A_828] : memref<25x80x16xf32, #tpu.memory_space<vmem>> -> memref<1x80x16xf32, #tpu.memory_space<vmem>>
      %dma_wait3A_830 = tpu.memref_squeeze %dma_wait3A_829 : memref<1x80x16xf32, #tpu.memory_space<vmem>> -> memref<80x16xf32, #tpu.memory_space<vmem>>
      %dma_wait3A_831 = arith.constant 0 : i32
      %dma_wait3A_832 = tpu.memref_slice %arg7[%add3A_824, %dma_wait3A_831] : memref<125x80xi32, #tpu.memory_space<vmem>> -> memref<1x80xi32, #tpu.memory_space<vmem>>
      %dma_wait3A_833 = tpu.memref_squeeze %dma_wait3A_832 : memref<1x80xi32, #tpu.memory_space<vmem>> -> memref<80xi32, #tpu.memory_space<vmem>>
      %dma_wait3A_834 = arith.constant 0 : i32
      %dma_wait3A_835 = arith.constant 0 : i32
      %dma_wait3A_836 = tpu.memref_slice %arg2[%dma_wait3A_834, %dma_wait3A_835] : memref<10000x16xf32, #tpu.memory_space<hbm>> -> memref<10000x16xf32, #tpu.memory_space<hbm>>
      %dma_wait3A_837 = tpu.memref_slice %arg11[%dma_wait3A_826] : memref<25x!tpu.dma_semaphore, #tpu.memory_space<semaphore_mem>> -> memref<1x!tpu.dma_semaphore, #tpu.memory_space<semaphore_mem>>
      %dma_wait3A_838 = tpu.memref_squeeze %dma_wait3A_837 : memref<1x!tpu.dma_semaphore, #tpu.memory_space<semaphore_mem>> -> memref<!tpu.dma_semaphore, #tpu.memory_space<semaphore_mem>>
      tpu.wait_indirect_dma semaphore(%dma_wait3A_838 : memref<!tpu.dma_semaphore, #tpu.memory_space<semaphore_mem>>) src(%dma_wait3A_836 : memref<10000x16xf32, #tpu.memory_space<hbm>>) dst(%dma_wait3A_830 : memref<80x16xf32, #tpu.memory_space<vmem>>)
      %run_scoped3A_839 = arith.constant 17 : i32
      "tpu.region"() ({
        %run_scoped3A_1029 = tpu.sem_alloc : memref<!tpu.dma_semaphore, #tpu.memory_space<semaphore_mem>>
        %dma_start3A_1030 = arith.constant 0 : i32
        %dma_start3A_1031 = arith.constant 0 : i32
        %dma_start3A_1032 = tpu.memref_slice %arg9[%run_scoped3A_839, %dma_start3A_1030, %dma_start3A_1031] : memref<25x80x16xf32, #tpu.memory_space<vmem>> -> memref<1x80x16xf32, #tpu.memory_space<vmem>>
        %dma_start3A_1033 = tpu.memref_squeeze %dma_start3A_1032 : memref<1x80x16xf32, #tpu.memory_space<vmem>> -> memref<80x16xf32, #tpu.memory_space<vmem>>
        %dma_start3A_1034 = arith.constant 0 : i32
        %dma_start3A_1035 = tpu.memref_slice %arg8[%add3A_824, %dma_start3A_1034] : memref<125x80xi32, #tpu.memory_space<vmem>> -> memref<1x80xi32, #tpu.memory_space<vmem>>
        %dma_start3A_1036 = tpu.memref_squeeze %dma_start3A_1035 : memref<1x80xi32, #tpu.memory_space<vmem>> -> memref<80xi32, #tpu.memory_space<vmem>>
        %dma_start3A_1037 = arith.constant 0 : i32
        %dma_start3A_1038 = arith.constant 0 : i32
        %dma_start3A_1039 = tpu.memref_slice %arg10[%dma_start3A_1037, %dma_start3A_1038] : memref<10240x16xf32, #tpu.memory_space<vmem_shared>> -> memref<10240x16xf32, #tpu.memory_space<vmem_shared>>
        tpu.enqueue_indirect_dma source(%dma_start3A_1033 : memref<80x16xf32, #tpu.memory_space<vmem>>) target(%dma_start3A_1039 : memref<10240x16xf32, #tpu.memory_space<vmem_shared>>) offsets(%dma_start3A_1036 : memref<80xi32, #tpu.memory_space<vmem>>) semaphore(%run_scoped3A_1029 : memref<!tpu.dma_semaphore, #tpu.memory_space<semaphore_mem>>) {add = true}
        %dma_wait3A_1040 = arith.constant 0 : i32
        %dma_wait3A_1041 = arith.constant 0 : i32
        %dma_wait3A_1042 = tpu.memref_slice %arg9[%run_scoped3A_839, %dma_wait3A_1040, %dma_wait3A_1041] : memref<25x80x16xf32, #tpu.memory_space<vmem>> -> memref<1x80x16xf32, #tpu.memory_space<vmem>>
        %dma_wait3A_1043 = tpu.memref_squeeze %dma_wait3A_1042 : memref<1x80x16xf32, #tpu.memory_space<vmem>> -> memref<80x16xf32, #tpu.memory_space<vmem>>
        %dma_wait3A_1044 = arith.constant 0 : i32
        %dma_wait3A_1045 = tpu.memref_slice %arg8[%add3A_824, %dma_wait3A_1044] : memref<125x80xi32, #tpu.memory_space<vmem>> -> memref<1x80xi32, #tpu.memory_space<vmem>>
        %dma_wait3A_1046 = tpu.memref_squeeze %dma_wait3A_1045 : memref<1x80xi32, #tpu.memory_space<vmem>> -> memref<80xi32, #tpu.memory_space<vmem>>
        %dma_wait3A_1047 = arith.constant 0 : i32
        %dma_wait3A_1048 = arith.constant 0 : i32
        %dma_wait3A_1049 = tpu.memref_slice %arg10[%dma_wait3A_1047, %dma_wait3A_1048] : memref<10240x16xf32, #tpu.memory_space<vmem_shared>> -> memref<10240x16xf32, #tpu.memory_space<vmem_shared>>
        tpu.wait_indirect_dma semaphore(%run_scoped3A_1029 : memref<!tpu.dma_semaphore, #tpu.memory_space<semaphore_mem>>) src(%dma_wait3A_1043 : memref<80x16xf32, #tpu.memory_space<vmem>>) dst(%dma_wait3A_1049 : memref<10240x16xf32, #tpu.memory_space<vmem_shared>>)
        tpu.yield
      }) : () -> ()
      %add3A_840 = arith.constant 25 : i32
      %add3A_841 = arith.addi %add3A_824, %add3A_840 : i32
      %lt3A_842 = arith.constant 125 : i32
      %lt3A_843 = arith.cmpi slt, %add3A_841, %lt3A_842 : i32
      %convert_element_type3A_844 = arith.extui %lt3A_843 : i1 to i32
      %cond3A_845 = arith.constant 0 : i32
      %cond3A_846 = arith.cmpi ne, %convert_element_type3A_844, %cond3A_845 : i32
      scf.if %cond3A_846 {
        %dma_start3A_1029 = arith.constant 17 : i32
        %dma_start3A_1030 = arith.constant 17 : i32
        %dma_start3A_1031 = arith.constant 0 : i32
        %dma_start3A_1032 = arith.constant 0 : i32
        %dma_start3A_1033 = tpu.memref_slice %arg9[%dma_start3A_1029, %dma_start3A_1031, %dma_start3A_1032] : memref<25x80x16xf32, #tpu.memory_space<vmem>> -> memref<1x80x16xf32, #tpu.memory_space<vmem>>
        %dma_start3A_1034 = tpu.memref_squeeze %dma_start3A_1033 : memref<1x80x16xf32, #tpu.memory_space<vmem>> -> memref<80x16xf32, #tpu.memory_space<vmem>>
        %dma_start3A_1035 = arith.constant 0 : i32
        %dma_start3A_1036 = tpu.memref_slice %arg7[%add3A_841, %dma_start3A_1035] : memref<125x80xi32, #tpu.memory_space<vmem>> -> memref<1x80xi32, #tpu.memory_space<vmem>>
        %dma_start3A_1037 = tpu.memref_squeeze %dma_start3A_1036 : memref<1x80xi32, #tpu.memory_space<vmem>> -> memref<80xi32, #tpu.memory_space<vmem>>
        %dma_start3A_1038 = arith.constant 0 : i32
        %dma_start3A_1039 = arith.constant 0 : i32
        %dma_start3A_1040 = tpu.memref_slice %arg2[%dma_start3A_1038, %dma_start3A_1039] : memref<10000x16xf32, #tpu.memory_space<hbm>> -> memref<10000x16xf32, #tpu.memory_space<hbm>>
        %dma_start3A_1041 = tpu.memref_slice %arg11[%dma_start3A_1030] : memref<25x!tpu.dma_semaphore, #tpu.memory_space<semaphore_mem>> -> memref<1x!tpu.dma_semaphore, #tpu.memory_space<semaphore_mem>>
        %dma_start3A_1042 = tpu.memref_squeeze %dma_start3A_1041 : memref<1x!tpu.dma_semaphore, #tpu.memory_space<semaphore_mem>> -> memref<!tpu.dma_semaphore, #tpu.memory_space<semaphore_mem>>
        tpu.enqueue_indirect_dma source(%dma_start3A_1040 : memref<10000x16xf32, #tpu.memory_space<hbm>>) target(%dma_start3A_1034 : memref<80x16xf32, #tpu.memory_space<vmem>>) offsets(%dma_start3A_1037 : memref<80xi32, #tpu.memory_space<vmem>>) semaphore(%dma_start3A_1042 : memref<!tpu.dma_semaphore, #tpu.memory_space<semaphore_mem>>)
      } else {
      }
      %mul3A_847 = arith.constant 25 : i32
      %mul3A_848 = arith.muli %scan3A_383, %mul3A_847 : i32
      %add3A_849 = arith.constant 18 : i32
      %add3A_850 = arith.addi %mul3A_848, %add3A_849 : i32
      %dma_wait3A_851 = arith.constant 18 : i32
      %dma_wait3A_852 = arith.constant 18 : i32
      %dma_wait3A_853 = arith.constant 0 : i32
      %dma_wait3A_854 = arith.constant 0 : i32
      %dma_wait3A_855 = tpu.memref_slice %arg9[%dma_wait3A_851, %dma_wait3A_853, %dma_wait3A_854] : memref<25x80x16xf32, #tpu.memory_space<vmem>> -> memref<1x80x16xf32, #tpu.memory_space<vmem>>
      %dma_wait3A_856 = tpu.memref_squeeze %dma_wait3A_855 : memref<1x80x16xf32, #tpu.memory_space<vmem>> -> memref<80x16xf32, #tpu.memory_space<vmem>>
      %dma_wait3A_857 = arith.constant 0 : i32
      %dma_wait3A_858 = tpu.memref_slice %arg7[%add3A_850, %dma_wait3A_857] : memref<125x80xi32, #tpu.memory_space<vmem>> -> memref<1x80xi32, #tpu.memory_space<vmem>>
      %dma_wait3A_859 = tpu.memref_squeeze %dma_wait3A_858 : memref<1x80xi32, #tpu.memory_space<vmem>> -> memref<80xi32, #tpu.memory_space<vmem>>
      %dma_wait3A_860 = arith.constant 0 : i32
      %dma_wait3A_861 = arith.constant 0 : i32
      %dma_wait3A_862 = tpu.memref_slice %arg2[%dma_wait3A_860, %dma_wait3A_861] : memref<10000x16xf32, #tpu.memory_space<hbm>> -> memref<10000x16xf32, #tpu.memory_space<hbm>>
      %dma_wait3A_863 = tpu.memref_slice %arg11[%dma_wait3A_852] : memref<25x!tpu.dma_semaphore, #tpu.memory_space<semaphore_mem>> -> memref<1x!tpu.dma_semaphore, #tpu.memory_space<semaphore_mem>>
      %dma_wait3A_864 = tpu.memref_squeeze %dma_wait3A_863 : memref<1x!tpu.dma_semaphore, #tpu.memory_space<semaphore_mem>> -> memref<!tpu.dma_semaphore, #tpu.memory_space<semaphore_mem>>
      tpu.wait_indirect_dma semaphore(%dma_wait3A_864 : memref<!tpu.dma_semaphore, #tpu.memory_space<semaphore_mem>>) src(%dma_wait3A_862 : memref<10000x16xf32, #tpu.memory_space<hbm>>) dst(%dma_wait3A_856 : memref<80x16xf32, #tpu.memory_space<vmem>>)
      %run_scoped3A_865 = arith.constant 18 : i32
      "tpu.region"() ({
        %run_scoped3A_1029 = tpu.sem_alloc : memref<!tpu.dma_semaphore, #tpu.memory_space<semaphore_mem>>
        %dma_start3A_1030 = arith.constant 0 : i32
        %dma_start3A_1031 = arith.constant 0 : i32
        %dma_start3A_1032 = tpu.memref_slice %arg9[%run_scoped3A_865, %dma_start3A_1030, %dma_start3A_1031] : memref<25x80x16xf32, #tpu.memory_space<vmem>> -> memref<1x80x16xf32, #tpu.memory_space<vmem>>
        %dma_start3A_1033 = tpu.memref_squeeze %dma_start3A_1032 : memref<1x80x16xf32, #tpu.memory_space<vmem>> -> memref<80x16xf32, #tpu.memory_space<vmem>>
        %dma_start3A_1034 = arith.constant 0 : i32
        %dma_start3A_1035 = tpu.memref_slice %arg8[%add3A_850, %dma_start3A_1034] : memref<125x80xi32, #tpu.memory_space<vmem>> -> memref<1x80xi32, #tpu.memory_space<vmem>>
        %dma_start3A_1036 = tpu.memref_squeeze %dma_start3A_1035 : memref<1x80xi32, #tpu.memory_space<vmem>> -> memref<80xi32, #tpu.memory_space<vmem>>
        %dma_start3A_1037 = arith.constant 0 : i32
        %dma_start3A_1038 = arith.constant 0 : i32
        %dma_start3A_1039 = tpu.memref_slice %arg10[%dma_start3A_1037, %dma_start3A_1038] : memref<10240x16xf32, #tpu.memory_space<vmem_shared>> -> memref<10240x16xf32, #tpu.memory_space<vmem_shared>>
        tpu.enqueue_indirect_dma source(%dma_start3A_1033 : memref<80x16xf32, #tpu.memory_space<vmem>>) target(%dma_start3A_1039 : memref<10240x16xf32, #tpu.memory_space<vmem_shared>>) offsets(%dma_start3A_1036 : memref<80xi32, #tpu.memory_space<vmem>>) semaphore(%run_scoped3A_1029 : memref<!tpu.dma_semaphore, #tpu.memory_space<semaphore_mem>>) {add = true}
        %dma_wait3A_1040 = arith.constant 0 : i32
        %dma_wait3A_1041 = arith.constant 0 : i32
        %dma_wait3A_1042 = tpu.memref_slice %arg9[%run_scoped3A_865, %dma_wait3A_1040, %dma_wait3A_1041] : memref<25x80x16xf32, #tpu.memory_space<vmem>> -> memref<1x80x16xf32, #tpu.memory_space<vmem>>
        %dma_wait3A_1043 = tpu.memref_squeeze %dma_wait3A_1042 : memref<1x80x16xf32, #tpu.memory_space<vmem>> -> memref<80x16xf32, #tpu.memory_space<vmem>>
        %dma_wait3A_1044 = arith.constant 0 : i32
        %dma_wait3A_1045 = tpu.memref_slice %arg8[%add3A_850, %dma_wait3A_1044] : memref<125x80xi32, #tpu.memory_space<vmem>> -> memref<1x80xi32, #tpu.memory_space<vmem>>
        %dma_wait3A_1046 = tpu.memref_squeeze %dma_wait3A_1045 : memref<1x80xi32, #tpu.memory_space<vmem>> -> memref<80xi32, #tpu.memory_space<vmem>>
        %dma_wait3A_1047 = arith.constant 0 : i32
        %dma_wait3A_1048 = arith.constant 0 : i32
        %dma_wait3A_1049 = tpu.memref_slice %arg10[%dma_wait3A_1047, %dma_wait3A_1048] : memref<10240x16xf32, #tpu.memory_space<vmem_shared>> -> memref<10240x16xf32, #tpu.memory_space<vmem_shared>>
        tpu.wait_indirect_dma semaphore(%run_scoped3A_1029 : memref<!tpu.dma_semaphore, #tpu.memory_space<semaphore_mem>>) src(%dma_wait3A_1043 : memref<80x16xf32, #tpu.memory_space<vmem>>) dst(%dma_wait3A_1049 : memref<10240x16xf32, #tpu.memory_space<vmem_shared>>)
        tpu.yield
      }) : () -> ()
      %add3A_866 = arith.constant 25 : i32
      %add3A_867 = arith.addi %add3A_850, %add3A_866 : i32
      %lt3A_868 = arith.constant 125 : i32
      %lt3A_869 = arith.cmpi slt, %add3A_867, %lt3A_868 : i32
      %convert_element_type3A_870 = arith.extui %lt3A_869 : i1 to i32
      %cond3A_871 = arith.constant 0 : i32
      %cond3A_872 = arith.cmpi ne, %convert_element_type3A_870, %cond3A_871 : i32
      scf.if %cond3A_872 {
        %dma_start3A_1029 = arith.constant 18 : i32
        %dma_start3A_1030 = arith.constant 18 : i32
        %dma_start3A_1031 = arith.constant 0 : i32
        %dma_start3A_1032 = arith.constant 0 : i32
        %dma_start3A_1033 = tpu.memref_slice %arg9[%dma_start3A_1029, %dma_start3A_1031, %dma_start3A_1032] : memref<25x80x16xf32, #tpu.memory_space<vmem>> -> memref<1x80x16xf32, #tpu.memory_space<vmem>>
        %dma_start3A_1034 = tpu.memref_squeeze %dma_start3A_1033 : memref<1x80x16xf32, #tpu.memory_space<vmem>> -> memref<80x16xf32, #tpu.memory_space<vmem>>
        %dma_start3A_1035 = arith.constant 0 : i32
        %dma_start3A_1036 = tpu.memref_slice %arg7[%add3A_867, %dma_start3A_1035] : memref<125x80xi32, #tpu.memory_space<vmem>> -> memref<1x80xi32, #tpu.memory_space<vmem>>
        %dma_start3A_1037 = tpu.memref_squeeze %dma_start3A_1036 : memref<1x80xi32, #tpu.memory_space<vmem>> -> memref<80xi32, #tpu.memory_space<vmem>>
        %dma_start3A_1038 = arith.constant 0 : i32
        %dma_start3A_1039 = arith.constant 0 : i32
        %dma_start3A_1040 = tpu.memref_slice %arg2[%dma_start3A_1038, %dma_start3A_1039] : memref<10000x16xf32, #tpu.memory_space<hbm>> -> memref<10000x16xf32, #tpu.memory_space<hbm>>
        %dma_start3A_1041 = tpu.memref_slice %arg11[%dma_start3A_1030] : memref<25x!tpu.dma_semaphore, #tpu.memory_space<semaphore_mem>> -> memref<1x!tpu.dma_semaphore, #tpu.memory_space<semaphore_mem>>
        %dma_start3A_1042 = tpu.memref_squeeze %dma_start3A_1041 : memref<1x!tpu.dma_semaphore, #tpu.memory_space<semaphore_mem>> -> memref<!tpu.dma_semaphore, #tpu.memory_space<semaphore_mem>>
        tpu.enqueue_indirect_dma source(%dma_start3A_1040 : memref<10000x16xf32, #tpu.memory_space<hbm>>) target(%dma_start3A_1034 : memref<80x16xf32, #tpu.memory_space<vmem>>) offsets(%dma_start3A_1037 : memref<80xi32, #tpu.memory_space<vmem>>) semaphore(%dma_start3A_1042 : memref<!tpu.dma_semaphore, #tpu.memory_space<semaphore_mem>>)
      } else {
      }
      %mul3A_873 = arith.constant 25 : i32
      %mul3A_874 = arith.muli %scan3A_383, %mul3A_873 : i32
      %add3A_875 = arith.constant 19 : i32
      %add3A_876 = arith.addi %mul3A_874, %add3A_875 : i32
      %dma_wait3A_877 = arith.constant 19 : i32
      %dma_wait3A_878 = arith.constant 19 : i32
      %dma_wait3A_879 = arith.constant 0 : i32
      %dma_wait3A_880 = arith.constant 0 : i32
      %dma_wait3A_881 = tpu.memref_slice %arg9[%dma_wait3A_877, %dma_wait3A_879, %dma_wait3A_880] : memref<25x80x16xf32, #tpu.memory_space<vmem>> -> memref<1x80x16xf32, #tpu.memory_space<vmem>>
      %dma_wait3A_882 = tpu.memref_squeeze %dma_wait3A_881 : memref<1x80x16xf32, #tpu.memory_space<vmem>> -> memref<80x16xf32, #tpu.memory_space<vmem>>
      %dma_wait3A_883 = arith.constant 0 : i32
      %dma_wait3A_884 = tpu.memref_slice %arg7[%add3A_876, %dma_wait3A_883] : memref<125x80xi32, #tpu.memory_space<vmem>> -> memref<1x80xi32, #tpu.memory_space<vmem>>
      %dma_wait3A_885 = tpu.memref_squeeze %dma_wait3A_884 : memref<1x80xi32, #tpu.memory_space<vmem>> -> memref<80xi32, #tpu.memory_space<vmem>>
      %dma_wait3A_886 = arith.constant 0 : i32
      %dma_wait3A_887 = arith.constant 0 : i32
      %dma_wait3A_888 = tpu.memref_slice %arg2[%dma_wait3A_886, %dma_wait3A_887] : memref<10000x16xf32, #tpu.memory_space<hbm>> -> memref<10000x16xf32, #tpu.memory_space<hbm>>
      %dma_wait3A_889 = tpu.memref_slice %arg11[%dma_wait3A_878] : memref<25x!tpu.dma_semaphore, #tpu.memory_space<semaphore_mem>> -> memref<1x!tpu.dma_semaphore, #tpu.memory_space<semaphore_mem>>
      %dma_wait3A_890 = tpu.memref_squeeze %dma_wait3A_889 : memref<1x!tpu.dma_semaphore, #tpu.memory_space<semaphore_mem>> -> memref<!tpu.dma_semaphore, #tpu.memory_space<semaphore_mem>>
      tpu.wait_indirect_dma semaphore(%dma_wait3A_890 : memref<!tpu.dma_semaphore, #tpu.memory_space<semaphore_mem>>) src(%dma_wait3A_888 : memref<10000x16xf32, #tpu.memory_space<hbm>>) dst(%dma_wait3A_882 : memref<80x16xf32, #tpu.memory_space<vmem>>)
      %run_scoped3A_891 = arith.constant 19 : i32
      "tpu.region"() ({
        %run_scoped3A_1029 = tpu.sem_alloc : memref<!tpu.dma_semaphore, #tpu.memory_space<semaphore_mem>>
        %dma_start3A_1030 = arith.constant 0 : i32
        %dma_start3A_1031 = arith.constant 0 : i32
        %dma_start3A_1032 = tpu.memref_slice %arg9[%run_scoped3A_891, %dma_start3A_1030, %dma_start3A_1031] : memref<25x80x16xf32, #tpu.memory_space<vmem>> -> memref<1x80x16xf32, #tpu.memory_space<vmem>>
        %dma_start3A_1033 = tpu.memref_squeeze %dma_start3A_1032 : memref<1x80x16xf32, #tpu.memory_space<vmem>> -> memref<80x16xf32, #tpu.memory_space<vmem>>
        %dma_start3A_1034 = arith.constant 0 : i32
        %dma_start3A_1035 = tpu.memref_slice %arg8[%add3A_876, %dma_start3A_1034] : memref<125x80xi32, #tpu.memory_space<vmem>> -> memref<1x80xi32, #tpu.memory_space<vmem>>
        %dma_start3A_1036 = tpu.memref_squeeze %dma_start3A_1035 : memref<1x80xi32, #tpu.memory_space<vmem>> -> memref<80xi32, #tpu.memory_space<vmem>>
        %dma_start3A_1037 = arith.constant 0 : i32
        %dma_start3A_1038 = arith.constant 0 : i32
        %dma_start3A_1039 = tpu.memref_slice %arg10[%dma_start3A_1037, %dma_start3A_1038] : memref<10240x16xf32, #tpu.memory_space<vmem_shared>> -> memref<10240x16xf32, #tpu.memory_space<vmem_shared>>
        tpu.enqueue_indirect_dma source(%dma_start3A_1033 : memref<80x16xf32, #tpu.memory_space<vmem>>) target(%dma_start3A_1039 : memref<10240x16xf32, #tpu.memory_space<vmem_shared>>) offsets(%dma_start3A_1036 : memref<80xi32, #tpu.memory_space<vmem>>) semaphore(%run_scoped3A_1029 : memref<!tpu.dma_semaphore, #tpu.memory_space<semaphore_mem>>) {add = true}
        %dma_wait3A_1040 = arith.constant 0 : i32
        %dma_wait3A_1041 = arith.constant 0 : i32
        %dma_wait3A_1042 = tpu.memref_slice %arg9[%run_scoped3A_891, %dma_wait3A_1040, %dma_wait3A_1041] : memref<25x80x16xf32, #tpu.memory_space<vmem>> -> memref<1x80x16xf32, #tpu.memory_space<vmem>>
        %dma_wait3A_1043 = tpu.memref_squeeze %dma_wait3A_1042 : memref<1x80x16xf32, #tpu.memory_space<vmem>> -> memref<80x16xf32, #tpu.memory_space<vmem>>
        %dma_wait3A_1044 = arith.constant 0 : i32
        %dma_wait3A_1045 = tpu.memref_slice %arg8[%add3A_876, %dma_wait3A_1044] : memref<125x80xi32, #tpu.memory_space<vmem>> -> memref<1x80xi32, #tpu.memory_space<vmem>>
        %dma_wait3A_1046 = tpu.memref_squeeze %dma_wait3A_1045 : memref<1x80xi32, #tpu.memory_space<vmem>> -> memref<80xi32, #tpu.memory_space<vmem>>
        %dma_wait3A_1047 = arith.constant 0 : i32
        %dma_wait3A_1048 = arith.constant 0 : i32
        %dma_wait3A_1049 = tpu.memref_slice %arg10[%dma_wait3A_1047, %dma_wait3A_1048] : memref<10240x16xf32, #tpu.memory_space<vmem_shared>> -> memref<10240x16xf32, #tpu.memory_space<vmem_shared>>
        tpu.wait_indirect_dma semaphore(%run_scoped3A_1029 : memref<!tpu.dma_semaphore, #tpu.memory_space<semaphore_mem>>) src(%dma_wait3A_1043 : memref<80x16xf32, #tpu.memory_space<vmem>>) dst(%dma_wait3A_1049 : memref<10240x16xf32, #tpu.memory_space<vmem_shared>>)
        tpu.yield
      }) : () -> ()
      %add3A_892 = arith.constant 25 : i32
      %add3A_893 = arith.addi %add3A_876, %add3A_892 : i32
      %lt3A_894 = arith.constant 125 : i32
      %lt3A_895 = arith.cmpi slt, %add3A_893, %lt3A_894 : i32
      %convert_element_type3A_896 = arith.extui %lt3A_895 : i1 to i32
      %cond3A_897 = arith.constant 0 : i32
      %cond3A_898 = arith.cmpi ne, %convert_element_type3A_896, %cond3A_897 : i32
      scf.if %cond3A_898 {
        %dma_start3A_1029 = arith.constant 19 : i32
        %dma_start3A_1030 = arith.constant 19 : i32
        %dma_start3A_1031 = arith.constant 0 : i32
        %dma_start3A_1032 = arith.constant 0 : i32
        %dma_start3A_1033 = tpu.memref_slice %arg9[%dma_start3A_1029, %dma_start3A_1031, %dma_start3A_1032] : memref<25x80x16xf32, #tpu.memory_space<vmem>> -> memref<1x80x16xf32, #tpu.memory_space<vmem>>
        %dma_start3A_1034 = tpu.memref_squeeze %dma_start3A_1033 : memref<1x80x16xf32, #tpu.memory_space<vmem>> -> memref<80x16xf32, #tpu.memory_space<vmem>>
        %dma_start3A_1035 = arith.constant 0 : i32
        %dma_start3A_1036 = tpu.memref_slice %arg7[%add3A_893, %dma_start3A_1035] : memref<125x80xi32, #tpu.memory_space<vmem>> -> memref<1x80xi32, #tpu.memory_space<vmem>>
        %dma_start3A_1037 = tpu.memref_squeeze %dma_start3A_1036 : memref<1x80xi32, #tpu.memory_space<vmem>> -> memref<80xi32, #tpu.memory_space<vmem>>
        %dma_start3A_1038 = arith.constant 0 : i32
        %dma_start3A_1039 = arith.constant 0 : i32
        %dma_start3A_1040 = tpu.memref_slice %arg2[%dma_start3A_1038, %dma_start3A_1039] : memref<10000x16xf32, #tpu.memory_space<hbm>> -> memref<10000x16xf32, #tpu.memory_space<hbm>>
        %dma_start3A_1041 = tpu.memref_slice %arg11[%dma_start3A_1030] : memref<25x!tpu.dma_semaphore, #tpu.memory_space<semaphore_mem>> -> memref<1x!tpu.dma_semaphore, #tpu.memory_space<semaphore_mem>>
        %dma_start3A_1042 = tpu.memref_squeeze %dma_start3A_1041 : memref<1x!tpu.dma_semaphore, #tpu.memory_space<semaphore_mem>> -> memref<!tpu.dma_semaphore, #tpu.memory_space<semaphore_mem>>
        tpu.enqueue_indirect_dma source(%dma_start3A_1040 : memref<10000x16xf32, #tpu.memory_space<hbm>>) target(%dma_start3A_1034 : memref<80x16xf32, #tpu.memory_space<vmem>>) offsets(%dma_start3A_1037 : memref<80xi32, #tpu.memory_space<vmem>>) semaphore(%dma_start3A_1042 : memref<!tpu.dma_semaphore, #tpu.memory_space<semaphore_mem>>)
      } else {
      }
      %mul3A_899 = arith.constant 25 : i32
      %mul3A_900 = arith.muli %scan3A_383, %mul3A_899 : i32
      %add3A_901 = arith.constant 20 : i32
      %add3A_902 = arith.addi %mul3A_900, %add3A_901 : i32
      %dma_wait3A_903 = arith.constant 20 : i32
      %dma_wait3A_904 = arith.constant 20 : i32
      %dma_wait3A_905 = arith.constant 0 : i32
      %dma_wait3A_906 = arith.constant 0 : i32
      %dma_wait3A_907 = tpu.memref_slice %arg9[%dma_wait3A_903, %dma_wait3A_905, %dma_wait3A_906] : memref<25x80x16xf32, #tpu.memory_space<vmem>> -> memref<1x80x16xf32, #tpu.memory_space<vmem>>
      %dma_wait3A_908 = tpu.memref_squeeze %dma_wait3A_907 : memref<1x80x16xf32, #tpu.memory_space<vmem>> -> memref<80x16xf32, #tpu.memory_space<vmem>>
      %dma_wait3A_909 = arith.constant 0 : i32
      %dma_wait3A_910 = tpu.memref_slice %arg7[%add3A_902, %dma_wait3A_909] : memref<125x80xi32, #tpu.memory_space<vmem>> -> memref<1x80xi32, #tpu.memory_space<vmem>>
      %dma_wait3A_911 = tpu.memref_squeeze %dma_wait3A_910 : memref<1x80xi32, #tpu.memory_space<vmem>> -> memref<80xi32, #tpu.memory_space<vmem>>
      %dma_wait3A_912 = arith.constant 0 : i32
      %dma_wait3A_913 = arith.constant 0 : i32
      %dma_wait3A_914 = tpu.memref_slice %arg2[%dma_wait3A_912, %dma_wait3A_913] : memref<10000x16xf32, #tpu.memory_space<hbm>> -> memref<10000x16xf32, #tpu.memory_space<hbm>>
      %dma_wait3A_915 = tpu.memref_slice %arg11[%dma_wait3A_904] : memref<25x!tpu.dma_semaphore, #tpu.memory_space<semaphore_mem>> -> memref<1x!tpu.dma_semaphore, #tpu.memory_space<semaphore_mem>>
      %dma_wait3A_916 = tpu.memref_squeeze %dma_wait3A_915 : memref<1x!tpu.dma_semaphore, #tpu.memory_space<semaphore_mem>> -> memref<!tpu.dma_semaphore, #tpu.memory_space<semaphore_mem>>
      tpu.wait_indirect_dma semaphore(%dma_wait3A_916 : memref<!tpu.dma_semaphore, #tpu.memory_space<semaphore_mem>>) src(%dma_wait3A_914 : memref<10000x16xf32, #tpu.memory_space<hbm>>) dst(%dma_wait3A_908 : memref<80x16xf32, #tpu.memory_space<vmem>>)
      %run_scoped3A_917 = arith.constant 20 : i32
      "tpu.region"() ({
        %run_scoped3A_1029 = tpu.sem_alloc : memref<!tpu.dma_semaphore, #tpu.memory_space<semaphore_mem>>
        %dma_start3A_1030 = arith.constant 0 : i32
        %dma_start3A_1031 = arith.constant 0 : i32
        %dma_start3A_1032 = tpu.memref_slice %arg9[%run_scoped3A_917, %dma_start3A_1030, %dma_start3A_1031] : memref<25x80x16xf32, #tpu.memory_space<vmem>> -> memref<1x80x16xf32, #tpu.memory_space<vmem>>
        %dma_start3A_1033 = tpu.memref_squeeze %dma_start3A_1032 : memref<1x80x16xf32, #tpu.memory_space<vmem>> -> memref<80x16xf32, #tpu.memory_space<vmem>>
        %dma_start3A_1034 = arith.constant 0 : i32
        %dma_start3A_1035 = tpu.memref_slice %arg8[%add3A_902, %dma_start3A_1034] : memref<125x80xi32, #tpu.memory_space<vmem>> -> memref<1x80xi32, #tpu.memory_space<vmem>>
        %dma_start3A_1036 = tpu.memref_squeeze %dma_start3A_1035 : memref<1x80xi32, #tpu.memory_space<vmem>> -> memref<80xi32, #tpu.memory_space<vmem>>
        %dma_start3A_1037 = arith.constant 0 : i32
        %dma_start3A_1038 = arith.constant 0 : i32
        %dma_start3A_1039 = tpu.memref_slice %arg10[%dma_start3A_1037, %dma_start3A_1038] : memref<10240x16xf32, #tpu.memory_space<vmem_shared>> -> memref<10240x16xf32, #tpu.memory_space<vmem_shared>>
        tpu.enqueue_indirect_dma source(%dma_start3A_1033 : memref<80x16xf32, #tpu.memory_space<vmem>>) target(%dma_start3A_1039 : memref<10240x16xf32, #tpu.memory_space<vmem_shared>>) offsets(%dma_start3A_1036 : memref<80xi32, #tpu.memory_space<vmem>>) semaphore(%run_scoped3A_1029 : memref<!tpu.dma_semaphore, #tpu.memory_space<semaphore_mem>>) {add = true}
        %dma_wait3A_1040 = arith.constant 0 : i32
        %dma_wait3A_1041 = arith.constant 0 : i32
        %dma_wait3A_1042 = tpu.memref_slice %arg9[%run_scoped3A_917, %dma_wait3A_1040, %dma_wait3A_1041] : memref<25x80x16xf32, #tpu.memory_space<vmem>> -> memref<1x80x16xf32, #tpu.memory_space<vmem>>
        %dma_wait3A_1043 = tpu.memref_squeeze %dma_wait3A_1042 : memref<1x80x16xf32, #tpu.memory_space<vmem>> -> memref<80x16xf32, #tpu.memory_space<vmem>>
        %dma_wait3A_1044 = arith.constant 0 : i32
        %dma_wait3A_1045 = tpu.memref_slice %arg8[%add3A_902, %dma_wait3A_1044] : memref<125x80xi32, #tpu.memory_space<vmem>> -> memref<1x80xi32, #tpu.memory_space<vmem>>
        %dma_wait3A_1046 = tpu.memref_squeeze %dma_wait3A_1045 : memref<1x80xi32, #tpu.memory_space<vmem>> -> memref<80xi32, #tpu.memory_space<vmem>>
        %dma_wait3A_1047 = arith.constant 0 : i32
        %dma_wait3A_1048 = arith.constant 0 : i32
        %dma_wait3A_1049 = tpu.memref_slice %arg10[%dma_wait3A_1047, %dma_wait3A_1048] : memref<10240x16xf32, #tpu.memory_space<vmem_shared>> -> memref<10240x16xf32, #tpu.memory_space<vmem_shared>>
        tpu.wait_indirect_dma semaphore(%run_scoped3A_1029 : memref<!tpu.dma_semaphore, #tpu.memory_space<semaphore_mem>>) src(%dma_wait3A_1043 : memref<80x16xf32, #tpu.memory_space<vmem>>) dst(%dma_wait3A_1049 : memref<10240x16xf32, #tpu.memory_space<vmem_shared>>)
        tpu.yield
      }) : () -> ()
      %add3A_918 = arith.constant 25 : i32
      %add3A_919 = arith.addi %add3A_902, %add3A_918 : i32
      %lt3A_920 = arith.constant 125 : i32
      %lt3A_921 = arith.cmpi slt, %add3A_919, %lt3A_920 : i32
      %convert_element_type3A_922 = arith.extui %lt3A_921 : i1 to i32
      %cond3A_923 = arith.constant 0 : i32
      %cond3A_924 = arith.cmpi ne, %convert_element_type3A_922, %cond3A_923 : i32
      scf.if %cond3A_924 {
        %dma_start3A_1029 = arith.constant 20 : i32
        %dma_start3A_1030 = arith.constant 20 : i32
        %dma_start3A_1031 = arith.constant 0 : i32
        %dma_start3A_1032 = arith.constant 0 : i32
        %dma_start3A_1033 = tpu.memref_slice %arg9[%dma_start3A_1029, %dma_start3A_1031, %dma_start3A_1032] : memref<25x80x16xf32, #tpu.memory_space<vmem>> -> memref<1x80x16xf32, #tpu.memory_space<vmem>>
        %dma_start3A_1034 = tpu.memref_squeeze %dma_start3A_1033 : memref<1x80x16xf32, #tpu.memory_space<vmem>> -> memref<80x16xf32, #tpu.memory_space<vmem>>
        %dma_start3A_1035 = arith.constant 0 : i32
        %dma_start3A_1036 = tpu.memref_slice %arg7[%add3A_919, %dma_start3A_1035] : memref<125x80xi32, #tpu.memory_space<vmem>> -> memref<1x80xi32, #tpu.memory_space<vmem>>
        %dma_start3A_1037 = tpu.memref_squeeze %dma_start3A_1036 : memref<1x80xi32, #tpu.memory_space<vmem>> -> memref<80xi32, #tpu.memory_space<vmem>>
        %dma_start3A_1038 = arith.constant 0 : i32
        %dma_start3A_1039 = arith.constant 0 : i32
        %dma_start3A_1040 = tpu.memref_slice %arg2[%dma_start3A_1038, %dma_start3A_1039] : memref<10000x16xf32, #tpu.memory_space<hbm>> -> memref<10000x16xf32, #tpu.memory_space<hbm>>
        %dma_start3A_1041 = tpu.memref_slice %arg11[%dma_start3A_1030] : memref<25x!tpu.dma_semaphore, #tpu.memory_space<semaphore_mem>> -> memref<1x!tpu.dma_semaphore, #tpu.memory_space<semaphore_mem>>
        %dma_start3A_1042 = tpu.memref_squeeze %dma_start3A_1041 : memref<1x!tpu.dma_semaphore, #tpu.memory_space<semaphore_mem>> -> memref<!tpu.dma_semaphore, #tpu.memory_space<semaphore_mem>>
        tpu.enqueue_indirect_dma source(%dma_start3A_1040 : memref<10000x16xf32, #tpu.memory_space<hbm>>) target(%dma_start3A_1034 : memref<80x16xf32, #tpu.memory_space<vmem>>) offsets(%dma_start3A_1037 : memref<80xi32, #tpu.memory_space<vmem>>) semaphore(%dma_start3A_1042 : memref<!tpu.dma_semaphore, #tpu.memory_space<semaphore_mem>>)
      } else {
      }
      %mul3A_925 = arith.constant 25 : i32
      %mul3A_926 = arith.muli %scan3A_383, %mul3A_925 : i32
      %add3A_927 = arith.constant 21 : i32
      %add3A_928 = arith.addi %mul3A_926, %add3A_927 : i32
      %dma_wait3A_929 = arith.constant 21 : i32
      %dma_wait3A_930 = arith.constant 21 : i32
      %dma_wait3A_931 = arith.constant 0 : i32
      %dma_wait3A_932 = arith.constant 0 : i32
      %dma_wait3A_933 = tpu.memref_slice %arg9[%dma_wait3A_929, %dma_wait3A_931, %dma_wait3A_932] : memref<25x80x16xf32, #tpu.memory_space<vmem>> -> memref<1x80x16xf32, #tpu.memory_space<vmem>>
      %dma_wait3A_934 = tpu.memref_squeeze %dma_wait3A_933 : memref<1x80x16xf32, #tpu.memory_space<vmem>> -> memref<80x16xf32, #tpu.memory_space<vmem>>
      %dma_wait3A_935 = arith.constant 0 : i32
      %dma_wait3A_936 = tpu.memref_slice %arg7[%add3A_928, %dma_wait3A_935] : memref<125x80xi32, #tpu.memory_space<vmem>> -> memref<1x80xi32, #tpu.memory_space<vmem>>
      %dma_wait3A_937 = tpu.memref_squeeze %dma_wait3A_936 : memref<1x80xi32, #tpu.memory_space<vmem>> -> memref<80xi32, #tpu.memory_space<vmem>>
      %dma_wait3A_938 = arith.constant 0 : i32
      %dma_wait3A_939 = arith.constant 0 : i32
      %dma_wait3A_940 = tpu.memref_slice %arg2[%dma_wait3A_938, %dma_wait3A_939] : memref<10000x16xf32, #tpu.memory_space<hbm>> -> memref<10000x16xf32, #tpu.memory_space<hbm>>
      %dma_wait3A_941 = tpu.memref_slice %arg11[%dma_wait3A_930] : memref<25x!tpu.dma_semaphore, #tpu.memory_space<semaphore_mem>> -> memref<1x!tpu.dma_semaphore, #tpu.memory_space<semaphore_mem>>
      %dma_wait3A_942 = tpu.memref_squeeze %dma_wait3A_941 : memref<1x!tpu.dma_semaphore, #tpu.memory_space<semaphore_mem>> -> memref<!tpu.dma_semaphore, #tpu.memory_space<semaphore_mem>>
      tpu.wait_indirect_dma semaphore(%dma_wait3A_942 : memref<!tpu.dma_semaphore, #tpu.memory_space<semaphore_mem>>) src(%dma_wait3A_940 : memref<10000x16xf32, #tpu.memory_space<hbm>>) dst(%dma_wait3A_934 : memref<80x16xf32, #tpu.memory_space<vmem>>)
      %run_scoped3A_943 = arith.constant 21 : i32
      "tpu.region"() ({
        %run_scoped3A_1029 = tpu.sem_alloc : memref<!tpu.dma_semaphore, #tpu.memory_space<semaphore_mem>>
        %dma_start3A_1030 = arith.constant 0 : i32
        %dma_start3A_1031 = arith.constant 0 : i32
        %dma_start3A_1032 = tpu.memref_slice %arg9[%run_scoped3A_943, %dma_start3A_1030, %dma_start3A_1031] : memref<25x80x16xf32, #tpu.memory_space<vmem>> -> memref<1x80x16xf32, #tpu.memory_space<vmem>>
        %dma_start3A_1033 = tpu.memref_squeeze %dma_start3A_1032 : memref<1x80x16xf32, #tpu.memory_space<vmem>> -> memref<80x16xf32, #tpu.memory_space<vmem>>
        %dma_start3A_1034 = arith.constant 0 : i32
        %dma_start3A_1035 = tpu.memref_slice %arg8[%add3A_928, %dma_start3A_1034] : memref<125x80xi32, #tpu.memory_space<vmem>> -> memref<1x80xi32, #tpu.memory_space<vmem>>
        %dma_start3A_1036 = tpu.memref_squeeze %dma_start3A_1035 : memref<1x80xi32, #tpu.memory_space<vmem>> -> memref<80xi32, #tpu.memory_space<vmem>>
        %dma_start3A_1037 = arith.constant 0 : i32
        %dma_start3A_1038 = arith.constant 0 : i32
        %dma_start3A_1039 = tpu.memref_slice %arg10[%dma_start3A_1037, %dma_start3A_1038] : memref<10240x16xf32, #tpu.memory_space<vmem_shared>> -> memref<10240x16xf32, #tpu.memory_space<vmem_shared>>
        tpu.enqueue_indirect_dma source(%dma_start3A_1033 : memref<80x16xf32, #tpu.memory_space<vmem>>) target(%dma_start3A_1039 : memref<10240x16xf32, #tpu.memory_space<vmem_shared>>) offsets(%dma_start3A_1036 : memref<80xi32, #tpu.memory_space<vmem>>) semaphore(%run_scoped3A_1029 : memref<!tpu.dma_semaphore, #tpu.memory_space<semaphore_mem>>) {add = true}
        %dma_wait3A_1040 = arith.constant 0 : i32
        %dma_wait3A_1041 = arith.constant 0 : i32
        %dma_wait3A_1042 = tpu.memref_slice %arg9[%run_scoped3A_943, %dma_wait3A_1040, %dma_wait3A_1041] : memref<25x80x16xf32, #tpu.memory_space<vmem>> -> memref<1x80x16xf32, #tpu.memory_space<vmem>>
        %dma_wait3A_1043 = tpu.memref_squeeze %dma_wait3A_1042 : memref<1x80x16xf32, #tpu.memory_space<vmem>> -> memref<80x16xf32, #tpu.memory_space<vmem>>
        %dma_wait3A_1044 = arith.constant 0 : i32
        %dma_wait3A_1045 = tpu.memref_slice %arg8[%add3A_928, %dma_wait3A_1044] : memref<125x80xi32, #tpu.memory_space<vmem>> -> memref<1x80xi32, #tpu.memory_space<vmem>>
        %dma_wait3A_1046 = tpu.memref_squeeze %dma_wait3A_1045 : memref<1x80xi32, #tpu.memory_space<vmem>> -> memref<80xi32, #tpu.memory_space<vmem>>
        %dma_wait3A_1047 = arith.constant 0 : i32
        %dma_wait3A_1048 = arith.constant 0 : i32
        %dma_wait3A_1049 = tpu.memref_slice %arg10[%dma_wait3A_1047, %dma_wait3A_1048] : memref<10240x16xf32, #tpu.memory_space<vmem_shared>> -> memref<10240x16xf32, #tpu.memory_space<vmem_shared>>
        tpu.wait_indirect_dma semaphore(%run_scoped3A_1029 : memref<!tpu.dma_semaphore, #tpu.memory_space<semaphore_mem>>) src(%dma_wait3A_1043 : memref<80x16xf32, #tpu.memory_space<vmem>>) dst(%dma_wait3A_1049 : memref<10240x16xf32, #tpu.memory_space<vmem_shared>>)
        tpu.yield
      }) : () -> ()
      %add3A_944 = arith.constant 25 : i32
      %add3A_945 = arith.addi %add3A_928, %add3A_944 : i32
      %lt3A_946 = arith.constant 125 : i32
      %lt3A_947 = arith.cmpi slt, %add3A_945, %lt3A_946 : i32
      %convert_element_type3A_948 = arith.extui %lt3A_947 : i1 to i32
      %cond3A_949 = arith.constant 0 : i32
      %cond3A_950 = arith.cmpi ne, %convert_element_type3A_948, %cond3A_949 : i32
      scf.if %cond3A_950 {
        %dma_start3A_1029 = arith.constant 21 : i32
        %dma_start3A_1030 = arith.constant 21 : i32
        %dma_start3A_1031 = arith.constant 0 : i32
        %dma_start3A_1032 = arith.constant 0 : i32
        %dma_start3A_1033 = tpu.memref_slice %arg9[%dma_start3A_1029, %dma_start3A_1031, %dma_start3A_1032] : memref<25x80x16xf32, #tpu.memory_space<vmem>> -> memref<1x80x16xf32, #tpu.memory_space<vmem>>
        %dma_start3A_1034 = tpu.memref_squeeze %dma_start3A_1033 : memref<1x80x16xf32, #tpu.memory_space<vmem>> -> memref<80x16xf32, #tpu.memory_space<vmem>>
        %dma_start3A_1035 = arith.constant 0 : i32
        %dma_start3A_1036 = tpu.memref_slice %arg7[%add3A_945, %dma_start3A_1035] : memref<125x80xi32, #tpu.memory_space<vmem>> -> memref<1x80xi32, #tpu.memory_space<vmem>>
        %dma_start3A_1037 = tpu.memref_squeeze %dma_start3A_1036 : memref<1x80xi32, #tpu.memory_space<vmem>> -> memref<80xi32, #tpu.memory_space<vmem>>
        %dma_start3A_1038 = arith.constant 0 : i32
        %dma_start3A_1039 = arith.constant 0 : i32
        %dma_start3A_1040 = tpu.memref_slice %arg2[%dma_start3A_1038, %dma_start3A_1039] : memref<10000x16xf32, #tpu.memory_space<hbm>> -> memref<10000x16xf32, #tpu.memory_space<hbm>>
        %dma_start3A_1041 = tpu.memref_slice %arg11[%dma_start3A_1030] : memref<25x!tpu.dma_semaphore, #tpu.memory_space<semaphore_mem>> -> memref<1x!tpu.dma_semaphore, #tpu.memory_space<semaphore_mem>>
        %dma_start3A_1042 = tpu.memref_squeeze %dma_start3A_1041 : memref<1x!tpu.dma_semaphore, #tpu.memory_space<semaphore_mem>> -> memref<!tpu.dma_semaphore, #tpu.memory_space<semaphore_mem>>
        tpu.enqueue_indirect_dma source(%dma_start3A_1040 : memref<10000x16xf32, #tpu.memory_space<hbm>>) target(%dma_start3A_1034 : memref<80x16xf32, #tpu.memory_space<vmem>>) offsets(%dma_start3A_1037 : memref<80xi32, #tpu.memory_space<vmem>>) semaphore(%dma_start3A_1042 : memref<!tpu.dma_semaphore, #tpu.memory_space<semaphore_mem>>)
      } else {
      }
      %mul3A_951 = arith.constant 25 : i32
      %mul3A_952 = arith.muli %scan3A_383, %mul3A_951 : i32
      %add3A_953 = arith.constant 22 : i32
      %add3A_954 = arith.addi %mul3A_952, %add3A_953 : i32
      %dma_wait3A_955 = arith.constant 22 : i32
      %dma_wait3A_956 = arith.constant 22 : i32
      %dma_wait3A_957 = arith.constant 0 : i32
      %dma_wait3A_958 = arith.constant 0 : i32
      %dma_wait3A_959 = tpu.memref_slice %arg9[%dma_wait3A_955, %dma_wait3A_957, %dma_wait3A_958] : memref<25x80x16xf32, #tpu.memory_space<vmem>> -> memref<1x80x16xf32, #tpu.memory_space<vmem>>
      %dma_wait3A_960 = tpu.memref_squeeze %dma_wait3A_959 : memref<1x80x16xf32, #tpu.memory_space<vmem>> -> memref<80x16xf32, #tpu.memory_space<vmem>>
      %dma_wait3A_961 = arith.constant 0 : i32
      %dma_wait3A_962 = tpu.memref_slice %arg7[%add3A_954, %dma_wait3A_961] : memref<125x80xi32, #tpu.memory_space<vmem>> -> memref<1x80xi32, #tpu.memory_space<vmem>>
      %dma_wait3A_963 = tpu.memref_squeeze %dma_wait3A_962 : memref<1x80xi32, #tpu.memory_space<vmem>> -> memref<80xi32, #tpu.memory_space<vmem>>
      %dma_wait3A_964 = arith.constant 0 : i32
      %dma_wait3A_965 = arith.constant 0 : i32
      %dma_wait3A_966 = tpu.memref_slice %arg2[%dma_wait3A_964, %dma_wait3A_965] : memref<10000x16xf32, #tpu.memory_space<hbm>> -> memref<10000x16xf32, #tpu.memory_space<hbm>>
      %dma_wait3A_967 = tpu.memref_slice %arg11[%dma_wait3A_956] : memref<25x!tpu.dma_semaphore, #tpu.memory_space<semaphore_mem>> -> memref<1x!tpu.dma_semaphore, #tpu.memory_space<semaphore_mem>>
      %dma_wait3A_968 = tpu.memref_squeeze %dma_wait3A_967 : memref<1x!tpu.dma_semaphore, #tpu.memory_space<semaphore_mem>> -> memref<!tpu.dma_semaphore, #tpu.memory_space<semaphore_mem>>
      tpu.wait_indirect_dma semaphore(%dma_wait3A_968 : memref<!tpu.dma_semaphore, #tpu.memory_space<semaphore_mem>>) src(%dma_wait3A_966 : memref<10000x16xf32, #tpu.memory_space<hbm>>) dst(%dma_wait3A_960 : memref<80x16xf32, #tpu.memory_space<vmem>>)
      %run_scoped3A_969 = arith.constant 22 : i32
      "tpu.region"() ({
        %run_scoped3A_1029 = tpu.sem_alloc : memref<!tpu.dma_semaphore, #tpu.memory_space<semaphore_mem>>
        %dma_start3A_1030 = arith.constant 0 : i32
        %dma_start3A_1031 = arith.constant 0 : i32
        %dma_start3A_1032 = tpu.memref_slice %arg9[%run_scoped3A_969, %dma_start3A_1030, %dma_start3A_1031] : memref<25x80x16xf32, #tpu.memory_space<vmem>> -> memref<1x80x16xf32, #tpu.memory_space<vmem>>
        %dma_start3A_1033 = tpu.memref_squeeze %dma_start3A_1032 : memref<1x80x16xf32, #tpu.memory_space<vmem>> -> memref<80x16xf32, #tpu.memory_space<vmem>>
        %dma_start3A_1034 = arith.constant 0 : i32
        %dma_start3A_1035 = tpu.memref_slice %arg8[%add3A_954, %dma_start3A_1034] : memref<125x80xi32, #tpu.memory_space<vmem>> -> memref<1x80xi32, #tpu.memory_space<vmem>>
        %dma_start3A_1036 = tpu.memref_squeeze %dma_start3A_1035 : memref<1x80xi32, #tpu.memory_space<vmem>> -> memref<80xi32, #tpu.memory_space<vmem>>
        %dma_start3A_1037 = arith.constant 0 : i32
        %dma_start3A_1038 = arith.constant 0 : i32
        %dma_start3A_1039 = tpu.memref_slice %arg10[%dma_start3A_1037, %dma_start3A_1038] : memref<10240x16xf32, #tpu.memory_space<vmem_shared>> -> memref<10240x16xf32, #tpu.memory_space<vmem_shared>>
        tpu.enqueue_indirect_dma source(%dma_start3A_1033 : memref<80x16xf32, #tpu.memory_space<vmem>>) target(%dma_start3A_1039 : memref<10240x16xf32, #tpu.memory_space<vmem_shared>>) offsets(%dma_start3A_1036 : memref<80xi32, #tpu.memory_space<vmem>>) semaphore(%run_scoped3A_1029 : memref<!tpu.dma_semaphore, #tpu.memory_space<semaphore_mem>>) {add = true}
        %dma_wait3A_1040 = arith.constant 0 : i32
        %dma_wait3A_1041 = arith.constant 0 : i32
        %dma_wait3A_1042 = tpu.memref_slice %arg9[%run_scoped3A_969, %dma_wait3A_1040, %dma_wait3A_1041] : memref<25x80x16xf32, #tpu.memory_space<vmem>> -> memref<1x80x16xf32, #tpu.memory_space<vmem>>
        %dma_wait3A_1043 = tpu.memref_squeeze %dma_wait3A_1042 : memref<1x80x16xf32, #tpu.memory_space<vmem>> -> memref<80x16xf32, #tpu.memory_space<vmem>>
        %dma_wait3A_1044 = arith.constant 0 : i32
        %dma_wait3A_1045 = tpu.memref_slice %arg8[%add3A_954, %dma_wait3A_1044] : memref<125x80xi32, #tpu.memory_space<vmem>> -> memref<1x80xi32, #tpu.memory_space<vmem>>
        %dma_wait3A_1046 = tpu.memref_squeeze %dma_wait3A_1045 : memref<1x80xi32, #tpu.memory_space<vmem>> -> memref<80xi32, #tpu.memory_space<vmem>>
        %dma_wait3A_1047 = arith.constant 0 : i32
        %dma_wait3A_1048 = arith.constant 0 : i32
        %dma_wait3A_1049 = tpu.memref_slice %arg10[%dma_wait3A_1047, %dma_wait3A_1048] : memref<10240x16xf32, #tpu.memory_space<vmem_shared>> -> memref<10240x16xf32, #tpu.memory_space<vmem_shared>>
        tpu.wait_indirect_dma semaphore(%run_scoped3A_1029 : memref<!tpu.dma_semaphore, #tpu.memory_space<semaphore_mem>>) src(%dma_wait3A_1043 : memref<80x16xf32, #tpu.memory_space<vmem>>) dst(%dma_wait3A_1049 : memref<10240x16xf32, #tpu.memory_space<vmem_shared>>)
        tpu.yield
      }) : () -> ()
      %add3A_970 = arith.constant 25 : i32
      %add3A_971 = arith.addi %add3A_954, %add3A_970 : i32
      %lt3A_972 = arith.constant 125 : i32
      %lt3A_973 = arith.cmpi slt, %add3A_971, %lt3A_972 : i32
      %convert_element_type3A_974 = arith.extui %lt3A_973 : i1 to i32
      %cond3A_975 = arith.constant 0 : i32
      %cond3A_976 = arith.cmpi ne, %convert_element_type3A_974, %cond3A_975 : i32
      scf.if %cond3A_976 {
        %dma_start3A_1029 = arith.constant 22 : i32
        %dma_start3A_1030 = arith.constant 22 : i32
        %dma_start3A_1031 = arith.constant 0 : i32
        %dma_start3A_1032 = arith.constant 0 : i32
        %dma_start3A_1033 = tpu.memref_slice %arg9[%dma_start3A_1029, %dma_start3A_1031, %dma_start3A_1032] : memref<25x80x16xf32, #tpu.memory_space<vmem>> -> memref<1x80x16xf32, #tpu.memory_space<vmem>>
        %dma_start3A_1034 = tpu.memref_squeeze %dma_start3A_1033 : memref<1x80x16xf32, #tpu.memory_space<vmem>> -> memref<80x16xf32, #tpu.memory_space<vmem>>
        %dma_start3A_1035 = arith.constant 0 : i32
        %dma_start3A_1036 = tpu.memref_slice %arg7[%add3A_971, %dma_start3A_1035] : memref<125x80xi32, #tpu.memory_space<vmem>> -> memref<1x80xi32, #tpu.memory_space<vmem>>
        %dma_start3A_1037 = tpu.memref_squeeze %dma_start3A_1036 : memref<1x80xi32, #tpu.memory_space<vmem>> -> memref<80xi32, #tpu.memory_space<vmem>>
        %dma_start3A_1038 = arith.constant 0 : i32
        %dma_start3A_1039 = arith.constant 0 : i32
        %dma_start3A_1040 = tpu.memref_slice %arg2[%dma_start3A_1038, %dma_start3A_1039] : memref<10000x16xf32, #tpu.memory_space<hbm>> -> memref<10000x16xf32, #tpu.memory_space<hbm>>
        %dma_start3A_1041 = tpu.memref_slice %arg11[%dma_start3A_1030] : memref<25x!tpu.dma_semaphore, #tpu.memory_space<semaphore_mem>> -> memref<1x!tpu.dma_semaphore, #tpu.memory_space<semaphore_mem>>
        %dma_start3A_1042 = tpu.memref_squeeze %dma_start3A_1041 : memref<1x!tpu.dma_semaphore, #tpu.memory_space<semaphore_mem>> -> memref<!tpu.dma_semaphore, #tpu.memory_space<semaphore_mem>>
        tpu.enqueue_indirect_dma source(%dma_start3A_1040 : memref<10000x16xf32, #tpu.memory_space<hbm>>) target(%dma_start3A_1034 : memref<80x16xf32, #tpu.memory_space<vmem>>) offsets(%dma_start3A_1037 : memref<80xi32, #tpu.memory_space<vmem>>) semaphore(%dma_start3A_1042 : memref<!tpu.dma_semaphore, #tpu.memory_space<semaphore_mem>>)
      } else {
      }
      %mul3A_977 = arith.constant 25 : i32
      %mul3A_978 = arith.muli %scan3A_383, %mul3A_977 : i32
      %add3A_979 = arith.constant 23 : i32
      %add3A_980 = arith.addi %mul3A_978, %add3A_979 : i32
      %dma_wait3A_981 = arith.constant 23 : i32
      %dma_wait3A_982 = arith.constant 23 : i32
      %dma_wait3A_983 = arith.constant 0 : i32
      %dma_wait3A_984 = arith.constant 0 : i32
      %dma_wait3A_985 = tpu.memref_slice %arg9[%dma_wait3A_981, %dma_wait3A_983, %dma_wait3A_984] : memref<25x80x16xf32, #tpu.memory_space<vmem>> -> memref<1x80x16xf32, #tpu.memory_space<vmem>>
      %dma_wait3A_986 = tpu.memref_squeeze %dma_wait3A_985 : memref<1x80x16xf32, #tpu.memory_space<vmem>> -> memref<80x16xf32, #tpu.memory_space<vmem>>
      %dma_wait3A_987 = arith.constant 0 : i32
      %dma_wait3A_988 = tpu.memref_slice %arg7[%add3A_980, %dma_wait3A_987] : memref<125x80xi32, #tpu.memory_space<vmem>> -> memref<1x80xi32, #tpu.memory_space<vmem>>
      %dma_wait3A_989 = tpu.memref_squeeze %dma_wait3A_988 : memref<1x80xi32, #tpu.memory_space<vmem>> -> memref<80xi32, #tpu.memory_space<vmem>>
      %dma_wait3A_990 = arith.constant 0 : i32
      %dma_wait3A_991 = arith.constant 0 : i32
      %dma_wait3A_992 = tpu.memref_slice %arg2[%dma_wait3A_990, %dma_wait3A_991] : memref<10000x16xf32, #tpu.memory_space<hbm>> -> memref<10000x16xf32, #tpu.memory_space<hbm>>
      %dma_wait3A_993 = tpu.memref_slice %arg11[%dma_wait3A_982] : memref<25x!tpu.dma_semaphore, #tpu.memory_space<semaphore_mem>> -> memref<1x!tpu.dma_semaphore, #tpu.memory_space<semaphore_mem>>
      %dma_wait3A_994 = tpu.memref_squeeze %dma_wait3A_993 : memref<1x!tpu.dma_semaphore, #tpu.memory_space<semaphore_mem>> -> memref<!tpu.dma_semaphore, #tpu.memory_space<semaphore_mem>>
      tpu.wait_indirect_dma semaphore(%dma_wait3A_994 : memref<!tpu.dma_semaphore, #tpu.memory_space<semaphore_mem>>) src(%dma_wait3A_992 : memref<10000x16xf32, #tpu.memory_space<hbm>>) dst(%dma_wait3A_986 : memref<80x16xf32, #tpu.memory_space<vmem>>)
      %run_scoped3A_995 = arith.constant 23 : i32
      "tpu.region"() ({
        %run_scoped3A_1029 = tpu.sem_alloc : memref<!tpu.dma_semaphore, #tpu.memory_space<semaphore_mem>>
        %dma_start3A_1030 = arith.constant 0 : i32
        %dma_start3A_1031 = arith.constant 0 : i32
        %dma_start3A_1032 = tpu.memref_slice %arg9[%run_scoped3A_995, %dma_start3A_1030, %dma_start3A_1031] : memref<25x80x16xf32, #tpu.memory_space<vmem>> -> memref<1x80x16xf32, #tpu.memory_space<vmem>>
        %dma_start3A_1033 = tpu.memref_squeeze %dma_start3A_1032 : memref<1x80x16xf32, #tpu.memory_space<vmem>> -> memref<80x16xf32, #tpu.memory_space<vmem>>
        %dma_start3A_1034 = arith.constant 0 : i32
        %dma_start3A_1035 = tpu.memref_slice %arg8[%add3A_980, %dma_start3A_1034] : memref<125x80xi32, #tpu.memory_space<vmem>> -> memref<1x80xi32, #tpu.memory_space<vmem>>
        %dma_start3A_1036 = tpu.memref_squeeze %dma_start3A_1035 : memref<1x80xi32, #tpu.memory_space<vmem>> -> memref<80xi32, #tpu.memory_space<vmem>>
        %dma_start3A_1037 = arith.constant 0 : i32
        %dma_start3A_1038 = arith.constant 0 : i32
        %dma_start3A_1039 = tpu.memref_slice %arg10[%dma_start3A_1037, %dma_start3A_1038] : memref<10240x16xf32, #tpu.memory_space<vmem_shared>> -> memref<10240x16xf32, #tpu.memory_space<vmem_shared>>
        tpu.enqueue_indirect_dma source(%dma_start3A_1033 : memref<80x16xf32, #tpu.memory_space<vmem>>) target(%dma_start3A_1039 : memref<10240x16xf32, #tpu.memory_space<vmem_shared>>) offsets(%dma_start3A_1036 : memref<80xi32, #tpu.memory_space<vmem>>) semaphore(%run_scoped3A_1029 : memref<!tpu.dma_semaphore, #tpu.memory_space<semaphore_mem>>) {add = true}
        %dma_wait3A_1040 = arith.constant 0 : i32
        %dma_wait3A_1041 = arith.constant 0 : i32
        %dma_wait3A_1042 = tpu.memref_slice %arg9[%run_scoped3A_995, %dma_wait3A_1040, %dma_wait3A_1041] : memref<25x80x16xf32, #tpu.memory_space<vmem>> -> memref<1x80x16xf32, #tpu.memory_space<vmem>>
        %dma_wait3A_1043 = tpu.memref_squeeze %dma_wait3A_1042 : memref<1x80x16xf32, #tpu.memory_space<vmem>> -> memref<80x16xf32, #tpu.memory_space<vmem>>
        %dma_wait3A_1044 = arith.constant 0 : i32
        %dma_wait3A_1045 = tpu.memref_slice %arg8[%add3A_980, %dma_wait3A_1044] : memref<125x80xi32, #tpu.memory_space<vmem>> -> memref<1x80xi32, #tpu.memory_space<vmem>>
        %dma_wait3A_1046 = tpu.memref_squeeze %dma_wait3A_1045 : memref<1x80xi32, #tpu.memory_space<vmem>> -> memref<80xi32, #tpu.memory_space<vmem>>
        %dma_wait3A_1047 = arith.constant 0 : i32
        %dma_wait3A_1048 = arith.constant 0 : i32
        %dma_wait3A_1049 = tpu.memref_slice %arg10[%dma_wait3A_1047, %dma_wait3A_1048] : memref<10240x16xf32, #tpu.memory_space<vmem_shared>> -> memref<10240x16xf32, #tpu.memory_space<vmem_shared>>
        tpu.wait_indirect_dma semaphore(%run_scoped3A_1029 : memref<!tpu.dma_semaphore, #tpu.memory_space<semaphore_mem>>) src(%dma_wait3A_1043 : memref<80x16xf32, #tpu.memory_space<vmem>>) dst(%dma_wait3A_1049 : memref<10240x16xf32, #tpu.memory_space<vmem_shared>>)
        tpu.yield
      }) : () -> ()
      %add3A_996 = arith.constant 25 : i32
      %add3A_997 = arith.addi %add3A_980, %add3A_996 : i32
      %lt3A_998 = arith.constant 125 : i32
      %lt3A_999 = arith.cmpi slt, %add3A_997, %lt3A_998 : i32
      %convert_element_type3A_1000 = arith.extui %lt3A_999 : i1 to i32
      %cond3A_1001 = arith.constant 0 : i32
      %cond3A_1002 = arith.cmpi ne, %convert_element_type3A_1000, %cond3A_1001 : i32
      scf.if %cond3A_1002 {
        %dma_start3A_1029 = arith.constant 23 : i32
        %dma_start3A_1030 = arith.constant 23 : i32
        %dma_start3A_1031 = arith.constant 0 : i32
        %dma_start3A_1032 = arith.constant 0 : i32
        %dma_start3A_1033 = tpu.memref_slice %arg9[%dma_start3A_1029, %dma_start3A_1031, %dma_start3A_1032] : memref<25x80x16xf32, #tpu.memory_space<vmem>> -> memref<1x80x16xf32, #tpu.memory_space<vmem>>
        %dma_start3A_1034 = tpu.memref_squeeze %dma_start3A_1033 : memref<1x80x16xf32, #tpu.memory_space<vmem>> -> memref<80x16xf32, #tpu.memory_space<vmem>>
        %dma_start3A_1035 = arith.constant 0 : i32
        %dma_start3A_1036 = tpu.memref_slice %arg7[%add3A_997, %dma_start3A_1035] : memref<125x80xi32, #tpu.memory_space<vmem>> -> memref<1x80xi32, #tpu.memory_space<vmem>>
        %dma_start3A_1037 = tpu.memref_squeeze %dma_start3A_1036 : memref<1x80xi32, #tpu.memory_space<vmem>> -> memref<80xi32, #tpu.memory_space<vmem>>
        %dma_start3A_1038 = arith.constant 0 : i32
        %dma_start3A_1039 = arith.constant 0 : i32
        %dma_start3A_1040 = tpu.memref_slice %arg2[%dma_start3A_1038, %dma_start3A_1039] : memref<10000x16xf32, #tpu.memory_space<hbm>> -> memref<10000x16xf32, #tpu.memory_space<hbm>>
        %dma_start3A_1041 = tpu.memref_slice %arg11[%dma_start3A_1030] : memref<25x!tpu.dma_semaphore, #tpu.memory_space<semaphore_mem>> -> memref<1x!tpu.dma_semaphore, #tpu.memory_space<semaphore_mem>>
        %dma_start3A_1042 = tpu.memref_squeeze %dma_start3A_1041 : memref<1x!tpu.dma_semaphore, #tpu.memory_space<semaphore_mem>> -> memref<!tpu.dma_semaphore, #tpu.memory_space<semaphore_mem>>
        tpu.enqueue_indirect_dma source(%dma_start3A_1040 : memref<10000x16xf32, #tpu.memory_space<hbm>>) target(%dma_start3A_1034 : memref<80x16xf32, #tpu.memory_space<vmem>>) offsets(%dma_start3A_1037 : memref<80xi32, #tpu.memory_space<vmem>>) semaphore(%dma_start3A_1042 : memref<!tpu.dma_semaphore, #tpu.memory_space<semaphore_mem>>)
      } else {
      }
      %mul3A_1003 = arith.constant 25 : i32
      %mul3A_1004 = arith.muli %scan3A_383, %mul3A_1003 : i32
      %add3A_1005 = arith.constant 24 : i32
      %add3A_1006 = arith.addi %mul3A_1004, %add3A_1005 : i32
      %dma_wait3A_1007 = arith.constant 24 : i32
      %dma_wait3A_1008 = arith.constant 24 : i32
      %dma_wait3A_1009 = arith.constant 0 : i32
      %dma_wait3A_1010 = arith.constant 0 : i32
      %dma_wait3A_1011 = tpu.memref_slice %arg9[%dma_wait3A_1007, %dma_wait3A_1009, %dma_wait3A_1010] : memref<25x80x16xf32, #tpu.memory_space<vmem>> -> memref<1x80x16xf32, #tpu.memory_space<vmem>>
      %dma_wait3A_1012 = tpu.memref_squeeze %dma_wait3A_1011 : memref<1x80x16xf32, #tpu.memory_space<vmem>> -> memref<80x16xf32, #tpu.memory_space<vmem>>
      %dma_wait3A_1013 = arith.constant 0 : i32
      %dma_wait3A_1014 = tpu.memref_slice %arg7[%add3A_1006, %dma_wait3A_1013] : memref<125x80xi32, #tpu.memory_space<vmem>> -> memref<1x80xi32, #tpu.memory_space<vmem>>
      %dma_wait3A_1015 = tpu.memref_squeeze %dma_wait3A_1014 : memref<1x80xi32, #tpu.memory_space<vmem>> -> memref<80xi32, #tpu.memory_space<vmem>>
      %dma_wait3A_1016 = arith.constant 0 : i32
      %dma_wait3A_1017 = arith.constant 0 : i32
      %dma_wait3A_1018 = tpu.memref_slice %arg2[%dma_wait3A_1016, %dma_wait3A_1017] : memref<10000x16xf32, #tpu.memory_space<hbm>> -> memref<10000x16xf32, #tpu.memory_space<hbm>>
      %dma_wait3A_1019 = tpu.memref_slice %arg11[%dma_wait3A_1008] : memref<25x!tpu.dma_semaphore, #tpu.memory_space<semaphore_mem>> -> memref<1x!tpu.dma_semaphore, #tpu.memory_space<semaphore_mem>>
      %dma_wait3A_1020 = tpu.memref_squeeze %dma_wait3A_1019 : memref<1x!tpu.dma_semaphore, #tpu.memory_space<semaphore_mem>> -> memref<!tpu.dma_semaphore, #tpu.memory_space<semaphore_mem>>
      tpu.wait_indirect_dma semaphore(%dma_wait3A_1020 : memref<!tpu.dma_semaphore, #tpu.memory_space<semaphore_mem>>) src(%dma_wait3A_1018 : memref<10000x16xf32, #tpu.memory_space<hbm>>) dst(%dma_wait3A_1012 : memref<80x16xf32, #tpu.memory_space<vmem>>)
      %run_scoped3A_1021 = arith.constant 24 : i32
      "tpu.region"() ({
        %run_scoped3A_1029 = tpu.sem_alloc : memref<!tpu.dma_semaphore, #tpu.memory_space<semaphore_mem>>
        %dma_start3A_1030 = arith.constant 0 : i32
        %dma_start3A_1031 = arith.constant 0 : i32
        %dma_start3A_1032 = tpu.memref_slice %arg9[%run_scoped3A_1021, %dma_start3A_1030, %dma_start3A_1031] : memref<25x80x16xf32, #tpu.memory_space<vmem>> -> memref<1x80x16xf32, #tpu.memory_space<vmem>>
        %dma_start3A_1033 = tpu.memref_squeeze %dma_start3A_1032 : memref<1x80x16xf32, #tpu.memory_space<vmem>> -> memref<80x16xf32, #tpu.memory_space<vmem>>
        %dma_start3A_1034 = arith.constant 0 : i32
        %dma_start3A_1035 = tpu.memref_slice %arg8[%add3A_1006, %dma_start3A_1034] : memref<125x80xi32, #tpu.memory_space<vmem>> -> memref<1x80xi32, #tpu.memory_space<vmem>>
        %dma_start3A_1036 = tpu.memref_squeeze %dma_start3A_1035 : memref<1x80xi32, #tpu.memory_space<vmem>> -> memref<80xi32, #tpu.memory_space<vmem>>
        %dma_start3A_1037 = arith.constant 0 : i32
        %dma_start3A_1038 = arith.constant 0 : i32
        %dma_start3A_1039 = tpu.memref_slice %arg10[%dma_start3A_1037, %dma_start3A_1038] : memref<10240x16xf32, #tpu.memory_space<vmem_shared>> -> memref<10240x16xf32, #tpu.memory_space<vmem_shared>>
        tpu.enqueue_indirect_dma source(%dma_start3A_1033 : memref<80x16xf32, #tpu.memory_space<vmem>>) target(%dma_start3A_1039 : memref<10240x16xf32, #tpu.memory_space<vmem_shared>>) offsets(%dma_start3A_1036 : memref<80xi32, #tpu.memory_space<vmem>>) semaphore(%run_scoped3A_1029 : memref<!tpu.dma_semaphore, #tpu.memory_space<semaphore_mem>>) {add = true}
        %dma_wait3A_1040 = arith.constant 0 : i32
        %dma_wait3A_1041 = arith.constant 0 : i32
        %dma_wait3A_1042 = tpu.memref_slice %arg9[%run_scoped3A_1021, %dma_wait3A_1040, %dma_wait3A_1041] : memref<25x80x16xf32, #tpu.memory_space<vmem>> -> memref<1x80x16xf32, #tpu.memory_space<vmem>>
        %dma_wait3A_1043 = tpu.memref_squeeze %dma_wait3A_1042 : memref<1x80x16xf32, #tpu.memory_space<vmem>> -> memref<80x16xf32, #tpu.memory_space<vmem>>
        %dma_wait3A_1044 = arith.constant 0 : i32
        %dma_wait3A_1045 = tpu.memref_slice %arg8[%add3A_1006, %dma_wait3A_1044] : memref<125x80xi32, #tpu.memory_space<vmem>> -> memref<1x80xi32, #tpu.memory_space<vmem>>
        %dma_wait3A_1046 = tpu.memref_squeeze %dma_wait3A_1045 : memref<1x80xi32, #tpu.memory_space<vmem>> -> memref<80xi32, #tpu.memory_space<vmem>>
        %dma_wait3A_1047 = arith.constant 0 : i32
        %dma_wait3A_1048 = arith.constant 0 : i32
        %dma_wait3A_1049 = tpu.memref_slice %arg10[%dma_wait3A_1047, %dma_wait3A_1048] : memref<10240x16xf32, #tpu.memory_space<vmem_shared>> -> memref<10240x16xf32, #tpu.memory_space<vmem_shared>>
        tpu.wait_indirect_dma semaphore(%run_scoped3A_1029 : memref<!tpu.dma_semaphore, #tpu.memory_space<semaphore_mem>>) src(%dma_wait3A_1043 : memref<80x16xf32, #tpu.memory_space<vmem>>) dst(%dma_wait3A_1049 : memref<10240x16xf32, #tpu.memory_space<vmem_shared>>)
        tpu.yield
      }) : () -> ()
      %add3A_1022 = arith.constant 25 : i32
      %add3A_1023 = arith.addi %add3A_1006, %add3A_1022 : i32
      %lt3A_1024 = arith.constant 125 : i32
      %lt3A_1025 = arith.cmpi slt, %add3A_1023, %lt3A_1024 : i32
      %convert_element_type3A_1026 = arith.extui %lt3A_1025 : i1 to i32
      %cond3A_1027 = arith.constant 0 : i32
      %cond3A_1028 = arith.cmpi ne, %convert_element_type3A_1026, %cond3A_1027 : i32
      scf.if %cond3A_1028 {
        %dma_start3A_1029 = arith.constant 24 : i32
        %dma_start3A_1030 = arith.constant 24 : i32
        %dma_start3A_1031 = arith.constant 0 : i32
        %dma_start3A_1032 = arith.constant 0 : i32
        %dma_start3A_1033 = tpu.memref_slice %arg9[%dma_start3A_1029, %dma_start3A_1031, %dma_start3A_1032] : memref<25x80x16xf32, #tpu.memory_space<vmem>> -> memref<1x80x16xf32, #tpu.memory_space<vmem>>
        %dma_start3A_1034 = tpu.memref_squeeze %dma_start3A_1033 : memref<1x80x16xf32, #tpu.memory_space<vmem>> -> memref<80x16xf32, #tpu.memory_space<vmem>>
        %dma_start3A_1035 = arith.constant 0 : i32
        %dma_start3A_1036 = tpu.memref_slice %arg7[%add3A_1023, %dma_start3A_1035] : memref<125x80xi32, #tpu.memory_space<vmem>> -> memref<1x80xi32, #tpu.memory_space<vmem>>
        %dma_start3A_1037 = tpu.memref_squeeze %dma_start3A_1036 : memref<1x80xi32, #tpu.memory_space<vmem>> -> memref<80xi32, #tpu.memory_space<vmem>>
        %dma_start3A_1038 = arith.constant 0 : i32
        %dma_start3A_1039 = arith.constant 0 : i32
        %dma_start3A_1040 = tpu.memref_slice %arg2[%dma_start3A_1038, %dma_start3A_1039] : memref<10000x16xf32, #tpu.memory_space<hbm>> -> memref<10000x16xf32, #tpu.memory_space<hbm>>
        %dma_start3A_1041 = tpu.memref_slice %arg11[%dma_start3A_1030] : memref<25x!tpu.dma_semaphore, #tpu.memory_space<semaphore_mem>> -> memref<1x!tpu.dma_semaphore, #tpu.memory_space<semaphore_mem>>
        %dma_start3A_1042 = tpu.memref_squeeze %dma_start3A_1041 : memref<1x!tpu.dma_semaphore, #tpu.memory_space<semaphore_mem>> -> memref<!tpu.dma_semaphore, #tpu.memory_space<semaphore_mem>>
        tpu.enqueue_indirect_dma source(%dma_start3A_1040 : memref<10000x16xf32, #tpu.memory_space<hbm>>) target(%dma_start3A_1034 : memref<80x16xf32, #tpu.memory_space<vmem>>) offsets(%dma_start3A_1037 : memref<80xi32, #tpu.memory_space<vmem>>) semaphore(%dma_start3A_1042 : memref<!tpu.dma_semaphore, #tpu.memory_space<semaphore_mem>>)
      } else {
      }
    }
    %scan3A_381 = arith.constant 5 : i32
    %barrier3A_382 = arith.constant 0 : index
    tpu.barrier barrier_id(%barrier3A_382)
    "tpu.region"() ({
      %run_scoped3A = tpu.sem_alloc : memref<!tpu.dma_semaphore, #tpu.memory_space<semaphore_mem>>
      %dma_start3A_383 = arith.constant 0 : i32
      %dma_start3A_384 = tpu.memref_slice %arg6[%arg0, %multiple_of3A, %dma_start3A_383] : memref<2x10240x16xf32, #tpu.memory_space<hbm>> -> memref<1x640x16xf32, #tpu.memory_space<hbm>>
      %dma_start3A_385 = tpu.memref_squeeze %dma_start3A_384 : memref<1x640x16xf32, #tpu.memory_space<hbm>> -> memref<640x16xf32, #tpu.memory_space<hbm>>
      %dma_start3A_386 = arith.constant 0 : i32
      %dma_start3A_387 = tpu.memref_slice %arg10[%multiple_of3A, %dma_start3A_386] : memref<10240x16xf32, #tpu.memory_space<vmem_shared>> -> memref<640x16xf32, #tpu.memory_space<vmem_shared>>
      tpu.enqueue_dma source(%dma_start3A_387 : memref<640x16xf32, #tpu.memory_space<vmem_shared>>) target(%dma_start3A_385 : memref<640x16xf32, #tpu.memory_space<hbm>>) target_semaphore(%run_scoped3A : memref<!tpu.dma_semaphore, #tpu.memory_space<semaphore_mem>>)
      %dma_wait3A = arith.constant 0 : i32
      %dma_wait3A_388 = tpu.memref_slice %arg6[%arg0, %multiple_of3A, %dma_wait3A] : memref<2x10240x16xf32, #tpu.memory_space<hbm>> -> memref<1x640x16xf32, #tpu.memory_space<hbm>>
      %dma_wait3A_389 = tpu.memref_squeeze %dma_wait3A_388 : memref<1x640x16xf32, #tpu.memory_space<hbm>> -> memref<640x16xf32, #tpu.memory_space<hbm>>
      %dma_wait3A_390 = arith.constant 0 : i32
      %dma_wait3A_391 = tpu.memref_slice %arg10[%multiple_of3A, %dma_wait3A_390] : memref<10240x16xf32, #tpu.memory_space<vmem_shared>> -> memref<640x16xf32, #tpu.memory_space<vmem_shared>>
      tpu.wait_dma2 semaphore(%run_scoped3A : memref<!tpu.dma_semaphore, #tpu.memory_space<semaphore_mem>>) src(%dma_wait3A_391 : memref<640x16xf32, #tpu.memory_space<vmem_shared>>) dst(%dma_wait3A_389 : memref<640x16xf32, #tpu.memory_space<hbm>>)
      tpu.yield
    }) : () -> ()
    return
  }
}

#map = affine_map<(d0, d1) -> (0, 0)>
#map1 = affine_map<(d0, d1) -> (0, 0, 0)>
module attributes {stable_mosaic.version = 14 : i64} {
  func.func @agg(%arg0: i32, %arg1: i32, %arg2: memref<10000x128xf32, #tpu.memory_space<hbm>>, %arg3: memref<32x250x40xi32, #tpu.memory_space<hbm>>, %arg4: memref<32x250x40xi32, #tpu.memory_space<hbm>>, %arg5: memref<10240x128xf32, #tpu.memory_space<hbm>>, %arg6: memref<2x10240x128xf32, #tpu.memory_space<hbm>>, %arg7: memref<250x40xi32, #tpu.memory_space<vmem>>, %arg8: memref<250x40xi32, #tpu.memory_space<vmem>>, %arg9: memref<5x40x128xf32, #tpu.memory_space<vmem>>, %arg10: memref<10240x128xf32, #tpu.memory_space<vmem_shared>>, %arg11: memref<5x!tpu.dma_semaphore, #tpu.memory_space<semaphore_mem>>) attributes {dimension_semantics = [#tpu.dimension_semantics<core_parallel>, #tpu.dimension_semantics<subcore_parallel>], iteration_bounds = array<i64: 2, 16>, scalar_prefetch = 0 : i64, scratch_operands = 5 : i64, tpu.core_type = #tpu.core_type<sc_vector_subcore>, window_params = [{transform_indices = #map}, {transform_indices = #map1}, {transform_indices = #map1}, {transform_indices = #map}, {transform_indices = #map1}]} {
    %mul3A = arith.constant 16 : i32
    %mul3A_0 = arith.muli %arg0, %mul3A : i32
    %add3A = arith.addi %mul3A_0, %arg1 : i32
    "tpu.region"() ({
      %run_scoped3A = tpu.sem_alloc : memref<!tpu.dma_semaphore, #tpu.memory_space<semaphore_mem>>
      %dma_start3A_83 = arith.constant 0 : i32
      %dma_start3A_84 = arith.constant 0 : i32
      %dma_start3A_85 = tpu.memref_slice %arg3[%add3A, %dma_start3A_83, %dma_start3A_84] : memref<32x250x40xi32, #tpu.memory_space<hbm>> -> memref<1x250x40xi32, #tpu.memory_space<hbm>>
      %dma_start3A_86 = tpu.memref_squeeze %dma_start3A_85 : memref<1x250x40xi32, #tpu.memory_space<hbm>> -> memref<250x40xi32, #tpu.memory_space<hbm>>
      %dma_start3A_87 = arith.constant 0 : i32
      %dma_start3A_88 = arith.constant 0 : i32
      %dma_start3A_89 = tpu.memref_slice %arg3[%add3A, %dma_start3A_87, %dma_start3A_88] : memref<32x250x40xi32, #tpu.memory_space<hbm>> -> memref<1x250x40xi32, #tpu.memory_space<hbm>>
      %dma_start3A_90 = tpu.memref_squeeze %dma_start3A_89 : memref<1x250x40xi32, #tpu.memory_space<hbm>> -> memref<250x40xi32, #tpu.memory_space<hbm>>
      tpu.enqueue_dma source(%dma_start3A_90 : memref<250x40xi32, #tpu.memory_space<hbm>>) target(%arg7 : memref<250x40xi32, #tpu.memory_space<vmem>>) target_semaphore(%run_scoped3A : memref<!tpu.dma_semaphore, #tpu.memory_space<semaphore_mem>>)
      %dma_wait3A = arith.constant 0 : i32
      %dma_wait3A_91 = arith.constant 0 : i32
      %dma_wait3A_92 = tpu.memref_slice %arg3[%add3A, %dma_wait3A, %dma_wait3A_91] : memref<32x250x40xi32, #tpu.memory_space<hbm>> -> memref<1x250x40xi32, #tpu.memory_space<hbm>>
      %dma_wait3A_93 = tpu.memref_squeeze %dma_wait3A_92 : memref<1x250x40xi32, #tpu.memory_space<hbm>> -> memref<250x40xi32, #tpu.memory_space<hbm>>
      %dma_wait3A_94 = arith.constant 0 : i32
      %dma_wait3A_95 = arith.constant 0 : i32
      %dma_wait3A_96 = tpu.memref_slice %arg3[%add3A, %dma_wait3A_94, %dma_wait3A_95] : memref<32x250x40xi32, #tpu.memory_space<hbm>> -> memref<1x250x40xi32, #tpu.memory_space<hbm>>
      %dma_wait3A_97 = tpu.memref_squeeze %dma_wait3A_96 : memref<1x250x40xi32, #tpu.memory_space<hbm>> -> memref<250x40xi32, #tpu.memory_space<hbm>>
      tpu.wait_dma2 semaphore(%run_scoped3A : memref<!tpu.dma_semaphore, #tpu.memory_space<semaphore_mem>>) src(%dma_wait3A_97 : memref<250x40xi32, #tpu.memory_space<hbm>>) dst(%arg7 : memref<250x40xi32, #tpu.memory_space<vmem>>)
      tpu.yield
    }) : () -> ()
    "tpu.region"() ({
      %run_scoped3A = tpu.sem_alloc : memref<!tpu.dma_semaphore, #tpu.memory_space<semaphore_mem>>
      %dma_start3A_83 = arith.constant 0 : i32
      %dma_start3A_84 = arith.constant 0 : i32
      %dma_start3A_85 = tpu.memref_slice %arg4[%add3A, %dma_start3A_83, %dma_start3A_84] : memref<32x250x40xi32, #tpu.memory_space<hbm>> -> memref<1x250x40xi32, #tpu.memory_space<hbm>>
      %dma_start3A_86 = tpu.memref_squeeze %dma_start3A_85 : memref<1x250x40xi32, #tpu.memory_space<hbm>> -> memref<250x40xi32, #tpu.memory_space<hbm>>
      %dma_start3A_87 = arith.constant 0 : i32
      %dma_start3A_88 = arith.constant 0 : i32
      %dma_start3A_89 = tpu.memref_slice %arg4[%add3A, %dma_start3A_87, %dma_start3A_88] : memref<32x250x40xi32, #tpu.memory_space<hbm>> -> memref<1x250x40xi32, #tpu.memory_space<hbm>>
      %dma_start3A_90 = tpu.memref_squeeze %dma_start3A_89 : memref<1x250x40xi32, #tpu.memory_space<hbm>> -> memref<250x40xi32, #tpu.memory_space<hbm>>
      tpu.enqueue_dma source(%dma_start3A_90 : memref<250x40xi32, #tpu.memory_space<hbm>>) target(%arg8 : memref<250x40xi32, #tpu.memory_space<vmem>>) target_semaphore(%run_scoped3A : memref<!tpu.dma_semaphore, #tpu.memory_space<semaphore_mem>>)
      %dma_wait3A = arith.constant 0 : i32
      %dma_wait3A_91 = arith.constant 0 : i32
      %dma_wait3A_92 = tpu.memref_slice %arg4[%add3A, %dma_wait3A, %dma_wait3A_91] : memref<32x250x40xi32, #tpu.memory_space<hbm>> -> memref<1x250x40xi32, #tpu.memory_space<hbm>>
      %dma_wait3A_93 = tpu.memref_squeeze %dma_wait3A_92 : memref<1x250x40xi32, #tpu.memory_space<hbm>> -> memref<250x40xi32, #tpu.memory_space<hbm>>
      %dma_wait3A_94 = arith.constant 0 : i32
      %dma_wait3A_95 = arith.constant 0 : i32
      %dma_wait3A_96 = tpu.memref_slice %arg4[%add3A, %dma_wait3A_94, %dma_wait3A_95] : memref<32x250x40xi32, #tpu.memory_space<hbm>> -> memref<1x250x40xi32, #tpu.memory_space<hbm>>
      %dma_wait3A_97 = tpu.memref_squeeze %dma_wait3A_96 : memref<1x250x40xi32, #tpu.memory_space<hbm>> -> memref<250x40xi32, #tpu.memory_space<hbm>>
      tpu.wait_dma2 semaphore(%run_scoped3A : memref<!tpu.dma_semaphore, #tpu.memory_space<semaphore_mem>>) src(%dma_wait3A_97 : memref<250x40xi32, #tpu.memory_space<hbm>>) dst(%arg8 : memref<250x40xi32, #tpu.memory_space<vmem>>)
      tpu.yield
    }) : () -> ()
    %mul3A_1 = arith.constant 640 : i32
    %mul3A_2 = arith.muli %arg1, %mul3A_1 : i32
    %multiple_of3A = tpu.assume_multiple %mul3A_2, 8 : i32
    "tpu.region"() ({
      %run_scoped3A = tpu.sem_alloc : memref<!tpu.dma_semaphore, #tpu.memory_space<semaphore_mem>>
      %dma_start3A_83 = arith.constant 0 : i32
      %dma_start3A_84 = tpu.memref_slice %arg10[%multiple_of3A, %dma_start3A_83] : memref<10240x128xf32, #tpu.memory_space<vmem_shared>> -> memref<640x128xf32, #tpu.memory_space<vmem_shared>>
      %dma_start3A_85 = arith.constant 0 : i32
      %dma_start3A_86 = tpu.memref_slice %arg5[%multiple_of3A, %dma_start3A_85] : memref<10240x128xf32, #tpu.memory_space<hbm>> -> memref<640x128xf32, #tpu.memory_space<hbm>>
      tpu.enqueue_dma source(%dma_start3A_86 : memref<640x128xf32, #tpu.memory_space<hbm>>) target(%dma_start3A_84 : memref<640x128xf32, #tpu.memory_space<vmem_shared>>) target_semaphore(%run_scoped3A : memref<!tpu.dma_semaphore, #tpu.memory_space<semaphore_mem>>)
      %dma_wait3A = arith.constant 0 : i32
      %dma_wait3A_87 = tpu.memref_slice %arg10[%multiple_of3A, %dma_wait3A] : memref<10240x128xf32, #tpu.memory_space<vmem_shared>> -> memref<640x128xf32, #tpu.memory_space<vmem_shared>>
      %dma_wait3A_88 = arith.constant 0 : i32
      %dma_wait3A_89 = tpu.memref_slice %arg5[%multiple_of3A, %dma_wait3A_88] : memref<10240x128xf32, #tpu.memory_space<hbm>> -> memref<640x128xf32, #tpu.memory_space<hbm>>
      tpu.wait_dma2 semaphore(%run_scoped3A : memref<!tpu.dma_semaphore, #tpu.memory_space<semaphore_mem>>) src(%dma_wait3A_89 : memref<640x128xf32, #tpu.memory_space<hbm>>) dst(%dma_wait3A_87 : memref<640x128xf32, #tpu.memory_space<vmem_shared>>)
      tpu.yield
    }) : () -> ()
    %barrier3A = arith.constant 0 : index
    tpu.barrier barrier_id(%barrier3A)
    %dma_start3A = arith.constant 0 : i32
    %dma_start3A_3 = arith.constant 0 : i32
    %dma_start3A_4 = arith.constant 0 : i32
    %dma_start3A_5 = arith.constant 0 : i32
    %dma_start3A_6 = arith.constant 0 : i32
    %dma_start3A_7 = tpu.memref_slice %arg9[%dma_start3A_3, %dma_start3A_5, %dma_start3A_6] : memref<5x40x128xf32, #tpu.memory_space<vmem>> -> memref<1x40x128xf32, #tpu.memory_space<vmem>>
    %dma_start3A_8 = tpu.memref_squeeze %dma_start3A_7 : memref<1x40x128xf32, #tpu.memory_space<vmem>> -> memref<40x128xf32, #tpu.memory_space<vmem>>
    %dma_start3A_9 = arith.constant 0 : i32
    %dma_start3A_10 = tpu.memref_slice %arg7[%dma_start3A, %dma_start3A_9] : memref<250x40xi32, #tpu.memory_space<vmem>> -> memref<1x40xi32, #tpu.memory_space<vmem>>
    %dma_start3A_11 = tpu.memref_squeeze %dma_start3A_10 : memref<1x40xi32, #tpu.memory_space<vmem>> -> memref<40xi32, #tpu.memory_space<vmem>>
    %dma_start3A_12 = arith.constant 0 : i32
    %dma_start3A_13 = arith.constant 0 : i32
    %dma_start3A_14 = tpu.memref_slice %arg2[%dma_start3A_12, %dma_start3A_13] : memref<10000x128xf32, #tpu.memory_space<hbm>> -> memref<10000x128xf32, #tpu.memory_space<hbm>>
    %dma_start3A_15 = tpu.memref_slice %arg11[%dma_start3A_4] : memref<5x!tpu.dma_semaphore, #tpu.memory_space<semaphore_mem>> -> memref<1x!tpu.dma_semaphore, #tpu.memory_space<semaphore_mem>>
    %dma_start3A_16 = tpu.memref_squeeze %dma_start3A_15 : memref<1x!tpu.dma_semaphore, #tpu.memory_space<semaphore_mem>> -> memref<!tpu.dma_semaphore, #tpu.memory_space<semaphore_mem>>
    tpu.enqueue_indirect_dma source(%dma_start3A_14 : memref<10000x128xf32, #tpu.memory_space<hbm>>) target(%dma_start3A_8 : memref<40x128xf32, #tpu.memory_space<vmem>>) offsets(%dma_start3A_11 : memref<40xi32, #tpu.memory_space<vmem>>) semaphore(%dma_start3A_16 : memref<!tpu.dma_semaphore, #tpu.memory_space<semaphore_mem>>)
    %dma_start3A_17 = arith.constant 1 : i32
    %dma_start3A_18 = arith.constant 1 : i32
    %dma_start3A_19 = arith.constant 1 : i32
    %dma_start3A_20 = arith.constant 0 : i32
    %dma_start3A_21 = arith.constant 0 : i32
    %dma_start3A_22 = tpu.memref_slice %arg9[%dma_start3A_18, %dma_start3A_20, %dma_start3A_21] : memref<5x40x128xf32, #tpu.memory_space<vmem>> -> memref<1x40x128xf32, #tpu.memory_space<vmem>>
    %dma_start3A_23 = tpu.memref_squeeze %dma_start3A_22 : memref<1x40x128xf32, #tpu.memory_space<vmem>> -> memref<40x128xf32, #tpu.memory_space<vmem>>
    %dma_start3A_24 = arith.constant 0 : i32
    %dma_start3A_25 = tpu.memref_slice %arg7[%dma_start3A_17, %dma_start3A_24] : memref<250x40xi32, #tpu.memory_space<vmem>> -> memref<1x40xi32, #tpu.memory_space<vmem>>
    %dma_start3A_26 = tpu.memref_squeeze %dma_start3A_25 : memref<1x40xi32, #tpu.memory_space<vmem>> -> memref<40xi32, #tpu.memory_space<vmem>>
    %dma_start3A_27 = arith.constant 0 : i32
    %dma_start3A_28 = arith.constant 0 : i32
    %dma_start3A_29 = tpu.memref_slice %arg2[%dma_start3A_27, %dma_start3A_28] : memref<10000x128xf32, #tpu.memory_space<hbm>> -> memref<10000x128xf32, #tpu.memory_space<hbm>>
    %dma_start3A_30 = tpu.memref_slice %arg11[%dma_start3A_19] : memref<5x!tpu.dma_semaphore, #tpu.memory_space<semaphore_mem>> -> memref<1x!tpu.dma_semaphore, #tpu.memory_space<semaphore_mem>>
    %dma_start3A_31 = tpu.memref_squeeze %dma_start3A_30 : memref<1x!tpu.dma_semaphore, #tpu.memory_space<semaphore_mem>> -> memref<!tpu.dma_semaphore, #tpu.memory_space<semaphore_mem>>
    tpu.enqueue_indirect_dma source(%dma_start3A_29 : memref<10000x128xf32, #tpu.memory_space<hbm>>) target(%dma_start3A_23 : memref<40x128xf32, #tpu.memory_space<vmem>>) offsets(%dma_start3A_26 : memref<40xi32, #tpu.memory_space<vmem>>) semaphore(%dma_start3A_31 : memref<!tpu.dma_semaphore, #tpu.memory_space<semaphore_mem>>)
    %dma_start3A_32 = arith.constant 2 : i32
    %dma_start3A_33 = arith.constant 2 : i32
    %dma_start3A_34 = arith.constant 2 : i32
    %dma_start3A_35 = arith.constant 0 : i32
    %dma_start3A_36 = arith.constant 0 : i32
    %dma_start3A_37 = tpu.memref_slice %arg9[%dma_start3A_33, %dma_start3A_35, %dma_start3A_36] : memref<5x40x128xf32, #tpu.memory_space<vmem>> -> memref<1x40x128xf32, #tpu.memory_space<vmem>>
    %dma_start3A_38 = tpu.memref_squeeze %dma_start3A_37 : memref<1x40x128xf32, #tpu.memory_space<vmem>> -> memref<40x128xf32, #tpu.memory_space<vmem>>
    %dma_start3A_39 = arith.constant 0 : i32
    %dma_start3A_40 = tpu.memref_slice %arg7[%dma_start3A_32, %dma_start3A_39] : memref<250x40xi32, #tpu.memory_space<vmem>> -> memref<1x40xi32, #tpu.memory_space<vmem>>
    %dma_start3A_41 = tpu.memref_squeeze %dma_start3A_40 : memref<1x40xi32, #tpu.memory_space<vmem>> -> memref<40xi32, #tpu.memory_space<vmem>>
    %dma_start3A_42 = arith.constant 0 : i32
    %dma_start3A_43 = arith.constant 0 : i32
    %dma_start3A_44 = tpu.memref_slice %arg2[%dma_start3A_42, %dma_start3A_43] : memref<10000x128xf32, #tpu.memory_space<hbm>> -> memref<10000x128xf32, #tpu.memory_space<hbm>>
    %dma_start3A_45 = tpu.memref_slice %arg11[%dma_start3A_34] : memref<5x!tpu.dma_semaphore, #tpu.memory_space<semaphore_mem>> -> memref<1x!tpu.dma_semaphore, #tpu.memory_space<semaphore_mem>>
    %dma_start3A_46 = tpu.memref_squeeze %dma_start3A_45 : memref<1x!tpu.dma_semaphore, #tpu.memory_space<semaphore_mem>> -> memref<!tpu.dma_semaphore, #tpu.memory_space<semaphore_mem>>
    tpu.enqueue_indirect_dma source(%dma_start3A_44 : memref<10000x128xf32, #tpu.memory_space<hbm>>) target(%dma_start3A_38 : memref<40x128xf32, #tpu.memory_space<vmem>>) offsets(%dma_start3A_41 : memref<40xi32, #tpu.memory_space<vmem>>) semaphore(%dma_start3A_46 : memref<!tpu.dma_semaphore, #tpu.memory_space<semaphore_mem>>)
    %dma_start3A_47 = arith.constant 3 : i32
    %dma_start3A_48 = arith.constant 3 : i32
    %dma_start3A_49 = arith.constant 3 : i32
    %dma_start3A_50 = arith.constant 0 : i32
    %dma_start3A_51 = arith.constant 0 : i32
    %dma_start3A_52 = tpu.memref_slice %arg9[%dma_start3A_48, %dma_start3A_50, %dma_start3A_51] : memref<5x40x128xf32, #tpu.memory_space<vmem>> -> memref<1x40x128xf32, #tpu.memory_space<vmem>>
    %dma_start3A_53 = tpu.memref_squeeze %dma_start3A_52 : memref<1x40x128xf32, #tpu.memory_space<vmem>> -> memref<40x128xf32, #tpu.memory_space<vmem>>
    %dma_start3A_54 = arith.constant 0 : i32
    %dma_start3A_55 = tpu.memref_slice %arg7[%dma_start3A_47, %dma_start3A_54] : memref<250x40xi32, #tpu.memory_space<vmem>> -> memref<1x40xi32, #tpu.memory_space<vmem>>
    %dma_start3A_56 = tpu.memref_squeeze %dma_start3A_55 : memref<1x40xi32, #tpu.memory_space<vmem>> -> memref<40xi32, #tpu.memory_space<vmem>>
    %dma_start3A_57 = arith.constant 0 : i32
    %dma_start3A_58 = arith.constant 0 : i32
    %dma_start3A_59 = tpu.memref_slice %arg2[%dma_start3A_57, %dma_start3A_58] : memref<10000x128xf32, #tpu.memory_space<hbm>> -> memref<10000x128xf32, #tpu.memory_space<hbm>>
    %dma_start3A_60 = tpu.memref_slice %arg11[%dma_start3A_49] : memref<5x!tpu.dma_semaphore, #tpu.memory_space<semaphore_mem>> -> memref<1x!tpu.dma_semaphore, #tpu.memory_space<semaphore_mem>>
    %dma_start3A_61 = tpu.memref_squeeze %dma_start3A_60 : memref<1x!tpu.dma_semaphore, #tpu.memory_space<semaphore_mem>> -> memref<!tpu.dma_semaphore, #tpu.memory_space<semaphore_mem>>
    tpu.enqueue_indirect_dma source(%dma_start3A_59 : memref<10000x128xf32, #tpu.memory_space<hbm>>) target(%dma_start3A_53 : memref<40x128xf32, #tpu.memory_space<vmem>>) offsets(%dma_start3A_56 : memref<40xi32, #tpu.memory_space<vmem>>) semaphore(%dma_start3A_61 : memref<!tpu.dma_semaphore, #tpu.memory_space<semaphore_mem>>)
    %dma_start3A_62 = arith.constant 4 : i32
    %dma_start3A_63 = arith.constant 4 : i32
    %dma_start3A_64 = arith.constant 4 : i32
    %dma_start3A_65 = arith.constant 0 : i32
    %dma_start3A_66 = arith.constant 0 : i32
    %dma_start3A_67 = tpu.memref_slice %arg9[%dma_start3A_63, %dma_start3A_65, %dma_start3A_66] : memref<5x40x128xf32, #tpu.memory_space<vmem>> -> memref<1x40x128xf32, #tpu.memory_space<vmem>>
    %dma_start3A_68 = tpu.memref_squeeze %dma_start3A_67 : memref<1x40x128xf32, #tpu.memory_space<vmem>> -> memref<40x128xf32, #tpu.memory_space<vmem>>
    %dma_start3A_69 = arith.constant 0 : i32
    %dma_start3A_70 = tpu.memref_slice %arg7[%dma_start3A_62, %dma_start3A_69] : memref<250x40xi32, #tpu.memory_space<vmem>> -> memref<1x40xi32, #tpu.memory_space<vmem>>
    %dma_start3A_71 = tpu.memref_squeeze %dma_start3A_70 : memref<1x40xi32, #tpu.memory_space<vmem>> -> memref<40xi32, #tpu.memory_space<vmem>>
    %dma_start3A_72 = arith.constant 0 : i32
    %dma_start3A_73 = arith.constant 0 : i32
    %dma_start3A_74 = tpu.memref_slice %arg2[%dma_start3A_72, %dma_start3A_73] : memref<10000x128xf32, #tpu.memory_space<hbm>> -> memref<10000x128xf32, #tpu.memory_space<hbm>>
    %dma_start3A_75 = tpu.memref_slice %arg11[%dma_start3A_64] : memref<5x!tpu.dma_semaphore, #tpu.memory_space<semaphore_mem>> -> memref<1x!tpu.dma_semaphore, #tpu.memory_space<semaphore_mem>>
    %dma_start3A_76 = tpu.memref_squeeze %dma_start3A_75 : memref<1x!tpu.dma_semaphore, #tpu.memory_space<semaphore_mem>> -> memref<!tpu.dma_semaphore, #tpu.memory_space<semaphore_mem>>
    tpu.enqueue_indirect_dma source(%dma_start3A_74 : memref<10000x128xf32, #tpu.memory_space<hbm>>) target(%dma_start3A_68 : memref<40x128xf32, #tpu.memory_space<vmem>>) offsets(%dma_start3A_71 : memref<40xi32, #tpu.memory_space<vmem>>) semaphore(%dma_start3A_76 : memref<!tpu.dma_semaphore, #tpu.memory_space<semaphore_mem>>)
    %scan3A = arith.constant 0 : i32
    %scan3A_77 = arith.constant 0 : i32
    %scan3A_78 = arith.constant 50 : i32
    %scan3A_79 = arith.addi %scan3A_77, %scan3A_78 : i32
    %scan3A_80 = arith.constant 1 : i32
    scf.for %scan3A_83 = %scan3A_77 to %scan3A_79 step %scan3A_80  : i32 {
      %mul3A_84 = arith.constant 5 : i32
      %mul3A_85 = arith.muli %scan3A_83, %mul3A_84 : i32
      %add3A_86 = arith.constant 0 : i32
      %add3A_87 = arith.addi %mul3A_85, %add3A_86 : i32
      %dma_wait3A = arith.constant 0 : i32
      %dma_wait3A_88 = arith.constant 0 : i32
      %dma_wait3A_89 = arith.constant 0 : i32
      %dma_wait3A_90 = arith.constant 0 : i32
      %dma_wait3A_91 = tpu.memref_slice %arg9[%dma_wait3A, %dma_wait3A_89, %dma_wait3A_90] : memref<5x40x128xf32, #tpu.memory_space<vmem>> -> memref<1x40x128xf32, #tpu.memory_space<vmem>>
      %dma_wait3A_92 = tpu.memref_squeeze %dma_wait3A_91 : memref<1x40x128xf32, #tpu.memory_space<vmem>> -> memref<40x128xf32, #tpu.memory_space<vmem>>
      %dma_wait3A_93 = arith.constant 0 : i32
      %dma_wait3A_94 = tpu.memref_slice %arg7[%add3A_87, %dma_wait3A_93] : memref<250x40xi32, #tpu.memory_space<vmem>> -> memref<1x40xi32, #tpu.memory_space<vmem>>
      %dma_wait3A_95 = tpu.memref_squeeze %dma_wait3A_94 : memref<1x40xi32, #tpu.memory_space<vmem>> -> memref<40xi32, #tpu.memory_space<vmem>>
      %dma_wait3A_96 = arith.constant 0 : i32
      %dma_wait3A_97 = arith.constant 0 : i32
      %dma_wait3A_98 = tpu.memref_slice %arg2[%dma_wait3A_96, %dma_wait3A_97] : memref<10000x128xf32, #tpu.memory_space<hbm>> -> memref<10000x128xf32, #tpu.memory_space<hbm>>
      %dma_wait3A_99 = tpu.memref_slice %arg11[%dma_wait3A_88] : memref<5x!tpu.dma_semaphore, #tpu.memory_space<semaphore_mem>> -> memref<1x!tpu.dma_semaphore, #tpu.memory_space<semaphore_mem>>
      %dma_wait3A_100 = tpu.memref_squeeze %dma_wait3A_99 : memref<1x!tpu.dma_semaphore, #tpu.memory_space<semaphore_mem>> -> memref<!tpu.dma_semaphore, #tpu.memory_space<semaphore_mem>>
      tpu.wait_indirect_dma semaphore(%dma_wait3A_100 : memref<!tpu.dma_semaphore, #tpu.memory_space<semaphore_mem>>) src(%dma_wait3A_98 : memref<10000x128xf32, #tpu.memory_space<hbm>>) dst(%dma_wait3A_92 : memref<40x128xf32, #tpu.memory_space<vmem>>)
      %run_scoped3A = arith.constant 0 : i32
      "tpu.region"() ({
        %run_scoped3A_209 = tpu.sem_alloc : memref<!tpu.dma_semaphore, #tpu.memory_space<semaphore_mem>>
        %dma_start3A_210 = arith.constant 0 : i32
        %dma_start3A_211 = arith.constant 0 : i32
        %dma_start3A_212 = tpu.memref_slice %arg9[%run_scoped3A, %dma_start3A_210, %dma_start3A_211] : memref<5x40x128xf32, #tpu.memory_space<vmem>> -> memref<1x40x128xf32, #tpu.memory_space<vmem>>
        %dma_start3A_213 = tpu.memref_squeeze %dma_start3A_212 : memref<1x40x128xf32, #tpu.memory_space<vmem>> -> memref<40x128xf32, #tpu.memory_space<vmem>>
        %dma_start3A_214 = arith.constant 0 : i32
        %dma_start3A_215 = tpu.memref_slice %arg8[%add3A_87, %dma_start3A_214] : memref<250x40xi32, #tpu.memory_space<vmem>> -> memref<1x40xi32, #tpu.memory_space<vmem>>
        %dma_start3A_216 = tpu.memref_squeeze %dma_start3A_215 : memref<1x40xi32, #tpu.memory_space<vmem>> -> memref<40xi32, #tpu.memory_space<vmem>>
        %dma_start3A_217 = arith.constant 0 : i32
        %dma_start3A_218 = arith.constant 0 : i32
        %dma_start3A_219 = tpu.memref_slice %arg10[%dma_start3A_217, %dma_start3A_218] : memref<10240x128xf32, #tpu.memory_space<vmem_shared>> -> memref<10240x128xf32, #tpu.memory_space<vmem_shared>>
        tpu.enqueue_indirect_dma source(%dma_start3A_213 : memref<40x128xf32, #tpu.memory_space<vmem>>) target(%dma_start3A_219 : memref<10240x128xf32, #tpu.memory_space<vmem_shared>>) offsets(%dma_start3A_216 : memref<40xi32, #tpu.memory_space<vmem>>) semaphore(%run_scoped3A_209 : memref<!tpu.dma_semaphore, #tpu.memory_space<semaphore_mem>>) {add = true}
        %dma_wait3A_220 = arith.constant 0 : i32
        %dma_wait3A_221 = arith.constant 0 : i32
        %dma_wait3A_222 = tpu.memref_slice %arg9[%run_scoped3A, %dma_wait3A_220, %dma_wait3A_221] : memref<5x40x128xf32, #tpu.memory_space<vmem>> -> memref<1x40x128xf32, #tpu.memory_space<vmem>>
        %dma_wait3A_223 = tpu.memref_squeeze %dma_wait3A_222 : memref<1x40x128xf32, #tpu.memory_space<vmem>> -> memref<40x128xf32, #tpu.memory_space<vmem>>
        %dma_wait3A_224 = arith.constant 0 : i32
        %dma_wait3A_225 = tpu.memref_slice %arg8[%add3A_87, %dma_wait3A_224] : memref<250x40xi32, #tpu.memory_space<vmem>> -> memref<1x40xi32, #tpu.memory_space<vmem>>
        %dma_wait3A_226 = tpu.memref_squeeze %dma_wait3A_225 : memref<1x40xi32, #tpu.memory_space<vmem>> -> memref<40xi32, #tpu.memory_space<vmem>>
        %dma_wait3A_227 = arith.constant 0 : i32
        %dma_wait3A_228 = arith.constant 0 : i32
        %dma_wait3A_229 = tpu.memref_slice %arg10[%dma_wait3A_227, %dma_wait3A_228] : memref<10240x128xf32, #tpu.memory_space<vmem_shared>> -> memref<10240x128xf32, #tpu.memory_space<vmem_shared>>
        tpu.wait_indirect_dma semaphore(%run_scoped3A_209 : memref<!tpu.dma_semaphore, #tpu.memory_space<semaphore_mem>>) src(%dma_wait3A_223 : memref<40x128xf32, #tpu.memory_space<vmem>>) dst(%dma_wait3A_229 : memref<10240x128xf32, #tpu.memory_space<vmem_shared>>)
        tpu.yield
      }) : () -> ()
      %add3A_101 = arith.constant 5 : i32
      %add3A_102 = arith.addi %add3A_87, %add3A_101 : i32
      %lt3A = arith.constant 250 : i32
      %lt3A_103 = arith.cmpi slt, %add3A_102, %lt3A : i32
      %convert_element_type3A = arith.extui %lt3A_103 : i1 to i32
      %cond3A = arith.constant 0 : i32
      %cond3A_104 = arith.cmpi ne, %convert_element_type3A, %cond3A : i32
      scf.if %cond3A_104 {
        %dma_start3A_209 = arith.constant 0 : i32
        %dma_start3A_210 = arith.constant 0 : i32
        %dma_start3A_211 = arith.constant 0 : i32
        %dma_start3A_212 = arith.constant 0 : i32
        %dma_start3A_213 = tpu.memref_slice %arg9[%dma_start3A_209, %dma_start3A_211, %dma_start3A_212] : memref<5x40x128xf32, #tpu.memory_space<vmem>> -> memref<1x40x128xf32, #tpu.memory_space<vmem>>
        %dma_start3A_214 = tpu.memref_squeeze %dma_start3A_213 : memref<1x40x128xf32, #tpu.memory_space<vmem>> -> memref<40x128xf32, #tpu.memory_space<vmem>>
        %dma_start3A_215 = arith.constant 0 : i32
        %dma_start3A_216 = tpu.memref_slice %arg7[%add3A_102, %dma_start3A_215] : memref<250x40xi32, #tpu.memory_space<vmem>> -> memref<1x40xi32, #tpu.memory_space<vmem>>
        %dma_start3A_217 = tpu.memref_squeeze %dma_start3A_216 : memref<1x40xi32, #tpu.memory_space<vmem>> -> memref<40xi32, #tpu.memory_space<vmem>>
        %dma_start3A_218 = arith.constant 0 : i32
        %dma_start3A_219 = arith.constant 0 : i32
        %dma_start3A_220 = tpu.memref_slice %arg2[%dma_start3A_218, %dma_start3A_219] : memref<10000x128xf32, #tpu.memory_space<hbm>> -> memref<10000x128xf32, #tpu.memory_space<hbm>>
        %dma_start3A_221 = tpu.memref_slice %arg11[%dma_start3A_210] : memref<5x!tpu.dma_semaphore, #tpu.memory_space<semaphore_mem>> -> memref<1x!tpu.dma_semaphore, #tpu.memory_space<semaphore_mem>>
        %dma_start3A_222 = tpu.memref_squeeze %dma_start3A_221 : memref<1x!tpu.dma_semaphore, #tpu.memory_space<semaphore_mem>> -> memref<!tpu.dma_semaphore, #tpu.memory_space<semaphore_mem>>
        tpu.enqueue_indirect_dma source(%dma_start3A_220 : memref<10000x128xf32, #tpu.memory_space<hbm>>) target(%dma_start3A_214 : memref<40x128xf32, #tpu.memory_space<vmem>>) offsets(%dma_start3A_217 : memref<40xi32, #tpu.memory_space<vmem>>) semaphore(%dma_start3A_222 : memref<!tpu.dma_semaphore, #tpu.memory_space<semaphore_mem>>)
      } else {
      }
      %mul3A_105 = arith.constant 5 : i32
      %mul3A_106 = arith.muli %scan3A_83, %mul3A_105 : i32
      %add3A_107 = arith.constant 1 : i32
      %add3A_108 = arith.addi %mul3A_106, %add3A_107 : i32
      %dma_wait3A_109 = arith.constant 1 : i32
      %dma_wait3A_110 = arith.constant 1 : i32
      %dma_wait3A_111 = arith.constant 0 : i32
      %dma_wait3A_112 = arith.constant 0 : i32
      %dma_wait3A_113 = tpu.memref_slice %arg9[%dma_wait3A_109, %dma_wait3A_111, %dma_wait3A_112] : memref<5x40x128xf32, #tpu.memory_space<vmem>> -> memref<1x40x128xf32, #tpu.memory_space<vmem>>
      %dma_wait3A_114 = tpu.memref_squeeze %dma_wait3A_113 : memref<1x40x128xf32, #tpu.memory_space<vmem>> -> memref<40x128xf32, #tpu.memory_space<vmem>>
      %dma_wait3A_115 = arith.constant 0 : i32
      %dma_wait3A_116 = tpu.memref_slice %arg7[%add3A_108, %dma_wait3A_115] : memref<250x40xi32, #tpu.memory_space<vmem>> -> memref<1x40xi32, #tpu.memory_space<vmem>>
      %dma_wait3A_117 = tpu.memref_squeeze %dma_wait3A_116 : memref<1x40xi32, #tpu.memory_space<vmem>> -> memref<40xi32, #tpu.memory_space<vmem>>
      %dma_wait3A_118 = arith.constant 0 : i32
      %dma_wait3A_119 = arith.constant 0 : i32
      %dma_wait3A_120 = tpu.memref_slice %arg2[%dma_wait3A_118, %dma_wait3A_119] : memref<10000x128xf32, #tpu.memory_space<hbm>> -> memref<10000x128xf32, #tpu.memory_space<hbm>>
      %dma_wait3A_121 = tpu.memref_slice %arg11[%dma_wait3A_110] : memref<5x!tpu.dma_semaphore, #tpu.memory_space<semaphore_mem>> -> memref<1x!tpu.dma_semaphore, #tpu.memory_space<semaphore_mem>>
      %dma_wait3A_122 = tpu.memref_squeeze %dma_wait3A_121 : memref<1x!tpu.dma_semaphore, #tpu.memory_space<semaphore_mem>> -> memref<!tpu.dma_semaphore, #tpu.memory_space<semaphore_mem>>
      tpu.wait_indirect_dma semaphore(%dma_wait3A_122 : memref<!tpu.dma_semaphore, #tpu.memory_space<semaphore_mem>>) src(%dma_wait3A_120 : memref<10000x128xf32, #tpu.memory_space<hbm>>) dst(%dma_wait3A_114 : memref<40x128xf32, #tpu.memory_space<vmem>>)
      %run_scoped3A_123 = arith.constant 1 : i32
      "tpu.region"() ({
        %run_scoped3A_209 = tpu.sem_alloc : memref<!tpu.dma_semaphore, #tpu.memory_space<semaphore_mem>>
        %dma_start3A_210 = arith.constant 0 : i32
        %dma_start3A_211 = arith.constant 0 : i32
        %dma_start3A_212 = tpu.memref_slice %arg9[%run_scoped3A_123, %dma_start3A_210, %dma_start3A_211] : memref<5x40x128xf32, #tpu.memory_space<vmem>> -> memref<1x40x128xf32, #tpu.memory_space<vmem>>
        %dma_start3A_213 = tpu.memref_squeeze %dma_start3A_212 : memref<1x40x128xf32, #tpu.memory_space<vmem>> -> memref<40x128xf32, #tpu.memory_space<vmem>>
        %dma_start3A_214 = arith.constant 0 : i32
        %dma_start3A_215 = tpu.memref_slice %arg8[%add3A_108, %dma_start3A_214] : memref<250x40xi32, #tpu.memory_space<vmem>> -> memref<1x40xi32, #tpu.memory_space<vmem>>
        %dma_start3A_216 = tpu.memref_squeeze %dma_start3A_215 : memref<1x40xi32, #tpu.memory_space<vmem>> -> memref<40xi32, #tpu.memory_space<vmem>>
        %dma_start3A_217 = arith.constant 0 : i32
        %dma_start3A_218 = arith.constant 0 : i32
        %dma_start3A_219 = tpu.memref_slice %arg10[%dma_start3A_217, %dma_start3A_218] : memref<10240x128xf32, #tpu.memory_space<vmem_shared>> -> memref<10240x128xf32, #tpu.memory_space<vmem_shared>>
        tpu.enqueue_indirect_dma source(%dma_start3A_213 : memref<40x128xf32, #tpu.memory_space<vmem>>) target(%dma_start3A_219 : memref<10240x128xf32, #tpu.memory_space<vmem_shared>>) offsets(%dma_start3A_216 : memref<40xi32, #tpu.memory_space<vmem>>) semaphore(%run_scoped3A_209 : memref<!tpu.dma_semaphore, #tpu.memory_space<semaphore_mem>>) {add = true}
        %dma_wait3A_220 = arith.constant 0 : i32
        %dma_wait3A_221 = arith.constant 0 : i32
        %dma_wait3A_222 = tpu.memref_slice %arg9[%run_scoped3A_123, %dma_wait3A_220, %dma_wait3A_221] : memref<5x40x128xf32, #tpu.memory_space<vmem>> -> memref<1x40x128xf32, #tpu.memory_space<vmem>>
        %dma_wait3A_223 = tpu.memref_squeeze %dma_wait3A_222 : memref<1x40x128xf32, #tpu.memory_space<vmem>> -> memref<40x128xf32, #tpu.memory_space<vmem>>
        %dma_wait3A_224 = arith.constant 0 : i32
        %dma_wait3A_225 = tpu.memref_slice %arg8[%add3A_108, %dma_wait3A_224] : memref<250x40xi32, #tpu.memory_space<vmem>> -> memref<1x40xi32, #tpu.memory_space<vmem>>
        %dma_wait3A_226 = tpu.memref_squeeze %dma_wait3A_225 : memref<1x40xi32, #tpu.memory_space<vmem>> -> memref<40xi32, #tpu.memory_space<vmem>>
        %dma_wait3A_227 = arith.constant 0 : i32
        %dma_wait3A_228 = arith.constant 0 : i32
        %dma_wait3A_229 = tpu.memref_slice %arg10[%dma_wait3A_227, %dma_wait3A_228] : memref<10240x128xf32, #tpu.memory_space<vmem_shared>> -> memref<10240x128xf32, #tpu.memory_space<vmem_shared>>
        tpu.wait_indirect_dma semaphore(%run_scoped3A_209 : memref<!tpu.dma_semaphore, #tpu.memory_space<semaphore_mem>>) src(%dma_wait3A_223 : memref<40x128xf32, #tpu.memory_space<vmem>>) dst(%dma_wait3A_229 : memref<10240x128xf32, #tpu.memory_space<vmem_shared>>)
        tpu.yield
      }) : () -> ()
      %add3A_124 = arith.constant 5 : i32
      %add3A_125 = arith.addi %add3A_108, %add3A_124 : i32
      %lt3A_126 = arith.constant 250 : i32
      %lt3A_127 = arith.cmpi slt, %add3A_125, %lt3A_126 : i32
      %convert_element_type3A_128 = arith.extui %lt3A_127 : i1 to i32
      %cond3A_129 = arith.constant 0 : i32
      %cond3A_130 = arith.cmpi ne, %convert_element_type3A_128, %cond3A_129 : i32
      scf.if %cond3A_130 {
        %dma_start3A_209 = arith.constant 1 : i32
        %dma_start3A_210 = arith.constant 1 : i32
        %dma_start3A_211 = arith.constant 0 : i32
        %dma_start3A_212 = arith.constant 0 : i32
        %dma_start3A_213 = tpu.memref_slice %arg9[%dma_start3A_209, %dma_start3A_211, %dma_start3A_212] : memref<5x40x128xf32, #tpu.memory_space<vmem>> -> memref<1x40x128xf32, #tpu.memory_space<vmem>>
        %dma_start3A_214 = tpu.memref_squeeze %dma_start3A_213 : memref<1x40x128xf32, #tpu.memory_space<vmem>> -> memref<40x128xf32, #tpu.memory_space<vmem>>
        %dma_start3A_215 = arith.constant 0 : i32
        %dma_start3A_216 = tpu.memref_slice %arg7[%add3A_125, %dma_start3A_215] : memref<250x40xi32, #tpu.memory_space<vmem>> -> memref<1x40xi32, #tpu.memory_space<vmem>>
        %dma_start3A_217 = tpu.memref_squeeze %dma_start3A_216 : memref<1x40xi32, #tpu.memory_space<vmem>> -> memref<40xi32, #tpu.memory_space<vmem>>
        %dma_start3A_218 = arith.constant 0 : i32
        %dma_start3A_219 = arith.constant 0 : i32
        %dma_start3A_220 = tpu.memref_slice %arg2[%dma_start3A_218, %dma_start3A_219] : memref<10000x128xf32, #tpu.memory_space<hbm>> -> memref<10000x128xf32, #tpu.memory_space<hbm>>
        %dma_start3A_221 = tpu.memref_slice %arg11[%dma_start3A_210] : memref<5x!tpu.dma_semaphore, #tpu.memory_space<semaphore_mem>> -> memref<1x!tpu.dma_semaphore, #tpu.memory_space<semaphore_mem>>
        %dma_start3A_222 = tpu.memref_squeeze %dma_start3A_221 : memref<1x!tpu.dma_semaphore, #tpu.memory_space<semaphore_mem>> -> memref<!tpu.dma_semaphore, #tpu.memory_space<semaphore_mem>>
        tpu.enqueue_indirect_dma source(%dma_start3A_220 : memref<10000x128xf32, #tpu.memory_space<hbm>>) target(%dma_start3A_214 : memref<40x128xf32, #tpu.memory_space<vmem>>) offsets(%dma_start3A_217 : memref<40xi32, #tpu.memory_space<vmem>>) semaphore(%dma_start3A_222 : memref<!tpu.dma_semaphore, #tpu.memory_space<semaphore_mem>>)
      } else {
      }
      %mul3A_131 = arith.constant 5 : i32
      %mul3A_132 = arith.muli %scan3A_83, %mul3A_131 : i32
      %add3A_133 = arith.constant 2 : i32
      %add3A_134 = arith.addi %mul3A_132, %add3A_133 : i32
      %dma_wait3A_135 = arith.constant 2 : i32
      %dma_wait3A_136 = arith.constant 2 : i32
      %dma_wait3A_137 = arith.constant 0 : i32
      %dma_wait3A_138 = arith.constant 0 : i32
      %dma_wait3A_139 = tpu.memref_slice %arg9[%dma_wait3A_135, %dma_wait3A_137, %dma_wait3A_138] : memref<5x40x128xf32, #tpu.memory_space<vmem>> -> memref<1x40x128xf32, #tpu.memory_space<vmem>>
      %dma_wait3A_140 = tpu.memref_squeeze %dma_wait3A_139 : memref<1x40x128xf32, #tpu.memory_space<vmem>> -> memref<40x128xf32, #tpu.memory_space<vmem>>
      %dma_wait3A_141 = arith.constant 0 : i32
      %dma_wait3A_142 = tpu.memref_slice %arg7[%add3A_134, %dma_wait3A_141] : memref<250x40xi32, #tpu.memory_space<vmem>> -> memref<1x40xi32, #tpu.memory_space<vmem>>
      %dma_wait3A_143 = tpu.memref_squeeze %dma_wait3A_142 : memref<1x40xi32, #tpu.memory_space<vmem>> -> memref<40xi32, #tpu.memory_space<vmem>>
      %dma_wait3A_144 = arith.constant 0 : i32
      %dma_wait3A_145 = arith.constant 0 : i32
      %dma_wait3A_146 = tpu.memref_slice %arg2[%dma_wait3A_144, %dma_wait3A_145] : memref<10000x128xf32, #tpu.memory_space<hbm>> -> memref<10000x128xf32, #tpu.memory_space<hbm>>
      %dma_wait3A_147 = tpu.memref_slice %arg11[%dma_wait3A_136] : memref<5x!tpu.dma_semaphore, #tpu.memory_space<semaphore_mem>> -> memref<1x!tpu.dma_semaphore, #tpu.memory_space<semaphore_mem>>
      %dma_wait3A_148 = tpu.memref_squeeze %dma_wait3A_147 : memref<1x!tpu.dma_semaphore, #tpu.memory_space<semaphore_mem>> -> memref<!tpu.dma_semaphore, #tpu.memory_space<semaphore_mem>>
      tpu.wait_indirect_dma semaphore(%dma_wait3A_148 : memref<!tpu.dma_semaphore, #tpu.memory_space<semaphore_mem>>) src(%dma_wait3A_146 : memref<10000x128xf32, #tpu.memory_space<hbm>>) dst(%dma_wait3A_140 : memref<40x128xf32, #tpu.memory_space<vmem>>)
      %run_scoped3A_149 = arith.constant 2 : i32
      "tpu.region"() ({
        %run_scoped3A_209 = tpu.sem_alloc : memref<!tpu.dma_semaphore, #tpu.memory_space<semaphore_mem>>
        %dma_start3A_210 = arith.constant 0 : i32
        %dma_start3A_211 = arith.constant 0 : i32
        %dma_start3A_212 = tpu.memref_slice %arg9[%run_scoped3A_149, %dma_start3A_210, %dma_start3A_211] : memref<5x40x128xf32, #tpu.memory_space<vmem>> -> memref<1x40x128xf32, #tpu.memory_space<vmem>>
        %dma_start3A_213 = tpu.memref_squeeze %dma_start3A_212 : memref<1x40x128xf32, #tpu.memory_space<vmem>> -> memref<40x128xf32, #tpu.memory_space<vmem>>
        %dma_start3A_214 = arith.constant 0 : i32
        %dma_start3A_215 = tpu.memref_slice %arg8[%add3A_134, %dma_start3A_214] : memref<250x40xi32, #tpu.memory_space<vmem>> -> memref<1x40xi32, #tpu.memory_space<vmem>>
        %dma_start3A_216 = tpu.memref_squeeze %dma_start3A_215 : memref<1x40xi32, #tpu.memory_space<vmem>> -> memref<40xi32, #tpu.memory_space<vmem>>
        %dma_start3A_217 = arith.constant 0 : i32
        %dma_start3A_218 = arith.constant 0 : i32
        %dma_start3A_219 = tpu.memref_slice %arg10[%dma_start3A_217, %dma_start3A_218] : memref<10240x128xf32, #tpu.memory_space<vmem_shared>> -> memref<10240x128xf32, #tpu.memory_space<vmem_shared>>
        tpu.enqueue_indirect_dma source(%dma_start3A_213 : memref<40x128xf32, #tpu.memory_space<vmem>>) target(%dma_start3A_219 : memref<10240x128xf32, #tpu.memory_space<vmem_shared>>) offsets(%dma_start3A_216 : memref<40xi32, #tpu.memory_space<vmem>>) semaphore(%run_scoped3A_209 : memref<!tpu.dma_semaphore, #tpu.memory_space<semaphore_mem>>) {add = true}
        %dma_wait3A_220 = arith.constant 0 : i32
        %dma_wait3A_221 = arith.constant 0 : i32
        %dma_wait3A_222 = tpu.memref_slice %arg9[%run_scoped3A_149, %dma_wait3A_220, %dma_wait3A_221] : memref<5x40x128xf32, #tpu.memory_space<vmem>> -> memref<1x40x128xf32, #tpu.memory_space<vmem>>
        %dma_wait3A_223 = tpu.memref_squeeze %dma_wait3A_222 : memref<1x40x128xf32, #tpu.memory_space<vmem>> -> memref<40x128xf32, #tpu.memory_space<vmem>>
        %dma_wait3A_224 = arith.constant 0 : i32
        %dma_wait3A_225 = tpu.memref_slice %arg8[%add3A_134, %dma_wait3A_224] : memref<250x40xi32, #tpu.memory_space<vmem>> -> memref<1x40xi32, #tpu.memory_space<vmem>>
        %dma_wait3A_226 = tpu.memref_squeeze %dma_wait3A_225 : memref<1x40xi32, #tpu.memory_space<vmem>> -> memref<40xi32, #tpu.memory_space<vmem>>
        %dma_wait3A_227 = arith.constant 0 : i32
        %dma_wait3A_228 = arith.constant 0 : i32
        %dma_wait3A_229 = tpu.memref_slice %arg10[%dma_wait3A_227, %dma_wait3A_228] : memref<10240x128xf32, #tpu.memory_space<vmem_shared>> -> memref<10240x128xf32, #tpu.memory_space<vmem_shared>>
        tpu.wait_indirect_dma semaphore(%run_scoped3A_209 : memref<!tpu.dma_semaphore, #tpu.memory_space<semaphore_mem>>) src(%dma_wait3A_223 : memref<40x128xf32, #tpu.memory_space<vmem>>) dst(%dma_wait3A_229 : memref<10240x128xf32, #tpu.memory_space<vmem_shared>>)
        tpu.yield
      }) : () -> ()
      %add3A_150 = arith.constant 5 : i32
      %add3A_151 = arith.addi %add3A_134, %add3A_150 : i32
      %lt3A_152 = arith.constant 250 : i32
      %lt3A_153 = arith.cmpi slt, %add3A_151, %lt3A_152 : i32
      %convert_element_type3A_154 = arith.extui %lt3A_153 : i1 to i32
      %cond3A_155 = arith.constant 0 : i32
      %cond3A_156 = arith.cmpi ne, %convert_element_type3A_154, %cond3A_155 : i32
      scf.if %cond3A_156 {
        %dma_start3A_209 = arith.constant 2 : i32
        %dma_start3A_210 = arith.constant 2 : i32
        %dma_start3A_211 = arith.constant 0 : i32
        %dma_start3A_212 = arith.constant 0 : i32
        %dma_start3A_213 = tpu.memref_slice %arg9[%dma_start3A_209, %dma_start3A_211, %dma_start3A_212] : memref<5x40x128xf32, #tpu.memory_space<vmem>> -> memref<1x40x128xf32, #tpu.memory_space<vmem>>
        %dma_start3A_214 = tpu.memref_squeeze %dma_start3A_213 : memref<1x40x128xf32, #tpu.memory_space<vmem>> -> memref<40x128xf32, #tpu.memory_space<vmem>>
        %dma_start3A_215 = arith.constant 0 : i32
        %dma_start3A_216 = tpu.memref_slice %arg7[%add3A_151, %dma_start3A_215] : memref<250x40xi32, #tpu.memory_space<vmem>> -> memref<1x40xi32, #tpu.memory_space<vmem>>
        %dma_start3A_217 = tpu.memref_squeeze %dma_start3A_216 : memref<1x40xi32, #tpu.memory_space<vmem>> -> memref<40xi32, #tpu.memory_space<vmem>>
        %dma_start3A_218 = arith.constant 0 : i32
        %dma_start3A_219 = arith.constant 0 : i32
        %dma_start3A_220 = tpu.memref_slice %arg2[%dma_start3A_218, %dma_start3A_219] : memref<10000x128xf32, #tpu.memory_space<hbm>> -> memref<10000x128xf32, #tpu.memory_space<hbm>>
        %dma_start3A_221 = tpu.memref_slice %arg11[%dma_start3A_210] : memref<5x!tpu.dma_semaphore, #tpu.memory_space<semaphore_mem>> -> memref<1x!tpu.dma_semaphore, #tpu.memory_space<semaphore_mem>>
        %dma_start3A_222 = tpu.memref_squeeze %dma_start3A_221 : memref<1x!tpu.dma_semaphore, #tpu.memory_space<semaphore_mem>> -> memref<!tpu.dma_semaphore, #tpu.memory_space<semaphore_mem>>
        tpu.enqueue_indirect_dma source(%dma_start3A_220 : memref<10000x128xf32, #tpu.memory_space<hbm>>) target(%dma_start3A_214 : memref<40x128xf32, #tpu.memory_space<vmem>>) offsets(%dma_start3A_217 : memref<40xi32, #tpu.memory_space<vmem>>) semaphore(%dma_start3A_222 : memref<!tpu.dma_semaphore, #tpu.memory_space<semaphore_mem>>)
      } else {
      }
      %mul3A_157 = arith.constant 5 : i32
      %mul3A_158 = arith.muli %scan3A_83, %mul3A_157 : i32
      %add3A_159 = arith.constant 3 : i32
      %add3A_160 = arith.addi %mul3A_158, %add3A_159 : i32
      %dma_wait3A_161 = arith.constant 3 : i32
      %dma_wait3A_162 = arith.constant 3 : i32
      %dma_wait3A_163 = arith.constant 0 : i32
      %dma_wait3A_164 = arith.constant 0 : i32
      %dma_wait3A_165 = tpu.memref_slice %arg9[%dma_wait3A_161, %dma_wait3A_163, %dma_wait3A_164] : memref<5x40x128xf32, #tpu.memory_space<vmem>> -> memref<1x40x128xf32, #tpu.memory_space<vmem>>
      %dma_wait3A_166 = tpu.memref_squeeze %dma_wait3A_165 : memref<1x40x128xf32, #tpu.memory_space<vmem>> -> memref<40x128xf32, #tpu.memory_space<vmem>>
      %dma_wait3A_167 = arith.constant 0 : i32
      %dma_wait3A_168 = tpu.memref_slice %arg7[%add3A_160, %dma_wait3A_167] : memref<250x40xi32, #tpu.memory_space<vmem>> -> memref<1x40xi32, #tpu.memory_space<vmem>>
      %dma_wait3A_169 = tpu.memref_squeeze %dma_wait3A_168 : memref<1x40xi32, #tpu.memory_space<vmem>> -> memref<40xi32, #tpu.memory_space<vmem>>
      %dma_wait3A_170 = arith.constant 0 : i32
      %dma_wait3A_171 = arith.constant 0 : i32
      %dma_wait3A_172 = tpu.memref_slice %arg2[%dma_wait3A_170, %dma_wait3A_171] : memref<10000x128xf32, #tpu.memory_space<hbm>> -> memref<10000x128xf32, #tpu.memory_space<hbm>>
      %dma_wait3A_173 = tpu.memref_slice %arg11[%dma_wait3A_162] : memref<5x!tpu.dma_semaphore, #tpu.memory_space<semaphore_mem>> -> memref<1x!tpu.dma_semaphore, #tpu.memory_space<semaphore_mem>>
      %dma_wait3A_174 = tpu.memref_squeeze %dma_wait3A_173 : memref<1x!tpu.dma_semaphore, #tpu.memory_space<semaphore_mem>> -> memref<!tpu.dma_semaphore, #tpu.memory_space<semaphore_mem>>
      tpu.wait_indirect_dma semaphore(%dma_wait3A_174 : memref<!tpu.dma_semaphore, #tpu.memory_space<semaphore_mem>>) src(%dma_wait3A_172 : memref<10000x128xf32, #tpu.memory_space<hbm>>) dst(%dma_wait3A_166 : memref<40x128xf32, #tpu.memory_space<vmem>>)
      %run_scoped3A_175 = arith.constant 3 : i32
      "tpu.region"() ({
        %run_scoped3A_209 = tpu.sem_alloc : memref<!tpu.dma_semaphore, #tpu.memory_space<semaphore_mem>>
        %dma_start3A_210 = arith.constant 0 : i32
        %dma_start3A_211 = arith.constant 0 : i32
        %dma_start3A_212 = tpu.memref_slice %arg9[%run_scoped3A_175, %dma_start3A_210, %dma_start3A_211] : memref<5x40x128xf32, #tpu.memory_space<vmem>> -> memref<1x40x128xf32, #tpu.memory_space<vmem>>
        %dma_start3A_213 = tpu.memref_squeeze %dma_start3A_212 : memref<1x40x128xf32, #tpu.memory_space<vmem>> -> memref<40x128xf32, #tpu.memory_space<vmem>>
        %dma_start3A_214 = arith.constant 0 : i32
        %dma_start3A_215 = tpu.memref_slice %arg8[%add3A_160, %dma_start3A_214] : memref<250x40xi32, #tpu.memory_space<vmem>> -> memref<1x40xi32, #tpu.memory_space<vmem>>
        %dma_start3A_216 = tpu.memref_squeeze %dma_start3A_215 : memref<1x40xi32, #tpu.memory_space<vmem>> -> memref<40xi32, #tpu.memory_space<vmem>>
        %dma_start3A_217 = arith.constant 0 : i32
        %dma_start3A_218 = arith.constant 0 : i32
        %dma_start3A_219 = tpu.memref_slice %arg10[%dma_start3A_217, %dma_start3A_218] : memref<10240x128xf32, #tpu.memory_space<vmem_shared>> -> memref<10240x128xf32, #tpu.memory_space<vmem_shared>>
        tpu.enqueue_indirect_dma source(%dma_start3A_213 : memref<40x128xf32, #tpu.memory_space<vmem>>) target(%dma_start3A_219 : memref<10240x128xf32, #tpu.memory_space<vmem_shared>>) offsets(%dma_start3A_216 : memref<40xi32, #tpu.memory_space<vmem>>) semaphore(%run_scoped3A_209 : memref<!tpu.dma_semaphore, #tpu.memory_space<semaphore_mem>>) {add = true}
        %dma_wait3A_220 = arith.constant 0 : i32
        %dma_wait3A_221 = arith.constant 0 : i32
        %dma_wait3A_222 = tpu.memref_slice %arg9[%run_scoped3A_175, %dma_wait3A_220, %dma_wait3A_221] : memref<5x40x128xf32, #tpu.memory_space<vmem>> -> memref<1x40x128xf32, #tpu.memory_space<vmem>>
        %dma_wait3A_223 = tpu.memref_squeeze %dma_wait3A_222 : memref<1x40x128xf32, #tpu.memory_space<vmem>> -> memref<40x128xf32, #tpu.memory_space<vmem>>
        %dma_wait3A_224 = arith.constant 0 : i32
        %dma_wait3A_225 = tpu.memref_slice %arg8[%add3A_160, %dma_wait3A_224] : memref<250x40xi32, #tpu.memory_space<vmem>> -> memref<1x40xi32, #tpu.memory_space<vmem>>
        %dma_wait3A_226 = tpu.memref_squeeze %dma_wait3A_225 : memref<1x40xi32, #tpu.memory_space<vmem>> -> memref<40xi32, #tpu.memory_space<vmem>>
        %dma_wait3A_227 = arith.constant 0 : i32
        %dma_wait3A_228 = arith.constant 0 : i32
        %dma_wait3A_229 = tpu.memref_slice %arg10[%dma_wait3A_227, %dma_wait3A_228] : memref<10240x128xf32, #tpu.memory_space<vmem_shared>> -> memref<10240x128xf32, #tpu.memory_space<vmem_shared>>
        tpu.wait_indirect_dma semaphore(%run_scoped3A_209 : memref<!tpu.dma_semaphore, #tpu.memory_space<semaphore_mem>>) src(%dma_wait3A_223 : memref<40x128xf32, #tpu.memory_space<vmem>>) dst(%dma_wait3A_229 : memref<10240x128xf32, #tpu.memory_space<vmem_shared>>)
        tpu.yield
      }) : () -> ()
      %add3A_176 = arith.constant 5 : i32
      %add3A_177 = arith.addi %add3A_160, %add3A_176 : i32
      %lt3A_178 = arith.constant 250 : i32
      %lt3A_179 = arith.cmpi slt, %add3A_177, %lt3A_178 : i32
      %convert_element_type3A_180 = arith.extui %lt3A_179 : i1 to i32
      %cond3A_181 = arith.constant 0 : i32
      %cond3A_182 = arith.cmpi ne, %convert_element_type3A_180, %cond3A_181 : i32
      scf.if %cond3A_182 {
        %dma_start3A_209 = arith.constant 3 : i32
        %dma_start3A_210 = arith.constant 3 : i32
        %dma_start3A_211 = arith.constant 0 : i32
        %dma_start3A_212 = arith.constant 0 : i32
        %dma_start3A_213 = tpu.memref_slice %arg9[%dma_start3A_209, %dma_start3A_211, %dma_start3A_212] : memref<5x40x128xf32, #tpu.memory_space<vmem>> -> memref<1x40x128xf32, #tpu.memory_space<vmem>>
        %dma_start3A_214 = tpu.memref_squeeze %dma_start3A_213 : memref<1x40x128xf32, #tpu.memory_space<vmem>> -> memref<40x128xf32, #tpu.memory_space<vmem>>
        %dma_start3A_215 = arith.constant 0 : i32
        %dma_start3A_216 = tpu.memref_slice %arg7[%add3A_177, %dma_start3A_215] : memref<250x40xi32, #tpu.memory_space<vmem>> -> memref<1x40xi32, #tpu.memory_space<vmem>>
        %dma_start3A_217 = tpu.memref_squeeze %dma_start3A_216 : memref<1x40xi32, #tpu.memory_space<vmem>> -> memref<40xi32, #tpu.memory_space<vmem>>
        %dma_start3A_218 = arith.constant 0 : i32
        %dma_start3A_219 = arith.constant 0 : i32
        %dma_start3A_220 = tpu.memref_slice %arg2[%dma_start3A_218, %dma_start3A_219] : memref<10000x128xf32, #tpu.memory_space<hbm>> -> memref<10000x128xf32, #tpu.memory_space<hbm>>
        %dma_start3A_221 = tpu.memref_slice %arg11[%dma_start3A_210] : memref<5x!tpu.dma_semaphore, #tpu.memory_space<semaphore_mem>> -> memref<1x!tpu.dma_semaphore, #tpu.memory_space<semaphore_mem>>
        %dma_start3A_222 = tpu.memref_squeeze %dma_start3A_221 : memref<1x!tpu.dma_semaphore, #tpu.memory_space<semaphore_mem>> -> memref<!tpu.dma_semaphore, #tpu.memory_space<semaphore_mem>>
        tpu.enqueue_indirect_dma source(%dma_start3A_220 : memref<10000x128xf32, #tpu.memory_space<hbm>>) target(%dma_start3A_214 : memref<40x128xf32, #tpu.memory_space<vmem>>) offsets(%dma_start3A_217 : memref<40xi32, #tpu.memory_space<vmem>>) semaphore(%dma_start3A_222 : memref<!tpu.dma_semaphore, #tpu.memory_space<semaphore_mem>>)
      } else {
      }
      %mul3A_183 = arith.constant 5 : i32
      %mul3A_184 = arith.muli %scan3A_83, %mul3A_183 : i32
      %add3A_185 = arith.constant 4 : i32
      %add3A_186 = arith.addi %mul3A_184, %add3A_185 : i32
      %dma_wait3A_187 = arith.constant 4 : i32
      %dma_wait3A_188 = arith.constant 4 : i32
      %dma_wait3A_189 = arith.constant 0 : i32
      %dma_wait3A_190 = arith.constant 0 : i32
      %dma_wait3A_191 = tpu.memref_slice %arg9[%dma_wait3A_187, %dma_wait3A_189, %dma_wait3A_190] : memref<5x40x128xf32, #tpu.memory_space<vmem>> -> memref<1x40x128xf32, #tpu.memory_space<vmem>>
      %dma_wait3A_192 = tpu.memref_squeeze %dma_wait3A_191 : memref<1x40x128xf32, #tpu.memory_space<vmem>> -> memref<40x128xf32, #tpu.memory_space<vmem>>
      %dma_wait3A_193 = arith.constant 0 : i32
      %dma_wait3A_194 = tpu.memref_slice %arg7[%add3A_186, %dma_wait3A_193] : memref<250x40xi32, #tpu.memory_space<vmem>> -> memref<1x40xi32, #tpu.memory_space<vmem>>
      %dma_wait3A_195 = tpu.memref_squeeze %dma_wait3A_194 : memref<1x40xi32, #tpu.memory_space<vmem>> -> memref<40xi32, #tpu.memory_space<vmem>>
      %dma_wait3A_196 = arith.constant 0 : i32
      %dma_wait3A_197 = arith.constant 0 : i32
      %dma_wait3A_198 = tpu.memref_slice %arg2[%dma_wait3A_196, %dma_wait3A_197] : memref<10000x128xf32, #tpu.memory_space<hbm>> -> memref<10000x128xf32, #tpu.memory_space<hbm>>
      %dma_wait3A_199 = tpu.memref_slice %arg11[%dma_wait3A_188] : memref<5x!tpu.dma_semaphore, #tpu.memory_space<semaphore_mem>> -> memref<1x!tpu.dma_semaphore, #tpu.memory_space<semaphore_mem>>
      %dma_wait3A_200 = tpu.memref_squeeze %dma_wait3A_199 : memref<1x!tpu.dma_semaphore, #tpu.memory_space<semaphore_mem>> -> memref<!tpu.dma_semaphore, #tpu.memory_space<semaphore_mem>>
      tpu.wait_indirect_dma semaphore(%dma_wait3A_200 : memref<!tpu.dma_semaphore, #tpu.memory_space<semaphore_mem>>) src(%dma_wait3A_198 : memref<10000x128xf32, #tpu.memory_space<hbm>>) dst(%dma_wait3A_192 : memref<40x128xf32, #tpu.memory_space<vmem>>)
      %run_scoped3A_201 = arith.constant 4 : i32
      "tpu.region"() ({
        %run_scoped3A_209 = tpu.sem_alloc : memref<!tpu.dma_semaphore, #tpu.memory_space<semaphore_mem>>
        %dma_start3A_210 = arith.constant 0 : i32
        %dma_start3A_211 = arith.constant 0 : i32
        %dma_start3A_212 = tpu.memref_slice %arg9[%run_scoped3A_201, %dma_start3A_210, %dma_start3A_211] : memref<5x40x128xf32, #tpu.memory_space<vmem>> -> memref<1x40x128xf32, #tpu.memory_space<vmem>>
        %dma_start3A_213 = tpu.memref_squeeze %dma_start3A_212 : memref<1x40x128xf32, #tpu.memory_space<vmem>> -> memref<40x128xf32, #tpu.memory_space<vmem>>
        %dma_start3A_214 = arith.constant 0 : i32
        %dma_start3A_215 = tpu.memref_slice %arg8[%add3A_186, %dma_start3A_214] : memref<250x40xi32, #tpu.memory_space<vmem>> -> memref<1x40xi32, #tpu.memory_space<vmem>>
        %dma_start3A_216 = tpu.memref_squeeze %dma_start3A_215 : memref<1x40xi32, #tpu.memory_space<vmem>> -> memref<40xi32, #tpu.memory_space<vmem>>
        %dma_start3A_217 = arith.constant 0 : i32
        %dma_start3A_218 = arith.constant 0 : i32
        %dma_start3A_219 = tpu.memref_slice %arg10[%dma_start3A_217, %dma_start3A_218] : memref<10240x128xf32, #tpu.memory_space<vmem_shared>> -> memref<10240x128xf32, #tpu.memory_space<vmem_shared>>
        tpu.enqueue_indirect_dma source(%dma_start3A_213 : memref<40x128xf32, #tpu.memory_space<vmem>>) target(%dma_start3A_219 : memref<10240x128xf32, #tpu.memory_space<vmem_shared>>) offsets(%dma_start3A_216 : memref<40xi32, #tpu.memory_space<vmem>>) semaphore(%run_scoped3A_209 : memref<!tpu.dma_semaphore, #tpu.memory_space<semaphore_mem>>) {add = true}
        %dma_wait3A_220 = arith.constant 0 : i32
        %dma_wait3A_221 = arith.constant 0 : i32
        %dma_wait3A_222 = tpu.memref_slice %arg9[%run_scoped3A_201, %dma_wait3A_220, %dma_wait3A_221] : memref<5x40x128xf32, #tpu.memory_space<vmem>> -> memref<1x40x128xf32, #tpu.memory_space<vmem>>
        %dma_wait3A_223 = tpu.memref_squeeze %dma_wait3A_222 : memref<1x40x128xf32, #tpu.memory_space<vmem>> -> memref<40x128xf32, #tpu.memory_space<vmem>>
        %dma_wait3A_224 = arith.constant 0 : i32
        %dma_wait3A_225 = tpu.memref_slice %arg8[%add3A_186, %dma_wait3A_224] : memref<250x40xi32, #tpu.memory_space<vmem>> -> memref<1x40xi32, #tpu.memory_space<vmem>>
        %dma_wait3A_226 = tpu.memref_squeeze %dma_wait3A_225 : memref<1x40xi32, #tpu.memory_space<vmem>> -> memref<40xi32, #tpu.memory_space<vmem>>
        %dma_wait3A_227 = arith.constant 0 : i32
        %dma_wait3A_228 = arith.constant 0 : i32
        %dma_wait3A_229 = tpu.memref_slice %arg10[%dma_wait3A_227, %dma_wait3A_228] : memref<10240x128xf32, #tpu.memory_space<vmem_shared>> -> memref<10240x128xf32, #tpu.memory_space<vmem_shared>>
        tpu.wait_indirect_dma semaphore(%run_scoped3A_209 : memref<!tpu.dma_semaphore, #tpu.memory_space<semaphore_mem>>) src(%dma_wait3A_223 : memref<40x128xf32, #tpu.memory_space<vmem>>) dst(%dma_wait3A_229 : memref<10240x128xf32, #tpu.memory_space<vmem_shared>>)
        tpu.yield
      }) : () -> ()
      %add3A_202 = arith.constant 5 : i32
      %add3A_203 = arith.addi %add3A_186, %add3A_202 : i32
      %lt3A_204 = arith.constant 250 : i32
      %lt3A_205 = arith.cmpi slt, %add3A_203, %lt3A_204 : i32
      %convert_element_type3A_206 = arith.extui %lt3A_205 : i1 to i32
      %cond3A_207 = arith.constant 0 : i32
      %cond3A_208 = arith.cmpi ne, %convert_element_type3A_206, %cond3A_207 : i32
      scf.if %cond3A_208 {
        %dma_start3A_209 = arith.constant 4 : i32
        %dma_start3A_210 = arith.constant 4 : i32
        %dma_start3A_211 = arith.constant 0 : i32
        %dma_start3A_212 = arith.constant 0 : i32
        %dma_start3A_213 = tpu.memref_slice %arg9[%dma_start3A_209, %dma_start3A_211, %dma_start3A_212] : memref<5x40x128xf32, #tpu.memory_space<vmem>> -> memref<1x40x128xf32, #tpu.memory_space<vmem>>
        %dma_start3A_214 = tpu.memref_squeeze %dma_start3A_213 : memref<1x40x128xf32, #tpu.memory_space<vmem>> -> memref<40x128xf32, #tpu.memory_space<vmem>>
        %dma_start3A_215 = arith.constant 0 : i32
        %dma_start3A_216 = tpu.memref_slice %arg7[%add3A_203, %dma_start3A_215] : memref<250x40xi32, #tpu.memory_space<vmem>> -> memref<1x40xi32, #tpu.memory_space<vmem>>
        %dma_start3A_217 = tpu.memref_squeeze %dma_start3A_216 : memref<1x40xi32, #tpu.memory_space<vmem>> -> memref<40xi32, #tpu.memory_space<vmem>>
        %dma_start3A_218 = arith.constant 0 : i32
        %dma_start3A_219 = arith.constant 0 : i32
        %dma_start3A_220 = tpu.memref_slice %arg2[%dma_start3A_218, %dma_start3A_219] : memref<10000x128xf32, #tpu.memory_space<hbm>> -> memref<10000x128xf32, #tpu.memory_space<hbm>>
        %dma_start3A_221 = tpu.memref_slice %arg11[%dma_start3A_210] : memref<5x!tpu.dma_semaphore, #tpu.memory_space<semaphore_mem>> -> memref<1x!tpu.dma_semaphore, #tpu.memory_space<semaphore_mem>>
        %dma_start3A_222 = tpu.memref_squeeze %dma_start3A_221 : memref<1x!tpu.dma_semaphore, #tpu.memory_space<semaphore_mem>> -> memref<!tpu.dma_semaphore, #tpu.memory_space<semaphore_mem>>
        tpu.enqueue_indirect_dma source(%dma_start3A_220 : memref<10000x128xf32, #tpu.memory_space<hbm>>) target(%dma_start3A_214 : memref<40x128xf32, #tpu.memory_space<vmem>>) offsets(%dma_start3A_217 : memref<40xi32, #tpu.memory_space<vmem>>) semaphore(%dma_start3A_222 : memref<!tpu.dma_semaphore, #tpu.memory_space<semaphore_mem>>)
      } else {
      }
    }
    %scan3A_81 = arith.constant 50 : i32
    %barrier3A_82 = arith.constant 0 : index
    tpu.barrier barrier_id(%barrier3A_82)
    "tpu.region"() ({
      %run_scoped3A = tpu.sem_alloc : memref<!tpu.dma_semaphore, #tpu.memory_space<semaphore_mem>>
      %dma_start3A_83 = arith.constant 0 : i32
      %dma_start3A_84 = tpu.memref_slice %arg6[%arg0, %multiple_of3A, %dma_start3A_83] : memref<2x10240x128xf32, #tpu.memory_space<hbm>> -> memref<1x640x128xf32, #tpu.memory_space<hbm>>
      %dma_start3A_85 = tpu.memref_squeeze %dma_start3A_84 : memref<1x640x128xf32, #tpu.memory_space<hbm>> -> memref<640x128xf32, #tpu.memory_space<hbm>>
      %dma_start3A_86 = arith.constant 0 : i32
      %dma_start3A_87 = tpu.memref_slice %arg10[%multiple_of3A, %dma_start3A_86] : memref<10240x128xf32, #tpu.memory_space<vmem_shared>> -> memref<640x128xf32, #tpu.memory_space<vmem_shared>>
      tpu.enqueue_dma source(%dma_start3A_87 : memref<640x128xf32, #tpu.memory_space<vmem_shared>>) target(%dma_start3A_85 : memref<640x128xf32, #tpu.memory_space<hbm>>) target_semaphore(%run_scoped3A : memref<!tpu.dma_semaphore, #tpu.memory_space<semaphore_mem>>)
      %dma_wait3A = arith.constant 0 : i32
      %dma_wait3A_88 = tpu.memref_slice %arg6[%arg0, %multiple_of3A, %dma_wait3A] : memref<2x10240x128xf32, #tpu.memory_space<hbm>> -> memref<1x640x128xf32, #tpu.memory_space<hbm>>
      %dma_wait3A_89 = tpu.memref_squeeze %dma_wait3A_88 : memref<1x640x128xf32, #tpu.memory_space<hbm>> -> memref<640x128xf32, #tpu.memory_space<hbm>>
      %dma_wait3A_90 = arith.constant 0 : i32
      %dma_wait3A_91 = tpu.memref_slice %arg10[%multiple_of3A, %dma_wait3A_90] : memref<10240x128xf32, #tpu.memory_space<vmem_shared>> -> memref<640x128xf32, #tpu.memory_space<vmem_shared>>
      tpu.wait_dma2 semaphore(%run_scoped3A : memref<!tpu.dma_semaphore, #tpu.memory_space<semaphore_mem>>) src(%dma_wait3A_91 : memref<640x128xf32, #tpu.memory_space<vmem_shared>>) dst(%dma_wait3A_89 : memref<640x128xf32, #tpu.memory_space<hbm>>)
      tpu.yield
    }) : () -> ()
    return
  }
}

#map = affine_map<(d0, d1) -> (0, 0, 0)>
#map1 = affine_map<(d0, d1) -> (0, 0)>
module attributes {stable_mosaic.version = 14 : i64} {
  func.func @deg(%arg0: i32, %arg1: i32, %arg2: memref<32x125x80xi32, #tpu.memory_space<hbm>>, %arg3: memref<80x16xf32, #tpu.memory_space<hbm>>, %arg4: memref<10240x16xf32, #tpu.memory_space<hbm>>, %arg5: memref<2x10240x16xf32, #tpu.memory_space<hbm>>, %arg6: memref<125x80xi32, #tpu.memory_space<vmem>>, %arg7: memref<80x16xf32, #tpu.memory_space<vmem>>, %arg8: memref<10240x16xf32, #tpu.memory_space<vmem_shared>>) attributes {dimension_semantics = [#tpu.dimension_semantics<core_parallel>, #tpu.dimension_semantics<subcore_parallel>], iteration_bounds = array<i64: 2, 16>, scalar_prefetch = 0 : i64, scratch_operands = 3 : i64, tpu.core_type = #tpu.core_type<sc_vector_subcore>, window_params = [{transform_indices = #map}, {transform_indices = #map1}, {transform_indices = #map1}, {transform_indices = #map}]} {
    %mul3A = arith.constant 16 : i32
    %mul3A_0 = arith.muli %arg0, %mul3A : i32
    %add3A = arith.addi %mul3A_0, %arg1 : i32
    "tpu.region"() ({
      %run_scoped3A = tpu.sem_alloc : memref<!tpu.dma_semaphore, #tpu.memory_space<semaphore_mem>>
      %dma_start3A = arith.constant 0 : i32
      %dma_start3A_9 = arith.constant 0 : i32
      %dma_start3A_10 = tpu.memref_slice %arg2[%add3A, %dma_start3A, %dma_start3A_9] : memref<32x125x80xi32, #tpu.memory_space<hbm>> -> memref<1x125x80xi32, #tpu.memory_space<hbm>>
      %dma_start3A_11 = tpu.memref_squeeze %dma_start3A_10 : memref<1x125x80xi32, #tpu.memory_space<hbm>> -> memref<125x80xi32, #tpu.memory_space<hbm>>
      %dma_start3A_12 = arith.constant 0 : i32
      %dma_start3A_13 = arith.constant 0 : i32
      %dma_start3A_14 = tpu.memref_slice %arg2[%add3A, %dma_start3A_12, %dma_start3A_13] : memref<32x125x80xi32, #tpu.memory_space<hbm>> -> memref<1x125x80xi32, #tpu.memory_space<hbm>>
      %dma_start3A_15 = tpu.memref_squeeze %dma_start3A_14 : memref<1x125x80xi32, #tpu.memory_space<hbm>> -> memref<125x80xi32, #tpu.memory_space<hbm>>
      tpu.enqueue_dma source(%dma_start3A_15 : memref<125x80xi32, #tpu.memory_space<hbm>>) target(%arg6 : memref<125x80xi32, #tpu.memory_space<vmem>>) target_semaphore(%run_scoped3A : memref<!tpu.dma_semaphore, #tpu.memory_space<semaphore_mem>>)
      %dma_wait3A = arith.constant 0 : i32
      %dma_wait3A_16 = arith.constant 0 : i32
      %dma_wait3A_17 = tpu.memref_slice %arg2[%add3A, %dma_wait3A, %dma_wait3A_16] : memref<32x125x80xi32, #tpu.memory_space<hbm>> -> memref<1x125x80xi32, #tpu.memory_space<hbm>>
      %dma_wait3A_18 = tpu.memref_squeeze %dma_wait3A_17 : memref<1x125x80xi32, #tpu.memory_space<hbm>> -> memref<125x80xi32, #tpu.memory_space<hbm>>
      %dma_wait3A_19 = arith.constant 0 : i32
      %dma_wait3A_20 = arith.constant 0 : i32
      %dma_wait3A_21 = tpu.memref_slice %arg2[%add3A, %dma_wait3A_19, %dma_wait3A_20] : memref<32x125x80xi32, #tpu.memory_space<hbm>> -> memref<1x125x80xi32, #tpu.memory_space<hbm>>
      %dma_wait3A_22 = tpu.memref_squeeze %dma_wait3A_21 : memref<1x125x80xi32, #tpu.memory_space<hbm>> -> memref<125x80xi32, #tpu.memory_space<hbm>>
      tpu.wait_dma2 semaphore(%run_scoped3A : memref<!tpu.dma_semaphore, #tpu.memory_space<semaphore_mem>>) src(%dma_wait3A_22 : memref<125x80xi32, #tpu.memory_space<hbm>>) dst(%arg6 : memref<125x80xi32, #tpu.memory_space<vmem>>)
      tpu.yield
    }) : () -> ()
    "tpu.region"() ({
      %run_scoped3A = tpu.sem_alloc : memref<!tpu.dma_semaphore, #tpu.memory_space<semaphore_mem>>
      tpu.enqueue_dma source(%arg3 : memref<80x16xf32, #tpu.memory_space<hbm>>) target(%arg7 : memref<80x16xf32, #tpu.memory_space<vmem>>) target_semaphore(%run_scoped3A : memref<!tpu.dma_semaphore, #tpu.memory_space<semaphore_mem>>)
      tpu.wait_dma2 semaphore(%run_scoped3A : memref<!tpu.dma_semaphore, #tpu.memory_space<semaphore_mem>>) src(%arg3 : memref<80x16xf32, #tpu.memory_space<hbm>>) dst(%arg7 : memref<80x16xf32, #tpu.memory_space<vmem>>)
      tpu.yield
    }) : () -> ()
    %mul3A_1 = arith.constant 640 : i32
    %mul3A_2 = arith.muli %arg1, %mul3A_1 : i32
    %multiple_of3A = tpu.assume_multiple %mul3A_2, 8 : i32
    "tpu.region"() ({
      %run_scoped3A = tpu.sem_alloc : memref<!tpu.dma_semaphore, #tpu.memory_space<semaphore_mem>>
      %dma_start3A = arith.constant 0 : i32
      %dma_start3A_9 = tpu.memref_slice %arg8[%multiple_of3A, %dma_start3A] : memref<10240x16xf32, #tpu.memory_space<vmem_shared>> -> memref<640x16xf32, #tpu.memory_space<vmem_shared>>
      %dma_start3A_10 = arith.constant 0 : i32
      %dma_start3A_11 = tpu.memref_slice %arg4[%multiple_of3A, %dma_start3A_10] : memref<10240x16xf32, #tpu.memory_space<hbm>> -> memref<640x16xf32, #tpu.memory_space<hbm>>
      tpu.enqueue_dma source(%dma_start3A_11 : memref<640x16xf32, #tpu.memory_space<hbm>>) target(%dma_start3A_9 : memref<640x16xf32, #tpu.memory_space<vmem_shared>>) target_semaphore(%run_scoped3A : memref<!tpu.dma_semaphore, #tpu.memory_space<semaphore_mem>>)
      %dma_wait3A = arith.constant 0 : i32
      %dma_wait3A_12 = tpu.memref_slice %arg8[%multiple_of3A, %dma_wait3A] : memref<10240x16xf32, #tpu.memory_space<vmem_shared>> -> memref<640x16xf32, #tpu.memory_space<vmem_shared>>
      %dma_wait3A_13 = arith.constant 0 : i32
      %dma_wait3A_14 = tpu.memref_slice %arg4[%multiple_of3A, %dma_wait3A_13] : memref<10240x16xf32, #tpu.memory_space<hbm>> -> memref<640x16xf32, #tpu.memory_space<hbm>>
      tpu.wait_dma2 semaphore(%run_scoped3A : memref<!tpu.dma_semaphore, #tpu.memory_space<semaphore_mem>>) src(%dma_wait3A_14 : memref<640x16xf32, #tpu.memory_space<hbm>>) dst(%dma_wait3A_12 : memref<640x16xf32, #tpu.memory_space<vmem_shared>>)
      tpu.yield
    }) : () -> ()
    %barrier3A = arith.constant 0 : index
    tpu.barrier barrier_id(%barrier3A)
    %scan3A = arith.constant 0 : i32
    %scan3A_3 = arith.constant 0 : i32
    %scan3A_4 = arith.constant 125 : i32
    %scan3A_5 = arith.addi %scan3A_3, %scan3A_4 : i32
    %scan3A_6 = arith.constant 1 : i32
    scf.for %scan3A_9 = %scan3A_3 to %scan3A_5 step %scan3A_6  : i32 {
      "tpu.region"() ({
        %run_scoped3A = tpu.sem_alloc : memref<!tpu.dma_semaphore, #tpu.memory_space<semaphore_mem>>
        %dma_start3A = arith.constant 0 : i32
        %dma_start3A_10 = tpu.memref_slice %arg6[%scan3A_9, %dma_start3A] : memref<125x80xi32, #tpu.memory_space<vmem>> -> memref<1x80xi32, #tpu.memory_space<vmem>>
        %dma_start3A_11 = tpu.memref_squeeze %dma_start3A_10 : memref<1x80xi32, #tpu.memory_space<vmem>> -> memref<80xi32, #tpu.memory_space<vmem>>
        %dma_start3A_12 = arith.constant 0 : i32
        %dma_start3A_13 = arith.constant 0 : i32
        %dma_start3A_14 = tpu.memref_slice %arg8[%dma_start3A_12, %dma_start3A_13] : memref<10240x16xf32, #tpu.memory_space<vmem_shared>> -> memref<10240x16xf32, #tpu.memory_space<vmem_shared>>
        tpu.enqueue_indirect_dma source(%arg7 : memref<80x16xf32, #tpu.memory_space<vmem>>) target(%dma_start3A_14 : memref<10240x16xf32, #tpu.memory_space<vmem_shared>>) offsets(%dma_start3A_11 : memref<80xi32, #tpu.memory_space<vmem>>) semaphore(%run_scoped3A : memref<!tpu.dma_semaphore, #tpu.memory_space<semaphore_mem>>) {add = true}
        %dma_wait3A = arith.constant 0 : i32
        %dma_wait3A_15 = tpu.memref_slice %arg6[%scan3A_9, %dma_wait3A] : memref<125x80xi32, #tpu.memory_space<vmem>> -> memref<1x80xi32, #tpu.memory_space<vmem>>
        %dma_wait3A_16 = tpu.memref_squeeze %dma_wait3A_15 : memref<1x80xi32, #tpu.memory_space<vmem>> -> memref<80xi32, #tpu.memory_space<vmem>>
        %dma_wait3A_17 = arith.constant 0 : i32
        %dma_wait3A_18 = arith.constant 0 : i32
        %dma_wait3A_19 = tpu.memref_slice %arg8[%dma_wait3A_17, %dma_wait3A_18] : memref<10240x16xf32, #tpu.memory_space<vmem_shared>> -> memref<10240x16xf32, #tpu.memory_space<vmem_shared>>
        tpu.wait_indirect_dma semaphore(%run_scoped3A : memref<!tpu.dma_semaphore, #tpu.memory_space<semaphore_mem>>) src(%arg7 : memref<80x16xf32, #tpu.memory_space<vmem>>) dst(%dma_wait3A_19 : memref<10240x16xf32, #tpu.memory_space<vmem_shared>>)
        tpu.yield
      }) : () -> ()
    }
    %scan3A_7 = arith.constant 125 : i32
    %barrier3A_8 = arith.constant 0 : index
    tpu.barrier barrier_id(%barrier3A_8)
    "tpu.region"() ({
      %run_scoped3A = tpu.sem_alloc : memref<!tpu.dma_semaphore, #tpu.memory_space<semaphore_mem>>
      %dma_start3A = arith.constant 0 : i32
      %dma_start3A_9 = tpu.memref_slice %arg5[%arg0, %multiple_of3A, %dma_start3A] : memref<2x10240x16xf32, #tpu.memory_space<hbm>> -> memref<1x640x16xf32, #tpu.memory_space<hbm>>
      %dma_start3A_10 = tpu.memref_squeeze %dma_start3A_9 : memref<1x640x16xf32, #tpu.memory_space<hbm>> -> memref<640x16xf32, #tpu.memory_space<hbm>>
      %dma_start3A_11 = arith.constant 0 : i32
      %dma_start3A_12 = tpu.memref_slice %arg8[%multiple_of3A, %dma_start3A_11] : memref<10240x16xf32, #tpu.memory_space<vmem_shared>> -> memref<640x16xf32, #tpu.memory_space<vmem_shared>>
      tpu.enqueue_dma source(%dma_start3A_12 : memref<640x16xf32, #tpu.memory_space<vmem_shared>>) target(%dma_start3A_10 : memref<640x16xf32, #tpu.memory_space<hbm>>) target_semaphore(%run_scoped3A : memref<!tpu.dma_semaphore, #tpu.memory_space<semaphore_mem>>)
      %dma_wait3A = arith.constant 0 : i32
      %dma_wait3A_13 = tpu.memref_slice %arg5[%arg0, %multiple_of3A, %dma_wait3A] : memref<2x10240x16xf32, #tpu.memory_space<hbm>> -> memref<1x640x16xf32, #tpu.memory_space<hbm>>
      %dma_wait3A_14 = tpu.memref_squeeze %dma_wait3A_13 : memref<1x640x16xf32, #tpu.memory_space<hbm>> -> memref<640x16xf32, #tpu.memory_space<hbm>>
      %dma_wait3A_15 = arith.constant 0 : i32
      %dma_wait3A_16 = tpu.memref_slice %arg8[%multiple_of3A, %dma_wait3A_15] : memref<10240x16xf32, #tpu.memory_space<vmem_shared>> -> memref<640x16xf32, #tpu.memory_space<vmem_shared>>
      tpu.wait_dma2 semaphore(%run_scoped3A : memref<!tpu.dma_semaphore, #tpu.memory_space<semaphore_mem>>) src(%dma_wait3A_16 : memref<640x16xf32, #tpu.memory_space<vmem_shared>>) dst(%dma_wait3A_14 : memref<640x16xf32, #tpu.memory_space<hbm>>)
      tpu.yield
    }) : () -> ()
    return
  }
}

module attributes {stable_mosaic.version = 14 : i64} {
  func.func @body(%arg0: i32, %arg1: memref<10000x128xf32, #tpu.memory_space<vmem>>, %arg2: memref<128x16xf32, #tpu.memory_space<vmem>>, %arg3: memref<10000x16xf32, #tpu.memory_space<vmem>>, %arg4: memref<10000x16xf32, #tpu.memory_space<vmem>>, %arg5: memref<10000x16xf32, #tpu.memory_space<vmem>>) attributes {dimension_semantics = [#tpu.dimension_semantics<arbitrary>], iteration_bounds = array<i64: 1>, scalar_prefetch = 0 : i64, scratch_operands = 0 : i64, tpu.core_type = #tpu.core_type<tc>, window_params = [{transform_indices = @transform_0, window_bounds = array<i64: 10000, 128>}, {pipeline_mode = #tpu.pipeline_mode<synchronous>, transform_indices = @transform_1, window_bounds = array<i64: 128, 16>}, {transform_indices = @transform_2, window_bounds = array<i64: 10000, 16>}, {transform_indices = @transform_3, window_bounds = array<i64: 10000, 16>}, {transform_indices = @transform_4, window_bounds = array<i64: 10000, 16>}]} {
    %get3A = arith.constant 0 : index
    %get3A_0 = arith.constant 0 : index
    %get3A_1 = vector.load %arg3[%get3A, %get3A_0] : memref<10000x16xf32, #tpu.memory_space<vmem>>, vector<10000x16xf32>
    %get3A_2 = arith.constant 0 : index
    %get3A_3 = arith.constant 0 : index
    %get3A_4 = vector.load %arg4[%get3A_2, %get3A_3] : memref<10000x16xf32, #tpu.memory_space<vmem>>, vector<10000x16xf32>
    %add3A = arith.addf %get3A_1, %get3A_4 : vector<10000x16xf32>
    %add3A_5 = arith.constant 1.000000e+00 : f32
    %add3A_6 = vector.broadcast %add3A_5 : f32 to vector<10000x16xf32>
    %add3A_7 = arith.addf %add3A, %add3A_6 : vector<10000x16xf32>
    %rsqrt3A = math.rsqrt %add3A_7 : vector<10000x16xf32>
    %get3A_8 = arith.constant 0 : index
    %get3A_9 = arith.constant 0 : index
    %get3A_10 = vector.load %arg1[%get3A_8, %get3A_9] : memref<10000x128xf32, #tpu.memory_space<vmem>>, vector<10000x128xf32>
    %get3A_11 = arith.constant 0 : index
    %get3A_12 = arith.constant 0 : index
    %get3A_13 = vector.load %arg2[%get3A_11, %get3A_12] : memref<128x16xf32, #tpu.memory_space<vmem>>, vector<128x16xf32>
    %dot_general3A = arith.constant dense<0.000000e+00> : vector<10000x16xf32>
    %dot_general3A_14 = tpu.matmul %get3A_10, %get3A_13, %dot_general3A {dimension_numbers = #tpu.dot_dimension_numbers<[1], [0], [0], [1], [0, 0, 1, 1], [], []>, transpose_lhs_hint = false} : vector<10000x128xf32>, vector<128x16xf32>, vector<10000x16xf32> -> vector<10000x16xf32>
    %mul3A = arith.mulf %dot_general3A_14, %rsqrt3A : vector<10000x16xf32>
    %swap3A = arith.constant 0 : index
    %swap3A_15 = arith.constant 0 : index
    %swap3A_16 = vector.load %arg5[%swap3A, %swap3A_15] : memref<10000x16xf32, #tpu.memory_space<vmem>>, vector<10000x16xf32>
    tpu.vector_store %arg5[%swap3A, %swap3A_15], %mul3A {strides = array<i32>} : memref<10000x16xf32, #tpu.memory_space<vmem>>, vector<10000x16xf32>,
    return
  }
  func.func @transform_0(%arg0: i32) -> (i32, i32) {
    %c0_i32 = arith.constant 0 : i32
    %c0_i32_0 = arith.constant 0 : i32
    return %arg0, %c0_i32 : i32, i32
  }
  func.func @transform_1(%arg0: i32) -> (i32, i32) {
    %c0_i32 = arith.constant 0 : i32
    %c0_i32_0 = arith.constant 0 : i32
    %c0_i32_1 = arith.constant 0 : i32
    return %c0_i32, %c0_i32_0 : i32, i32
  }
  func.func @transform_2(%arg0: i32) -> (i32, i32) {
    %c0_i32 = arith.constant 0 : i32
    %c0_i32_0 = arith.constant 0 : i32
    return %arg0, %c0_i32 : i32, i32
  }
  func.func @transform_3(%arg0: i32) -> (i32, i32) {
    %c0_i32 = arith.constant 0 : i32
    %c0_i32_0 = arith.constant 0 : i32
    return %arg0, %c0_i32 : i32, i32
  }
  func.func @transform_4(%arg0: i32) -> (i32, i32) {
    %c0_i32 = arith.constant 0 : i32
    %c0_i32_0 = arith.constant 0 : i32
    return %arg0, %c0_i32 : i32, i32
  }
}

module attributes {stable_mosaic.version = 14 : i64} {
  func.func @body(%arg0: i32, %arg1: memref<10000x16xf32, #tpu.memory_space<vmem>>, %arg2: memref<10000x16xf32, #tpu.memory_space<vmem>>, %arg3: memref<10000x16xf32, #tpu.memory_space<vmem>>, %arg4: memref<16x128xf32, #tpu.memory_space<vmem>>, %arg5: memref<1x16xf32, #tpu.memory_space<vmem>>, %arg6: memref<10000x16xf32, #tpu.memory_space<vmem>>, %arg7: memref<10000x16xf32, #tpu.memory_space<vmem>>, %arg8: memref<10000x128xf32, #tpu.memory_space<vmem>>) attributes {dimension_semantics = [#tpu.dimension_semantics<arbitrary>], iteration_bounds = array<i64: 1>, scalar_prefetch = 0 : i64, scratch_operands = 0 : i64, tpu.core_type = #tpu.core_type<tc>, window_params = [{transform_indices = @transform_0, window_bounds = array<i64: 10000, 16>}, {transform_indices = @transform_1, window_bounds = array<i64: 10000, 16>}, {transform_indices = @transform_2, window_bounds = array<i64: 10000, 16>}, {pipeline_mode = #tpu.pipeline_mode<synchronous>, transform_indices = @transform_3, window_bounds = array<i64: 16, 128>}, {pipeline_mode = #tpu.pipeline_mode<synchronous>, transform_indices = @transform_4, window_bounds = array<i64: 1, 16>}, {transform_indices = @transform_5, window_bounds = array<i64: 10000, 16>}, {transform_indices = @transform_6, window_bounds = array<i64: 10000, 16>}, {transform_indices = @transform_7, window_bounds = array<i64: 10000, 128>}]} {
    %get3A = arith.constant 0 : index
    %get3A_0 = arith.constant 0 : index
    %get3A_1 = vector.load %arg6[%get3A, %get3A_0] : memref<10000x16xf32, #tpu.memory_space<vmem>>, vector<10000x16xf32>
    %get3A_2 = arith.constant 0 : index
    %get3A_3 = arith.constant 0 : index
    %get3A_4 = vector.load %arg7[%get3A_2, %get3A_3] : memref<10000x16xf32, #tpu.memory_space<vmem>>, vector<10000x16xf32>
    %add3A = arith.addf %get3A_1, %get3A_4 : vector<10000x16xf32>
    %add3A_5 = arith.constant 1.000000e+00 : f32
    %add3A_6 = vector.broadcast %add3A_5 : f32 to vector<10000x16xf32>
    %add3A_7 = arith.addf %add3A, %add3A_6 : vector<10000x16xf32>
    %rsqrt3A = math.rsqrt %add3A_7 : vector<10000x16xf32>
    %get3A_8 = arith.constant 0 : index
    %get3A_9 = arith.constant 0 : index
    %get3A_10 = vector.load %arg1[%get3A_8, %get3A_9] : memref<10000x16xf32, #tpu.memory_space<vmem>>, vector<10000x16xf32>
    %get3A_11 = arith.constant 0 : index
    %get3A_12 = arith.constant 0 : index
    %get3A_13 = vector.load %arg2[%get3A_11, %get3A_12] : memref<10000x16xf32, #tpu.memory_space<vmem>>, vector<10000x16xf32>
    %add3A_14 = arith.addf %get3A_10, %get3A_13 : vector<10000x16xf32>
    %get3A_15 = arith.constant 0 : index
    %get3A_16 = arith.constant 0 : index
    %get3A_17 = vector.load %arg3[%get3A_15, %get3A_16] : memref<10000x16xf32, #tpu.memory_space<vmem>>, vector<10000x16xf32>
    %add3A_18 = arith.addf %add3A_14, %get3A_17 : vector<10000x16xf32>
    %mul3A = arith.mulf %rsqrt3A, %add3A_18 : vector<10000x16xf32>
    %get3A_19 = arith.constant 0 : index
    %get3A_20 = arith.constant 0 : index
    %get3A_21 = vector.load %arg5[%get3A_19, %get3A_20] : memref<1x16xf32, #tpu.memory_space<vmem>>, vector<1x16xf32>
    %add3A_22 = vector.broadcast %get3A_21 : vector<1x16xf32> to vector<10000x16xf32>
    %add3A_23 = arith.addf %mul3A, %add3A_22 : vector<10000x16xf32>
    %max3A = arith.constant 0.000000e+00 : f32
    %max3A_24 = vector.broadcast %max3A : f32 to vector<10000x16xf32>
    %max3A_25 = arith.maximumf %add3A_23, %max3A_24 : vector<10000x16xf32>
    %get3A_26 = arith.constant 0 : index
    %get3A_27 = arith.constant 0 : index
    %get3A_28 = vector.load %arg4[%get3A_26, %get3A_27] : memref<16x128xf32, #tpu.memory_space<vmem>>, vector<16x128xf32>
    %dot_general3A = arith.constant dense<0.000000e+00> : vector<10000x128xf32>
    %dot_general3A_29 = tpu.matmul %max3A_25, %get3A_28, %dot_general3A {dimension_numbers = #tpu.dot_dimension_numbers<[1], [0], [0], [1], [0, 0, 1, 1], [], []>, transpose_lhs_hint = false} : vector<10000x16xf32>, vector<16x128xf32>, vector<10000x128xf32> -> vector<10000x128xf32>
    %slice3A = vector.extract_strided_slice %rsqrt3A {offsets = [0, 0], sizes = [10000, 1], strides = [1, 1]} : vector<10000x16xf32> to vector<10000x1xf32>
    %broadcast_in_dim3A = vector.shape_cast %slice3A : vector<10000x1xf32> to vector<10000x1xf32>
    %broadcast_in_dim3A_30 = vector.broadcast %broadcast_in_dim3A : vector<10000x1xf32> to vector<10000x128xf32>
    %mul3A_31 = arith.mulf %dot_general3A_29, %broadcast_in_dim3A_30 : vector<10000x128xf32>
    %swap3A = arith.constant 0 : index
    %swap3A_32 = arith.constant 0 : index
    %swap3A_33 = vector.load %arg8[%swap3A, %swap3A_32] : memref<10000x128xf32, #tpu.memory_space<vmem>>, vector<10000x128xf32>
    tpu.vector_store %arg8[%swap3A, %swap3A_32], %mul3A_31 {strides = array<i32>} : memref<10000x128xf32, #tpu.memory_space<vmem>>, vector<10000x128xf32>,
    return
  }
  func.func @transform_0(%arg0: i32) -> (i32, i32) {
    %c0_i32 = arith.constant 0 : i32
    %c0_i32_0 = arith.constant 0 : i32
    return %arg0, %c0_i32 : i32, i32
  }
  func.func @transform_1(%arg0: i32) -> (i32, i32) {
    %c0_i32 = arith.constant 0 : i32
    %c0_i32_0 = arith.constant 0 : i32
    return %arg0, %c0_i32 : i32, i32
  }
  func.func @transform_2(%arg0: i32) -> (i32, i32) {
    %c0_i32 = arith.constant 0 : i32
    %c0_i32_0 = arith.constant 0 : i32
    return %arg0, %c0_i32 : i32, i32
  }
  func.func @transform_3(%arg0: i32) -> (i32, i32) {
    %c0_i32 = arith.constant 0 : i32
    %c0_i32_0 = arith.constant 0 : i32
    %c0_i32_1 = arith.constant 0 : i32
    return %c0_i32, %c0_i32_0 : i32, i32
  }
  func.func @transform_4(%arg0: i32) -> (i32, i32) {
    %c0_i32 = arith.constant 0 : i32
    %c0_i32_0 = arith.constant 0 : i32
    %c0_i32_1 = arith.constant 0 : i32
    return %c0_i32, %c0_i32_0 : i32, i32
  }
  func.func @transform_5(%arg0: i32) -> (i32, i32) {
    %c0_i32 = arith.constant 0 : i32
    %c0_i32_0 = arith.constant 0 : i32
    return %arg0, %c0_i32 : i32, i32
  }
  func.func @transform_6(%arg0: i32) -> (i32, i32) {
    %c0_i32 = arith.constant 0 : i32
    %c0_i32_0 = arith.constant 0 : i32
    return %arg0, %c0_i32 : i32, i32
  }
  func.func @transform_7(%arg0: i32) -> (i32, i32) {
    %c0_i32 = arith.constant 0 : i32
    %c0_i32_0 = arith.constant 0 : i32
    return %arg0, %c0_i32 : i32, i32
  }
}

module attributes {stable_mosaic.version = 14 : i64} {
  func.func @body(%arg0: i32, %arg1: memref<10000x128xf32, #tpu.memory_space<vmem>>, %arg2: memref<10000x128xf32, #tpu.memory_space<vmem>>, %arg3: memref<10000x128xf32, #tpu.memory_space<vmem>>, %arg4: memref<1x128xf32, #tpu.memory_space<vmem>>, %arg5: memref<10000x16xf32, #tpu.memory_space<vmem>>, %arg6: memref<10000x16xf32, #tpu.memory_space<vmem>>, %arg7: memref<10000x128xf32, #tpu.memory_space<vmem>>) attributes {dimension_semantics = [#tpu.dimension_semantics<arbitrary>], iteration_bounds = array<i64: 1>, scalar_prefetch = 0 : i64, scratch_operands = 0 : i64, tpu.core_type = #tpu.core_type<tc>, window_params = [{transform_indices = @transform_0, window_bounds = array<i64: 10000, 128>}, {transform_indices = @transform_1, window_bounds = array<i64: 10000, 128>}, {transform_indices = @transform_2, window_bounds = array<i64: 10000, 128>}, {pipeline_mode = #tpu.pipeline_mode<synchronous>, transform_indices = @transform_3, window_bounds = array<i64: 1, 128>}, {transform_indices = @transform_4, window_bounds = array<i64: 10000, 16>}, {transform_indices = @transform_5, window_bounds = array<i64: 10000, 16>}, {transform_indices = @transform_6, window_bounds = array<i64: 10000, 128>}]} {
    %get3A = arith.constant 0 : index
    %get3A_0 = arith.constant 0 : index
    %get3A_1 = vector.load %arg5[%get3A, %get3A_0] : memref<10000x16xf32, #tpu.memory_space<vmem>>, vector<10000x16xf32>
    %get3A_2 = arith.constant 0 : index
    %get3A_3 = arith.constant 0 : index
    %get3A_4 = vector.load %arg6[%get3A_2, %get3A_3] : memref<10000x16xf32, #tpu.memory_space<vmem>>, vector<10000x16xf32>
    %add3A = arith.addf %get3A_1, %get3A_4 : vector<10000x16xf32>
    %add3A_5 = arith.constant 1.000000e+00 : f32
    %add3A_6 = vector.broadcast %add3A_5 : f32 to vector<10000x16xf32>
    %add3A_7 = arith.addf %add3A, %add3A_6 : vector<10000x16xf32>
    %rsqrt3A = math.rsqrt %add3A_7 : vector<10000x16xf32>
    %slice3A = vector.extract_strided_slice %rsqrt3A {offsets = [0, 0], sizes = [10000, 1], strides = [1, 1]} : vector<10000x16xf32> to vector<10000x1xf32>
    %broadcast_in_dim3A = vector.shape_cast %slice3A : vector<10000x1xf32> to vector<10000x1xf32>
    %broadcast_in_dim3A_8 = vector.broadcast %broadcast_in_dim3A : vector<10000x1xf32> to vector<10000x128xf32>
    %get3A_9 = arith.constant 0 : index
    %get3A_10 = arith.constant 0 : index
    %get3A_11 = vector.load %arg1[%get3A_9, %get3A_10] : memref<10000x128xf32, #tpu.memory_space<vmem>>, vector<10000x128xf32>
    %get3A_12 = arith.constant 0 : index
    %get3A_13 = arith.constant 0 : index
    %get3A_14 = vector.load %arg2[%get3A_12, %get3A_13] : memref<10000x128xf32, #tpu.memory_space<vmem>>, vector<10000x128xf32>
    %add3A_15 = arith.addf %get3A_11, %get3A_14 : vector<10000x128xf32>
    %get3A_16 = arith.constant 0 : index
    %get3A_17 = arith.constant 0 : index
    %get3A_18 = vector.load %arg3[%get3A_16, %get3A_17] : memref<10000x128xf32, #tpu.memory_space<vmem>>, vector<10000x128xf32>
    %add3A_19 = arith.addf %add3A_15, %get3A_18 : vector<10000x128xf32>
    %mul3A = arith.mulf %broadcast_in_dim3A_8, %add3A_19 : vector<10000x128xf32>
    %get3A_20 = arith.constant 0 : index
    %get3A_21 = arith.constant 0 : index
    %get3A_22 = vector.load %arg4[%get3A_20, %get3A_21] : memref<1x128xf32, #tpu.memory_space<vmem>>, vector<1x128xf32>
    %add3A_23 = vector.broadcast %get3A_22 : vector<1x128xf32> to vector<10000x128xf32>
    %add3A_24 = arith.addf %mul3A, %add3A_23 : vector<10000x128xf32>
    %swap3A = arith.constant 0 : index
    %swap3A_25 = arith.constant 0 : index
    %swap3A_26 = vector.load %arg7[%swap3A, %swap3A_25] : memref<10000x128xf32, #tpu.memory_space<vmem>>, vector<10000x128xf32>
    tpu.vector_store %arg7[%swap3A, %swap3A_25], %add3A_24 {strides = array<i32>} : memref<10000x128xf32, #tpu.memory_space<vmem>>, vector<10000x128xf32>,
    return
  }
  func.func @transform_0(%arg0: i32) -> (i32, i32) {
    %c0_i32 = arith.constant 0 : i32
    %c0_i32_0 = arith.constant 0 : i32
    return %arg0, %c0_i32 : i32, i32
  }
  func.func @transform_1(%arg0: i32) -> (i32, i32) {
    %c0_i32 = arith.constant 0 : i32
    %c0_i32_0 = arith.constant 0 : i32
    return %arg0, %c0_i32 : i32, i32
  }
  func.func @transform_2(%arg0: i32) -> (i32, i32) {
    %c0_i32 = arith.constant 0 : i32
    %c0_i32_0 = arith.constant 0 : i32
    return %arg0, %c0_i32 : i32, i32
  }
  func.func @transform_3(%arg0: i32) -> (i32, i32) {
    %c0_i32 = arith.constant 0 : i32
    %c0_i32_0 = arith.constant 0 : i32
    %c0_i32_1 = arith.constant 0 : i32
    return %c0_i32, %c0_i32_0 : i32, i32
  }
  func.func @transform_4(%arg0: i32) -> (i32, i32) {
    %c0_i32 = arith.constant 0 : i32
    %c0_i32_0 = arith.constant 0 : i32
    return %arg0, %c0_i32 : i32, i32
  }
  func.func @transform_5(%arg0: i32) -> (i32, i32) {
    %c0_i32 = arith.constant 0 : i32
    %c0_i32_0 = arith.constant 0 : i32
    return %arg0, %c0_i32 : i32, i32
  }
  func.func @transform_6(%arg0: i32) -> (i32, i32) {
    %c0_i32 = arith.constant 0 : i32
    %c0_i32_0 = arith.constant 0 : i32
    return %arg0, %c0_i32 : i32, i32
  }
}

</mosaic_0001>

<sc_bundles>
// kernel: kernel.11.cloned.1.call-start
scs
__scs_entry_jumppad:
0x0: {  	(pc) =	sbr.rel $0x88, $3  }
0x1: {  	(tag) =	ssettag $0x0;
	lr =	simm.s32 $0x1  }
0x2: {  	[smem:$0x3F9B] =	sst lr;
	_ =	strace $0xD0000000  }
0x3: {  	_ = 	snop  }
0x4: {  	_ = 	snop  }
0x5: {  	_ = 	snop  }
0x6: {  	_ = 	snop  }
0x7: {  	_ = 	snop  }
__scs_overlays_trampoline_lowered:
0x8: {  	[smem:$0x3FAA] =	sst s0  }
0x9: {  	[smem:$0x3FAB] =	sst s1  }
0xa: {  	[smem:$0x3FAC] =	sst s2  }
0xb: {  	[smem:$0x3FAD] =	sst s3  }
0xc: {  	[smem:$0x3FAE] =	sst s4  }
0xd: {  	[smem:$0x3FAF] =	sst s5  }
0xe: {  	[smem:$0x3FB0] =	sst s6  }
0xf: {  	[smem:$0x3FB1] =	sst s7  }
0x10: {  	[smem:$0x3FB2] =	sst s8  }
0x11: {  	[smem:$0x3FB3] =	sst s9;
	s0 =	simm.s32 @!p0 $0x0  }
0x12: {  	s1 =	sld [smem:$0x3F99];
	s0 =	simm.s32 @p0 $0x1  }
0x13: {  	[smem:$0x3FB4] =	sst s0;
	s0 =	simm.s32 @!p1 $0x0  }
0x14: {  	s2 =	sld [smem:$0x3F98];
	s0 =	simm.s32 @p1 $0x1  }
0x15: {  	[smem:$0x3FB5] =	sst s0;
	s0 =	simm.s32 @!p2 $0x0  }
0x16: {  	s3 =	sld [smem:$0x3FDB];
	s0 =	simm.s32 @p2 $0x1  }
0x17: {  	s4 =	simm.s32 $0x1BF5;
	[smem:$0x3FB7] =	sst s0  }
0x18: {  	s0 =	sld [smem:$0x3F9A];
	_ =	swait.ge [sflag:s4], $0x0  }
0x19: {  	s7 =	sld [smem:$0x3F9B]  }
0x1a: {  	s8 =	sadd.s32 $0xFFFFE003, lr  }
0x1b: {  	s9 =	sadd.s32 $0xFFFFFEF7, lr;
	s5 =	simm.s32 $0xFFFFFFFF;
	p2 =	slt.u32 s8, $0xFFFFF086  }
0x1c: {  	p1 =	slt.u32 s9, $0xF7A;
	s5 =	simm.s32 @!p2 $0x0  }
0x1d: {  	s5 =	simm.s32 @p1 $0x1;
	p0 =	seq.s32 s7, s2  }
0x1e: {  	s7 =	smul.u32 @!p0 $0xF7A, s2;
	p2 =	seq.s32 @!p0 s5, $0x0  }
0x1f: {  	s9 =	smul.u32 $0xF7A, s1;
	s8 =	simm.s32 @!p0 $0x1BF5;
	p2 =	por !p2, p0  }
0x20: {  	[sflag:s8] =	ssyncset.s32 @!p0 $0xFFFFF086;
	s6 =	sadd.s32 @!p0 s3, s7;
	s7 =	simm.s32 @!p0 $0x108  }
0x21: {  	s3 =	sadd.s32 s3, s9;
	s6 =	sadd.s32 @!p0 $0x88, s6;
	s7 =	simm.s32 @p2 $0x1082  }
0x22: {  	[simem:s7], [sflag:s8] =	dma.local @!p0 [hbm:s6], $0xF7A  }
0x23: {  	s9 =	sor.u32 $0xD0000000, s2;
	s6 =	simm.s32 $0x108;
	_ =	swait.ge @!p0 [sflag:s8], $0x0  }
0x24: {  	s3 =	sadd.s32 $0x88, s3;
	s6 =	simm.s32 @!p1 $0x1082;
	[sflag:s4] =	ssyncset.s32 $0xFFFFF086  }
0x25: {  	[simem:s6], [sflag:s4] =	dma.local [hbm:s3], $0xF7A  }
0x26: {  	[smem:$0x3F9B] =	sst s1;
	(tag) =	ssettag s2;
	_ =	strace s9  }
0x27: {  	s1 =	sld [smem:$0x3FAB]  }
0x28: {  	s2 =	sld [smem:$0x3FAC]  }
0x29: {  	s4 =	sld [smem:$0x3FAE]  }
0x2a: {  	p0 =	seq.s32 s5, $0x0;
	s5 =	sld [smem:$0x3FAF]  }
0x2b: {  	s6 =	sld [smem:$0x3FB0]  }
0x2c: {  	s7 =	sld [smem:$0x3FB1]  }
0x2d: {  	s3 =	simm.s32 $0x108;
	s8 =	sld [smem:$0x3FB2]  }
0x2e: {  	s3 =	simm.s32 @!p0 $0x1082;
	s9 =	sld [smem:$0x3FB3]  }
0x2f: {  	lr =	sadd.s32 s0, s3;
	s0 =	sld [smem:$0x3FAA]  }
0x30: {  	s3 =	sld [smem:$0x3FAD]  }
0x31: {  	[smem:$0x3FB6] =	sst s10  }
0x32: {  	s10 =	sld [smem:$0x3FB4];
	_ =	sdelay $0x3  }
0x33: {  	p0 =	seq.s32 s10, $0x1;
	s10 =	sld [smem:$0x3FB6];
	_ =	sdelay $0x3  }
0x34: {  	[smem:$0x3FB6] =	sst s10  }
0x35: {  	s10 =	sld [smem:$0x3FB5];
	_ =	sdelay $0x3  }
0x36: {  	p1 =	seq.s32 s10, $0x1;
	s10 =	sld [smem:$0x3FB6];
	_ =	sdelay $0x3  }
0x37: {  	[smem:$0x3FB6] =	sst s10  }
0x38: {  	s10 =	sld [smem:$0x3FB7]  }
0x39: {  	_ = 	snop;
	(pc) =	sbr.ind lr, $3  }
0x3a: {  	_ = 	snop  }
0x3b: {  	_ = 	snop  }
0x3c: {  	p2 =	seq.s32 s10, $0x1;
	s10 =	sld [smem:$0x3FB6]  }
0x3d: {  	_ =	shalt  }
0x3e: {  	_ =	shalt  }
0x3f: {  	_ =	shalt  }
0x40: {  	_ =	shalt  }
0x41: {  	_ =	shalt  }
0x42: {  	_ =	shalt  }
0x43: {  	_ =	shalt  }
0x44: {  	_ =	shalt  }
0x45: {  	_ =	shalt  }
0x46: {  	_ =	shalt  }
0x47: {  	_ =	shalt  }
0x48: {  	_ =	shalt  }
0x49: {  	_ =	shalt  }
0x4a: {  	_ =	shalt  }
0x4b: {  	_ =	shalt  }
0x4c: {  	_ =	shalt  }
0x4d: {  	_ =	shalt  }
0x4e: {  	_ =	shalt  }
0x4f: {  	_ =	shalt  }
0x50: {  	_ =	shalt  }
0x51: {  	_ =	shalt  }
0x52: {  	_ =	shalt  }
0x53: {  	_ =	shalt  }
0x54: {  	_ =	shalt  }
0x55: {  	_ =	shalt  }
0x56: {  	_ =	shalt  }
0x57: {  	_ =	shalt  }
0x58: {  	_ =	shalt  }
0x59: {  	_ =	shalt  }
0x5a: {  	_ =	shalt  }
0x5b: {  	_ =	shalt  }
0x5c: {  	_ =	shalt  }
0x5d: {  	_ =	shalt  }
0x5e: {  	_ =	shalt  }
0x5f: {  	_ =	shalt  }
0x60: {  	_ =	shalt  }
0x61: {  	_ =	shalt  }
0x62: {  	_ =	shalt  }
0x63: {  	_ =	shalt  }
0x64: {  	_ =	shalt  }
0x65: {  	_ =	shalt  }
0x66: {  	_ =	shalt  }
0x67: {  	_ =	shalt  }
0x68: {  	_ =	shalt  }
0x69: {  	_ =	shalt  }
0x6a: {  	_ =	shalt  }
0x6b: {  	_ =	shalt  }
0x6c: {  	_ =	shalt  }
0x6d: {  	_ =	shalt  }
0x6e: {  	_ =	shalt  }
0x6f: {  	_ =	shalt  }
0x70: {  	_ =	shalt  }
0x71: {  	_ =	shalt  }
0x72: {  	_ =	shalt  }
0x73: {  	_ =	shalt  }
0x74: {  	_ =	shalt  }
0x75: {  	_ =	shalt  }
0x76: {  	_ =	shalt  }
0x77: {  	_ =	shalt  }
0x78: {  	_ =	shalt  }
0x79: {  	_ =	shalt  }
0x7a: {  	_ =	shalt  }
0x7b: {  	_ =	shalt  }
0x7c: {  	_ =	shalt  }
0x7d: {  	_ =	shalt  }
0x7e: {  	_ =	shalt  }
0x7f: {  	_ =	shalt  }
0x80: {  	_ =	shalt  }
0x81: {  	_ =	shalt  }
0x82: {  	_ =	shalt  }
0x83: {  	_ =	shalt  }
0x84: {  	_ =	shalt  }
0x85: {  	_ =	shalt  }
0x86: {  	_ =	shalt  }
0x87: {  	_ =	shalt  }
.Lfunc_end0:
.L_simem_size_0:
called_computation.1_lowered:
.L_overlay_start_0:
0x88: {  	s2 =	sld [smem:$0x3FD9]  }
0x89: {  	s3 =	sld [smem:$0x3FFE];
	_ =	sdelay $0x1  }
0x8a: {  	s1 =	srdreg.scid  }
0x8b: {  	s0 =	sand.u32 $0x1, s1  }
0x8c: {  	s16 =	sshll.u32 s0, $0xA;
	s2 =	sadd.s32 s3, s2  }
0x8d: {  	s2 =	sadd.s32 s2, s16  }
0x8e: {  	[smem:$0x3FC2] =	sst s2  }
0x8f: {  	_ = 	snop  }
0x90: {  	(tm) =	ssettm $0x1  }
0x91: {  	s17 =	sld [smem:$0x3FFB];
	_ =	sdelay $0x3  }
0x92: {  	_ =	strace s17  }
0x93: {  	s2 =	sld [smem:$0x3FFC];
	_ =	sdelay $0x3  }
0x94: {  	_ =	strace s2  }
0x95: {  	s2 =	sld [smem:$0x3FFD];
	_ =	sdelay $0x3  }
0x96: {  	_ =	strace s2  }
0x97: {  	_ =	strace $0x8FFFFFFF  }
0x98: {  	s18 =	sld [smem:$0x3FDB];
	_ =	sdelay $0x1  }
0x99: {  	s19 =	simm.s32 $_scs_section_size  }
0x9a: {  	s4 =	simm.s32 $_size__tile_overlayer_lowered;
	s5 =	simm.s32 $_tile_overlayer_lowered  }
0x9b: {  	s22 =	simm.s32 $0x1BFF;
	s21 =	sshll.u32 s5, $0x1;
	s2 =	sadd.s32 s19, s18  }
0x9c: {  	s6 =	simm.s32 $0x0;
	s20 =	sshll.u32 s4, $0x1;
	s4 =	sadd.s32 s21, s2  }
0x9d: {  	[timem:s6], [sflag:s22] =	dma.local [hbm:s4], s20  }
0x9e: {  	_ =	swait.ge [sflag:s22], s20  }
0x9f: {  	s3 =	ssub.s32 $0x0, s20;
	[sflag:s22] =	ssyncset.done $0x0  }
0xa0: {  	[sflag:s22] =	ssyncadd.s32 s3;
	_ =	sdelay $0x1  }
0xa1: {  	s23 =	simm.s32 $0x1B8B  }
0xa2: {  	_ =	swait.ge [sflag:s23], $0x1  }
0xa3: {  	[sflag:s23] =	ssyncset.done $0x0  }
0xa4: {  	s25 =	simm.s32 $0x1B8E;
	s24 =	sld [smem:$0x3FFE];
	[sflag:s23] =	ssyncadd.s32 $0xFFFFFFFF  }
0xa5: {  	s26 =	simm.s32 $execute0_lowered;
	[smem:$0x3FD2] =	sst s25  }
0xa6: {  	s4 =	sshll.u32 s26, $0x1;
	_ =	strace $0x80000049;
	[dreg:$0x1] =	wrdreg $0xFFFFFFFF  }
0xa7: {  	s28 =	simm.s32 $_size_execute0_lowered;
	s2 =	sadd.s32 s2, s4;
	[dreg:$0x0] =	wrdreg $0x0  }
0xa8: {  	s4 =	sshll.u32 s28, $0x1;
	[dreg:$0x2] =	wrdreg s2  }
0xa9: {  	[dreg:$0x3] =	wrdreg s4  }
0xaa: {  	[dreg:$0x4] =	wrdreg $0xC0  }
0xab: {  	_ =	task [dreg:s6], $0x5FFFF  }
0xac: {  	[dreg:$0x1] =	wrdreg $0xFFFFFFFF  }
0xad: {  	[dreg:$0x0] =	wrdreg $0x60  }
0xae: {  	[dreg:$0x2] =	wrdreg s24  }
0xaf: {  	[dreg:$0x3] =	wrdreg $0xCB200  }
0xb0: {  	[dreg:$0x4] =	wrdreg $0x9  }
0xb1: {  	_ =	task.clear_ibuf [dreg:s6], $0x5FFFF;
	_ =	strace $0x90000049  }
0xb2: {  	s29 =	simm.s32 $0x9;
	_ =	strace $0x8000004B  }
0xb3: {  	_ =	swait.ge [sflag:s29], $0x1  }
0xb4: {  	[sflag:s29] =	ssyncadd.s32 $0xFFFFFFFF  }
0xb5: {  	_ =	strace $0x9000004B  }
0xb6: {  	_ =	sfence  }
0xb7: {  	s30 =	sld [smem:$0x0];
	_ =	sdelay $0x2  }
0xb8: {  	s31 =	sshll.u32 s1, $0xD;
	s1 =	sshrl.u32 s1, $0x2  }
0xb9: {  	s3 =	sand.u32 $0x4000, s31;
	s1 =	sadd.s32 s1, s30  }
0xba: {  	s0 =	sor.u32 s3, s0;
	s1 =	sshll.u32 s1, $0x11  }
0xbb: {  	s0 =	sor.u32 s1, s0  }
0xbc: {  	s0 =	sadd.s32 $0x8F2B, s0  }
0xbd: {  	[sflag:s0] =	ssyncadd.remote.s32 $0x1  }
0xbe: {  	_ =	sfence.sel $0xFFFF  }
0xbf: {  	[dreg:$0x0] =	wrdreg $0xFFFFFFFF;
	(pc) =	sbr.abs _section_cstart, $3  }
0xc0: {  	[dreg:$0x1] =	wrdreg $0xFFFFFFFF  }
0xc1: {  	_ =	task.clear_ibuf [dreg:s6], $0x2FFFF;
	_ =	strace $0x9FFFFFFF  }
0xc2: {  	(tm) =	ssettm $0x7FFFFFFF  }
0xc3: {  	_ =	shalt  }
tec
execute0_lowered:
.L_overlay_start_1:
0x0: {  	(tag) =	ssettag $0x1  }
0x1: {  	s0 =	srdreg.scid  }
0x2: {  	s8 =	stileid.u32;
	s3 =	rddreg [dreg:$0x0]  }
0x3: {  	s2 =	rddreg [dreg:$0x1];
	s4 =	simm.s32 $0x0;
	s10 =	simm.s32 $0x1A  }
0x4: {  	s14 =	simm.s32 $0x50;
	s20 =	simm.s32 $0xA820;
	s29 =	simm.s32 $0xB220  }
0x5: {  	s17 =	simm.s32 $0xBC20;
	s30 =	simm.s32 $0x1;
	s11 =	simm.s32 $0x5  }
0x6: {  	s19 =	simm.s32 $0x7;
	s23 =	simm.s32 $0x9;
	s9 =	simm.s32 $0x15  }
0x7: {  	s12 =	simm.s32 $0x19;
	s13 =	simm.s32 $0x0;
	s0 =	sand.u32 $0x1, s0  }
0x8: {  	s5 =	smul.u32 $0x2800, s8;
	[smem:$0x7FF] =	sst s4;
	s4 =	sadd.s32 $0x6C000, s3  }
0x9: {  	s31 =	sshll.u32 s8, $0x6;
	s1 =	sshll.u32 s0, $0x4;
	s6 =	smul.u32 $0x28000, s0  }
0xa: {  	_ =	strace $0x8000004A;
	s0 =	ssub.s32 $0x2, s0;
	s16 =	sor.u32 $0x1C1A, s31  }
0xb: {  	s1 =	sor.u32 s8, s1;
	s7 =	sshrl.u32 s5, $0x3;
	s24 =	sshrl.u32 s0, $0x1  }
0xc: {  	s26 =	sadd.s32 s5, s2;
	s8 =	simm.s32 $0x13;
	[dreg:$0x8] =	wrdreg s16  }
0xd: {  	s1 =	smul.u32 $0x4E2, s1;
	s6 =	sadd.s32 s5, s6;
	s7 =	sadd.s32 s7, s3  }
0xe: {  	s0 =	ssub.s32 s0, s24;
	s18 =	sshrl.u32 s26, $0x3;
	s24 =	simm.s32 $0xB  }
0xf: {  	s6 =	sshrl.u32 s6, $0x3;
	s28 =	sadd.s32 $0x17000, s7;
	[dreg:$0x9] =	wrdreg s18  }
0x10: {  	s0 =	smax.u32 s0, $0x1;
	s1 =	sadd.s32 s1, s3;
	[dreg:$0x5] =	wrdreg s28  }
.Ltmp0:
0x11: {  	[dreg:$0x7] =	wrdreg s0;
	s25 =	sadd.s32 $0x3400, s1;
	(pc) =	sbr.rel .LBB2_1-.Ltmp0, $4  }
0x12: {  	s3 =	sadd.s32 s6, s3;
	s1 =	sadd.s32 $0xD200, s1;
	[dreg:$0x3] =	wrdreg s25  }
0x13: {  	s5 =	simm.s32 $0xD;
	s3 =	sadd.s32 $0x71000, s3;
	[dreg:$0x4] =	wrdreg s1  }
0x14: {  	s7 =	simm.s32 $0x11;
	s6 =	simm.s32 $0xF;
	[dreg:$0x6] =	wrdreg s3  }
0x15: {  	s25 =	simm.s32 $0xC620;
	s1 =	simm.s32 $0x3;
	s3 =	simm.s32 $0x17  }
.LBB2_4:
0x16: {  	[bflag:$0x0] =	sbarrier.arrive $0xFFFF  }
0x17: {  	s0 =	rddreg [dreg:$0x6]  }
0x18: {  	s16 =	rddreg [dreg:$0x8]  }
0x19: {  	s18 =	rddreg [dreg:$0x9]  }
0x1a: {  	[hbm:s0], [sflag:s16] =	dma.local [spmem:s18], $0x500  }
0x1b: {  	_ =	swait.ge [sflag:s10], $0x500  }
0x1c: {  	s13 =	rddreg [dreg:$0xa]  }
0x1d: {  	s31 =	rddreg [dreg:$0x7];
	s13 =	sadd.s32 $0x1, s13  }
0x1e: {  	p0 =	sne.s32 s13, s31  }
.Ltmp1:
0x1f: {  	_ = 	snop;
	(pc) =	sbr.rel @!p0 .LBB2_5-.Ltmp1, $3  }
0x20: {  	_ =	sdelay $0x1  }
0x21: {  	[sflag:s10] =	ssyncset.done $0x0  }
0x22: {  	[sflag:s10] =	ssyncadd.s32 $0xFFFFFB00  }
.LBB2_1:
0x23: {  	[dreg:$0xa] =	wrdreg s13  }
0x24: {  	s0 =	simm.s32 $0x0;
	s22 =	rddreg [dreg:$0x3]  }
0x25: {  	[tilespmem:s0], [sflag:$0x1A] =	stream.linear.gather [hbm4b:s22+s0], $0x2710, $0x38;
	[tilespmem:$0xF320] =	vst v63  }
0x26: {  	_ =	swait.ge [sflag:s10], $0x2710  }
0x27: {  	[sflag:s10] =	ssyncset.done $0x0  }
0x28: {  	s15 =	simm.s32 $0x2710;
	s26 =	rddreg [dreg:$0x4];
	[sflag:s10] =	ssyncadd.s32 $0xFFFFD8F0  }
0x29: {  	[tilespmem:s15], [sflag:$0x1A] =	stream.linear.gather [hbm4b:s26+s0], $0x2710, $0x38;
	[tilespmem:$0xF320] =	vst v63  }
0x2a: {  	_ =	swait.ge [sflag:s10], $0x2710  }
0x2b: {  	[sflag:s10] =	ssyncset.done $0x0  }
0x2c: {  	s28 =	rddreg [dreg:$0x5];
	[sflag:s10] =	ssyncadd.s32 $0xFFFFD8F0  }
0x2d: {  	[spmem:s18], [sflag:s16] =	dma.local [hbm:s28], $0x500  }
0x2e: {  	_ =	swait.ge [sflag:s10], $0x500  }
0x2f: {  	[sflag:s10] =	ssyncset.done $0x0  }
0x30: {  	[sflag:s10] =	ssyncadd.s32 $0xFFFFFB00  }
0x31: {  	s31 =	simm.s32 $0x4E20;
	[bflag:$0x0] =	sbarrier.arrive $0xFFFF  }
0x32: {  	[tilespmem:s31], [sflag:$0x1] =	stream.indirect.gather [hbm4b:s4+s14], $0x10, s0, s14, $0xb8;
	[tilespmem:$0xF320] =	vst v63  }
0x33: {  	s13 =	simm.s32 $0x5320  }
0x34: {  	[tilespmem:s13], [sflag:$0x2] =	stream.indirect.gather [hbm4b:s4+s14], $0x10, s14, s14, $0xb8;
	[tilespmem:$0xF320] =	vst v63  }
0x35: {  	s15 =	simm.s32 $0xA0;
	s16 =	simm.s32 $0x5820  }
0x36: {  	[tilespmem:s16], [sflag:$0x3] =	stream.indirect.gather [hbm4b:s4+s14], $0x10, s15, s14, $0xb8;
	[tilespmem:$0xF320] =	vst v63  }
0x37: {  	s21 =	simm.s32 $0x5D20;
	s18 =	simm.s32 $0xF0  }
0x38: {  	[tilespmem:s21], [sflag:$0x4] =	stream.indirect.gather [hbm4b:s4+s14], $0x10, s18, s14, $0xb8;
	[tilespmem:$0xF320] =	vst v63  }
0x39: {  	s22 =	simm.s32 $0x140;
	s26 =	simm.s32 $0x6220  }
0x3a: {  	[tilespmem:s26], [sflag:$0x5] =	stream.indirect.gather [hbm4b:s4+s14], $0x10, s22, s14, $0xb8;
	[tilespmem:$0xF320] =	vst v63  }
0x3b: {  	s28 =	simm.s32 $0x190;
	s31 =	simm.s32 $0x6720  }
0x3c: {  	[tilespmem:s31], [sflag:$0x6] =	stream.indirect.gather [hbm4b:s4+s14], $0x10, s28, s14, $0xb8;
	[tilespmem:$0xF320] =	vst v63  }
0x3d: {  	s15 =	simm.s32 $0x1E0;
	s16 =	simm.s32 $0x6C20  }
0x3e: {  	[tilespmem:s16], [sflag:$0x7] =	stream.indirect.gather [hbm4b:s4+s14], $0x10, s15, s14, $0xb8;
	[tilespmem:$0xF320] =	vst v63  }
0x3f: {  	s18 =	simm.s32 $0x230;
	s21 =	simm.s32 $0x7120  }
0x40: {  	[tilespmem:s21], [sflag:$0x8] =	stream.indirect.gather [hbm4b:s4+s14], $0x10, s18, s14, $0xb8;
	[tilespmem:$0xF320] =	vst v63  }
0x41: {  	s22 =	simm.s32 $0x280;
	s26 =	simm.s32 $0x7620  }
0x42: {  	[tilespmem:s26], [sflag:$0x9] =	stream.indirect.gather [hbm4b:s4+s14], $0x10, s22, s14, $0xb8;
	[tilespmem:$0xF320] =	vst v63  }
0x43: {  	s28 =	simm.s32 $0x2D0;
	s31 =	simm.s32 $0x7B20  }
0x44: {  	[tilespmem:s31], [sflag:$0xA] =	stream.indirect.gather [hbm4b:s4+s14], $0x10, s28, s14, $0xb8;
	[tilespmem:$0xF320] =	vst v63  }
0x45: {  	s15 =	simm.s32 $0x320;
	s16 =	simm.s32 $0x8020  }
0x46: {  	[tilespmem:s16], [sflag:$0xB] =	stream.indirect.gather [hbm4b:s4+s14], $0x10, s15, s14, $0xb8;
	[tilespmem:$0xF320] =	vst v63  }
0x47: {  	s18 =	simm.s32 $0x370;
	s21 =	simm.s32 $0x8520  }
0x48: {  	[tilespmem:s21], [sflag:$0xC] =	stream.indirect.gather [hbm4b:s4+s14], $0x10, s18, s14, $0xb8;
	[tilespmem:$0xF320] =	vst v63  }
0x49: {  	s22 =	simm.s32 $0x3C0;
	s26 =	simm.s32 $0x8A20  }
0x4a: {  	[tilespmem:s26], [sflag:$0xD] =	stream.indirect.gather [hbm4b:s4+s14], $0x10, s22, s14, $0xb8;
	[tilespmem:$0xF320] =	vst v63  }
0x4b: {  	s28 =	simm.s32 $0x410;
	s31 =	simm.s32 $0x8F20  }
0x4c: {  	[tilespmem:s31], [sflag:$0xE] =	stream.indirect.gather [hbm4b:s4+s14], $0x10, s28, s14, $0xb8;
	[tilespmem:$0xF320] =	vst v63  }
0x4d: {  	s13 =	simm.s32 $0x460;
	s15 =	simm.s32 $0x9420  }
0x4e: {  	[tilespmem:s15], [sflag:$0xF] =	stream.indirect.gather [hbm4b:s4+s14], $0x10, s13, s14, $0xb8;
	[tilespmem:$0xF320] =	vst v63  }
0x4f: {  	s16 =	simm.s32 $0x4B0;
	s18 =	simm.s32 $0x9920  }
0x50: {  	[tilespmem:s18], [sflag:$0x10] =	stream.indirect.gather [hbm4b:s4+s14], $0x10, s16, s14, $0xb8;
	[tilespmem:$0xF320] =	vst v63  }
0x51: {  	s21 =	simm.s32 $0x500;
	s22 =	simm.s32 $0x9E20  }
0x52: {  	[tilespmem:s22], [sflag:$0x11] =	stream.indirect.gather [hbm4b:s4+s14], $0x10, s21, s14, $0xb8;
	[tilespmem:$0xF320] =	vst v63  }
0x53: {  	s26 =	simm.s32 $0x550;
	s28 =	simm.s32 $0xA320  }
0x54: {  	[tilespmem:s28], [sflag:$0x12] =	stream.indirect.gather [hbm4b:s4+s14], $0x10, s26, s14, $0xb8;
	[tilespmem:$0xF320] =	vst v63  }
0x55: {  	s31 =	simm.s32 $0x5A0  }
0x56: {  	[tilespmem:s20], [sflag:$0x13] =	stream.indirect.gather [hbm4b:s4+s14], $0x10, s31, s14, $0xb8;
	[tilespmem:$0xF320] =	vst v63  }
0x57: {  	s13 =	simm.s32 $0x5F0;
	s15 =	simm.s32 $0xAD20  }
0x58: {  	[tilespmem:s15], [sflag:$0x14] =	stream.indirect.gather [hbm4b:s4+s14], $0x10, s13, s14, $0xb8;
	[tilespmem:$0xF320] =	vst v63  }
0x59: {  	s16 =	simm.s32 $0x640  }
0x5a: {  	[tilespmem:s29], [sflag:$0x15] =	stream.indirect.gather [hbm4b:s4+s14], $0x10, s16, s14, $0xb8;
	[tilespmem:$0xF320] =	vst v63  }
0x5b: {  	s18 =	simm.s32 $0x690;
	s21 =	simm.s32 $0xB720  }
0x5c: {  	[tilespmem:s21], [sflag:$0x16] =	stream.indirect.gather [hbm4b:s4+s14], $0x10, s18, s14, $0xb8;
	[tilespmem:$0xF320] =	vst v63  }
0x5d: {  	s22 =	simm.s32 $0x6E0  }
0x5e: {  	[tilespmem:s17], [sflag:$0x17] =	stream.indirect.gather [hbm4b:s4+s14], $0x10, s22, s14, $0xb8;
	[tilespmem:$0xF320] =	vst v63  }
0x5f: {  	s26 =	simm.s32 $0x730;
	s28 =	simm.s32 $0xC120  }
0x60: {  	[tilespmem:s28], [sflag:$0x18] =	stream.indirect.gather [hbm4b:s4+s14], $0x10, s26, s14, $0xb8;
	[tilespmem:$0xF320] =	vst v63  }
0x61: {  	s31 =	simm.s32 $0x780;
	s13 =	simm.s32 $0x0  }
0x62: {  	[tilespmem:s25], [sflag:$0x19] =	stream.indirect.gather [hbm4b:s4+s14], $0x10, s31, s14, $0xb8;
	[tilespmem:$0xF320] =	vst v63  }
.LBB2_2:
0x63: {  	_ =	swait.ge [sflag:s30], $0x500  }
0x64: {  	s15 =	sshra.s32 s13, $0x2;
	[sflag:s30] =	ssyncset.done $0x0  }
0x65: {  	s0 =	simm.s32 $0x4E20;
	s16 =	sadd.s32 $0x2710, s15;
	[sflag:s30] =	ssyncadd.s32 $0xFFFFFB00  }
0x66: {  	[spmem:s2] =	stream.indirect.scatter.add.f32 [tilespmem:s0], [sflag:$0x1A], $0x10, s16, s14, $0xb8;
	[tilespmem:$0xF320] =	vst v63  }
0x67: {  	_ =	swait.ge [sflag:s10], $0x500  }
0x68: {  	p0 =	seq.s32 s13, $0x7D00;
	[sflag:s10] =	ssyncset.done $0x0  }
0x69: {  	s16 =	simm.s32 @p0 $0x2;
	[sflag:s10] =	ssyncadd.s32 $0xFFFFFB00  }
0x6a: {  	_ =	swait.ge @p0 [sflag:s16], $0x500  }
0x6b: {  	s26 =	sshra.s32 @p0 s13, $0x2;
	s31 =	simm.s32 @p0 $0x50;
	[sflag:s16] =	ssyncset.done @p0 $0x0  }
0x6c: {  	s18 =	simm.s32 @p0 $0x5320;
	[sflag:s16] =	ssyncadd.s32 @p0 $0xFFFFFB00;
	s16 =	sadd.s32 @p0 $0x2760, s26  }
0x6d: {  	[spmem:s2] =	stream.indirect.scatter.add.f32 @p0 [tilespmem:s18], [sflag:$0x1A], $0x10, s16, s31, $0xb8;
	[tilespmem:$0xF320] =	vst v63  }
0x6e: {  	s16 =	simm.s32 @p0 $0x1A  }
0x6f: {  	_ =	swait.ge @p0 [sflag:s16], $0x500  }
0x70: {  	s22 =	simm.s32 @!p0 $0x50;
	s18 =	sshra.s32 @!p0 s13, $0x2;
	[sflag:s16] =	ssyncset.done @p0 $0x0  }
0x71: {  	s28 =	simm.s32 @!p0 $0x4E20;
	s21 =	sadd.s32 @!p0 $0x7D0, s18;
	[sflag:s16] =	ssyncadd.s32 @p0 $0xFFFFFB00  }
0x72: {  	[tilespmem:s28], [sflag:$0x1] =	stream.indirect.gather @!p0 [hbm4b:s4+s22], $0x10, s21, s22, $0xb8;
	[tilespmem:$0xF320] =	vst v63  }
0x73: {  	s21 =	simm.s32 @!p0 $0x2  }
0x74: {  	_ =	swait.ge @!p0 [sflag:s21], $0x500  }
0x75: {  	[sflag:s21] =	ssyncset.done @!p0 $0x0  }
0x76: {  	s28 =	simm.s32 @!p0 $0x5320;
	[sflag:s21] =	ssyncadd.s32 @!p0 $0xFFFFFB00;
	s21 =	sadd.s32 @!p0 $0x2760, s18  }
0x77: {  	[spmem:s2] =	stream.indirect.scatter.add.f32 @!p0 [tilespmem:s28], [sflag:$0x1A], $0x10, s21, s22, $0xb8;
	[tilespmem:$0xF320] =	vst v63  }
0x78: {  	s21 =	simm.s32 @!p0 $0x1A  }
0x79: {  	_ =	swait.ge @!p0 [sflag:s21], $0x500  }
0x7a: {  	[sflag:s21] =	ssyncset.done @!p0 $0x0  }
0x7b: {  	s0 =	sadd.s32 @!p0 $0x820, s18;
	[sflag:s21] =	ssyncadd.s32 @!p0 $0xFFFFFB00  }
0x7c: {  	[tilespmem:s28], [sflag:$0x2] =	stream.indirect.gather @!p0 [hbm4b:s4+s22], $0x10, s0, s22, $0xb8;
	[tilespmem:$0xF320] =	vst v63  }
0x7d: {  	_ =	swait.ge [sflag:s1], $0x500  }
0x7e: {  	[sflag:s1] =	ssyncset.done $0x0  }
0x7f: {  	s0 =	sadd.s32 $0x27B0, s15;
	s28 =	simm.s32 $0x5820;
	[sflag:s1] =	ssyncadd.s32 $0xFFFFFB00  }
0x80: {  	[spmem:s2] =	stream.indirect.scatter.add.f32 [tilespmem:s28], [sflag:$0x1A], $0x10, s0, s14, $0xb8;
	[tilespmem:$0xF320] =	vst v63  }
0x81: {  	_ =	swait.ge [sflag:s10], $0x500  }
0x82: {  	[sflag:s10] =	ssyncset.done $0x0  }
0x83: {  	s0 =	simm.s32 @p0 $0x4;
	[sflag:s10] =	ssyncadd.s32 $0xFFFFFB00  }
0x84: {  	_ =	swait.ge @p0 [sflag:s0], $0x500  }
0x85: {  	[sflag:s0] =	ssyncset.done @p0 $0x0  }
0x86: {  	s28 =	simm.s32 @p0 $0x5D20;
	[sflag:s0] =	ssyncadd.s32 @p0 $0xFFFFFB00;
	s0 =	sadd.s32 @p0 $0x2800, s26  }
0x87: {  	[spmem:s2] =	stream.indirect.scatter.add.f32 @p0 [tilespmem:s28], [sflag:$0x1A], $0x10, s0, s31, $0xb8;
	[tilespmem:$0xF320] =	vst v63  }
0x88: {  	_ =	swait.ge @p0 [sflag:s16], $0x500  }
0x89: {  	[sflag:s16] =	ssyncset.done @p0 $0x0  }
0x8a: {  	s0 =	sadd.s32 @!p0 $0x870, s18;
	s28 =	simm.s32 @!p0 $0x5820;
	[sflag:s16] =	ssyncadd.s32 @p0 $0xFFFFFB00  }
0x8b: {  	[tilespmem:s28], [sflag:$0x3] =	stream.indirect.gather @!p0 [hbm4b:s4+s22], $0x10, s0, s22, $0xb8;
	[tilespmem:$0xF320] =	vst v63  }
0x8c: {  	s0 =	simm.s32 @!p0 $0x4  }
0x8d: {  	_ =	swait.ge @!p0 [sflag:s0], $0x500  }
0x8e: {  	[sflag:s0] =	ssyncset.done @!p0 $0x0  }
0x8f: {  	s28 =	simm.s32 @!p0 $0x5D20;
	[sflag:s0] =	ssyncadd.s32 @!p0 $0xFFFFFB00;
	s0 =	sadd.s32 @!p0 $0x2800, s18  }
0x90: {  	[spmem:s2] =	stream.indirect.scatter.add.f32 @!p0 [tilespmem:s28], [sflag:$0x1A], $0x10, s0, s22, $0xb8;
	[tilespmem:$0xF320] =	vst v63  }
0x91: {  	_ =	swait.ge @!p0 [sflag:s21], $0x500  }
0x92: {  	[sflag:s21] =	ssyncset.done @!p0 $0x0  }
0x93: {  	s0 =	sadd.s32 @!p0 $0x8C0, s18;
	[sflag:s21] =	ssyncadd.s32 @!p0 $0xFFFFFB00  }
0x94: {  	[tilespmem:s28], [sflag:$0x4] =	stream.indirect.gather @!p0 [hbm4b:s4+s22], $0x10, s0, s22, $0xb8;
	[tilespmem:$0xF320] =	vst v63  }
0x95: {  	_ =	swait.ge [sflag:s11], $0x500  }
0x96: {  	[sflag:s11] =	ssyncset.done $0x0  }
0x97: {  	s0 =	sadd.s32 $0x2850, s15;
	s28 =	simm.s32 $0x6220;
	[sflag:s11] =	ssyncadd.s32 $0xFFFFFB00  }
0x98: {  	[spmem:s2] =	stream.indirect.scatter.add.f32 [tilespmem:s28], [sflag:$0x1A], $0x10, s0, s14, $0xb8;
	[tilespmem:$0xF320] =	vst v63  }
0x99: {  	_ =	swait.ge [sflag:s10], $0x500  }
0x9a: {  	[sflag:s10] =	ssyncset.done $0x0  }
0x9b: {  	s0 =	simm.s32 @p0 $0x6;
	[sflag:s10] =	ssyncadd.s32 $0xFFFFFB00  }
0x9c: {  	_ =	swait.ge @p0 [sflag:s0], $0x500  }
0x9d: {  	[sflag:s0] =	ssyncset.done @p0 $0x0  }
0x9e: {  	s28 =	simm.s32 @p0 $0x6720;
	[sflag:s0] =	ssyncadd.s32 @p0 $0xFFFFFB00;
	s0 =	sadd.s32 @p0 $0x28A0, s26  }
0x9f: {  	[spmem:s2] =	stream.indirect.scatter.add.f32 @p0 [tilespmem:s28], [sflag:$0x1A], $0x10, s0, s31, $0xb8;
	[tilespmem:$0xF320] =	vst v63  }
0xa0: {  	_ =	swait.ge @p0 [sflag:s16], $0x500  }
0xa1: {  	[sflag:s16] =	ssyncset.done @p0 $0x0  }
0xa2: {  	s0 =	sadd.s32 @!p0 $0x910, s18;
	s28 =	simm.s32 @!p0 $0x6220;
	[sflag:s16] =	ssyncadd.s32 @p0 $0xFFFFFB00  }
0xa3: {  	[tilespmem:s28], [sflag:$0x5] =	stream.indirect.gather @!p0 [hbm4b:s4+s22], $0x10, s0, s22, $0xb8;
	[tilespmem:$0xF320] =	vst v63  }
0xa4: {  	s0 =	simm.s32 @!p0 $0x6  }
0xa5: {  	_ =	swait.ge @!p0 [sflag:s0], $0x500  }
0xa6: {  	[sflag:s0] =	ssyncset.done @!p0 $0x0  }
0xa7: {  	s28 =	simm.s32 @!p0 $0x6720;
	[sflag:s0] =	ssyncadd.s32 @!p0 $0xFFFFFB00;
	s0 =	sadd.s32 @!p0 $0x28A0, s18  }
0xa8: {  	[spmem:s2] =	stream.indirect.scatter.add.f32 @!p0 [tilespmem:s28], [sflag:$0x1A], $0x10, s0, s22, $0xb8;
	[tilespmem:$0xF320] =	vst v63  }
0xa9: {  	_ =	swait.ge @!p0 [sflag:s21], $0x500  }
0xaa: {  	[sflag:s21] =	ssyncset.done @!p0 $0x0  }
0xab: {  	s0 =	sadd.s32 @!p0 $0x960, s18;
	[sflag:s21] =	ssyncadd.s32 @!p0 $0xFFFFFB00  }
0xac: {  	[tilespmem:s28], [sflag:$0x6] =	stream.indirect.gather @!p0 [hbm4b:s4+s22], $0x10, s0, s22, $0xb8;
	[tilespmem:$0xF320] =	vst v63  }
0xad: {  	_ =	swait.ge [sflag:s19], $0x500  }
0xae: {  	[sflag:s19] =	ssyncset.done $0x0  }
0xaf: {  	s0 =	sadd.s32 $0x28F0, s15;
	s28 =	simm.s32 $0x6C20;
	[sflag:s19] =	ssyncadd.s32 $0xFFFFFB00  }
0xb0: {  	[spmem:s2] =	stream.indirect.scatter.add.f32 [tilespmem:s28], [sflag:$0x1A], $0x10, s0, s14, $0xb8;
	[tilespmem:$0xF320] =	vst v63  }
0xb1: {  	_ =	swait.ge [sflag:s10], $0x500  }
0xb2: {  	[sflag:s10] =	ssyncset.done $0x0  }
0xb3: {  	s0 =	simm.s32 @p0 $0x8;
	[sflag:s10] =	ssyncadd.s32 $0xFFFFFB00  }
0xb4: {  	_ =	swait.ge @p0 [sflag:s0], $0x500  }
0xb5: {  	[sflag:s0] =	ssyncset.done @p0 $0x0  }
0xb6: {  	s28 =	simm.s32 @p0 $0x7120;
	[sflag:s0] =	ssyncadd.s32 @p0 $0xFFFFFB00;
	s0 =	sadd.s32 @p0 $0x2940, s26  }
0xb7: {  	[spmem:s2] =	stream.indirect.scatter.add.f32 @p0 [tilespmem:s28], [sflag:$0x1A], $0x10, s0, s31, $0xb8;
	[tilespmem:$0xF320] =	vst v63  }
0xb8: {  	_ =	swait.ge @p0 [sflag:s16], $0x500  }
0xb9: {  	[sflag:s16] =	ssyncset.done @p0 $0x0  }
0xba: {  	s0 =	sadd.s32 @!p0 $0x9B0, s18;
	s28 =	simm.s32 @!p0 $0x6C20;
	[sflag:s16] =	ssyncadd.s32 @p0 $0xFFFFFB00  }
0xbb: {  	[tilespmem:s28], [sflag:$0x7] =	stream.indirect.gather @!p0 [hbm4b:s4+s22], $0x10, s0, s22, $0xb8;
	[tilespmem:$0xF320] =	vst v63  }
0xbc: {  	s0 =	simm.s32 @!p0 $0x8  }
0xbd: {  	_ =	swait.ge @!p0 [sflag:s0], $0x500  }
0xbe: {  	[sflag:s0] =	ssyncset.done @!p0 $0x0  }
0xbf: {  	s28 =	simm.s32 @!p0 $0x7120;
	[sflag:s0] =	ssyncadd.s32 @!p0 $0xFFFFFB00;
	s0 =	sadd.s32 @!p0 $0x2940, s18  }
0xc0: {  	[spmem:s2] =	stream.indirect.scatter.add.f32 @!p0 [tilespmem:s28], [sflag:$0x1A], $0x10, s0, s22, $0xb8;
	[tilespmem:$0xF320] =	vst v63  }
0xc1: {  	_ =	swait.ge @!p0 [sflag:s21], $0x500  }
0xc2: {  	[sflag:s21] =	ssyncset.done @!p0 $0x0  }
0xc3: {  	s0 =	sadd.s32 @!p0 $0xA00, s18;
	[sflag:s21] =	ssyncadd.s32 @!p0 $0xFFFFFB00  }
0xc4: {  	[tilespmem:s28], [sflag:$0x8] =	stream.indirect.gather @!p0 [hbm4b:s4+s22], $0x10, s0, s22, $0xb8;
	[tilespmem:$0xF320] =	vst v63  }
0xc5: {  	_ =	swait.ge [sflag:s23], $0x500  }
0xc6: {  	[sflag:s23] =	ssyncset.done $0x0  }
0xc7: {  	s0 =	sadd.s32 $0x2990, s15;
	s28 =	simm.s32 $0x7620;
	[sflag:s23] =	ssyncadd.s32 $0xFFFFFB00  }
0xc8: {  	[spmem:s2] =	stream.indirect.scatter.add.f32 [tilespmem:s28], [sflag:$0x1A], $0x10, s0, s14, $0xb8;
	[tilespmem:$0xF320] =	vst v63  }
0xc9: {  	_ =	swait.ge [sflag:s10], $0x500  }
0xca: {  	[sflag:s10] =	ssyncset.done $0x0  }
0xcb: {  	s0 =	simm.s32 @p0 $0xA;
	[sflag:s10] =	ssyncadd.s32 $0xFFFFFB00  }
0xcc: {  	_ =	swait.ge @p0 [sflag:s0], $0x500  }
0xcd: {  	[sflag:s0] =	ssyncset.done @p0 $0x0  }
0xce: {  	s28 =	simm.s32 @p0 $0x7B20;
	[sflag:s0] =	ssyncadd.s32 @p0 $0xFFFFFB00;
	s0 =	sadd.s32 @p0 $0x29E0, s26  }
0xcf: {  	[spmem:s2] =	stream.indirect.scatter.add.f32 @p0 [tilespmem:s28], [sflag:$0x1A], $0x10, s0, s31, $0xb8;
	[tilespmem:$0xF320] =	vst v63  }
0xd0: {  	_ =	swait.ge @p0 [sflag:s16], $0x500  }
0xd1: {  	[sflag:s16] =	ssyncset.done @p0 $0x0  }
0xd2: {  	s0 =	sadd.s32 @!p0 $0xA50, s18;
	s28 =	simm.s32 @!p0 $0x7620;
	[sflag:s16] =	ssyncadd.s32 @p0 $0xFFFFFB00  }
0xd3: {  	[tilespmem:s28], [sflag:$0x9] =	stream.indirect.gather @!p0 [hbm4b:s4+s22], $0x10, s0, s22, $0xb8;
	[tilespmem:$0xF320] =	vst v63  }
0xd4: {  	s0 =	simm.s32 @!p0 $0xA  }
0xd5: {  	_ =	swait.ge @!p0 [sflag:s0], $0x500  }
0xd6: {  	[sflag:s0] =	ssyncset.done @!p0 $0x0  }
0xd7: {  	s28 =	simm.s32 @!p0 $0x7B20;
	[sflag:s0] =	ssyncadd.s32 @!p0 $0xFFFFFB00;
	s0 =	sadd.s32 @!p0 $0x29E0, s18  }
0xd8: {  	[spmem:s2] =	stream.indirect.scatter.add.f32 @!p0 [tilespmem:s28], [sflag:$0x1A], $0x10, s0, s22, $0xb8;
	[tilespmem:$0xF320] =	vst v63  }
0xd9: {  	_ =	swait.ge @!p0 [sflag:s21], $0x500  }
0xda: {  	[sflag:s21] =	ssyncset.done @!p0 $0x0  }
0xdb: {  	s0 =	sadd.s32 @!p0 $0xAA0, s18;
	[sflag:s21] =	ssyncadd.s32 @!p0 $0xFFFFFB00  }
0xdc: {  	[tilespmem:s28], [sflag:$0xA] =	stream.indirect.gather @!p0 [hbm4b:s4+s22], $0x10, s0, s22, $0xb8;
	[tilespmem:$0xF320] =	vst v63  }
0xdd: {  	_ =	swait.ge [sflag:s24], $0x500  }
0xde: {  	[sflag:s24] =	ssyncset.done $0x0  }
0xdf: {  	s0 =	sadd.s32 $0x2A30, s15;
	s28 =	simm.s32 $0x8020;
	[sflag:s24] =	ssyncadd.s32 $0xFFFFFB00  }
0xe0: {  	[spmem:s2] =	stream.indirect.scatter.add.f32 [tilespmem:s28], [sflag:$0x1A], $0x10, s0, s14, $0xb8;
	[tilespmem:$0xF320] =	vst v63  }
0xe1: {  	_ =	swait.ge [sflag:s10], $0x500  }
0xe2: {  	[sflag:s10] =	ssyncset.done $0x0  }
0xe3: {  	s0 =	simm.s32 @p0 $0xC;
	[sflag:s10] =	ssyncadd.s32 $0xFFFFFB00  }
0xe4: {  	_ =	swait.ge @p0 [sflag:s0], $0x500  }
0xe5: {  	[sflag:s0] =	ssyncset.done @p0 $0x0  }
0xe6: {  	s28 =	simm.s32 @p0 $0x8520;
	[sflag:s0] =	ssyncadd.s32 @p0 $0xFFFFFB00;
	s0 =	sadd.s32 @p0 $0x2A80, s26  }
0xe7: {  	[spmem:s2] =	stream.indirect.scatter.add.f32 @p0 [tilespmem:s28], [sflag:$0x1A], $0x10, s0, s31, $0xb8;
	[tilespmem:$0xF320] =	vst v63  }
0xe8: {  	_ =	swait.ge @p0 [sflag:s16], $0x500  }
0xe9: {  	[sflag:s16] =	ssyncset.done @p0 $0x0  }
0xea: {  	s0 =	sadd.s32 @!p0 $0xAF0, s18;
	s28 =	simm.s32 @!p0 $0x8020;
	[sflag:s16] =	ssyncadd.s32 @p0 $0xFFFFFB00  }
0xeb: {  	[tilespmem:s28], [sflag:$0xB] =	stream.indirect.gather @!p0 [hbm4b:s4+s22], $0x10, s0, s22, $0xb8;
	[tilespmem:$0xF320] =	vst v63  }
0xec: {  	s0 =	simm.s32 @!p0 $0xC  }
0xed: {  	_ =	swait.ge @!p0 [sflag:s0], $0x500  }
0xee: {  	[sflag:s0] =	ssyncset.done @!p0 $0x0  }
0xef: {  	s28 =	simm.s32 @!p0 $0x8520;
	[sflag:s0] =	ssyncadd.s32 @!p0 $0xFFFFFB00;
	s0 =	sadd.s32 @!p0 $0x2A80, s18  }
0xf0: {  	[spmem:s2] =	stream.indirect.scatter.add.f32 @!p0 [tilespmem:s28], [sflag:$0x1A], $0x10, s0, s22, $0xb8;
	[tilespmem:$0xF320] =	vst v63  }
0xf1: {  	_ =	swait.ge @!p0 [sflag:s21], $0x500  }
0xf2: {  	[sflag:s21] =	ssyncset.done @!p0 $0x0  }
0xf3: {  	s0 =	sadd.s32 @!p0 $0xB40, s18;
	[sflag:s21] =	ssyncadd.s32 @!p0 $0xFFFFFB00  }
0xf4: {  	[tilespmem:s28], [sflag:$0xC] =	stream.indirect.gather @!p0 [hbm4b:s4+s22], $0x10, s0, s22, $0xb8;
	[tilespmem:$0xF320] =	vst v63  }
0xf5: {  	_ =	swait.ge [sflag:s5], $0x500  }
0xf6: {  	[sflag:s5] =	ssyncset.done $0x0  }
0xf7: {  	s0 =	sadd.s32 $0x2AD0, s15;
	s28 =	simm.s32 $0x8A20;
	[sflag:s5] =	ssyncadd.s32 $0xFFFFFB00  }
0xf8: {  	[spmem:s2] =	stream.indirect.scatter.add.f32 [tilespmem:s28], [sflag:$0x1A], $0x10, s0, s14, $0xb8;
	[tilespmem:$0xF320] =	vst v63  }
0xf9: {  	_ =	swait.ge [sflag:s10], $0x500  }
0xfa: {  	[sflag:s10] =	ssyncset.done $0x0  }
0xfb: {  	s0 =	simm.s32 @p0 $0xE;
	[sflag:s10] =	ssyncadd.s32 $0xFFFFFB00  }
0xfc: {  	_ =	swait.ge @p0 [sflag:s0], $0x500  }
0xfd: {  	[sflag:s0] =	ssyncset.done @p0 $0x0  }
0xfe: {  	s28 =	simm.s32 @p0 $0x8F20;
	[sflag:s0] =	ssyncadd.s32 @p0 $0xFFFFFB00;
	s0 =	sadd.s32 @p0 $0x2B20, s26  }
0xff: {  	[spmem:s2] =	stream.indirect.scatter.add.f32 @p0 [tilespmem:s28], [sflag:$0x1A], $0x10, s0, s31, $0xb8;
	[tilespmem:$0xF320] =	vst v63  }
0x100: {  	_ =	swait.ge @p0 [sflag:s16], $0x500  }
0x101: {  	[sflag:s16] =	ssyncset.done @p0 $0x0  }
0x102: {  	s0 =	sadd.s32 @!p0 $0xB90, s18;
	s28 =	simm.s32 @!p0 $0x8A20;
	[sflag:s16] =	ssyncadd.s32 @p0 $0xFFFFFB00  }
0x103: {  	[tilespmem:s28], [sflag:$0xD] =	stream.indirect.gather @!p0 [hbm4b:s4+s22], $0x10, s0, s22, $0xb8;
	[tilespmem:$0xF320] =	vst v63  }
0x104: {  	s0 =	simm.s32 @!p0 $0xE  }
0x105: {  	_ =	swait.ge @!p0 [sflag:s0], $0x500  }
0x106: {  	[sflag:s0] =	ssyncset.done @!p0 $0x0  }
0x107: {  	s28 =	simm.s32 @!p0 $0x8F20;
	[sflag:s0] =	ssyncadd.s32 @!p0 $0xFFFFFB00;
	s0 =	sadd.s32 @!p0 $0x2B20, s18  }
0x108: {  	[spmem:s2] =	stream.indirect.scatter.add.f32 @!p0 [tilespmem:s28], [sflag:$0x1A], $0x10, s0, s22, $0xb8;
	[tilespmem:$0xF320] =	vst v63  }
0x109: {  	_ =	swait.ge @!p0 [sflag:s21], $0x500  }
0x10a: {  	[sflag:s21] =	ssyncset.done @!p0 $0x0  }
0x10b: {  	s0 =	sadd.s32 @!p0 $0xBE0, s18;
	[sflag:s21] =	ssyncadd.s32 @!p0 $0xFFFFFB00  }
0x10c: {  	[tilespmem:s28], [sflag:$0xE] =	stream.indirect.gather @!p0 [hbm4b:s4+s22], $0x10, s0, s22, $0xb8;
	[tilespmem:$0xF320] =	vst v63  }
0x10d: {  	_ =	swait.ge [sflag:s6], $0x500  }
0x10e: {  	[sflag:s6] =	ssyncset.done $0x0  }
0x10f: {  	s0 =	sadd.s32 $0x2B70, s15;
	s28 =	simm.s32 $0x9420;
	[sflag:s6] =	ssyncadd.s32 $0xFFFFFB00  }
0x110: {  	[spmem:s2] =	stream.indirect.scatter.add.f32 [tilespmem:s28], [sflag:$0x1A], $0x10, s0, s14, $0xb8;
	[tilespmem:$0xF320] =	vst v63  }
0x111: {  	_ =	swait.ge [sflag:s10], $0x500  }
0x112: {  	[sflag:s10] =	ssyncset.done $0x0  }
0x113: {  	s0 =	simm.s32 @p0 $0x10;
	[sflag:s10] =	ssyncadd.s32 $0xFFFFFB00  }
0x114: {  	_ =	swait.ge @p0 [sflag:s0], $0x500  }
0x115: {  	[sflag:s0] =	ssyncset.done @p0 $0x0  }
0x116: {  	s28 =	simm.s32 @p0 $0x9920;
	[sflag:s0] =	ssyncadd.s32 @p0 $0xFFFFFB00;
	s0 =	sadd.s32 @p0 $0x2BC0, s26  }
0x117: {  	[spmem:s2] =	stream.indirect.scatter.add.f32 @p0 [tilespmem:s28], [sflag:$0x1A], $0x10, s0, s31, $0xb8;
	[tilespmem:$0xF320] =	vst v63  }
0x118: {  	_ =	swait.ge @p0 [sflag:s16], $0x500  }
0x119: {  	[sflag:s16] =	ssyncset.done @p0 $0x0  }
0x11a: {  	s0 =	sadd.s32 @!p0 $0xC30, s18;
	s28 =	simm.s32 @!p0 $0x9420;
	[sflag:s16] =	ssyncadd.s32 @p0 $0xFFFFFB00  }
0x11b: {  	[tilespmem:s28], [sflag:$0xF] =	stream.indirect.gather @!p0 [hbm4b:s4+s22], $0x10, s0, s22, $0xb8;
	[tilespmem:$0xF320] =	vst v63  }
0x11c: {  	s0 =	simm.s32 @!p0 $0x10  }
0x11d: {  	_ =	swait.ge @!p0 [sflag:s0], $0x500  }
0x11e: {  	[sflag:s0] =	ssyncset.done @!p0 $0x0  }
0x11f: {  	s28 =	simm.s32 @!p0 $0x9920;
	[sflag:s0] =	ssyncadd.s32 @!p0 $0xFFFFFB00;
	s0 =	sadd.s32 @!p0 $0x2BC0, s18  }
0x120: {  	[spmem:s2] =	stream.indirect.scatter.add.f32 @!p0 [tilespmem:s28], [sflag:$0x1A], $0x10, s0, s22, $0xb8;
	[tilespmem:$0xF320] =	vst v63  }
0x121: {  	_ =	swait.ge @!p0 [sflag:s21], $0x500  }
0x122: {  	[sflag:s21] =	ssyncset.done @!p0 $0x0  }
0x123: {  	s0 =	sadd.s32 @!p0 $0xC80, s18;
	[sflag:s21] =	ssyncadd.s32 @!p0 $0xFFFFFB00  }
0x124: {  	[tilespmem:s28], [sflag:$0x10] =	stream.indirect.gather @!p0 [hbm4b:s4+s22], $0x10, s0, s22, $0xb8;
	[tilespmem:$0xF320] =	vst v63  }
0x125: {  	_ =	swait.ge [sflag:s7], $0x500  }
0x126: {  	[sflag:s7] =	ssyncset.done $0x0  }
0x127: {  	s0 =	sadd.s32 $0x2C10, s15;
	s28 =	simm.s32 $0x9E20;
	[sflag:s7] =	ssyncadd.s32 $0xFFFFFB00  }
0x128: {  	[spmem:s2] =	stream.indirect.scatter.add.f32 [tilespmem:s28], [sflag:$0x1A], $0x10, s0, s14, $0xb8;
	[tilespmem:$0xF320] =	vst v63  }
0x129: {  	_ =	swait.ge [sflag:s10], $0x500  }
0x12a: {  	[sflag:s10] =	ssyncset.done $0x0  }
0x12b: {  	s0 =	simm.s32 @p0 $0x12;
	[sflag:s10] =	ssyncadd.s32 $0xFFFFFB00  }
0x12c: {  	_ =	swait.ge @p0 [sflag:s0], $0x500  }
0x12d: {  	[sflag:s0] =	ssyncset.done @p0 $0x0  }
0x12e: {  	s28 =	simm.s32 @p0 $0xA320;
	[sflag:s0] =	ssyncadd.s32 @p0 $0xFFFFFB00;
	s0 =	sadd.s32 @p0 $0x2C60, s26  }
0x12f: {  	[spmem:s2] =	stream.indirect.scatter.add.f32 @p0 [tilespmem:s28], [sflag:$0x1A], $0x10, s0, s31, $0xb8;
	[tilespmem:$0xF320] =	vst v63  }
0x130: {  	_ =	swait.ge @p0 [sflag:s16], $0x500  }
0x131: {  	[sflag:s16] =	ssyncset.done @p0 $0x0  }
0x132: {  	s0 =	sadd.s32 @!p0 $0xCD0, s18;
	s28 =	simm.s32 @!p0 $0x9E20;
	[sflag:s16] =	ssyncadd.s32 @p0 $0xFFFFFB00  }
0x133: {  	[tilespmem:s28], [sflag:$0x11] =	stream.indirect.gather @!p0 [hbm4b:s4+s22], $0x10, s0, s22, $0xb8;
	[tilespmem:$0xF320] =	vst v63  }
0x134: {  	s0 =	simm.s32 @!p0 $0x12  }
0x135: {  	_ =	swait.ge @!p0 [sflag:s0], $0x500  }
0x136: {  	[sflag:s0] =	ssyncset.done @!p0 $0x0  }
0x137: {  	s28 =	simm.s32 @!p0 $0xA320;
	[sflag:s0] =	ssyncadd.s32 @!p0 $0xFFFFFB00;
	s0 =	sadd.s32 @!p0 $0x2C60, s18  }
0x138: {  	[spmem:s2] =	stream.indirect.scatter.add.f32 @!p0 [tilespmem:s28], [sflag:$0x1A], $0x10, s0, s22, $0xb8;
	[tilespmem:$0xF320] =	vst v63  }
0x139: {  	_ =	swait.ge @!p0 [sflag:s21], $0x500  }
0x13a: {  	[sflag:s21] =	ssyncset.done @!p0 $0x0  }
0x13b: {  	s0 =	sadd.s32 @!p0 $0xD20, s18;
	[sflag:s21] =	ssyncadd.s32 @!p0 $0xFFFFFB00  }
0x13c: {  	[tilespmem:s28], [sflag:$0x12] =	stream.indirect.gather @!p0 [hbm4b:s4+s22], $0x10, s0, s22, $0xb8;
	[tilespmem:$0xF320] =	vst v63  }
0x13d: {  	_ =	swait.ge [sflag:s8], $0x500  }
0x13e: {  	[sflag:s8] =	ssyncset.done $0x0  }
0x13f: {  	s28 =	sadd.s32 $0x2CB0, s15;
	[sflag:s8] =	ssyncadd.s32 $0xFFFFFB00  }
0x140: {  	[spmem:s2] =	stream.indirect.scatter.add.f32 [tilespmem:s20], [sflag:$0x1A], $0x10, s28, s14, $0xb8;
	[tilespmem:$0xF320] =	vst v63  }
0x141: {  	_ =	swait.ge [sflag:s10], $0x500  }
0x142: {  	[sflag:s10] =	ssyncset.done $0x0  }
0x143: {  	s0 =	simm.s32 @p0 $0x14;
	[sflag:s10] =	ssyncadd.s32 $0xFFFFFB00  }
0x144: {  	_ =	swait.ge @p0 [sflag:s0], $0x500  }
0x145: {  	[sflag:s0] =	ssyncset.done @p0 $0x0  }
0x146: {  	s28 =	simm.s32 @p0 $0xAD20;
	[sflag:s0] =	ssyncadd.s32 @p0 $0xFFFFFB00;
	s0 =	sadd.s32 @p0 $0x2D00, s26  }
0x147: {  	[spmem:s2] =	stream.indirect.scatter.add.f32 @p0 [tilespmem:s28], [sflag:$0x1A], $0x10, s0, s31, $0xb8;
	[tilespmem:$0xF320] =	vst v63  }
0x148: {  	_ =	swait.ge @p0 [sflag:s16], $0x500  }
0x149: {  	[sflag:s16] =	ssyncset.done @p0 $0x0  }
0x14a: {  	s0 =	sadd.s32 @!p0 $0xD70, s18;
	s28 =	simm.s32 @!p0 $0xA820;
	[sflag:s16] =	ssyncadd.s32 @p0 $0xFFFFFB00  }
0x14b: {  	[tilespmem:s28], [sflag:$0x13] =	stream.indirect.gather @!p0 [hbm4b:s4+s22], $0x10, s0, s22, $0xb8;
	[tilespmem:$0xF320] =	vst v63  }
0x14c: {  	s0 =	simm.s32 @!p0 $0x14  }
0x14d: {  	_ =	swait.ge @!p0 [sflag:s0], $0x500  }
0x14e: {  	[sflag:s0] =	ssyncset.done @!p0 $0x0  }
0x14f: {  	s28 =	simm.s32 @!p0 $0xAD20;
	[sflag:s0] =	ssyncadd.s32 @!p0 $0xFFFFFB00;
	s0 =	sadd.s32 @!p0 $0x2D00, s18  }
0x150: {  	[spmem:s2] =	stream.indirect.scatter.add.f32 @!p0 [tilespmem:s28], [sflag:$0x1A], $0x10, s0, s22, $0xb8;
	[tilespmem:$0xF320] =	vst v63  }
0x151: {  	_ =	swait.ge @!p0 [sflag:s21], $0x500  }
0x152: {  	[sflag:s21] =	ssyncset.done @!p0 $0x0  }
0x153: {  	s0 =	sadd.s32 @!p0 $0xDC0, s18;
	[sflag:s21] =	ssyncadd.s32 @!p0 $0xFFFFFB00  }
0x154: {  	[tilespmem:s28], [sflag:$0x14] =	stream.indirect.gather @!p0 [hbm4b:s4+s22], $0x10, s0, s22, $0xb8;
	[tilespmem:$0xF320] =	vst v63  }
0x155: {  	_ =	swait.ge [sflag:s9], $0x500  }
0x156: {  	[sflag:s9] =	ssyncset.done $0x0  }
0x157: {  	s28 =	sadd.s32 $0x2D50, s15;
	[sflag:s9] =	ssyncadd.s32 $0xFFFFFB00  }
0x158: {  	[spmem:s2] =	stream.indirect.scatter.add.f32 [tilespmem:s29], [sflag:$0x1A], $0x10, s28, s14, $0xb8;
	[tilespmem:$0xF320] =	vst v63  }
0x159: {  	_ =	swait.ge [sflag:s10], $0x500  }
0x15a: {  	[sflag:s10] =	ssyncset.done $0x0  }
0x15b: {  	s0 =	simm.s32 @p0 $0x16;
	[sflag:s10] =	ssyncadd.s32 $0xFFFFFB00  }
0x15c: {  	_ =	swait.ge @p0 [sflag:s0], $0x500  }
0x15d: {  	[sflag:s0] =	ssyncset.done @p0 $0x0  }
0x15e: {  	s28 =	simm.s32 @p0 $0xB720;
	[sflag:s0] =	ssyncadd.s32 @p0 $0xFFFFFB00;
	s0 =	sadd.s32 @p0 $0x2DA0, s26  }
0x15f: {  	[spmem:s2] =	stream.indirect.scatter.add.f32 @p0 [tilespmem:s28], [sflag:$0x1A], $0x10, s0, s31, $0xb8;
	[tilespmem:$0xF320] =	vst v63  }
0x160: {  	_ =	swait.ge @p0 [sflag:s16], $0x500  }
0x161: {  	[sflag:s16] =	ssyncset.done @p0 $0x0  }
0x162: {  	s0 =	sadd.s32 @!p0 $0xE10, s18;
	s28 =	simm.s32 @!p0 $0xB220;
	[sflag:s16] =	ssyncadd.s32 @p0 $0xFFFFFB00  }
0x163: {  	[tilespmem:s28], [sflag:$0x15] =	stream.indirect.gather @!p0 [hbm4b:s4+s22], $0x10, s0, s22, $0xb8;
	[tilespmem:$0xF320] =	vst v63  }
0x164: {  	s0 =	simm.s32 @!p0 $0x16  }
0x165: {  	_ =	swait.ge @!p0 [sflag:s0], $0x500  }
0x166: {  	[sflag:s0] =	ssyncset.done @!p0 $0x0  }
0x167: {  	s28 =	simm.s32 @!p0 $0xB720;
	[sflag:s0] =	ssyncadd.s32 @!p0 $0xFFFFFB00;
	s0 =	sadd.s32 @!p0 $0x2DA0, s18  }
0x168: {  	[spmem:s2] =	stream.indirect.scatter.add.f32 @!p0 [tilespmem:s28], [sflag:$0x1A], $0x10, s0, s22, $0xb8;
	[tilespmem:$0xF320] =	vst v63  }
0x169: {  	_ =	swait.ge @!p0 [sflag:s21], $0x500  }
0x16a: {  	[sflag:s21] =	ssyncset.done @!p0 $0x0  }
0x16b: {  	s0 =	sadd.s32 @!p0 $0xE60, s18;
	[sflag:s21] =	ssyncadd.s32 @!p0 $0xFFFFFB00  }
0x16c: {  	[tilespmem:s28], [sflag:$0x16] =	stream.indirect.gather @!p0 [hbm4b:s4+s22], $0x10, s0, s22, $0xb8;
	[tilespmem:$0xF320] =	vst v63  }
0x16d: {  	_ =	swait.ge [sflag:s3], $0x500  }
0x16e: {  	[sflag:s3] =	ssyncset.done $0x0  }
0x16f: {  	s28 =	sadd.s32 $0x2DF0, s15;
	[sflag:s3] =	ssyncadd.s32 $0xFFFFFB00  }
0x170: {  	[spmem:s2] =	stream.indirect.scatter.add.f32 [tilespmem:s17], [sflag:$0x1A], $0x10, s28, s14, $0xb8;
	[tilespmem:$0xF320] =	vst v63  }
0x171: {  	_ =	swait.ge [sflag:s10], $0x500  }
0x172: {  	[sflag:s10] =	ssyncset.done $0x0  }
0x173: {  	s0 =	simm.s32 @p0 $0x18;
	[sflag:s10] =	ssyncadd.s32 $0xFFFFFB00  }
0x174: {  	_ =	swait.ge @p0 [sflag:s0], $0x500  }
0x175: {  	[sflag:s0] =	ssyncset.done @p0 $0x0  }
0x176: {  	[sflag:s0] =	ssyncadd.s32 @p0 $0xFFFFFB00;
	s0 =	sadd.s32 @p0 $0x2E40, s26;
	s26 =	simm.s32 @p0 $0xC120  }
0x177: {  	[spmem:s2] =	stream.indirect.scatter.add.f32 @p0 [tilespmem:s26], [sflag:$0x1A], $0x10, s0, s31, $0xb8;
	[tilespmem:$0xF320] =	vst v63  }
0x178: {  	_ =	swait.ge @p0 [sflag:s16], $0x500  }
0x179: {  	[sflag:s16] =	ssyncset.done @p0 $0x0  }
0x17a: {  	s0 =	sadd.s32 @!p0 $0xEB0, s18;
	[sflag:s16] =	ssyncadd.s32 @p0 $0xFFFFFB00;
	s16 =	simm.s32 @!p0 $0xBC20  }
0x17b: {  	[tilespmem:s16], [sflag:$0x17] =	stream.indirect.gather @!p0 [hbm4b:s4+s22], $0x10, s0, s22, $0xb8;
	[tilespmem:$0xF320] =	vst v63  }
0x17c: {  	s0 =	simm.s32 @!p0 $0x18  }
0x17d: {  	_ =	swait.ge @!p0 [sflag:s0], $0x500  }
0x17e: {  	[sflag:s0] =	ssyncset.done @!p0 $0x0  }
0x17f: {  	s16 =	simm.s32 @!p0 $0xC120;
	[sflag:s0] =	ssyncadd.s32 @!p0 $0xFFFFFB00;
	s0 =	sadd.s32 @!p0 $0x2E40, s18  }
0x180: {  	[spmem:s2] =	stream.indirect.scatter.add.f32 @!p0 [tilespmem:s16], [sflag:$0x1A], $0x10, s0, s22, $0xb8;
	[tilespmem:$0xF320] =	vst v63  }
0x181: {  	_ =	swait.ge @!p0 [sflag:s21], $0x500  }
0x182: {  	[sflag:s21] =	ssyncset.done @!p0 $0x0  }
0x183: {  	s0 =	sadd.s32 @!p0 $0xF00, s18;
	[sflag:s21] =	ssyncadd.s32 @!p0 $0xFFFFFB00  }
0x184: {  	[tilespmem:s16], [sflag:$0x18] =	stream.indirect.gather @!p0 [hbm4b:s4+s22], $0x10, s0, s22, $0xb8;
	[tilespmem:$0xF320] =	vst v63  }
0x185: {  	_ =	swait.ge [sflag:s12], $0x500  }
0x186: {  	[sflag:s12] =	ssyncset.done $0x0  }
.Ltmp2:
0x187: {  	s31 =	sadd.s32 $0x2E90, s15;
	[sflag:s12] =	ssyncadd.s32 $0xFFFFFB00;
	(pc) =	sbr.rel @p0 .LBB2_4-.Ltmp2, $4  }
0x188: {  	[spmem:s2] =	stream.indirect.scatter.add.f32 [tilespmem:s25], [sflag:$0x1A], $0x10, s31, s14, $0xb8;
	[tilespmem:$0xF320] =	vst v63  }
0x189: {  	_ =	swait.ge [sflag:s10], $0x500  }
0x18a: {  	[sflag:s10] =	ssyncset.done $0x0  }
0x18b: {  	[sflag:s10] =	ssyncadd.s32 $0xFFFFFB00  }
.Ltmp3:
0x18c: {  	(pc) =	sbr.rel .LBB2_2-.Ltmp3, $3  }
0x18d: {  	_ =	sdelay $0x1  }
0x18e: {  	s0 =	sadd.s32 $0xF50, s15;
	s13 =	sadd.s32 $0x1F40, s13  }
0x18f: {  	[tilespmem:s25], [sflag:$0x19] =	stream.indirect.gather [hbm4b:s4+s14], $0x10, s0, s14, $0xb8;
	[tilespmem:$0xF320] =	vst v63  }
.LBB2_5:
0x190: {  	_ =	sfence.sel $0x180000  }
0x191: {  	[bflag:$0x0] =	sbarrier.arrive $0xFFFF  }
0x192: {  	_ =	strace $0x9000004A  }
0x193: {  	s0 =	stileid.u32;
	[bflag:$0x2] =	sbarrier.arrive $0xFFFF  }
0x194: {  	p0 =	sne.s32 s0, $0x0;
	s0 =	rddreg [dreg:$0x2]  }
0x195: {  	s0 =	sadd.s32 @!p0 $0x100000, s0  }
0x196: {  	[sflag:s0] =	ssyncadd.tile.s32 @!p0 $0x1;
	_ =	shalt  }
.Lfunc_end2:
_tile_overlayer_lowered:
.L_overlay_start_2:
0x197: {  	(tag) =	ssettag $0x2  }
0x198: {  	s0 =	rddreg [dreg:$0x0];
	s2 =	stileid.u32  }
0x199: {  	s1 =	rddreg [dreg:$0x1];
	p0 =	sne.s32 s2, $0x0  }
0x19a: {  	s3 =	rddreg [dreg:$0x2];
	[bflag:$0x3] =	sbarrier.arrive $0xFFFF;
	s2 =	simm.s32 @!p0 $0x1C1A  }
0x19b: {  	[timem:s3], [sflag:s2] =	dma.local @!p0 [hbm:s0], s1  }
0x19c: {  	s0 =	simm.s32 @!p0 $0x1A  }
0x19d: {  	_ =	swait.ge @!p0 [sflag:s0], s1  }
0x19e: {  	s1 =	ssub.s32 @!p0 $0x0, s1;
	[sflag:s0] =	ssyncset.done @!p0 $0x0  }
0x19f: {  	[sflag:s0] =	ssyncadd.s32 @!p0 s1  }
0x1a0: {  	[bflag:$0x3] =	sbarrier.arrive $0xFFFF  }
0x1a1: {  	_ =	shalt  }

// kernel: kernel.14.cloned.1.call-start
scs
__scs_entry_jumppad:
0x0: {  	(pc) =	sbr.rel $0x88, $3  }
0x1: {  	(tag) =	ssettag $0x0;
	lr =	simm.s32 $0x1  }
0x2: {  	[smem:$0x3F9B] =	sst lr;
	_ =	strace $0xD0000000  }
0x3: {  	_ = 	snop  }
0x4: {  	_ = 	snop  }
0x5: {  	_ = 	snop  }
0x6: {  	_ = 	snop  }
0x7: {  	_ = 	snop  }
__scs_overlays_trampoline_lowered:
0x8: {  	[smem:$0x3FAA] =	sst s0  }
0x9: {  	[smem:$0x3FAB] =	sst s1  }
0xa: {  	[smem:$0x3FAC] =	sst s2  }
0xb: {  	[smem:$0x3FAD] =	sst s3  }
0xc: {  	[smem:$0x3FAE] =	sst s4  }
0xd: {  	[smem:$0x3FAF] =	sst s5  }
0xe: {  	[smem:$0x3FB0] =	sst s6  }
0xf: {  	[smem:$0x3FB1] =	sst s7  }
0x10: {  	[smem:$0x3FB2] =	sst s8  }
0x11: {  	[smem:$0x3FB3] =	sst s9;
	s0 =	simm.s32 @!p0 $0x0  }
0x12: {  	s1 =	sld [smem:$0x3F99];
	s0 =	simm.s32 @p0 $0x1  }
0x13: {  	[smem:$0x3FB4] =	sst s0;
	s0 =	simm.s32 @!p1 $0x0  }
0x14: {  	s2 =	sld [smem:$0x3F98];
	s0 =	simm.s32 @p1 $0x1  }
0x15: {  	[smem:$0x3FB5] =	sst s0;
	s0 =	simm.s32 @!p2 $0x0  }
0x16: {  	s3 =	sld [smem:$0x3FDB];
	s0 =	simm.s32 @p2 $0x1  }
0x17: {  	s4 =	simm.s32 $0x1BF5;
	[smem:$0x3FB7] =	sst s0  }
0x18: {  	s0 =	sld [smem:$0x3F9A];
	_ =	swait.ge [sflag:s4], $0x0  }
0x19: {  	s7 =	sld [smem:$0x3F9B]  }
0x1a: {  	s8 =	sadd.s32 $0xFFFFE003, lr  }
0x1b: {  	s9 =	sadd.s32 $0xFFFFFEF7, lr;
	s5 =	simm.s32 $0xFFFFFFFF;
	p2 =	slt.u32 s8, $0xFFFFF086  }
0x1c: {  	p1 =	slt.u32 s9, $0xF7A;
	s5 =	simm.s32 @!p2 $0x0  }
0x1d: {  	s5 =	simm.s32 @p1 $0x1;
	p0 =	seq.s32 s7, s2  }
0x1e: {  	s7 =	smul.u32 @!p0 $0xF7A, s2;
	p2 =	seq.s32 @!p0 s5, $0x0  }
0x1f: {  	s9 =	smul.u32 $0xF7A, s1;
	s8 =	simm.s32 @!p0 $0x1BF5;
	p2 =	por !p2, p0  }
0x20: {  	[sflag:s8] =	ssyncset.s32 @!p0 $0xFFFFF086;
	s6 =	sadd.s32 @!p0 s3, s7;
	s7 =	simm.s32 @!p0 $0x108  }
0x21: {  	s3 =	sadd.s32 s3, s9;
	s6 =	sadd.s32 @!p0 $0x88, s6;
	s7 =	simm.s32 @p2 $0x1082  }
0x22: {  	[simem:s7], [sflag:s8] =	dma.local @!p0 [hbm:s6], $0xF7A  }
0x23: {  	s9 =	sor.u32 $0xD0000000, s2;
	s6 =	simm.s32 $0x108;
	_ =	swait.ge @!p0 [sflag:s8], $0x0  }
0x24: {  	s3 =	sadd.s32 $0x88, s3;
	s6 =	simm.s32 @!p1 $0x1082;
	[sflag:s4] =	ssyncset.s32 $0xFFFFF086  }
0x25: {  	[simem:s6], [sflag:s4] =	dma.local [hbm:s3], $0xF7A  }
0x26: {  	[smem:$0x3F9B] =	sst s1;
	(tag) =	ssettag s2;
	_ =	strace s9  }
0x27: {  	s1 =	sld [smem:$0x3FAB]  }
0x28: {  	s2 =	sld [smem:$0x3FAC]  }
0x29: {  	s4 =	sld [smem:$0x3FAE]  }
0x2a: {  	p0 =	seq.s32 s5, $0x0;
	s5 =	sld [smem:$0x3FAF]  }
0x2b: {  	s6 =	sld [smem:$0x3FB0]  }
0x2c: {  	s7 =	sld [smem:$0x3FB1]  }
0x2d: {  	s3 =	simm.s32 $0x108;
	s8 =	sld [smem:$0x3FB2]  }
0x2e: {  	s3 =	simm.s32 @!p0 $0x1082;
	s9 =	sld [smem:$0x3FB3]  }
0x2f: {  	lr =	sadd.s32 s0, s3;
	s0 =	sld [smem:$0x3FAA]  }
0x30: {  	s3 =	sld [smem:$0x3FAD]  }
0x31: {  	[smem:$0x3FB6] =	sst s10  }
0x32: {  	s10 =	sld [smem:$0x3FB4];
	_ =	sdelay $0x3  }
0x33: {  	p0 =	seq.s32 s10, $0x1;
	s10 =	sld [smem:$0x3FB6];
	_ =	sdelay $0x3  }
0x34: {  	[smem:$0x3FB6] =	sst s10  }
0x35: {  	s10 =	sld [smem:$0x3FB5];
	_ =	sdelay $0x3  }
0x36: {  	p1 =	seq.s32 s10, $0x1;
	s10 =	sld [smem:$0x3FB6];
	_ =	sdelay $0x3  }
0x37: {  	[smem:$0x3FB6] =	sst s10  }
0x38: {  	s10 =	sld [smem:$0x3FB7]  }
0x39: {  	_ = 	snop;
	(pc) =	sbr.ind lr, $3  }
0x3a: {  	_ = 	snop  }
0x3b: {  	_ = 	snop  }
0x3c: {  	p2 =	seq.s32 s10, $0x1;
	s10 =	sld [smem:$0x3FB6]  }
0x3d: {  	_ =	shalt  }
0x3e: {  	_ =	shalt  }
0x3f: {  	_ =	shalt  }
0x40: {  	_ =	shalt  }
0x41: {  	_ =	shalt  }
0x42: {  	_ =	shalt  }
0x43: {  	_ =	shalt  }
0x44: {  	_ =	shalt  }
0x45: {  	_ =	shalt  }
0x46: {  	_ =	shalt  }
0x47: {  	_ =	shalt  }
0x48: {  	_ =	shalt  }
0x49: {  	_ =	shalt  }
0x4a: {  	_ =	shalt  }
0x4b: {  	_ =	shalt  }
0x4c: {  	_ =	shalt  }
0x4d: {  	_ =	shalt  }
0x4e: {  	_ =	shalt  }
0x4f: {  	_ =	shalt  }
0x50: {  	_ =	shalt  }
0x51: {  	_ =	shalt  }
0x52: {  	_ =	shalt  }
0x53: {  	_ =	shalt  }
0x54: {  	_ =	shalt  }
0x55: {  	_ =	shalt  }
0x56: {  	_ =	shalt  }
0x57: {  	_ =	shalt  }
0x58: {  	_ =	shalt  }
0x59: {  	_ =	shalt  }
0x5a: {  	_ =	shalt  }
0x5b: {  	_ =	shalt  }
0x5c: {  	_ =	shalt  }
0x5d: {  	_ =	shalt  }
0x5e: {  	_ =	shalt  }
0x5f: {  	_ =	shalt  }
0x60: {  	_ =	shalt  }
0x61: {  	_ =	shalt  }
0x62: {  	_ =	shalt  }
0x63: {  	_ =	shalt  }
0x64: {  	_ =	shalt  }
0x65: {  	_ =	shalt  }
0x66: {  	_ =	shalt  }
0x67: {  	_ =	shalt  }
0x68: {  	_ =	shalt  }
0x69: {  	_ =	shalt  }
0x6a: {  	_ =	shalt  }
0x6b: {  	_ =	shalt  }
0x6c: {  	_ =	shalt  }
0x6d: {  	_ =	shalt  }
0x6e: {  	_ =	shalt  }
0x6f: {  	_ =	shalt  }
0x70: {  	_ =	shalt  }
0x71: {  	_ =	shalt  }
0x72: {  	_ =	shalt  }
0x73: {  	_ =	shalt  }
0x74: {  	_ =	shalt  }
0x75: {  	_ =	shalt  }
0x76: {  	_ =	shalt  }
0x77: {  	_ =	shalt  }
0x78: {  	_ =	shalt  }
0x79: {  	_ =	shalt  }
0x7a: {  	_ =	shalt  }
0x7b: {  	_ =	shalt  }
0x7c: {  	_ =	shalt  }
0x7d: {  	_ =	shalt  }
0x7e: {  	_ =	shalt  }
0x7f: {  	_ =	shalt  }
0x80: {  	_ =	shalt  }
0x81: {  	_ =	shalt  }
0x82: {  	_ =	shalt  }
0x83: {  	_ =	shalt  }
0x84: {  	_ =	shalt  }
0x85: {  	_ =	shalt  }
0x86: {  	_ =	shalt  }
0x87: {  	_ =	shalt  }
.Lfunc_end0:
.L_simem_size_0:
called_computation.2_lowered:
.L_overlay_start_0:
0x88: {  	s2 =	sld [smem:$0x3FD9]  }
0x89: {  	s3 =	sld [smem:$0x3FFE];
	_ =	sdelay $0x1  }
0x8a: {  	s1 =	srdreg.scid  }
0x8b: {  	s0 =	sand.u32 $0x1, s1  }
0x8c: {  	s17 =	sshll.u32 s0, $0xA;
	s2 =	sadd.s32 s3, s2  }
0x8d: {  	s2 =	sadd.s32 s2, s17  }
0x8e: {  	[smem:$0x3FC2] =	sst s2  }
0x8f: {  	_ = 	snop  }
0x90: {  	s2 =	sld [smem:$0x3FD0];
	(tm) =	ssettm $0x1  }
0x91: {  	s18 =	sld [smem:$0x3FFB];
	_ =	sdelay $0x3  }
0x92: {  	_ =	strace s18  }
0x93: {  	s3 =	sld [smem:$0x3FFC];
	_ =	sdelay $0x3  }
0x94: {  	_ =	strace s3  }
0x95: {  	s3 =	sld [smem:$0x3FFD];
	_ =	sdelay $0x3  }
0x96: {  	_ =	strace s3  }
0x97: {  	_ =	strace $0x8FFFFFFF  }
0x98: {  	s19 =	sld [smem:$0x3FDB];
	_ =	sdelay $0x1  }
0x99: {  	s4 =	simm.s32 $_scs_section_size  }
0x9a: {  	s5 =	simm.s32 $_size__tile_overlayer_lowered;
	s6 =	simm.s32 $_tile_overlayer_lowered  }
0x9b: {  	s22 =	simm.s32 $0x1BFF;
	s21 =	sshll.u32 s6, $0x1;
	s3 =	sadd.s32 s4, s19  }
0x9c: {  	s7 =	simm.s32 $0x0;
	s20 =	sshll.u32 s5, $0x1;
	s5 =	sadd.s32 s21, s3  }
0x9d: {  	[timem:s7], [sflag:s22] =	dma.local [hbm:s5], s20  }
0x9e: {  	_ =	swait.ge [sflag:s22], s20  }
0x9f: {  	s4 =	ssub.s32 $0x0, s20;
	[sflag:s22] =	ssyncset.done $0x0  }
0xa0: {  	[sflag:s22] =	ssyncadd.s32 s4;
	_ =	sdelay $0x1  }
0xa1: {  	s23 =	simm.s32 $0x1B8B  }
0xa2: {  	_ =	swait.ge [sflag:s23], $0x1  }
0xa3: {  	[sflag:s23] =	ssyncset.done $0x0  }
0xa4: {  	s25 =	simm.s32 $0x1B8E;
	s24 =	sld [smem:$0x3FFE];
	[sflag:s23] =	ssyncadd.s32 $0xFFFFFFFF  }
0xa5: {  	s26 =	simm.s32 $execute0_lowered;
	[smem:$0x3FD2] =	sst s25  }
0xa6: {  	s5 =	sshll.u32 s26, $0x1;
	_ =	strace $0x8000004C;
	[dreg:$0x1] =	wrdreg $0xFFFFFFFF  }
0xa7: {  	s28 =	simm.s32 $_size_execute0_lowered;
	s3 =	sadd.s32 s3, s5;
	[dreg:$0x0] =	wrdreg $0x0  }
0xa8: {  	s5 =	sshll.u32 s28, $0x1;
	[dreg:$0x2] =	wrdreg s3  }
0xa9: {  	[dreg:$0x3] =	wrdreg s5  }
0xaa: {  	[dreg:$0x4] =	wrdreg $0xC0  }
0xab: {  	_ =	task [dreg:s7], $0x5FFFF  }
0xac: {  	[dreg:$0x1] =	wrdreg $0xFFFFFFFF  }
0xad: {  	[dreg:$0x0] =	wrdreg $0x60  }
0xae: {  	[dreg:$0x2] =	wrdreg s2  }
0xaf: {  	[dreg:$0x3] =	wrdreg s24  }
0xb0: {  	[dreg:$0x4] =	wrdreg $0xB2200  }
0xb1: {  	[dreg:$0x5] =	wrdreg $0x9  }
0xb2: {  	_ =	task.clear_ibuf [dreg:s7], $0x6FFFF;
	_ =	strace $0x9000004C  }
0xb3: {  	s29 =	simm.s32 $0x9;
	_ =	strace $0x8000004E  }
0xb4: {  	_ =	swait.ge [sflag:s29], $0x1  }
0xb5: {  	[sflag:s29] =	ssyncadd.s32 $0xFFFFFFFF  }
0xb6: {  	_ =	strace $0x9000004E  }
0xb7: {  	_ =	sfence  }
0xb8: {  	s30 =	sld [smem:$0x0];
	_ =	sdelay $0x2  }
0xb9: {  	s31 =	sshll.u32 s1, $0xD;
	s1 =	sshrl.u32 s1, $0x2  }
0xba: {  	s3 =	sand.u32 $0x4000, s31;
	s1 =	sadd.s32 s1, s30  }
0xbb: {  	s0 =	sor.u32 s3, s0;
	s1 =	sshll.u32 s1, $0x11  }
0xbc: {  	s0 =	sor.u32 s1, s0  }
0xbd: {  	s0 =	sadd.s32 $0x8F2B, s0  }
0xbe: {  	[sflag:s0] =	ssyncadd.remote.s32 $0x1  }
0xbf: {  	_ =	sfence.sel $0xFFFF  }
0xc0: {  	[dreg:$0x0] =	wrdreg $0xFFFFFFFF;
	(pc) =	sbr.abs _section_cstart, $3  }
0xc1: {  	[dreg:$0x1] =	wrdreg $0xFFFFFFFF  }
0xc2: {  	_ =	task.clear_ibuf [dreg:s7], $0x2FFFF;
	_ =	strace $0x9FFFFFFF  }
0xc3: {  	(tm) =	ssettm $0x7FFFFFFF  }
tec
execute0_lowered:
.L_overlay_start_1:
0x0: {  	(tag) =	ssettag $0x1  }
0x1: {  	s1 =	rddreg [dreg:$0x0]  }
0x2: {  	s0 =	srdreg.scid;
	s5 =	rddreg [dreg:$0x1]  }
0x3: {  	s11 =	stileid.u32;
	s3 =	rddreg [dreg:$0x2]  }
0x4: {  	s4 =	simm.s32 $0x0;
	s14 =	simm.s32 $0x28;
	s15 =	simm.s32 $0x4E20  }
0x5: {  	s16 =	simm.s32 $0x6220;
	s18 =	simm.s32 $0x7620;
	s20 =	simm.s32 $0x8A20  }
0x6: {  	s22 =	simm.s32 $0x9E20;
	s23 =	simm.s32 $0x1;
	s24 =	simm.s32 $0x2  }
0x7: {  	s28 =	simm.s32 $0x5;
	s29 =	simm.s32 $0x4D58;
	s30 =	simm.s32 $0x4D80  }
0x8: {  	s31 =	simm.s32 $0x4DA8;
	s0 =	sand.u32 $0x1, s0;
	s7 =	smul.u32 $0x14000, s11  }
0x9: {  	[smem:$0x7FF] =	sst s4;
	s26 =	sshll.u32 s11, $0x6;
	s2 =	sshll.u32 s0, $0x4  }
0xa: {  	s6 =	smul.u32 $0x140000, s0;
	_ =	strace $0x8000004D;
	s0 =	ssub.s32 $0x2, s0  }
0xb: {  	s12 =	sor.u32 $0x1C06, s26;
	s26 =	simm.s32 $0x4;
	s2 =	sor.u32 s11, s2  }
0xc: {  	s8 =	sshrl.u32 s7, $0x3;
	s9 =	sshrl.u32 s0, $0x1;
	s25 =	sadd.s32 s7, s3  }
0xd: {  	s11 =	simm.s32 $0x0;
	s2 =	smul.u32 $0x4E2, s2;
	s6 =	sadd.s32 s7, s6  }
0xe: {  	s8 =	sadd.s32 s8, s5;
	s0 =	ssub.s32 s0, s9;
	s13 =	sshrl.u32 s25, $0x3  }
0xf: {  	s25 =	simm.s32 $0x3;
	s6 =	sshrl.u32 s6, $0x3;
	s7 =	sadd.s32 $0x6C000, s8  }
0x10: {  	s9 =	smax.u32 s0, $0x1;
	s0 =	simm.s32 $0x4DF8;
	s2 =	sadd.s32 s2, s5  }
0x11: {  	s10 =	sadd.s32 s6, s5;
	s5 =	sadd.s32 $0x3400, s2;
	s6 =	sadd.s32 $0xD200, s2  }
0x12: {  	s8 =	sadd.s32 $0x94000, s10;
	s10 =	simm.s32 $0x6;
	s2 =	simm.s32 $0x4DD0  }
.LBB2_1:
0x13: {  	[tilespmem:s4], [sflag:$0x6] =	stream.linear.gather [hbm4b:s5+s4], $0x2710, $0x38;
	[tilespmem:$0x1F220] =	vst v63  }
0x14: {  	_ =	swait.ge [sflag:s10], $0x2710  }
0x15: {  	[sflag:s10] =	ssyncset.done $0x0  }
0x16: {  	s17 =	simm.s32 $0x2710;
	[sflag:s10] =	ssyncadd.s32 $0xFFFFD8F0  }
0x17: {  	[tilespmem:s17], [sflag:$0x6] =	stream.linear.gather [hbm4b:s6+s4], $0x2710, $0x38;
	[tilespmem:$0x1F220] =	vst v63  }
0x18: {  	_ =	swait.ge [sflag:s10], $0x2710  }
0x19: {  	[sflag:s10] =	ssyncset.done $0x0  }
0x1a: {  	[sflag:s10] =	ssyncadd.s32 $0xFFFFD8F0  }
0x1b: {  	[spmem:s13], [sflag:s12] =	dma.local [hbm:s7], $0x2800  }
0x1c: {  	_ =	swait.ge [sflag:s10], $0x2800  }
0x1d: {  	[sflag:s10] =	ssyncset.done $0x0  }
0x1e: {  	[sflag:s10] =	ssyncadd.s32 $0xFFFFD800  }
0x1f: {  	[bflag:$0x0] =	sbarrier.arrive $0xFFFF  }
0x20: {  	[tilespmem:s15], [sflag:$0x1] =	stream.indirect.gather [hbm4b:s1+s14], $0x80, s4, s14, $0xb8;
	[tilespmem:$0x1F220] =	vst v63  }
0x21: {  	_ = 	snop  }
0x22: {  	[tilespmem:s16], [sflag:$0x2] =	stream.indirect.gather [hbm4b:s1+s14], $0x80, s14, s14, $0xb8;
	[tilespmem:$0x1F220] =	vst v63  }
0x23: {  	s19 =	simm.s32 $0x50  }
0x24: {  	[tilespmem:s18], [sflag:$0x3] =	stream.indirect.gather [hbm4b:s1+s14], $0x80, s19, s14, $0xb8;
	[tilespmem:$0x1F220] =	vst v63  }
0x25: {  	s21 =	simm.s32 $0x78  }
0x26: {  	[tilespmem:s20], [sflag:$0x4] =	stream.indirect.gather [hbm4b:s1+s14], $0x80, s21, s14, $0xb8;
	[tilespmem:$0x1F220] =	vst v63  }
0x27: {  	s19 =	simm.s32 $0xA0  }
0x28: {  	[tilespmem:s22], [sflag:$0x5] =	stream.indirect.gather [hbm4b:s1+s14], $0x80, s19, s14, $0xb8;
	[tilespmem:$0x1F220] =	vst v63  }
0x29: {  	_ =	swait.ge [sflag:s23], $0x1400  }
0x2a: {  	[sflag:s23] =	ssyncset.done $0x0  }
0x2b: {  	s21 =	simm.s32 $0x2710;
	[sflag:s23] =	ssyncadd.s32 $0xFFFFEC00  }
0x2c: {  	[spmem:s3] =	stream.indirect.scatter.add.f32 [tilespmem:s15], [sflag:$0x6], $0x80, s21, s14, $0xb8;
	[tilespmem:$0x1F220] =	vst v63  }
0x2d: {  	_ =	swait.ge [sflag:s10], $0x1400  }
0x2e: {  	[sflag:s10] =	ssyncset.done $0x0  }
0x2f: {  	s19 =	simm.s32 $0xC8;
	[sflag:s10] =	ssyncadd.s32 $0xFFFFEC00  }
0x30: {  	[tilespmem:s15], [sflag:$0x1] =	stream.indirect.gather [hbm4b:s1+s14], $0x80, s19, s14, $0xb8;
	[tilespmem:$0x1F220] =	vst v63  }
0x31: {  	_ =	swait.ge [sflag:s24], $0x1400  }
0x32: {  	[sflag:s24] =	ssyncset.done $0x0  }
0x33: {  	s21 =	simm.s32 $0x2738;
	[sflag:s24] =	ssyncadd.s32 $0xFFFFEC00  }
0x34: {  	[spmem:s3] =	stream.indirect.scatter.add.f32 [tilespmem:s16], [sflag:$0x6], $0x80, s21, s14, $0xb8;
	[tilespmem:$0x1F220] =	vst v63  }
0x35: {  	_ =	swait.ge [sflag:s10], $0x1400  }
0x36: {  	[sflag:s10] =	ssyncset.done $0x0  }
0x37: {  	s19 =	simm.s32 $0xF0;
	[sflag:s10] =	ssyncadd.s32 $0xFFFFEC00  }
0x38: {  	[tilespmem:s16], [sflag:$0x2] =	stream.indirect.gather [hbm4b:s1+s14], $0x80, s19, s14, $0xb8;
	[tilespmem:$0x1F220] =	vst v63  }
0x39: {  	_ =	swait.ge [sflag:s25], $0x1400  }
0x3a: {  	[sflag:s25] =	ssyncset.done $0x0  }
0x3b: {  	s21 =	simm.s32 $0x2760;
	[sflag:s25] =	ssyncadd.s32 $0xFFFFEC00  }
0x3c: {  	[spmem:s3] =	stream.indirect.scatter.add.f32 [tilespmem:s18], [sflag:$0x6], $0x80, s21, s14, $0xb8;
	[tilespmem:$0x1F220] =	vst v63  }
0x3d: {  	_ =	swait.ge [sflag:s10], $0x1400  }
0x3e: {  	[sflag:s10] =	ssyncset.done $0x0  }
0x3f: {  	s19 =	simm.s32 $0x118;
	[sflag:s10] =	ssyncadd.s32 $0xFFFFEC00  }
0x40: {  	[tilespmem:s18], [sflag:$0x3] =	stream.indirect.gather [hbm4b:s1+s14], $0x80, s19, s14, $0xb8;
	[tilespmem:$0x1F220] =	vst v63  }
0x41: {  	_ =	swait.ge [sflag:s26], $0x1400  }
0x42: {  	[sflag:s26] =	ssyncset.done $0x0  }
0x43: {  	s21 =	simm.s32 $0x2788;
	[sflag:s26] =	ssyncadd.s32 $0xFFFFEC00  }
0x44: {  	[spmem:s3] =	stream.indirect.scatter.add.f32 [tilespmem:s20], [sflag:$0x6], $0x80, s21, s14, $0xb8;
	[tilespmem:$0x1F220] =	vst v63  }
0x45: {  	_ =	swait.ge [sflag:s10], $0x1400  }
0x46: {  	[sflag:s10] =	ssyncset.done $0x0  }
0x47: {  	s19 =	simm.s32 $0x140;
	[sflag:s10] =	ssyncadd.s32 $0xFFFFEC00  }
0x48: {  	[tilespmem:s20], [sflag:$0x4] =	stream.indirect.gather [hbm4b:s1+s14], $0x80, s19, s14, $0xb8;
	[tilespmem:$0x1F220] =	vst v63  }
0x49: {  	_ =	swait.ge [sflag:s28], $0x1400  }
0x4a: {  	[sflag:s28] =	ssyncset.done $0x0  }
0x4b: {  	s21 =	simm.s32 $0x27B0;
	[sflag:s28] =	ssyncadd.s32 $0xFFFFEC00  }
0x4c: {  	[spmem:s3] =	stream.indirect.scatter.add.f32 [tilespmem:s22], [sflag:$0x6], $0x80, s21, s14, $0xb8;
	[tilespmem:$0x1F220] =	vst v63  }
0x4d: {  	_ =	swait.ge [sflag:s10], $0x1400  }
0x4e: {  	[sflag:s10] =	ssyncset.done $0x0  }
0x4f: {  	s17 =	simm.s32 $0x320;
	s19 =	simm.s32 $0x168;
	[sflag:s10] =	ssyncadd.s32 $0xFFFFEC00  }
.LBB2_2:
0x50: {  	[tilespmem:s22], [sflag:$0x5] =	stream.indirect.gather [hbm4b:s1+s14], $0x80, s19, s14, $0xb8;
	[tilespmem:$0x1F220] =	vst v63  }
0x51: {  	s19 =	smov.u32 s17  }
0x52: {  	p0 =	sne.s32 s17, $0x9600;
	s17 =	sadd.s32 $0x320, s17;
	_ =	swait.ge [sflag:s23], $0x1400  }
0x53: {  	s19 =	sshra.s32 s19, $0x2;
	[sflag:s23] =	ssyncset.done $0x0  }
0x54: {  	s21 =	sadd.s32 $0x2710, s19;
	[sflag:s23] =	ssyncadd.s32 $0xFFFFEC00  }
0x55: {  	[spmem:s3] =	stream.indirect.scatter.add.f32 [tilespmem:s15], [sflag:$0x6], $0x80, s21, s14, $0xb8;
	[tilespmem:$0x1F220] =	vst v63  }
0x56: {  	_ =	swait.ge [sflag:s10], $0x1400  }
0x57: {  	[sflag:s10] =	ssyncset.done $0x0  }
0x58: {  	s21 =	sadd.s32 $0xC8, s19;
	[sflag:s10] =	ssyncadd.s32 $0xFFFFEC00  }
0x59: {  	[tilespmem:s15], [sflag:$0x1] =	stream.indirect.gather [hbm4b:s1+s14], $0x80, s21, s14, $0xb8;
	[tilespmem:$0x1F220] =	vst v63  }
0x5a: {  	_ =	swait.ge [sflag:s24], $0x1400  }
0x5b: {  	[sflag:s24] =	ssyncset.done $0x0  }
0x5c: {  	s21 =	sadd.s32 $0x2738, s19;
	[sflag:s24] =	ssyncadd.s32 $0xFFFFEC00  }
0x5d: {  	[spmem:s3] =	stream.indirect.scatter.add.f32 [tilespmem:s16], [sflag:$0x6], $0x80, s21, s14, $0xb8;
	[tilespmem:$0x1F220] =	vst v63  }
0x5e: {  	_ =	swait.ge [sflag:s10], $0x1400  }
0x5f: {  	[sflag:s10] =	ssyncset.done $0x0  }
0x60: {  	s21 =	sadd.s32 $0xF0, s19;
	[sflag:s10] =	ssyncadd.s32 $0xFFFFEC00  }
0x61: {  	[tilespmem:s16], [sflag:$0x2] =	stream.indirect.gather [hbm4b:s1+s14], $0x80, s21, s14, $0xb8;
	[tilespmem:$0x1F220] =	vst v63  }
0x62: {  	_ =	swait.ge [sflag:s25], $0x1400  }
0x63: {  	[sflag:s25] =	ssyncset.done $0x0  }
0x64: {  	s21 =	sadd.s32 $0x2760, s19;
	[sflag:s25] =	ssyncadd.s32 $0xFFFFEC00  }
0x65: {  	[spmem:s3] =	stream.indirect.scatter.add.f32 [tilespmem:s18], [sflag:$0x6], $0x80, s21, s14, $0xb8;
	[tilespmem:$0x1F220] =	vst v63  }
0x66: {  	_ =	swait.ge [sflag:s10], $0x1400  }
0x67: {  	[sflag:s10] =	ssyncset.done $0x0  }
0x68: {  	s21 =	sadd.s32 $0x118, s19;
	[sflag:s10] =	ssyncadd.s32 $0xFFFFEC00  }
0x69: {  	[tilespmem:s18], [sflag:$0x3] =	stream.indirect.gather [hbm4b:s1+s14], $0x80, s21, s14, $0xb8;
	[tilespmem:$0x1F220] =	vst v63  }
0x6a: {  	_ =	swait.ge [sflag:s26], $0x1400  }
0x6b: {  	[sflag:s26] =	ssyncset.done $0x0  }
0x6c: {  	s21 =	sadd.s32 $0x2788, s19;
	[sflag:s26] =	ssyncadd.s32 $0xFFFFEC00  }
0x6d: {  	[spmem:s3] =	stream.indirect.scatter.add.f32 [tilespmem:s20], [sflag:$0x6], $0x80, s21, s14, $0xb8;
	[tilespmem:$0x1F220] =	vst v63  }
0x6e: {  	_ =	swait.ge [sflag:s10], $0x1400  }
0x6f: {  	[sflag:s10] =	ssyncset.done $0x0  }
0x70: {  	s21 =	sadd.s32 $0x140, s19;
	[sflag:s10] =	ssyncadd.s32 $0xFFFFEC00  }
0x71: {  	[tilespmem:s20], [sflag:$0x4] =	stream.indirect.gather [hbm4b:s1+s14], $0x80, s21, s14, $0xb8;
	[tilespmem:$0x1F220] =	vst v63  }
0x72: {  	_ =	swait.ge [sflag:s28], $0x1400  }
0x73: {  	[sflag:s28] =	ssyncset.done $0x0  }
.Ltmp0:
0x74: {  	s21 =	sadd.s32 $0x27B0, s19;
	[sflag:s28] =	ssyncadd.s32 $0xFFFFEC00;
	(pc) =	sbr.rel @p0 .LBB2_2-.Ltmp0, $4  }
0x75: {  	[spmem:s3] =	stream.indirect.scatter.add.f32 [tilespmem:s22], [sflag:$0x6], $0x80, s21, s14, $0xb8;
	[tilespmem:$0x1F220] =	vst v63  }
0x76: {  	_ =	swait.ge [sflag:s10], $0x1400  }
0x77: {  	[sflag:s10] =	ssyncset.done $0x0  }
0x78: {  	s19 =	sadd.s32 $0x168, s19;
	[sflag:s10] =	ssyncadd.s32 $0xFFFFEC00  }
0x79: {  	[tilespmem:s22], [sflag:$0x5] =	stream.indirect.gather [hbm4b:s1+s14], $0x80, s19, s14, $0xb8;
	[tilespmem:$0x1F220] =	vst v63  }
0x7a: {  	_ =	swait.ge [sflag:s23], $0x1400  }
0x7b: {  	[sflag:s23] =	ssyncset.done $0x0  }
0x7c: {  	[sflag:s23] =	ssyncadd.s32 $0xFFFFEC00  }
0x7d: {  	[spmem:s3] =	stream.indirect.scatter.add.f32 [tilespmem:s15], [sflag:$0x6], $0x80, s29, s14, $0xb8;
	[tilespmem:$0x1F220] =	vst v63  }
0x7e: {  	_ =	swait.ge [sflag:s10], $0x1400  }
0x7f: {  	[sflag:s10] =	ssyncset.done $0x0  }
0x80: {  	[sflag:s10] =	ssyncadd.s32 $0xFFFFEC00  }
0x81: {  	_ =	swait.ge [sflag:s24], $0x1400  }
0x82: {  	[sflag:s24] =	ssyncset.done $0x0  }
0x83: {  	[sflag:s24] =	ssyncadd.s32 $0xFFFFEC00  }
0x84: {  	[spmem:s3] =	stream.indirect.scatter.add.f32 [tilespmem:s16], [sflag:$0x6], $0x80, s30, s14, $0xb8;
	[tilespmem:$0x1F220] =	vst v63  }
0x85: {  	_ =	swait.ge [sflag:s10], $0x1400  }
0x86: {  	[sflag:s10] =	ssyncset.done $0x0  }
0x87: {  	[sflag:s10] =	ssyncadd.s32 $0xFFFFEC00  }
0x88: {  	_ =	swait.ge [sflag:s25], $0x1400  }
0x89: {  	[sflag:s25] =	ssyncset.done $0x0  }
0x8a: {  	[sflag:s25] =	ssyncadd.s32 $0xFFFFEC00  }
0x8b: {  	[spmem:s3] =	stream.indirect.scatter.add.f32 [tilespmem:s18], [sflag:$0x6], $0x80, s31, s14, $0xb8;
	[tilespmem:$0x1F220] =	vst v63  }
0x8c: {  	_ =	swait.ge [sflag:s10], $0x1400  }
0x8d: {  	[sflag:s10] =	ssyncset.done $0x0  }
0x8e: {  	[sflag:s10] =	ssyncadd.s32 $0xFFFFEC00  }
0x8f: {  	_ =	swait.ge [sflag:s26], $0x1400  }
0x90: {  	[sflag:s26] =	ssyncset.done $0x0  }
0x91: {  	[sflag:s26] =	ssyncadd.s32 $0xFFFFEC00  }
0x92: {  	[spmem:s3] =	stream.indirect.scatter.add.f32 [tilespmem:s20], [sflag:$0x6], $0x80, s2, s14, $0xb8;
	[tilespmem:$0x1F220] =	vst v63  }
0x93: {  	_ =	swait.ge [sflag:s10], $0x1400  }
0x94: {  	[sflag:s10] =	ssyncset.done $0x0  }
0x95: {  	[sflag:s10] =	ssyncadd.s32 $0xFFFFEC00  }
0x96: {  	_ =	swait.ge [sflag:s28], $0x1400  }
0x97: {  	[sflag:s28] =	ssyncset.done $0x0  }
0x98: {  	[sflag:s28] =	ssyncadd.s32 $0xFFFFEC00  }
0x99: {  	[spmem:s3] =	stream.indirect.scatter.add.f32 [tilespmem:s22], [sflag:$0x6], $0x80, s0, s14, $0xb8;
	[tilespmem:$0x1F220] =	vst v63  }
0x9a: {  	_ =	swait.ge [sflag:s10], $0x1400  }
0x9b: {  	s11 =	sadd.s32 $0x1, s11;
	[sflag:s10] =	ssyncset.done $0x0  }
0x9c: {  	p0 =	sne.s32 s11, s9;
	[sflag:s10] =	ssyncadd.s32 $0xFFFFEC00  }
.Ltmp1:
0x9d: {  	[bflag:$0x0] =	sbarrier.arrive $0xFFFF;
	(pc) =	sbr.rel @p0 .LBB2_1-.Ltmp1, $4  }
0x9e: {  	[hbm:s8], [sflag:s12] =	dma.local [spmem:s13], $0x2800  }
0x9f: {  	_ =	swait.ge [sflag:s10], $0x2800  }
0xa0: {  	[sflag:s10] =	ssyncset.done $0x0  }
0xa1: {  	[sflag:s10] =	ssyncadd.s32 $0xFFFFD800  }
0xa2: {  	_ =	sfence.sel $0x180000  }
0xa3: {  	[bflag:$0x0] =	sbarrier.arrive $0xFFFF  }
0xa4: {  	_ =	strace $0x9000004D  }
0xa5: {  	s0 =	stileid.u32;
	[bflag:$0x2] =	sbarrier.arrive $0xFFFF  }
0xa6: {  	p0 =	sne.s32 s0, $0x0;
	s0 =	rddreg [dreg:$0x3]  }
0xa7: {  	s0 =	sadd.s32 @!p0 $0x100000, s0  }
0xa8: {  	[sflag:s0] =	ssyncadd.tile.s32 @!p0 $0x1;
	_ =	shalt  }
.Lfunc_end2:
_tile_overlayer_lowered:
.L_overlay_start_2:
0xa9: {  	(tag) =	ssettag $0x2  }
0xaa: {  	s0 =	rddreg [dreg:$0x0];
	s2 =	stileid.u32  }
0xab: {  	s1 =	rddreg [dreg:$0x1];
	p0 =	sne.s32 s2, $0x0  }
0xac: {  	s3 =	rddreg [dreg:$0x2];
	[bflag:$0x3] =	sbarrier.arrive $0xFFFF;
	s2 =	simm.s32 @!p0 $0x1C06  }
0xad: {  	[timem:s3], [sflag:s2] =	dma.local @!p0 [hbm:s0], s1  }
0xae: {  	s0 =	simm.s32 @!p0 $0x6  }
0xaf: {  	_ =	swait.ge @!p0 [sflag:s0], s1  }
0xb0: {  	s1 =	ssub.s32 @!p0 $0x0, s1;
	[sflag:s0] =	ssyncset.done @!p0 $0x0  }
0xb1: {  	[sflag:s0] =	ssyncadd.s32 @!p0 s1  }
0xb2: {  	[bflag:$0x3] =	sbarrier.arrive $0xFFFF  }
0xb3: {  	_ =	shalt  }

// kernel: kernel.8.cloned.1.call-start
scs
__scs_entry_jumppad:
0x0: {  	(pc) =	sbr.rel $0x88, $3  }
0x1: {  	(tag) =	ssettag $0x0;
	lr =	simm.s32 $0x1  }
0x2: {  	[smem:$0x3F9B] =	sst lr;
	_ =	strace $0xD0000000  }
0x3: {  	_ = 	snop  }
0x4: {  	_ = 	snop  }
0x5: {  	_ = 	snop  }
0x6: {  	_ = 	snop  }
0x7: {  	_ = 	snop  }
__scs_overlays_trampoline_lowered:
0x8: {  	[smem:$0x3FAA] =	sst s0  }
0x9: {  	[smem:$0x3FAB] =	sst s1  }
0xa: {  	[smem:$0x3FAC] =	sst s2  }
0xb: {  	[smem:$0x3FAD] =	sst s3  }
0xc: {  	[smem:$0x3FAE] =	sst s4  }
0xd: {  	[smem:$0x3FAF] =	sst s5  }
0xe: {  	[smem:$0x3FB0] =	sst s6  }
0xf: {  	[smem:$0x3FB1] =	sst s7  }
0x10: {  	[smem:$0x3FB2] =	sst s8  }
0x11: {  	[smem:$0x3FB3] =	sst s9;
	s0 =	simm.s32 @!p0 $0x0  }
0x12: {  	s1 =	sld [smem:$0x3F99];
	s0 =	simm.s32 @p0 $0x1  }
0x13: {  	[smem:$0x3FB4] =	sst s0;
	s0 =	simm.s32 @!p1 $0x0  }
0x14: {  	s2 =	sld [smem:$0x3F98];
	s0 =	simm.s32 @p1 $0x1  }
0x15: {  	[smem:$0x3FB5] =	sst s0;
	s0 =	simm.s32 @!p2 $0x0  }
0x16: {  	s3 =	sld [smem:$0x3FDB];
	s0 =	simm.s32 @p2 $0x1  }
0x17: {  	s4 =	simm.s32 $0x1BF5;
	[smem:$0x3FB7] =	sst s0  }
0x18: {  	s0 =	sld [smem:$0x3F9A];
	_ =	swait.ge [sflag:s4], $0x0  }
0x19: {  	s7 =	sld [smem:$0x3F9B]  }
0x1a: {  	s8 =	sadd.s32 $0xFFFFE003, lr  }
0x1b: {  	s9 =	sadd.s32 $0xFFFFFEF7, lr;
	s5 =	simm.s32 $0xFFFFFFFF;
	p2 =	slt.u32 s8, $0xFFFFF086  }
0x1c: {  	p1 =	slt.u32 s9, $0xF7A;
	s5 =	simm.s32 @!p2 $0x0  }
0x1d: {  	s5 =	simm.s32 @p1 $0x1;
	p0 =	seq.s32 s7, s2  }
0x1e: {  	s7 =	smul.u32 @!p0 $0xF7A, s2;
	p2 =	seq.s32 @!p0 s5, $0x0  }
0x1f: {  	s9 =	smul.u32 $0xF7A, s1;
	s8 =	simm.s32 @!p0 $0x1BF5;
	p2 =	por !p2, p0  }
0x20: {  	[sflag:s8] =	ssyncset.s32 @!p0 $0xFFFFF086;
	s6 =	sadd.s32 @!p0 s3, s7;
	s7 =	simm.s32 @!p0 $0x108  }
0x21: {  	s3 =	sadd.s32 s3, s9;
	s6 =	sadd.s32 @!p0 $0x88, s6;
	s7 =	simm.s32 @p2 $0x1082  }
0x22: {  	[simem:s7], [sflag:s8] =	dma.local @!p0 [hbm:s6], $0xF7A  }
0x23: {  	s9 =	sor.u32 $0xD0000000, s2;
	s6 =	simm.s32 $0x108;
	_ =	swait.ge @!p0 [sflag:s8], $0x0  }
0x24: {  	s3 =	sadd.s32 $0x88, s3;
	s6 =	simm.s32 @!p1 $0x1082;
	[sflag:s4] =	ssyncset.s32 $0xFFFFF086  }
0x25: {  	[simem:s6], [sflag:s4] =	dma.local [hbm:s3], $0xF7A  }
0x26: {  	[smem:$0x3F9B] =	sst s1;
	(tag) =	ssettag s2;
	_ =	strace s9  }
0x27: {  	s1 =	sld [smem:$0x3FAB]  }
0x28: {  	s2 =	sld [smem:$0x3FAC]  }
0x29: {  	s4 =	sld [smem:$0x3FAE]  }
0x2a: {  	p0 =	seq.s32 s5, $0x0;
	s5 =	sld [smem:$0x3FAF]  }
0x2b: {  	s6 =	sld [smem:$0x3FB0]  }
0x2c: {  	s7 =	sld [smem:$0x3FB1]  }
0x2d: {  	s3 =	simm.s32 $0x108;
	s8 =	sld [smem:$0x3FB2]  }
0x2e: {  	s3 =	simm.s32 @!p0 $0x1082;
	s9 =	sld [smem:$0x3FB3]  }
0x2f: {  	lr =	sadd.s32 s0, s3;
	s0 =	sld [smem:$0x3FAA]  }
0x30: {  	s3 =	sld [smem:$0x3FAD]  }
0x31: {  	[smem:$0x3FB6] =	sst s10  }
0x32: {  	s10 =	sld [smem:$0x3FB4];
	_ =	sdelay $0x3  }
0x33: {  	p0 =	seq.s32 s10, $0x1;
	s10 =	sld [smem:$0x3FB6];
	_ =	sdelay $0x3  }
0x34: {  	[smem:$0x3FB6] =	sst s10  }
0x35: {  	s10 =	sld [smem:$0x3FB5];
	_ =	sdelay $0x3  }
0x36: {  	p1 =	seq.s32 s10, $0x1;
	s10 =	sld [smem:$0x3FB6];
	_ =	sdelay $0x3  }
0x37: {  	[smem:$0x3FB6] =	sst s10  }
0x38: {  	s10 =	sld [smem:$0x3FB7]  }
0x39: {  	_ = 	snop;
	(pc) =	sbr.ind lr, $3  }
0x3a: {  	_ = 	snop  }
0x3b: {  	_ = 	snop  }
0x3c: {  	p2 =	seq.s32 s10, $0x1;
	s10 =	sld [smem:$0x3FB6]  }
0x3d: {  	_ =	shalt  }
0x3e: {  	_ =	shalt  }
0x3f: {  	_ =	shalt  }
0x40: {  	_ =	shalt  }
0x41: {  	_ =	shalt  }
0x42: {  	_ =	shalt  }
0x43: {  	_ =	shalt  }
0x44: {  	_ =	shalt  }
0x45: {  	_ =	shalt  }
0x46: {  	_ =	shalt  }
0x47: {  	_ =	shalt  }
0x48: {  	_ =	shalt  }
0x49: {  	_ =	shalt  }
0x4a: {  	_ =	shalt  }
0x4b: {  	_ =	shalt  }
0x4c: {  	_ =	shalt  }
0x4d: {  	_ =	shalt  }
0x4e: {  	_ =	shalt  }
0x4f: {  	_ =	shalt  }
0x50: {  	_ =	shalt  }
0x51: {  	_ =	shalt  }
0x52: {  	_ =	shalt  }
0x53: {  	_ =	shalt  }
0x54: {  	_ =	shalt  }
0x55: {  	_ =	shalt  }
0x56: {  	_ =	shalt  }
0x57: {  	_ =	shalt  }
0x58: {  	_ =	shalt  }
0x59: {  	_ =	shalt  }
0x5a: {  	_ =	shalt  }
0x5b: {  	_ =	shalt  }
0x5c: {  	_ =	shalt  }
0x5d: {  	_ =	shalt  }
0x5e: {  	_ =	shalt  }
0x5f: {  	_ =	shalt  }
0x60: {  	_ =	shalt  }
0x61: {  	_ =	shalt  }
0x62: {  	_ =	shalt  }
0x63: {  	_ =	shalt  }
0x64: {  	_ =	shalt  }
0x65: {  	_ =	shalt  }
0x66: {  	_ =	shalt  }
0x67: {  	_ =	shalt  }
0x68: {  	_ =	shalt  }
0x69: {  	_ =	shalt  }
0x6a: {  	_ =	shalt  }
0x6b: {  	_ =	shalt  }
0x6c: {  	_ =	shalt  }
0x6d: {  	_ =	shalt  }
0x6e: {  	_ =	shalt  }
0x6f: {  	_ =	shalt  }
0x70: {  	_ =	shalt  }
0x71: {  	_ =	shalt  }
0x72: {  	_ =	shalt  }
0x73: {  	_ =	shalt  }
0x74: {  	_ =	shalt  }
0x75: {  	_ =	shalt  }
0x76: {  	_ =	shalt  }
0x77: {  	_ =	shalt  }
0x78: {  	_ =	shalt  }
0x79: {  	_ =	shalt  }
0x7a: {  	_ =	shalt  }
0x7b: {  	_ =	shalt  }
0x7c: {  	_ =	shalt  }
0x7d: {  	_ =	shalt  }
0x7e: {  	_ =	shalt  }
0x7f: {  	_ =	shalt  }
0x80: {  	_ =	shalt  }
0x81: {  	_ =	shalt  }
0x82: {  	_ =	shalt  }
0x83: {  	_ =	shalt  }
0x84: {  	_ =	shalt  }
0x85: {  	_ =	shalt  }
0x86: {  	_ =	shalt  }
0x87: {  	_ =	shalt  }
.Lfunc_end0:
.L_simem_size_0:
called_computation_lowered:
.L_overlay_start_0:
0x88: {  	s2 =	sld [smem:$0x3FD9]  }
0x89: {  	s3 =	sld [smem:$0x3FFE];
	_ =	sdelay $0x1  }
0x8a: {  	s1 =	srdreg.scid  }
0x8b: {  	s0 =	sand.u32 $0x1, s1  }
0x8c: {  	s17 =	sshll.u32 s0, $0xA;
	s2 =	sadd.s32 s3, s2  }
0x8d: {  	s2 =	sadd.s32 s2, s17  }
0x8e: {  	[smem:$0x3FC2] =	sst s2  }
0x8f: {  	_ = 	snop  }
0x90: {  	s2 =	sld [smem:$0x3FD0];
	(tm) =	ssettm $0x1  }
0x91: {  	s18 =	sld [smem:$0x3FFB];
	_ =	sdelay $0x3  }
0x92: {  	_ =	strace s18  }
0x93: {  	s3 =	sld [smem:$0x3FFC];
	_ =	sdelay $0x3  }
0x94: {  	_ =	strace s3  }
0x95: {  	s3 =	sld [smem:$0x3FFD];
	_ =	sdelay $0x3  }
0x96: {  	_ =	strace s3  }
0x97: {  	_ =	strace $0x8FFFFFFF  }
0x98: {  	s19 =	sld [smem:$0x3FDB];
	_ =	sdelay $0x1  }
0x99: {  	s4 =	simm.s32 $_scs_section_size  }
0x9a: {  	s5 =	simm.s32 $_size__tile_overlayer_lowered;
	s6 =	simm.s32 $_tile_overlayer_lowered  }
0x9b: {  	s22 =	simm.s32 $0x1BFF;
	s21 =	sshll.u32 s6, $0x1;
	s3 =	sadd.s32 s4, s19  }
0x9c: {  	s7 =	simm.s32 $0x0;
	s20 =	sshll.u32 s5, $0x1;
	s5 =	sadd.s32 s21, s3  }
0x9d: {  	[timem:s7], [sflag:s22] =	dma.local [hbm:s5], s20  }
0x9e: {  	_ =	swait.ge [sflag:s22], s20  }
0x9f: {  	s4 =	ssub.s32 $0x0, s20;
	[sflag:s22] =	ssyncset.done $0x0  }
0xa0: {  	[sflag:s22] =	ssyncadd.s32 s4;
	_ =	sdelay $0x1  }
0xa1: {  	s23 =	simm.s32 $0x1B8B  }
0xa2: {  	_ =	swait.ge [sflag:s23], $0x1  }
0xa3: {  	[sflag:s23] =	ssyncset.done $0x0  }
0xa4: {  	s25 =	simm.s32 $0x1B8E;
	s24 =	sld [smem:$0x3FFE];
	[sflag:s23] =	ssyncadd.s32 $0xFFFFFFFF  }
0xa5: {  	s26 =	simm.s32 $execute0_lowered;
	[smem:$0x3FD2] =	sst s25  }
0xa6: {  	s5 =	sshll.u32 s26, $0x1;
	_ =	strace $0x80000046;
	[dreg:$0x1] =	wrdreg $0xFFFFFFFF  }
0xa7: {  	s28 =	simm.s32 $_size_execute0_lowered;
	s3 =	sadd.s32 s3, s5;
	[dreg:$0x0] =	wrdreg $0x0  }
0xa8: {  	s5 =	sshll.u32 s28, $0x1;
	[dreg:$0x2] =	wrdreg s3  }
0xa9: {  	[dreg:$0x3] =	wrdreg s5  }
0xaa: {  	[dreg:$0x4] =	wrdreg $0xC0  }
0xab: {  	_ =	task [dreg:s7], $0x5FFFF  }
0xac: {  	[dreg:$0x1] =	wrdreg $0xFFFFFFFF  }
0xad: {  	[dreg:$0x0] =	wrdreg $0x60  }
0xae: {  	[dreg:$0x2] =	wrdreg s24  }
0xaf: {  	[dreg:$0x3] =	wrdreg s2  }
0xb0: {  	[dreg:$0x4] =	wrdreg $0x2C100  }
0xb1: {  	[dreg:$0x5] =	wrdreg $0x9  }
0xb2: {  	_ =	task.clear_ibuf [dreg:s7], $0x6FFFF;
	_ =	strace $0x90000046  }
0xb3: {  	s29 =	simm.s32 $0x9;
	_ =	strace $0x80000048  }
0xb4: {  	_ =	swait.ge [sflag:s29], $0x1  }
0xb5: {  	[sflag:s29] =	ssyncadd.s32 $0xFFFFFFFF  }
0xb6: {  	_ =	strace $0x90000048  }
0xb7: {  	_ =	sfence  }
0xb8: {  	s30 =	sld [smem:$0x0];
	_ =	sdelay $0x2  }
0xb9: {  	s31 =	sshll.u32 s1, $0xD;
	s1 =	sshrl.u32 s1, $0x2  }
0xba: {  	s3 =	sand.u32 $0x4000, s31;
	s1 =	sadd.s32 s1, s30  }
0xbb: {  	s0 =	sor.u32 s3, s0;
	s1 =	sshll.u32 s1, $0x11  }
0xbc: {  	s0 =	sor.u32 s1, s0  }
0xbd: {  	s0 =	sadd.s32 $0x8F2B, s0  }
0xbe: {  	[sflag:s0] =	ssyncadd.remote.s32 $0x1  }
0xbf: {  	_ =	sfence.sel $0xFFFF  }
0xc0: {  	[dreg:$0x0] =	wrdreg $0xFFFFFFFF;
	(pc) =	sbr.abs _section_cstart, $3  }
0xc1: {  	[dreg:$0x1] =	wrdreg $0xFFFFFFFF  }
0xc2: {  	_ =	task.clear_ibuf [dreg:s7], $0x2FFFF;
	_ =	strace $0x9FFFFFFF  }
0xc3: {  	(tm) =	ssettm $0x7FFFFFFF  }
tec
execute0_lowered:
.L_overlay_start_1:
0x0: {  	(tag) =	ssettag $0x1  }
0x1: {  	s5 =	rddreg [dreg:$0x0]  }
0x2: {  	s0 =	srdreg.scid;
	s7 =	rddreg [dreg:$0x1]  }
0x3: {  	s2 =	rddreg [dreg:$0x2];
	s3 =	simm.s32 $0x0;
	s13 =	simm.s32 $0x50  }
0x4: {  	s14 =	simm.s32 $0x0;
	s4 =	sand.u32 $0x1, s0;
	s0 =	stileid.u32  }
0x5: {  	[smem:$0x7FF] =	sst s3;
	s1 =	sshll.u32 s4, $0x4;
	s8 =	smul.u32 $0x2800, s0  }
0x6: {  	s10 =	ssub.s32 $0x2, s4;
	s11 =	smul.u32 $0x28000, s4;
	s4 =	sadd.s32 $0x1C000, s5  }
0x7: {  	s31 =	sshll.u32 s0, $0x6;
	s6 =	sor.u32 s0, s1;
	s1 =	rddreg [dreg:$0x3]  }
0x8: {  	_ =	strace $0x80000047;
	s29 =	sshrl.u32 s10, $0x1;
	s6 =	smul.u32 $0x4E2, s6  }
0x9: {  	s9 =	sshrl.u32 s8, $0x3;
	s10 =	ssub.s32 s10, s29;
	s11 =	sadd.s32 s8, s11  }
0xa: {  	s12 =	sadd.s32 s8, s2;
	s9 =	sadd.s32 s9, s5;
	s30 =	sshrl.u32 s11, $0x3  }
0xb: {  	s8 =	smax.u32 s10, $0x1;
	s10 =	simm.s32 $0x2710;
	s11 =	sor.u32 $0x1C01, s31  }
0xc: {  	s12 =	sshrl.u32 s12, $0x3;
	s6 =	sadd.s32 s6, s5;
	s7 =	sadd.s32 s7, s30  }
0xd: {  	s5 =	sadd.s32 $0xD200, s6;
	s6 =	sadd.s32 $0x17000, s9;
	s9 =	simm.s32 $0x1  }
.LBB2_1:
0xe: {  	[tilespmem:s3], [sflag:$0x1] =	stream.linear.gather [hbm4b:s5+s3], $0x2710, $0x38;
	[tilespmem:$0x5410] =	vst v63  }
0xf: {  	_ =	swait.ge [sflag:s9], $0x2710  }
0x10: {  	[sflag:s9] =	ssyncset.done $0x0  }
0x11: {  	[sflag:s9] =	ssyncadd.s32 $0xFFFFD8F0  }
0x12: {  	[tilespmem:s10], [sflag:$0x1] =	stream.linear.gather [hbm4b:s4+s3], $0x500, $0x38;
	[tilespmem:$0x5410] =	vst v63  }
0x13: {  	_ =	swait.ge [sflag:s9], $0x500  }
0x14: {  	[sflag:s9] =	ssyncset.done $0x0  }
0x15: {  	[sflag:s9] =	ssyncadd.s32 $0xFFFFFB00  }
0x16: {  	[spmem:s12], [sflag:s11] =	dma.local [hbm:s6], $0x500  }
0x17: {  	_ =	swait.ge [sflag:s9], $0x500  }
0x18: {  	[sflag:s9] =	ssyncset.done $0x0  }
0x19: {  	[sflag:s9] =	ssyncadd.s32 $0xFFFFFB00  }
0x1a: {  	s15 =	simm.s32 $0x0;
	[bflag:$0x0] =	sbarrier.arrive $0xFFFF  }
0x1b: {  	[spmem:s2] =	stream.indirect.scatter.add.f32 [tilespmem:s10], [sflag:$0x1], $0x10, s15, s13, $0xb8;
	[tilespmem:$0x5410] =	vst v63  }
0x1c: {  	_ =	swait.ge [sflag:s9], $0x500  }
0x1d: {  	s15 =	simm.s32 $0x140;
	[sflag:s9] =	ssyncset.done $0x0  }
.LBB2_2:
0x1e: {  	s16 =	sshra.s32 s15, $0x2;
	[sflag:s9] =	ssyncadd.s32 $0xFFFFFB00;
	p0 =	sne.s32 s15, $0x9B00  }
0x1f: {  	[spmem:s2] =	stream.indirect.scatter.add.f32 [tilespmem:s10], [sflag:$0x1], $0x10, s16, s13, $0xb8;
	[tilespmem:$0x5410] =	vst v63  }
.Ltmp0:
0x20: {  	_ = 	snop;
	(pc) =	sbr.rel @p0 .LBB2_2-.Ltmp0, $4  }
0x21: {  	_ = 	snop  }
0x22: {  	s15 =	sadd.s32 $0x140, s15  }
0x23: {  	_ =	swait.ge [sflag:s9], $0x500  }
0x24: {  	[sflag:s9] =	ssyncset.done $0x0  }
0x25: {  	s14 =	sadd.s32 $0x1, s14  }
0x26: {  	[sflag:s9] =	ssyncadd.s32 $0xFFFFFB00;
	p0 =	sne.s32 s14, s8  }
.Ltmp1:
0x27: {  	[bflag:$0x0] =	sbarrier.arrive $0xFFFF;
	(pc) =	sbr.rel @p0 .LBB2_1-.Ltmp1, $4  }
0x28: {  	[hbm:s7], [sflag:s11] =	dma.local [spmem:s12], $0x500  }
0x29: {  	_ =	swait.ge [sflag:s9], $0x500  }
0x2a: {  	[sflag:s9] =	ssyncset.done $0x0  }
0x2b: {  	[sflag:s9] =	ssyncadd.s32 $0xFFFFFB00  }
0x2c: {  	_ =	sfence.sel $0x180000  }
0x2d: {  	[bflag:$0x0] =	sbarrier.arrive $0xFFFF  }
0x2e: {  	p0 =	sne.s32 s0, $0x0;
	_ =	strace $0x90000047  }
0x2f: {  	s0 =	sadd.s32 @!p0 $0x100000, s1;
	[bflag:$0x2] =	sbarrier.arrive $0xFFFF  }
0x30: {  	[sflag:s0] =	ssyncadd.tile.s32 @!p0 $0x1;
	_ =	shalt  }
.Lfunc_end2:
_tile_overlayer_lowered:
.L_overlay_start_2:
0x31: {  	(tag) =	ssettag $0x2  }
0x32: {  	s0 =	rddreg [dreg:$0x0];
	s2 =	stileid.u32  }
0x33: {  	s1 =	rddreg [dreg:$0x1];
	p0 =	sne.s32 s2, $0x0  }
0x34: {  	s3 =	rddreg [dreg:$0x2];
	[bflag:$0x3] =	sbarrier.arrive $0xFFFF;
	s2 =	simm.s32 @!p0 $0x1C01  }
0x35: {  	[timem:s3], [sflag:s2] =	dma.local @!p0 [hbm:s0], s1  }
0x36: {  	s0 =	simm.s32 @!p0 $0x1  }
0x37: {  	_ =	swait.ge @!p0 [sflag:s0], s1  }
0x38: {  	s1 =	ssub.s32 @!p0 $0x0, s1;
	[sflag:s0] =	ssyncset.done @!p0 $0x0  }
0x39: {  	[sflag:s0] =	ssyncadd.s32 @!p0 s1  }
0x3a: {  	[bflag:$0x3] =	sbarrier.arrive $0xFFFF  }
0x3b: {  	_ =	shalt  }

</sc_bundles>
